<compile_context>
chip_gen: v7x
topology: tpu7x:2x2x1
jax: 0.10.2.dev20260603
libtpu: 0.0.44.dev20260713+nightly
codegen_flags: <defaults>
</compile_context>

<pallas_src>
import jax
import jax.numpy as jnp
from jax import lax
from jax.experimental import pallas as pl
from jax.experimental.pallas import tpu as pltpu
from jax.experimental.pallas import tpu_sc as plsc

N = 262144
H = 512
K = N // 4
T = 16
C = N // T
NV = C // 16
HNV = NV // 2
HC = C // 2
BINS = 1024
GRID = BINS * T
SLICE = GRID // T
KPT = K // T
HCOPIES = 8


def _iota():
    return lax.iota(jnp.int32, 16)


def _sc_body(ego_hbm, nb_hbm, rows_hbm, cols_hbm,
             key_loc, nb_loc, dig_loc, idx_loc, pos0_loc, pos1_loc,
             hist_loc, off_loc, gidx_loc, sidx_loc, slc_loc, tot_loc,
             akey, aidx, grid_sh, tot_sh,
             sem0, sem1, sem2, sem3):
    cid = lax.axis_index("c")
    sid = lax.axis_index("s")

    @pl.when(cid == 0)
    def _():
        wid = sid
        base = wid * C
        zeros16 = jnp.zeros((16,), jnp.int32)
        ones16 = jnp.ones((16,), jnp.int32)

        pltpu.sync_copy(ego_hbm.at[pl.ds(base, C)], key_loc)
        pltpu.sync_copy(nb_hbm.at[pl.ds(base, C)], nb_loc)

        @plsc.parallel_loop(0, NV, unroll=4)
        def _(j):
            e = key_loc[pl.ds(j * 16, 16)]
            nbv = nb_loc[pl.ds(j * 16, 16)]
            key_loc[pl.ds(j * 16, 16)] = (1.0 - e) * nbv
            idx_loc[pl.ds(j * 16, 16)] = base + j * 16 + _iota()

        @plsc.parallel_loop(0, BINS // 16, unroll=4)
        def _(j):
            gidx_loc[pl.ds(j * 16, 16)] = (j * 16 + _iota()) * T + wid
            sidx_loc[pl.ds(j * 16, 16)] = wid * SLICE + j * 16 + _iota()

        for p, shift in enumerate((0, 10, 20)):
            cpidx = None
            if p == 1:
                cpk0 = pltpu.async_copy(akey.at[pl.ds(base, HC)],
                                        key_loc.at[pl.ds(0, HC)], sem0)
                cpk1 = pltpu.async_copy(akey.at[pl.ds(base + HC, HC)],
                                        key_loc.at[pl.ds(HC, HC)], sem2)
                cpidx = pltpu.async_copy(aidx.at[pl.ds(base, C)], idx_loc,
                                         sem1)
            elif p == 2:
                cpk0 = pltpu.async_copy(aidx.at[pl.ds(base, HC)],
                                        idx_loc.at[pl.ds(0, HC)], sem0)
                cpk1 = pltpu.async_copy(aidx.at[pl.ds(base + HC, HC)],
                                        idx_loc.at[pl.ds(HC, HC)], sem2)

            @plsc.parallel_loop(0, HCOPIES * BINS // 16, unroll=8)
            def _(j):
                hist_loc[pl.ds(j * 16, 16)] = zeros16

            if p > 0:
                cpk0.wait()

            def _histrank(j):
                if p < 2:
                    k32 = plsc.bitcast(key_loc[pl.ds(j * 16, 16)], jnp.int32)
                    d = 1023 - ((k32 >> shift) & 1023)
                else:
                    d = lax.shift_right_logical(idx_loc[pl.ds(j * 16, 16)],
                                                18)
                cnt, _unused = plsc.scan_count(d)
                nb_loc[pl.ds(j * 16, 16)] = plsc.bitcast(cnt, jnp.float32)
                dig_loc[pl.ds(j * 16, 16)] = plsc.bitcast(d, jnp.float32)
                plsc.addupdate_scatter(hist_loc, [d + (j % HCOPIES) * BINS],
                                       ones16)

            plsc.parallel_loop(0, HNV, unroll=HCOPIES)(_histrank)
            if p > 0:
                cpk1.wait()
            plsc.parallel_loop(HNV, NV, unroll=HCOPIES)(_histrank)

            @plsc.parallel_loop(0, BINS // 16, unroll=4)
            def _(j):
                acc = hist_loc[pl.ds(j * 16, 16)]
                for c in range(1, HCOPIES):
                    acc = acc + hist_loc[pl.ds(c * BINS + j * 16, 16)]
                hist_loc[pl.ds(j * 16, 16)] = acc

            pltpu.async_copy(hist_loc.at[pl.ds(0, BINS)],
                             grid_sh.at[gidx_loc], sem2).wait()
            plsc.subcore_barrier()

            pltpu.async_copy(grid_sh.at[sidx_loc], slc_loc, sem2).wait()

            def p_scan(j, carry):
                v = slc_loc[pl.ds(j * 16, 16)]
                inc = plsc.cumsum(v)
                slc_loc[pl.ds(j * 16, 16)] = inc - v + carry
                return carry + jnp.sum(v)

            total = lax.fori_loop(0, SLICE // 16, p_scan, jnp.int32(0))
            tot_loc[pl.ds(0, 16)] = jnp.where(_iota() == 0, total, 0)
            ti = jnp.where(_iota() == 0, wid, T + wid)
            cps = pltpu.async_copy(slc_loc, grid_sh.at[sidx_loc], sem2)
            cpt = pltpu.async_copy(tot_loc.at[pl.ds(0, 16)], tot_sh.at[ti], sem3)
            cps.wait()
            cpt.wait()
            plsc.subcore_barrier()

            pltpu.sync_copy(tot_sh, tot_loc)
            cpo = pltpu.async_copy(grid_sh.at[gidx_loc], off_loc, sem2)
            t16 = tot_loc[pl.ds(0, 16)]
            ctot = plsc.cumsum(t16) - t16
            tot_loc[pl.ds(0, 16)] = ctot
            cpo.wait()

            @plsc.parallel_loop(0, BINS // 16, unroll=4)
            def _(j):
                gi = (j * 16 + _iota()) * T + wid
                carry = plsc.load_gather(tot_loc, [gi >> 10])
                off_loc[pl.ds(j * 16, 16)] = off_loc[pl.ds(j * 16, 16)] + carry

            def make_perm(pref, joff):
                def p_perm(j, _):
                    d = plsc.bitcast(dig_loc[pl.ds(joff + j * 16, 16)],
                                     jnp.int32)
                    off = plsc.load_gather(off_loc, [d])
                    cnt = plsc.bitcast(nb_loc[pl.ds(joff + j * 16, 16)],
                                       jnp.int32)
                    pref[pl.ds(j * 16, 16)] = off + cnt - 1
                    plsc.addupdate_scatter(off_loc, [d], ones16)
                    return 0
                return p_perm

            if cpidx is not None:
                cpidx.wait()
            if p == 1:
                @plsc.parallel_loop(0, NV, unroll=4)
                def _(j):
                    k32 = plsc.bitcast(key_loc[pl.ds(j * 16, 16)], jnp.int32)
                    df3 = 1023 - ((k32 >> 20) & 1023)
                    idx_loc[pl.ds(j * 16, 16)] = \
                        (df3 << 18) | idx_loc[pl.ds(j * 16, 16)]

            lax.fori_loop(0, HNV, make_perm(pos0_loc, 0), 0)
            if p == 0:
                cpk0 = pltpu.async_copy(key_loc.at[pl.ds(0, HC)],
                                        akey.at[pos0_loc], sem0)
            cpi0 = pltpu.async_copy(idx_loc.at[pl.ds(0, HC)],
                                    aidx.at[pos0_loc], sem1)
            lax.fori_loop(0, HNV, make_perm(pos1_loc, HC), 0)
            if p == 0:
                cpk1 = pltpu.async_copy(key_loc.at[pl.ds(HC, HC)],
                                        akey.at[pos1_loc], sem2)
            cpi1 = pltpu.async_copy(idx_loc.at[pl.ds(HC, HC)],
                                    aidx.at[pos1_loc], sem3)
            if p == 0:
                cpk0.wait()
                cpk1.wait()
            cpi0.wait()
            cpi1.wait()
            plsc.subcore_barrier()

        obase = wid * KPT
        pltpu.sync_copy(aidx.at[pl.ds(obase, KPT)], idx_loc.at[pl.ds(0, KPT)])

        @plsc.parallel_loop(0, KPT // 16, unroll=4)
        def _(j):
            v = idx_loc[pl.ds(j * 16, 16)] & 0x3FFFF
            pos0_loc[pl.ds(j * 16, 16)] = lax.shift_right_logical(v, 9)
            pos1_loc[pl.ds(j * 16, 16)] = v & (H - 1)

        pltpu.sync_copy(pos0_loc.at[pl.ds(0, KPT)],
                        rows_hbm.at[pl.ds(obase, KPT)])
        pltpu.sync_copy(pos1_loc.at[pl.ds(0, KPT)],
                        cols_hbm.at[pl.ds(obase, KPT)])


@jax.jit
def _run(ego_flat, nb_flat):
    mesh = plsc.VectorSubcoreMesh(core_axis_name="c", subcore_axis_name="s")
    f = pl.kernel(
        _sc_body,
        out_type=(jax.ShapeDtypeStruct((K,), jnp.int32),
                  jax.ShapeDtypeStruct((K,), jnp.int32)),
        mesh=mesh,
        compiler_params=pltpu.CompilerParams(needs_layout_passes=False),
        scratch_types=[
            pltpu.VMEM((C,), jnp.float32),
            pltpu.VMEM((C,), jnp.float32),
            pltpu.VMEM((C,), jnp.float32),
            pltpu.VMEM((C,), jnp.int32),
            pltpu.VMEM((HC,), jnp.int32),
            pltpu.VMEM((HC,), jnp.int32),
            pltpu.VMEM((HCOPIES * BINS,), jnp.int32),
            pltpu.VMEM((BINS,), jnp.int32),
            pltpu.VMEM((BINS,), jnp.int32),
            pltpu.VMEM((SLICE,), jnp.int32),
            pltpu.VMEM((SLICE,), jnp.int32),
            pltpu.VMEM((2 * T,), jnp.int32),
            pltpu.VMEM_SHARED((N,), jnp.float32),
            pltpu.VMEM_SHARED((N,), jnp.int32),
            pltpu.VMEM_SHARED((GRID,), jnp.int32),
            pltpu.VMEM_SHARED((2 * T,), jnp.int32),
            pltpu.SemaphoreType.DMA,
            pltpu.SemaphoreType.DMA,
            pltpu.SemaphoreType.DMA,
            pltpu.SemaphoreType.DMA,
        ],
    )
    return f(ego_flat, nb_flat)


def kernel(ego_conf, nb_conf, delta=0.25):
    del delta
    rows_idx, cols_idx = _run(ego_conf.reshape(-1), nb_conf.reshape(-1))
    return (rows_idx, cols_idx)

# --- scband reference (transcript-rebuilt; emitter-appended) ---
"""Pipeline reference for scband-attention-collaboration-28939489640829 (READ-ONLY COPY).

The authoritative reference and input builder live on the scoring server;
editing this copy changes nothing except your own understanding.
"""

import jax, jax.numpy as jnp
import numpy as np


def setup_inputs(seed: int = 0) -> dict:
    key = jax.random.key(seed)
    k1, k2 = jax.random.split(key)
    ego_conf = jax.random.uniform(k1, (512, 512), dtype=jnp.float32)
    nb_conf = jax.random.uniform(k2, (512, 512), dtype=jnp.float32)
    return {"ego_conf": ego_conf, "nb_conf": nb_conf, "delta": jnp.float32(0.25)}


def reference(ego_conf, nb_conf, delta=0.25):
    # Faithful translation of attention_collaboration.forward
    w = ego_conf.shape[-2]
    h = ego_conf.shape[-1]
    ego_request = 1.0 - ego_conf
    att_map = ego_request * nb_conf + 0.0 * delta
    K = (h * w) // 4
    # torch.topk(..., largest=True, sorted=False); lax.top_k returns sorted values,
    # same top-K set (order of returned indices may differ, which torch does not guarantee either)
    _, indices = jax.lax.top_k(att_map.reshape(-1), K)
    cols = indices % h
    rows = indices // h
    return (rows, cols)

if __name__ == "__main__":
    import jax
    _d = setup_inputs()
    print(jax.jit(kernel)(*tuple(_d.values())))

</pallas_src>

<mosaic_0001>
#map = affine_map<(d0, d1) -> (0)>
module attributes {stable_mosaic.version = 14 : i64} {
  func.func @_sc_body(%arg0: i32, %arg1: i32, %arg2: memref<262144xf32, #tpu.memory_space<hbm>>, %arg3: memref<262144xf32, #tpu.memory_space<hbm>>, %arg4: memref<65536xi32, #tpu.memory_space<hbm>>, %arg5: memref<65536xi32, #tpu.memory_space<hbm>>, %arg6: memref<16384xf32, #tpu.memory_space<vmem>>, %arg7: memref<16384xf32, #tpu.memory_space<vmem>>, %arg8: memref<16384xf32, #tpu.memory_space<vmem>>, %arg9: memref<16384xi32, #tpu.memory_space<vmem>>, %arg10: memref<8192xi32, #tpu.memory_space<vmem>>, %arg11: memref<8192xi32, #tpu.memory_space<vmem>>, %arg12: memref<8192xi32, #tpu.memory_space<vmem>>, %arg13: memref<1024xi32, #tpu.memory_space<vmem>>, %arg14: memref<1024xi32, #tpu.memory_space<vmem>>, %arg15: memref<1024xi32, #tpu.memory_space<vmem>>, %arg16: memref<1024xi32, #tpu.memory_space<vmem>>, %arg17: memref<32xi32, #tpu.memory_space<vmem>>, %arg18: memref<262144xf32, #tpu.memory_space<vmem_shared>>, %arg19: memref<262144xi32, #tpu.memory_space<vmem_shared>>, %arg20: memref<16384xi32, #tpu.memory_space<vmem_shared>>, %arg21: memref<32xi32, #tpu.memory_space<vmem_shared>>, %arg22: memref<!tpu.dma_semaphore, #tpu.memory_space<semaphore_mem>>, %arg23: memref<!tpu.dma_semaphore, #tpu.memory_space<semaphore_mem>>, %arg24: memref<!tpu.dma_semaphore, #tpu.memory_space<semaphore_mem>>, %arg25: memref<!tpu.dma_semaphore, #tpu.memory_space<semaphore_mem>>) attributes {dimension_semantics = [#tpu.dimension_semantics<core_parallel>, #tpu.dimension_semantics<subcore_parallel>], iteration_bounds = array<i64: 2, 16>, scalar_prefetch = 0 : i64, scratch_operands = 20 : i64, tpu.core_type = #tpu.core_type<sc_vector_subcore>, window_params = [{transform_indices = #map}, {transform_indices = #map}, {transform_indices = #map}, {transform_indices = #map}]} {
    %eq3A = arith.constant 0 : i32
    %eq3A_0 = arith.cmpi eq, %arg0, %eq3A : i32
    %convert_element_type3A = arith.extui %eq3A_0 : i1 to i32
    %cond3A = arith.constant 0 : i32
    %cond3A_1 = arith.cmpi ne, %convert_element_type3A, %cond3A : i32
    scf.if %cond3A_1 {
      %mul3A = arith.constant 16384 : i32
      %mul3A_2 = arith.muli %arg1, %mul3A : i32
      %broadcast_in_dim3A = arith.constant 0 : i32
      %broadcast_in_dim3A_3 = vector.broadcast %broadcast_in_dim3A : i32 to vector<16xi32>
      %broadcast_in_dim3A_4 = arith.constant 1 : i32
      %broadcast_in_dim3A_5 = vector.broadcast %broadcast_in_dim3A_4 : i32 to vector<16xi32>
      "tpu.region"() ({
        %run_scoped3A = tpu.sem_alloc : memref<!tpu.dma_semaphore, #tpu.memory_space<semaphore_mem>>
        %dma_start3A_409 = tpu.memref_slice %arg2[%mul3A_2] : memref<262144xf32, #tpu.memory_space<hbm>> -> memref<16384xf32, #tpu.memory_space<hbm>>
        %dma_start3A_410 = tpu.memref_slice %arg2[%mul3A_2] : memref<262144xf32, #tpu.memory_space<hbm>> -> memref<16384xf32, #tpu.memory_space<hbm>>
        tpu.enqueue_dma source(%dma_start3A_410 : memref<16384xf32, #tpu.memory_space<hbm>>) target(%arg6 : memref<16384xf32, #tpu.memory_space<vmem>>) target_semaphore(%run_scoped3A : memref<!tpu.dma_semaphore, #tpu.memory_space<semaphore_mem>>)
        %dma_wait3A_411 = tpu.memref_slice %arg2[%mul3A_2] : memref<262144xf32, #tpu.memory_space<hbm>> -> memref<16384xf32, #tpu.memory_space<hbm>>
        %dma_wait3A_412 = tpu.memref_slice %arg2[%mul3A_2] : memref<262144xf32, #tpu.memory_space<hbm>> -> memref<16384xf32, #tpu.memory_space<hbm>>
        tpu.wait_dma2 semaphore(%run_scoped3A : memref<!tpu.dma_semaphore, #tpu.memory_space<semaphore_mem>>) src(%dma_wait3A_412 : memref<16384xf32, #tpu.memory_space<hbm>>) dst(%arg6 : memref<16384xf32, #tpu.memory_space<vmem>>)
        tpu.yield
      }) : () -> ()
      "tpu.region"() ({
        %run_scoped3A = tpu.sem_alloc : memref<!tpu.dma_semaphore, #tpu.memory_space<semaphore_mem>>
        %dma_start3A_409 = tpu.memref_slice %arg3[%mul3A_2] : memref<262144xf32, #tpu.memory_space<hbm>> -> memref<16384xf32, #tpu.memory_space<hbm>>
        %dma_start3A_410 = tpu.memref_slice %arg3[%mul3A_2] : memref<262144xf32, #tpu.memory_space<hbm>> -> memref<16384xf32, #tpu.memory_space<hbm>>
        tpu.enqueue_dma source(%dma_start3A_410 : memref<16384xf32, #tpu.memory_space<hbm>>) target(%arg7 : memref<16384xf32, #tpu.memory_space<vmem>>) target_semaphore(%run_scoped3A : memref<!tpu.dma_semaphore, #tpu.memory_space<semaphore_mem>>)
        %dma_wait3A_411 = tpu.memref_slice %arg3[%mul3A_2] : memref<262144xf32, #tpu.memory_space<hbm>> -> memref<16384xf32, #tpu.memory_space<hbm>>
        %dma_wait3A_412 = tpu.memref_slice %arg3[%mul3A_2] : memref<262144xf32, #tpu.memory_space<hbm>> -> memref<16384xf32, #tpu.memory_space<hbm>>
        tpu.wait_dma2 semaphore(%run_scoped3A : memref<!tpu.dma_semaphore, #tpu.memory_space<semaphore_mem>>) src(%dma_wait3A_412 : memref<16384xf32, #tpu.memory_space<hbm>>) dst(%arg7 : memref<16384xf32, #tpu.memory_space<vmem>>)
        tpu.yield
      }) : () -> ()
      %parallel_loop3A = arith.constant 0 : i32
      %parallel_loop3A_6 = arith.constant 1024 : i32
      %parallel_loop3A_7 = arith.constant 1 : i32
      scf.for %parallel_loop3A_409 = %parallel_loop3A to %parallel_loop3A_6 step %parallel_loop3A_7  : i32 {
        %parallel_loop3A_410 = arith.constant 16 : i32
        %parallel_loop3A_411 = arith.muli %parallel_loop3A_409, %parallel_loop3A_410 : i32
        %parallel_loop3A_412 = arith.index_cast %parallel_loop3A_411 : i32 to index
        %parallel_loop3A_413 = tpu.vector_load %arg6[%parallel_loop3A_412] {strides = array<i32>} : memref<16384xf32, #tpu.memory_space<vmem>>, vector<16xf32>,
        %parallel_loop3A_414 = arith.constant 16 : i32
        %parallel_loop3A_415 = arith.muli %parallel_loop3A_409, %parallel_loop3A_414 : i32
        %parallel_loop3A_416 = arith.index_cast %parallel_loop3A_415 : i32 to index
        %parallel_loop3A_417 = tpu.vector_load %arg7[%parallel_loop3A_416] {strides = array<i32>} : memref<16384xf32, #tpu.memory_space<vmem>>, vector<16xf32>,
        %parallel_loop3A_418 = arith.constant 1.000000e+00 : f32
        %parallel_loop3A_419 = vector.broadcast %parallel_loop3A_418 : f32 to vector<16xf32>
        %parallel_loop3A_420 = arith.subf %parallel_loop3A_419, %parallel_loop3A_413 : vector<16xf32>
        %parallel_loop3A_421 = arith.mulf %parallel_loop3A_420, %parallel_loop3A_417 : vector<16xf32>
        %parallel_loop3A_422 = arith.constant 16 : i32
        %parallel_loop3A_423 = arith.muli %parallel_loop3A_409, %parallel_loop3A_422 : i32
        %parallel_loop3A_424 = arith.index_cast %parallel_loop3A_423 : i32 to index
        %parallel_loop3A_425 = tpu.vector_load %arg6[%parallel_loop3A_424] {strides = array<i32>} : memref<16384xf32, #tpu.memory_space<vmem>>, vector<16xf32>,
        tpu.vector_store %arg6[%parallel_loop3A_424], %parallel_loop3A_421 {strides = array<i32>} : memref<16384xf32, #tpu.memory_space<vmem>>, vector<16xf32>,
        %parallel_loop3A_426 = arith.constant 16 : i32
        %parallel_loop3A_427 = arith.muli %parallel_loop3A_409, %parallel_loop3A_426 : i32
        %parallel_loop3A_428 = arith.addi %mul3A_2, %parallel_loop3A_427 : i32
        %parallel_loop3A_429 = tpu.iota {dimensions = array<i32: 0>} : vector<16xi32>
        %parallel_loop3A_430 = vector.broadcast %parallel_loop3A_428 : i32 to vector<16xi32>
        %parallel_loop3A_431 = arith.addi %parallel_loop3A_430, %parallel_loop3A_429 : vector<16xi32>
        %parallel_loop3A_432 = arith.constant 16 : i32
        %parallel_loop3A_433 = arith.muli %parallel_loop3A_409, %parallel_loop3A_432 : i32
        %parallel_loop3A_434 = arith.index_cast %parallel_loop3A_433 : i32 to index
        %parallel_loop3A_435 = tpu.vector_load %arg9[%parallel_loop3A_434] {strides = array<i32>} : memref<16384xi32, #tpu.memory_space<vmem>>, vector<16xi32>,
        tpu.vector_store %arg9[%parallel_loop3A_434], %parallel_loop3A_431 {strides = array<i32>} : memref<16384xi32, #tpu.memory_space<vmem>>, vector<16xi32>,
      } {sc.loop_unroll_factor = 4 : i64, sc.parallel_access}
      %parallel_loop3A_8 = arith.constant 0 : i32
      %parallel_loop3A_9 = arith.constant 64 : i32
      %parallel_loop3A_10 = arith.constant 1 : i32
      scf.for %parallel_loop3A_409 = %parallel_loop3A_8 to %parallel_loop3A_9 step %parallel_loop3A_10  : i32 {
        %parallel_loop3A_410 = arith.constant 16 : i32
        %parallel_loop3A_411 = arith.muli %parallel_loop3A_409, %parallel_loop3A_410 : i32
        %parallel_loop3A_412 = tpu.iota {dimensions = array<i32: 0>} : vector<16xi32>
        %parallel_loop3A_413 = vector.broadcast %parallel_loop3A_411 : i32 to vector<16xi32>
        %parallel_loop3A_414 = arith.addi %parallel_loop3A_413, %parallel_loop3A_412 : vector<16xi32>
        %parallel_loop3A_415 = arith.constant 16 : i32
        %parallel_loop3A_416 = vector.broadcast %parallel_loop3A_415 : i32 to vector<16xi32>
        %parallel_loop3A_417 = arith.muli %parallel_loop3A_414, %parallel_loop3A_416 : vector<16xi32>
        %parallel_loop3A_418 = vector.broadcast %arg1 : i32 to vector<16xi32>
        %parallel_loop3A_419 = arith.addi %parallel_loop3A_417, %parallel_loop3A_418 : vector<16xi32>
        %parallel_loop3A_420 = arith.constant 16 : i32
        %parallel_loop3A_421 = arith.muli %parallel_loop3A_409, %parallel_loop3A_420 : i32
        %parallel_loop3A_422 = arith.index_cast %parallel_loop3A_421 : i32 to index
        %parallel_loop3A_423 = tpu.vector_load %arg14[%parallel_loop3A_422] {strides = array<i32>} : memref<1024xi32, #tpu.memory_space<vmem>>, vector<16xi32>,
        tpu.vector_store %arg14[%parallel_loop3A_422], %parallel_loop3A_419 {strides = array<i32>} : memref<1024xi32, #tpu.memory_space<vmem>>, vector<16xi32>,
        %parallel_loop3A_424 = arith.constant 1024 : i32
        %parallel_loop3A_425 = arith.muli %arg1, %parallel_loop3A_424 : i32
        %parallel_loop3A_426 = arith.constant 16 : i32
        %parallel_loop3A_427 = arith.muli %parallel_loop3A_409, %parallel_loop3A_426 : i32
        %parallel_loop3A_428 = arith.addi %parallel_loop3A_425, %parallel_loop3A_427 : i32
        %parallel_loop3A_429 = tpu.iota {dimensions = array<i32: 0>} : vector<16xi32>
        %parallel_loop3A_430 = vector.broadcast %parallel_loop3A_428 : i32 to vector<16xi32>
        %parallel_loop3A_431 = arith.addi %parallel_loop3A_430, %parallel_loop3A_429 : vector<16xi32>
        %parallel_loop3A_432 = arith.constant 16 : i32
        %parallel_loop3A_433 = arith.muli %parallel_loop3A_409, %parallel_loop3A_432 : i32
        %parallel_loop3A_434 = arith.index_cast %parallel_loop3A_433 : i32 to index
        %parallel_loop3A_435 = tpu.vector_load %arg15[%parallel_loop3A_434] {strides = array<i32>} : memref<1024xi32, #tpu.memory_space<vmem>>, vector<16xi32>,
        tpu.vector_store %arg15[%parallel_loop3A_434], %parallel_loop3A_431 {strides = array<i32>} : memref<1024xi32, #tpu.memory_space<vmem>>, vector<16xi32>,
      } {sc.loop_unroll_factor = 4 : i64, sc.parallel_access}
      %parallel_loop3A_11 = arith.constant 0 : i32
      %parallel_loop3A_12 = arith.constant 512 : i32
      %parallel_loop3A_13 = arith.constant 1 : i32
      scf.for %parallel_loop3A_409 = %parallel_loop3A_11 to %parallel_loop3A_12 step %parallel_loop3A_13  : i32 {
        %parallel_loop3A_410 = arith.constant 16 : i32
        %parallel_loop3A_411 = arith.muli %parallel_loop3A_409, %parallel_loop3A_410 : i32
        %parallel_loop3A_412 = arith.index_cast %parallel_loop3A_411 : i32 to index
        %parallel_loop3A_413 = tpu.vector_load %arg12[%parallel_loop3A_412] {strides = array<i32>} : memref<8192xi32, #tpu.memory_space<vmem>>, vector<16xi32>,
        tpu.vector_store %arg12[%parallel_loop3A_412], %broadcast_in_dim3A_3 {strides = array<i32>} : memref<8192xi32, #tpu.memory_space<vmem>>, vector<16xi32>,
      } {sc.loop_unroll_factor = 8 : i64, sc.parallel_access}
      %parallel_loop3A_14 = arith.constant 0 : i32
      %parallel_loop3A_15 = arith.constant 512 : i32
      %parallel_loop3A_16 = arith.constant 1 : i32
      scf.for %parallel_loop3A_409 = %parallel_loop3A_14 to %parallel_loop3A_15 step %parallel_loop3A_16  : i32 {
        %parallel_loop3A_410 = arith.constant 16 : i32
        %parallel_loop3A_411 = arith.muli %parallel_loop3A_409, %parallel_loop3A_410 : i32
        %parallel_loop3A_412 = arith.index_cast %parallel_loop3A_411 : i32 to index
        %parallel_loop3A_413 = tpu.vector_load %arg6[%parallel_loop3A_412] {strides = array<i32>} : memref<16384xf32, #tpu.memory_space<vmem>>, vector<16xf32>,
        %parallel_loop3A_414 = vector.bitcast %parallel_loop3A_413 : vector<16xf32> to vector<16xi32>
        %parallel_loop3A_415 = arith.constant 0 : i32
        %parallel_loop3A_416 = vector.broadcast %parallel_loop3A_415 : i32 to vector<16xi32>
        %parallel_loop3A_417 = arith.shrsi %parallel_loop3A_414, %parallel_loop3A_416 : vector<16xi32>
        %parallel_loop3A_418 = arith.constant 1023 : i32
        %parallel_loop3A_419 = vector.broadcast %parallel_loop3A_418 : i32 to vector<16xi32>
        %parallel_loop3A_420 = arith.andi %parallel_loop3A_417, %parallel_loop3A_419 : vector<16xi32>
        %parallel_loop3A_421 = arith.constant 1023 : i32
        %parallel_loop3A_422 = vector.broadcast %parallel_loop3A_421 : i32 to vector<16xi32>
        %parallel_loop3A_423 = arith.subi %parallel_loop3A_422, %parallel_loop3A_420 : vector<16xi32>
        %parallel_loop3A_424 = arith.constant true
        %parallel_loop3A_425 = vector.broadcast %parallel_loop3A_424 : i1 to vector<16xi1>
        %parallel_loop3A_426, %parallel_loop3A_427 = tpu.scan_count mask(%parallel_loop3A_425 : vector<16xi1>) value(%parallel_loop3A_423 : vector<16xi32>) : vector<16xi1>, vector<16xi32>
        %parallel_loop3A_428 = vector.bitcast %parallel_loop3A_427 : vector<16xi32> to vector<16xf32>
        %parallel_loop3A_429 = arith.constant 16 : i32
        %parallel_loop3A_430 = arith.muli %parallel_loop3A_409, %parallel_loop3A_429 : i32
        %parallel_loop3A_431 = arith.index_cast %parallel_loop3A_430 : i32 to index
        %parallel_loop3A_432 = tpu.vector_load %arg7[%parallel_loop3A_431] {strides = array<i32>} : memref<16384xf32, #tpu.memory_space<vmem>>, vector<16xf32>,
        tpu.vector_store %arg7[%parallel_loop3A_431], %parallel_loop3A_428 {strides = array<i32>} : memref<16384xf32, #tpu.memory_space<vmem>>, vector<16xf32>,
        %parallel_loop3A_433 = vector.bitcast %parallel_loop3A_423 : vector<16xi32> to vector<16xf32>
        %parallel_loop3A_434 = arith.constant 16 : i32
        %parallel_loop3A_435 = arith.muli %parallel_loop3A_409, %parallel_loop3A_434 : i32
        %parallel_loop3A_436 = arith.index_cast %parallel_loop3A_435 : i32 to index
        %parallel_loop3A_437 = tpu.vector_load %arg8[%parallel_loop3A_436] {strides = array<i32>} : memref<16384xf32, #tpu.memory_space<vmem>>, vector<16xf32>,
        tpu.vector_store %arg8[%parallel_loop3A_436], %parallel_loop3A_433 {strides = array<i32>} : memref<16384xf32, #tpu.memory_space<vmem>>, vector<16xf32>,
        %parallel_loop3A_438 = arith.constant 8 : i32
        %parallel_loop3A_439 = arith.constant 0 : i32
        %parallel_loop3A_440 = arith.cmpi eq, %parallel_loop3A_438, %parallel_loop3A_439 : i32
        %parallel_loop3A_441 = arith.constant 1 : i32
        %parallel_loop3A_442 = arith.select %parallel_loop3A_440, %parallel_loop3A_441, %parallel_loop3A_438 : i32
        %parallel_loop3A_443 = arith.remsi %parallel_loop3A_409, %parallel_loop3A_442 : i32
        %parallel_loop3A_444 = arith.constant 0 : i32
        %parallel_loop3A_445 = arith.cmpi ne, %parallel_loop3A_443, %parallel_loop3A_444 : i32
        %parallel_loop3A_446 = arith.constant 0 : i32
        %parallel_loop3A_447 = arith.cmpi slt, %parallel_loop3A_443, %parallel_loop3A_446 : i32
        %parallel_loop3A_448 = arith.constant 0 : i32
        %parallel_loop3A_449 = arith.cmpi slt, %parallel_loop3A_442, %parallel_loop3A_448 : i32
        %parallel_loop3A_450 = arith.xori %parallel_loop3A_447, %parallel_loop3A_449 : i1
        %parallel_loop3A_451 = arith.andi %parallel_loop3A_450, %parallel_loop3A_445 : i1
        %parallel_loop3A_452 = arith.addi %parallel_loop3A_443, %parallel_loop3A_442 : i32
        %parallel_loop3A_453 = arith.select %parallel_loop3A_451, %parallel_loop3A_452, %parallel_loop3A_443 : i32
        %parallel_loop3A_454 = arith.constant 1024 : i32
        %parallel_loop3A_455 = arith.muli %parallel_loop3A_453, %parallel_loop3A_454 : i32
        %parallel_loop3A_456 = vector.broadcast %parallel_loop3A_455 : i32 to vector<16xi32>
        %parallel_loop3A_457 = arith.addi %parallel_loop3A_423, %parallel_loop3A_456 : vector<16xi32>
        tpu.vector_store_idx %arg12[%parallel_loop3A_457], %broadcast_in_dim3A_5 {add = true} : memref<8192xi32, #tpu.memory_space<vmem>>[vector<16xi32>], vector<16xi32>,
      } {sc.loop_unroll_factor = 8 : i64, sc.parallel_access}
      %parallel_loop3A_17 = arith.constant 512 : i32
      %parallel_loop3A_18 = arith.constant 1024 : i32
      %parallel_loop3A_19 = arith.constant 1 : i32
      scf.for %parallel_loop3A_409 = %parallel_loop3A_17 to %parallel_loop3A_18 step %parallel_loop3A_19  : i32 {
        %parallel_loop3A_410 = arith.constant 16 : i32
        %parallel_loop3A_411 = arith.muli %parallel_loop3A_409, %parallel_loop3A_410 : i32
        %parallel_loop3A_412 = arith.index_cast %parallel_loop3A_411 : i32 to index
        %parallel_loop3A_413 = tpu.vector_load %arg6[%parallel_loop3A_412] {strides = array<i32>} : memref<16384xf32, #tpu.memory_space<vmem>>, vector<16xf32>,
        %parallel_loop3A_414 = vector.bitcast %parallel_loop3A_413 : vector<16xf32> to vector<16xi32>
        %parallel_loop3A_415 = arith.constant 0 : i32
        %parallel_loop3A_416 = vector.broadcast %parallel_loop3A_415 : i32 to vector<16xi32>
        %parallel_loop3A_417 = arith.shrsi %parallel_loop3A_414, %parallel_loop3A_416 : vector<16xi32>
        %parallel_loop3A_418 = arith.constant 1023 : i32
        %parallel_loop3A_419 = vector.broadcast %parallel_loop3A_418 : i32 to vector<16xi32>
        %parallel_loop3A_420 = arith.andi %parallel_loop3A_417, %parallel_loop3A_419 : vector<16xi32>
        %parallel_loop3A_421 = arith.constant 1023 : i32
        %parallel_loop3A_422 = vector.broadcast %parallel_loop3A_421 : i32 to vector<16xi32>
        %parallel_loop3A_423 = arith.subi %parallel_loop3A_422, %parallel_loop3A_420 : vector<16xi32>
        %parallel_loop3A_424 = arith.constant true
        %parallel_loop3A_425 = vector.broadcast %parallel_loop3A_424 : i1 to vector<16xi1>
        %parallel_loop3A_426, %parallel_loop3A_427 = tpu.scan_count mask(%parallel_loop3A_425 : vector<16xi1>) value(%parallel_loop3A_423 : vector<16xi32>) : vector<16xi1>, vector<16xi32>
        %parallel_loop3A_428 = vector.bitcast %parallel_loop3A_427 : vector<16xi32> to vector<16xf32>
        %parallel_loop3A_429 = arith.constant 16 : i32
        %parallel_loop3A_430 = arith.muli %parallel_loop3A_409, %parallel_loop3A_429 : i32
        %parallel_loop3A_431 = arith.index_cast %parallel_loop3A_430 : i32 to index
        %parallel_loop3A_432 = tpu.vector_load %arg7[%parallel_loop3A_431] {strides = array<i32>} : memref<16384xf32, #tpu.memory_space<vmem>>, vector<16xf32>,
        tpu.vector_store %arg7[%parallel_loop3A_431], %parallel_loop3A_428 {strides = array<i32>} : memref<16384xf32, #tpu.memory_space<vmem>>, vector<16xf32>,
        %parallel_loop3A_433 = vector.bitcast %parallel_loop3A_423 : vector<16xi32> to vector<16xf32>
        %parallel_loop3A_434 = arith.constant 16 : i32
        %parallel_loop3A_435 = arith.muli %parallel_loop3A_409, %parallel_loop3A_434 : i32
        %parallel_loop3A_436 = arith.index_cast %parallel_loop3A_435 : i32 to index
        %parallel_loop3A_437 = tpu.vector_load %arg8[%parallel_loop3A_436] {strides = array<i32>} : memref<16384xf32, #tpu.memory_space<vmem>>, vector<16xf32>,
        tpu.vector_store %arg8[%parallel_loop3A_436], %parallel_loop3A_433 {strides = array<i32>} : memref<16384xf32, #tpu.memory_space<vmem>>, vector<16xf32>,
        %parallel_loop3A_438 = arith.constant 8 : i32
        %parallel_loop3A_439 = arith.constant 0 : i32
        %parallel_loop3A_440 = arith.cmpi eq, %parallel_loop3A_438, %parallel_loop3A_439 : i32
        %parallel_loop3A_441 = arith.constant 1 : i32
        %parallel_loop3A_442 = arith.select %parallel_loop3A_440, %parallel_loop3A_441, %parallel_loop3A_438 : i32
        %parallel_loop3A_443 = arith.remsi %parallel_loop3A_409, %parallel_loop3A_442 : i32
        %parallel_loop3A_444 = arith.constant 0 : i32
        %parallel_loop3A_445 = arith.cmpi ne, %parallel_loop3A_443, %parallel_loop3A_444 : i32
        %parallel_loop3A_446 = arith.constant 0 : i32
        %parallel_loop3A_447 = arith.cmpi slt, %parallel_loop3A_443, %parallel_loop3A_446 : i32
        %parallel_loop3A_448 = arith.constant 0 : i32
        %parallel_loop3A_449 = arith.cmpi slt, %parallel_loop3A_442, %parallel_loop3A_448 : i32
        %parallel_loop3A_450 = arith.xori %parallel_loop3A_447, %parallel_loop3A_449 : i1
        %parallel_loop3A_451 = arith.andi %parallel_loop3A_450, %parallel_loop3A_445 : i1
        %parallel_loop3A_452 = arith.addi %parallel_loop3A_443, %parallel_loop3A_442 : i32
        %parallel_loop3A_453 = arith.select %parallel_loop3A_451, %parallel_loop3A_452, %parallel_loop3A_443 : i32
        %parallel_loop3A_454 = arith.constant 1024 : i32
        %parallel_loop3A_455 = arith.muli %parallel_loop3A_453, %parallel_loop3A_454 : i32
        %parallel_loop3A_456 = vector.broadcast %parallel_loop3A_455 : i32 to vector<16xi32>
        %parallel_loop3A_457 = arith.addi %parallel_loop3A_423, %parallel_loop3A_456 : vector<16xi32>
        tpu.vector_store_idx %arg12[%parallel_loop3A_457], %broadcast_in_dim3A_5 {add = true} : memref<8192xi32, #tpu.memory_space<vmem>>[vector<16xi32>], vector<16xi32>,
      } {sc.loop_unroll_factor = 8 : i64, sc.parallel_access}
      %parallel_loop3A_20 = arith.constant 0 : i32
      %parallel_loop3A_21 = arith.constant 64 : i32
      %parallel_loop3A_22 = arith.constant 1 : i32
      scf.for %parallel_loop3A_409 = %parallel_loop3A_20 to %parallel_loop3A_21 step %parallel_loop3A_22  : i32 {
        %parallel_loop3A_410 = arith.constant 16 : i32
        %parallel_loop3A_411 = arith.muli %parallel_loop3A_409, %parallel_loop3A_410 : i32
        %parallel_loop3A_412 = arith.index_cast %parallel_loop3A_411 : i32 to index
        %parallel_loop3A_413 = tpu.vector_load %arg12[%parallel_loop3A_412] {strides = array<i32>} : memref<8192xi32, #tpu.memory_space<vmem>>, vector<16xi32>,
        %parallel_loop3A_414 = arith.constant 16 : i32
        %parallel_loop3A_415 = arith.muli %parallel_loop3A_409, %parallel_loop3A_414 : i32
        %parallel_loop3A_416 = arith.constant 1024 : i32
        %parallel_loop3A_417 = arith.addi %parallel_loop3A_416, %parallel_loop3A_415 : i32
        %parallel_loop3A_418 = arith.index_cast %parallel_loop3A_417 : i32 to index
        %parallel_loop3A_419 = tpu.vector_load %arg12[%parallel_loop3A_418] {strides = array<i32>} : memref<8192xi32, #tpu.memory_space<vmem>>, vector<16xi32>,
        %parallel_loop3A_420 = arith.addi %parallel_loop3A_413, %parallel_loop3A_419 : vector<16xi32>
        %parallel_loop3A_421 = arith.constant 16 : i32
        %parallel_loop3A_422 = arith.muli %parallel_loop3A_409, %parallel_loop3A_421 : i32
        %parallel_loop3A_423 = arith.constant 2048 : i32
        %parallel_loop3A_424 = arith.addi %parallel_loop3A_423, %parallel_loop3A_422 : i32
        %parallel_loop3A_425 = arith.index_cast %parallel_loop3A_424 : i32 to index
        %parallel_loop3A_426 = tpu.vector_load %arg12[%parallel_loop3A_425] {strides = array<i32>} : memref<8192xi32, #tpu.memory_space<vmem>>, vector<16xi32>,
        %parallel_loop3A_427 = arith.addi %parallel_loop3A_420, %parallel_loop3A_426 : vector<16xi32>
        %parallel_loop3A_428 = arith.constant 16 : i32
        %parallel_loop3A_429 = arith.muli %parallel_loop3A_409, %parallel_loop3A_428 : i32
        %parallel_loop3A_430 = arith.constant 3072 : i32
        %parallel_loop3A_431 = arith.addi %parallel_loop3A_430, %parallel_loop3A_429 : i32
        %parallel_loop3A_432 = arith.index_cast %parallel_loop3A_431 : i32 to index
        %parallel_loop3A_433 = tpu.vector_load %arg12[%parallel_loop3A_432] {strides = array<i32>} : memref<8192xi32, #tpu.memory_space<vmem>>, vector<16xi32>,
        %parallel_loop3A_434 = arith.addi %parallel_loop3A_427, %parallel_loop3A_433 : vector<16xi32>
        %parallel_loop3A_435 = arith.constant 16 : i32
        %parallel_loop3A_436 = arith.muli %parallel_loop3A_409, %parallel_loop3A_435 : i32
        %parallel_loop3A_437 = arith.constant 4096 : i32
        %parallel_loop3A_438 = arith.addi %parallel_loop3A_437, %parallel_loop3A_436 : i32
        %parallel_loop3A_439 = arith.index_cast %parallel_loop3A_438 : i32 to index
        %parallel_loop3A_440 = tpu.vector_load %arg12[%parallel_loop3A_439] {strides = array<i32>} : memref<8192xi32, #tpu.memory_space<vmem>>, vector<16xi32>,
        %parallel_loop3A_441 = arith.addi %parallel_loop3A_434, %parallel_loop3A_440 : vector<16xi32>
        %parallel_loop3A_442 = arith.constant 16 : i32
        %parallel_loop3A_443 = arith.muli %parallel_loop3A_409, %parallel_loop3A_442 : i32
        %parallel_loop3A_444 = arith.constant 5120 : i32
        %parallel_loop3A_445 = arith.addi %parallel_loop3A_444, %parallel_loop3A_443 : i32
        %parallel_loop3A_446 = arith.index_cast %parallel_loop3A_445 : i32 to index
        %parallel_loop3A_447 = tpu.vector_load %arg12[%parallel_loop3A_446] {strides = array<i32>} : memref<8192xi32, #tpu.memory_space<vmem>>, vector<16xi32>,
        %parallel_loop3A_448 = arith.addi %parallel_loop3A_441, %parallel_loop3A_447 : vector<16xi32>
        %parallel_loop3A_449 = arith.constant 16 : i32
        %parallel_loop3A_450 = arith.muli %parallel_loop3A_409, %parallel_loop3A_449 : i32
        %parallel_loop3A_451 = arith.constant 6144 : i32
        %parallel_loop3A_452 = arith.addi %parallel_loop3A_451, %parallel_loop3A_450 : i32
        %parallel_loop3A_453 = arith.index_cast %parallel_loop3A_452 : i32 to index
        %parallel_loop3A_454 = tpu.vector_load %arg12[%parallel_loop3A_453] {strides = array<i32>} : memref<8192xi32, #tpu.memory_space<vmem>>, vector<16xi32>,
        %parallel_loop3A_455 = arith.addi %parallel_loop3A_448, %parallel_loop3A_454 : vector<16xi32>
        %parallel_loop3A_456 = arith.constant 16 : i32
        %parallel_loop3A_457 = arith.muli %parallel_loop3A_409, %parallel_loop3A_456 : i32
        %parallel_loop3A_458 = arith.constant 7168 : i32
        %parallel_loop3A_459 = arith.addi %parallel_loop3A_458, %parallel_loop3A_457 : i32
        %parallel_loop3A_460 = arith.index_cast %parallel_loop3A_459 : i32 to index
        %parallel_loop3A_461 = tpu.vector_load %arg12[%parallel_loop3A_460] {strides = array<i32>} : memref<8192xi32, #tpu.memory_space<vmem>>, vector<16xi32>,
        %parallel_loop3A_462 = arith.addi %parallel_loop3A_455, %parallel_loop3A_461 : vector<16xi32>
        %parallel_loop3A_463 = arith.constant 16 : i32
        %parallel_loop3A_464 = arith.muli %parallel_loop3A_409, %parallel_loop3A_463 : i32
        %parallel_loop3A_465 = arith.index_cast %parallel_loop3A_464 : i32 to index
        %parallel_loop3A_466 = tpu.vector_load %arg12[%parallel_loop3A_465] {strides = array<i32>} : memref<8192xi32, #tpu.memory_space<vmem>>, vector<16xi32>,
        tpu.vector_store %arg12[%parallel_loop3A_465], %parallel_loop3A_462 {strides = array<i32>} : memref<8192xi32, #tpu.memory_space<vmem>>, vector<16xi32>,
      } {sc.loop_unroll_factor = 4 : i64, sc.parallel_access}
      %dma_start3A = arith.constant 0 : i32
      %dma_start3A_23 = tpu.memref_slice %arg12[%dma_start3A] : memref<8192xi32, #tpu.memory_space<vmem>> -> memref<1024xi32, #tpu.memory_space<vmem>>
      %dma_start3A_24 = arith.constant 0 : i32
      %dma_start3A_25 = tpu.memref_slice %arg20[%dma_start3A_24] : memref<16384xi32, #tpu.memory_space<vmem_shared>> -> memref<16384xi32, #tpu.memory_space<vmem_shared>>
      tpu.enqueue_indirect_dma source(%dma_start3A_23 : memref<1024xi32, #tpu.memory_space<vmem>>) target(%dma_start3A_25 : memref<16384xi32, #tpu.memory_space<vmem_shared>>) offsets(%arg14 : memref<1024xi32, #tpu.memory_space<vmem>>) semaphore(%arg24 : memref<!tpu.dma_semaphore, #tpu.memory_space<semaphore_mem>>)
      %dma_wait3A = arith.constant 0 : i32
      %dma_wait3A_26 = tpu.memref_slice %arg12[%dma_wait3A] : memref<8192xi32, #tpu.memory_space<vmem>> -> memref<1024xi32, #tpu.memory_space<vmem>>
      %dma_wait3A_27 = arith.constant 0 : i32
      %dma_wait3A_28 = tpu.memref_slice %arg20[%dma_wait3A_27] : memref<16384xi32, #tpu.memory_space<vmem_shared>> -> memref<16384xi32, #tpu.memory_space<vmem_shared>>
      tpu.wait_indirect_dma semaphore(%arg24 : memref<!tpu.dma_semaphore, #tpu.memory_space<semaphore_mem>>) src(%dma_wait3A_26 : memref<1024xi32, #tpu.memory_space<vmem>>) dst(%dma_wait3A_28 : memref<16384xi32, #tpu.memory_space<vmem_shared>>)
      %barrier3A = arith.constant 0 : index
      tpu.barrier barrier_id(%barrier3A)
      %dma_start3A_29 = arith.constant 0 : i32
      %dma_start3A_30 = tpu.memref_slice %arg20[%dma_start3A_29] : memref<16384xi32, #tpu.memory_space<vmem_shared>> -> memref<16384xi32, #tpu.memory_space<vmem_shared>>
      tpu.enqueue_indirect_dma source(%dma_start3A_30 : memref<16384xi32, #tpu.memory_space<vmem_shared>>) target(%arg16 : memref<1024xi32, #tpu.memory_space<vmem>>) offsets(%arg15 : memref<1024xi32, #tpu.memory_space<vmem>>) semaphore(%arg24 : memref<!tpu.dma_semaphore, #tpu.memory_space<semaphore_mem>>)
      %dma_wait3A_31 = arith.constant 0 : i32
      %dma_wait3A_32 = tpu.memref_slice %arg20[%dma_wait3A_31] : memref<16384xi32, #tpu.memory_space<vmem_shared>> -> memref<16384xi32, #tpu.memory_space<vmem_shared>>
      tpu.wait_indirect_dma semaphore(%arg24 : memref<!tpu.dma_semaphore, #tpu.memory_space<semaphore_mem>>) src(%dma_wait3A_32 : memref<16384xi32, #tpu.memory_space<vmem_shared>>) dst(%arg16 : memref<1024xi32, #tpu.memory_space<vmem>>)
      %scan3A = arith.constant 0 : i32
      %scan3A_33 = arith.constant 0 : i32
      %scan3A_34 = arith.constant 64 : i32
      %scan3A_35 = arith.addi %scan3A_33, %scan3A_34 : i32
      %scan3A_36 = arith.constant 1 : i32
      %scan3A_37 = scf.for %scan3A_409 = %scan3A_33 to %scan3A_35 step %scan3A_36 iter_args(%scan3A_410 = %scan3A) -> (i32)  : i32 {
        %mul3A_411 = arith.constant 16 : i32
        %mul3A_412 = arith.muli %scan3A_409, %mul3A_411 : i32
        %get3A_413 = arith.index_cast %mul3A_412 : i32 to index
        %get3A_414 = tpu.vector_load %arg16[%get3A_413] {strides = array<i32>} : memref<1024xi32, #tpu.memory_space<vmem>>, vector<16xi32>,
        %broadcast_in_dim3A_415 = arith.constant true
        %broadcast_in_dim3A_416 = vector.broadcast %broadcast_in_dim3A_415 : i1 to vector<16xi1>
        %masked_cumsum3A_417 = tpu.scan <sum>, %get3A_414 masked %broadcast_in_dim3A_416 : vector<16xi32>, vector<16xi1> -> vector<16xi32>
        %sub3A_418 = arith.subi %masked_cumsum3A_417, %get3A_414 : vector<16xi32>
        %add3A_419 = vector.broadcast %scan3A_410 : i32 to vector<16xi32>
        %add3A_420 = arith.addi %sub3A_418, %add3A_419 : vector<16xi32>
        %mul3A_421 = arith.constant 16 : i32
        %mul3A_422 = arith.muli %scan3A_409, %mul3A_421 : i32
        %swap3A_423 = arith.index_cast %mul3A_422 : i32 to index
        %swap3A_424 = tpu.vector_load %arg16[%swap3A_423] {strides = array<i32>} : memref<1024xi32, #tpu.memory_space<vmem>>, vector<16xi32>,
        tpu.vector_store %arg16[%swap3A_423], %add3A_420 {strides = array<i32>} : memref<1024xi32, #tpu.memory_space<vmem>>, vector<16xi32>,
        %reduce_sum3A = arith.constant true
        %reduce_sum3A_425 = vector.broadcast %reduce_sum3A : i1 to vector<16xi1>
        %reduce_sum3A_426 = tpu.scan <sum>, %get3A_414 masked %reduce_sum3A_425 : vector<16xi32>, vector<16xi1> -> vector<16xi32>
        %reduce_sum3A_427 = vector.extract %reduce_sum3A_426[15] : i32 from vector<16xi32>
        %add3A_428 = arith.addi %scan3A_410, %reduce_sum3A_427 : i32
        scf.yield %add3A_428 : i32
      }
      %scan3A_38 = arith.constant 64 : i32
      %iota3A = tpu.iota {dimensions = array<i32: 0>} : vector<16xi32>
      %eq3A_39 = arith.constant 0 : i32
      %eq3A_40 = vector.broadcast %eq3A_39 : i32 to vector<16xi32>
      %eq3A_41 = arith.cmpi eq, %iota3A, %eq3A_40 : vector<16xi32>
      %jit3A = arith.constant 0 : i32
      %broadcast_in_dim3A_42 = vector.broadcast %scan3A_37 : i32 to vector<16xi32>
      %broadcast_in_dim3A_43 = vector.broadcast %jit3A : i32 to vector<16xi32>
      %select_n3A = arith.select %eq3A_41, %broadcast_in_dim3A_42, %broadcast_in_dim3A_43 : vector<16xi1>, vector<16xi32>
      %swap3A = arith.constant 0 : index
      %swap3A_44 = tpu.vector_load %arg17[%swap3A] {strides = array<i32>} : memref<32xi32, #tpu.memory_space<vmem>>, vector<16xi32>,
      tpu.vector_store %arg17[%swap3A], %select_n3A {strides = array<i32>} : memref<32xi32, #tpu.memory_space<vmem>>, vector<16xi32>,
      %iota3A_45 = tpu.iota {dimensions = array<i32: 0>} : vector<16xi32>
      %eq3A_46 = arith.constant 0 : i32
      %eq3A_47 = vector.broadcast %eq3A_46 : i32 to vector<16xi32>
      %eq3A_48 = arith.cmpi eq, %iota3A_45, %eq3A_47 : vector<16xi32>
      %add3A = arith.constant 16 : i32
      %add3A_49 = arith.addi %add3A, %arg1 : i32
      %broadcast_in_dim3A_50 = vector.broadcast %arg1 : i32 to vector<16xi32>
      %broadcast_in_dim3A_51 = vector.broadcast %add3A_49 : i32 to vector<16xi32>
      %select_n3A_52 = arith.select %eq3A_48, %broadcast_in_dim3A_50, %broadcast_in_dim3A_51 : vector<16xi1>, vector<16xi32>
      %dma_start3A_53 = arith.constant 0 : i32
      %dma_start3A_54 = tpu.memref_slice %arg20[%dma_start3A_53] : memref<16384xi32, #tpu.memory_space<vmem_shared>> -> memref<16384xi32, #tpu.memory_space<vmem_shared>>
      tpu.enqueue_indirect_dma source(%arg16 : memref<1024xi32, #tpu.memory_space<vmem>>) target(%dma_start3A_54 : memref<16384xi32, #tpu.memory_space<vmem_shared>>) offsets(%arg15 : memref<1024xi32, #tpu.memory_space<vmem>>) semaphore(%arg24 : memref<!tpu.dma_semaphore, #tpu.memory_space<semaphore_mem>>)
      %dma_start3A_55 = arith.constant 0 : i32
      %dma_start3A_56 = tpu.memref_slice %arg17[%dma_start3A_55] : memref<32xi32, #tpu.memory_space<vmem>> -> memref<16xi32, #tpu.memory_space<vmem>>
      %dma_start3A_57 = arith.constant 0 : i32
      %dma_start3A_58 = tpu.memref_slice %arg21[%dma_start3A_57] : memref<32xi32, #tpu.memory_space<vmem_shared>> -> memref<32xi32, #tpu.memory_space<vmem_shared>>
      tpu.enqueue_indirect_dma source(%dma_start3A_56 : memref<16xi32, #tpu.memory_space<vmem>>) target(%dma_start3A_58 : memref<32xi32, #tpu.memory_space<vmem_shared>>) offsets(%select_n3A_52 : vector<16xi32>) semaphore(%arg25 : memref<!tpu.dma_semaphore, #tpu.memory_space<semaphore_mem>>)
      %dma_wait3A_59 = arith.constant 0 : i32
      %dma_wait3A_60 = tpu.memref_slice %arg20[%dma_wait3A_59] : memref<16384xi32, #tpu.memory_space<vmem_shared>> -> memref<16384xi32, #tpu.memory_space<vmem_shared>>
      tpu.wait_indirect_dma semaphore(%arg24 : memref<!tpu.dma_semaphore, #tpu.memory_space<semaphore_mem>>) src(%arg16 : memref<1024xi32, #tpu.memory_space<vmem>>) dst(%dma_wait3A_60 : memref<16384xi32, #tpu.memory_space<vmem_shared>>)
      %dma_wait3A_61 = arith.constant 0 : i32
      %dma_wait3A_62 = tpu.memref_slice %arg17[%dma_wait3A_61] : memref<32xi32, #tpu.memory_space<vmem>> -> memref<16xi32, #tpu.memory_space<vmem>>
      %dma_wait3A_63 = arith.constant 0 : i32
      %dma_wait3A_64 = tpu.memref_slice %arg21[%dma_wait3A_63] : memref<32xi32, #tpu.memory_space<vmem_shared>> -> memref<32xi32, #tpu.memory_space<vmem_shared>>
      tpu.wait_indirect_dma semaphore(%arg25 : memref<!tpu.dma_semaphore, #tpu.memory_space<semaphore_mem>>) src(%dma_wait3A_62 : memref<16xi32, #tpu.memory_space<vmem>>) dst(%dma_wait3A_64 : memref<32xi32, #tpu.memory_space<vmem_shared>>)
      %barrier3A_65 = arith.constant 0 : index
      tpu.barrier barrier_id(%barrier3A_65)
      "tpu.region"() ({
        %run_scoped3A = tpu.sem_alloc : memref<!tpu.dma_semaphore, #tpu.memory_space<semaphore_mem>>
        tpu.enqueue_dma source(%arg21 : memref<32xi32, #tpu.memory_space<vmem_shared>>) target(%arg17 : memref<32xi32, #tpu.memory_space<vmem>>) target_semaphore(%run_scoped3A : memref<!tpu.dma_semaphore, #tpu.memory_space<semaphore_mem>>)
        tpu.wait_dma2 semaphore(%run_scoped3A : memref<!tpu.dma_semaphore, #tpu.memory_space<semaphore_mem>>) src(%arg21 : memref<32xi32, #tpu.memory_space<vmem_shared>>) dst(%arg17 : memref<32xi32, #tpu.memory_space<vmem>>)
        tpu.yield
      }) : () -> ()
      %dma_start3A_66 = arith.constant 0 : i32
      %dma_start3A_67 = tpu.memref_slice %arg20[%dma_start3A_66] : memref<16384xi32, #tpu.memory_space<vmem_shared>> -> memref<16384xi32, #tpu.memory_space<vmem_shared>>
      tpu.enqueue_indirect_dma source(%dma_start3A_67 : memref<16384xi32, #tpu.memory_space<vmem_shared>>) target(%arg13 : memref<1024xi32, #tpu.memory_space<vmem>>) offsets(%arg14 : memref<1024xi32, #tpu.memory_space<vmem>>) semaphore(%arg24 : memref<!tpu.dma_semaphore, #tpu.memory_space<semaphore_mem>>)
      %get3A = arith.constant 0 : index
      %get3A_68 = tpu.vector_load %arg17[%get3A] {strides = array<i32>} : memref<32xi32, #tpu.memory_space<vmem>>, vector<16xi32>,
      %broadcast_in_dim3A_69 = arith.constant true
      %broadcast_in_dim3A_70 = vector.broadcast %broadcast_in_dim3A_69 : i1 to vector<16xi1>
      %masked_cumsum3A = tpu.scan <sum>, %get3A_68 masked %broadcast_in_dim3A_70 : vector<16xi32>, vector<16xi1> -> vector<16xi32>
      %sub3A = arith.subi %masked_cumsum3A, %get3A_68 : vector<16xi32>
      %swap3A_71 = arith.constant 0 : index
      %swap3A_72 = tpu.vector_load %arg17[%swap3A_71] {strides = array<i32>} : memref<32xi32, #tpu.memory_space<vmem>>, vector<16xi32>,
      tpu.vector_store %arg17[%swap3A_71], %sub3A {strides = array<i32>} : memref<32xi32, #tpu.memory_space<vmem>>, vector<16xi32>,
      %dma_wait3A_73 = arith.constant 0 : i32
      %dma_wait3A_74 = tpu.memref_slice %arg20[%dma_wait3A_73] : memref<16384xi32, #tpu.memory_space<vmem_shared>> -> memref<16384xi32, #tpu.memory_space<vmem_shared>>
      tpu.wait_indirect_dma semaphore(%arg24 : memref<!tpu.dma_semaphore, #tpu.memory_space<semaphore_mem>>) src(%dma_wait3A_74 : memref<16384xi32, #tpu.memory_space<vmem_shared>>) dst(%arg13 : memref<1024xi32, #tpu.memory_space<vmem>>)
      %parallel_loop3A_75 = arith.constant 0 : i32
      %parallel_loop3A_76 = arith.constant 64 : i32
      %parallel_loop3A_77 = arith.constant 1 : i32
      scf.for %parallel_loop3A_409 = %parallel_loop3A_75 to %parallel_loop3A_76 step %parallel_loop3A_77  : i32 {
        %parallel_loop3A_410 = arith.constant 16 : i32
        %parallel_loop3A_411 = arith.muli %parallel_loop3A_409, %parallel_loop3A_410 : i32
        %parallel_loop3A_412 = tpu.iota {dimensions = array<i32: 0>} : vector<16xi32>
        %parallel_loop3A_413 = vector.broadcast %parallel_loop3A_411 : i32 to vector<16xi32>
        %parallel_loop3A_414 = arith.addi %parallel_loop3A_413, %parallel_loop3A_412 : vector<16xi32>
        %parallel_loop3A_415 = arith.constant 16 : i32
        %parallel_loop3A_416 = vector.broadcast %parallel_loop3A_415 : i32 to vector<16xi32>
        %parallel_loop3A_417 = arith.muli %parallel_loop3A_414, %parallel_loop3A_416 : vector<16xi32>
        %parallel_loop3A_418 = vector.broadcast %arg1 : i32 to vector<16xi32>
        %parallel_loop3A_419 = arith.addi %parallel_loop3A_417, %parallel_loop3A_418 : vector<16xi32>
        %parallel_loop3A_420 = arith.constant 10 : i32
        %parallel_loop3A_421 = vector.broadcast %parallel_loop3A_420 : i32 to vector<16xi32>
        %parallel_loop3A_422 = arith.shrsi %parallel_loop3A_419, %parallel_loop3A_421 : vector<16xi32>
        %parallel_loop3A_423 = tpu.vector_load_idx %arg17[%parallel_loop3A_422] : memref<32xi32, #tpu.memory_space<vmem>>[vector<16xi32>], vector<16xi32>,
        %parallel_loop3A_424 = arith.constant 16 : i32
        %parallel_loop3A_425 = arith.muli %parallel_loop3A_409, %parallel_loop3A_424 : i32
        %parallel_loop3A_426 = arith.index_cast %parallel_loop3A_425 : i32 to index
        %parallel_loop3A_427 = tpu.vector_load %arg13[%parallel_loop3A_426] {strides = array<i32>} : memref<1024xi32, #tpu.memory_space<vmem>>, vector<16xi32>,
        %parallel_loop3A_428 = arith.addi %parallel_loop3A_427, %parallel_loop3A_423 : vector<16xi32>
        %parallel_loop3A_429 = arith.constant 16 : i32
        %parallel_loop3A_430 = arith.muli %parallel_loop3A_409, %parallel_loop3A_429 : i32
        %parallel_loop3A_431 = arith.index_cast %parallel_loop3A_430 : i32 to index
        %parallel_loop3A_432 = tpu.vector_load %arg13[%parallel_loop3A_431] {strides = array<i32>} : memref<1024xi32, #tpu.memory_space<vmem>>, vector<16xi32>,
        tpu.vector_store %arg13[%parallel_loop3A_431], %parallel_loop3A_428 {strides = array<i32>} : memref<1024xi32, #tpu.memory_space<vmem>>, vector<16xi32>,
      } {sc.loop_unroll_factor = 4 : i64, sc.parallel_access}
      %scan3A_78 = arith.constant 0 : i32
      %scan3A_79 = arith.constant 0 : i32
      %scan3A_80 = arith.constant 512 : i32
      %scan3A_81 = arith.addi %scan3A_79, %scan3A_80 : i32
      %scan3A_82 = arith.constant 1 : i32
      %scan3A_83 = scf.for %scan3A_409 = %scan3A_79 to %scan3A_81 step %scan3A_82 iter_args(%scan3A_410 = %scan3A_78) -> (i32)  : i32 {
        %mul3A_411 = arith.constant 16 : i32
        %mul3A_412 = arith.muli %scan3A_409, %mul3A_411 : i32
        %add3A_413 = arith.constant 0 : i32
        %add3A_414 = arith.addi %add3A_413, %mul3A_412 : i32
        %get3A_415 = arith.index_cast %add3A_414 : i32 to index
        %get3A_416 = tpu.vector_load %arg8[%get3A_415] {strides = array<i32>} : memref<16384xf32, #tpu.memory_space<vmem>>, vector<16xf32>,
        %bitcast3A = vector.bitcast %get3A_416 : vector<16xf32> to vector<16xi32>
        %gather3A = tpu.vector_load_idx %arg13[%bitcast3A] : memref<1024xi32, #tpu.memory_space<vmem>>[vector<16xi32>], vector<16xi32>,
        %mul3A_417 = arith.constant 16 : i32
        %mul3A_418 = arith.muli %scan3A_409, %mul3A_417 : i32
        %add3A_419 = arith.constant 0 : i32
        %add3A_420 = arith.addi %add3A_419, %mul3A_418 : i32
        %get3A_421 = arith.index_cast %add3A_420 : i32 to index
        %get3A_422 = tpu.vector_load %arg7[%get3A_421] {strides = array<i32>} : memref<16384xf32, #tpu.memory_space<vmem>>, vector<16xf32>,
        %bitcast3A_423 = vector.bitcast %get3A_422 : vector<16xf32> to vector<16xi32>
        %add3A_424 = arith.addi %gather3A, %bitcast3A_423 : vector<16xi32>
        %sub3A_425 = arith.constant 1 : i32
        %sub3A_426 = vector.broadcast %sub3A_425 : i32 to vector<16xi32>
        %sub3A_427 = arith.subi %add3A_424, %sub3A_426 : vector<16xi32>
        %mul3A_428 = arith.constant 16 : i32
        %mul3A_429 = arith.muli %scan3A_409, %mul3A_428 : i32
        %swap3A_430 = arith.index_cast %mul3A_429 : i32 to index
        %swap3A_431 = tpu.vector_load %arg10[%swap3A_430] {strides = array<i32>} : memref<8192xi32, #tpu.memory_space<vmem>>, vector<16xi32>,
        tpu.vector_store %arg10[%swap3A_430], %sub3A_427 {strides = array<i32>} : memref<8192xi32, #tpu.memory_space<vmem>>, vector<16xi32>,
        tpu.vector_store_idx %arg13[%bitcast3A], %broadcast_in_dim3A_5 {add = true} : memref<1024xi32, #tpu.memory_space<vmem>>[vector<16xi32>], vector<16xi32>,
        %scan3A_432 = arith.constant 0 : i32
        scf.yield %scan3A_432 : i32
      }
      %scan3A_84 = arith.constant 512 : i32
      %dma_start3A_85 = arith.constant 0 : i32
      %dma_start3A_86 = tpu.memref_slice %arg6[%dma_start3A_85] : memref<16384xf32, #tpu.memory_space<vmem>> -> memref<8192xf32, #tpu.memory_space<vmem>>
      %dma_start3A_87 = arith.constant 0 : i32
      %dma_start3A_88 = tpu.memref_slice %arg18[%dma_start3A_87] : memref<262144xf32, #tpu.memory_space<vmem_shared>> -> memref<262144xf32, #tpu.memory_space<vmem_shared>>
      tpu.enqueue_indirect_dma source(%dma_start3A_86 : memref<8192xf32, #tpu.memory_space<vmem>>) target(%dma_start3A_88 : memref<262144xf32, #tpu.memory_space<vmem_shared>>) offsets(%arg10 : memref<8192xi32, #tpu.memory_space<vmem>>) semaphore(%arg22 : memref<!tpu.dma_semaphore, #tpu.memory_space<semaphore_mem>>)
      %dma_start3A_89 = arith.constant 0 : i32
      %dma_start3A_90 = tpu.memref_slice %arg9[%dma_start3A_89] : memref<16384xi32, #tpu.memory_space<vmem>> -> memref<8192xi32, #tpu.memory_space<vmem>>
      %dma_start3A_91 = arith.constant 0 : i32
      %dma_start3A_92 = tpu.memref_slice %arg19[%dma_start3A_91] : memref<262144xi32, #tpu.memory_space<vmem_shared>> -> memref<262144xi32, #tpu.memory_space<vmem_shared>>
      tpu.enqueue_indirect_dma source(%dma_start3A_90 : memref<8192xi32, #tpu.memory_space<vmem>>) target(%dma_start3A_92 : memref<262144xi32, #tpu.memory_space<vmem_shared>>) offsets(%arg10 : memref<8192xi32, #tpu.memory_space<vmem>>) semaphore(%arg23 : memref<!tpu.dma_semaphore, #tpu.memory_space<semaphore_mem>>)
      %scan3A_93 = arith.constant 0 : i32
      %scan3A_94 = arith.constant 0 : i32
      %scan3A_95 = arith.constant 512 : i32
      %scan3A_96 = arith.addi %scan3A_94, %scan3A_95 : i32
      %scan3A_97 = arith.constant 1 : i32
      %scan3A_98 = scf.for %scan3A_409 = %scan3A_94 to %scan3A_96 step %scan3A_97 iter_args(%scan3A_410 = %scan3A_93) -> (i32)  : i32 {
        %mul3A_411 = arith.constant 16 : i32
        %mul3A_412 = arith.muli %scan3A_409, %mul3A_411 : i32
        %add3A_413 = arith.constant 8192 : i32
        %add3A_414 = arith.addi %add3A_413, %mul3A_412 : i32
        %get3A_415 = arith.index_cast %add3A_414 : i32 to index
        %get3A_416 = tpu.vector_load %arg8[%get3A_415] {strides = array<i32>} : memref<16384xf32, #tpu.memory_space<vmem>>, vector<16xf32>,
        %bitcast3A = vector.bitcast %get3A_416 : vector<16xf32> to vector<16xi32>
        %gather3A = tpu.vector_load_idx %arg13[%bitcast3A] : memref<1024xi32, #tpu.memory_space<vmem>>[vector<16xi32>], vector<16xi32>,
        %mul3A_417 = arith.constant 16 : i32
        %mul3A_418 = arith.muli %scan3A_409, %mul3A_417 : i32
        %add3A_419 = arith.constant 8192 : i32
        %add3A_420 = arith.addi %add3A_419, %mul3A_418 : i32
        %get3A_421 = arith.index_cast %add3A_420 : i32 to index
        %get3A_422 = tpu.vector_load %arg7[%get3A_421] {strides = array<i32>} : memref<16384xf32, #tpu.memory_space<vmem>>, vector<16xf32>,
        %bitcast3A_423 = vector.bitcast %get3A_422 : vector<16xf32> to vector<16xi32>
        %add3A_424 = arith.addi %gather3A, %bitcast3A_423 : vector<16xi32>
        %sub3A_425 = arith.constant 1 : i32
        %sub3A_426 = vector.broadcast %sub3A_425 : i32 to vector<16xi32>
        %sub3A_427 = arith.subi %add3A_424, %sub3A_426 : vector<16xi32>
        %mul3A_428 = arith.constant 16 : i32
        %mul3A_429 = arith.muli %scan3A_409, %mul3A_428 : i32
        %swap3A_430 = arith.index_cast %mul3A_429 : i32 to index
        %swap3A_431 = tpu.vector_load %arg11[%swap3A_430] {strides = array<i32>} : memref<8192xi32, #tpu.memory_space<vmem>>, vector<16xi32>,
        tpu.vector_store %arg11[%swap3A_430], %sub3A_427 {strides = array<i32>} : memref<8192xi32, #tpu.memory_space<vmem>>, vector<16xi32>,
        tpu.vector_store_idx %arg13[%bitcast3A], %broadcast_in_dim3A_5 {add = true} : memref<1024xi32, #tpu.memory_space<vmem>>[vector<16xi32>], vector<16xi32>,
        %scan3A_432 = arith.constant 0 : i32
        scf.yield %scan3A_432 : i32
      }
      %scan3A_99 = arith.constant 512 : i32
      %dma_start3A_100 = arith.constant 8192 : i32
      %dma_start3A_101 = tpu.memref_slice %arg6[%dma_start3A_100] : memref<16384xf32, #tpu.memory_space<vmem>> -> memref<8192xf32, #tpu.memory_space<vmem>>
      %dma_start3A_102 = arith.constant 0 : i32
      %dma_start3A_103 = tpu.memref_slice %arg18[%dma_start3A_102] : memref<262144xf32, #tpu.memory_space<vmem_shared>> -> memref<262144xf32, #tpu.memory_space<vmem_shared>>
      tpu.enqueue_indirect_dma source(%dma_start3A_101 : memref<8192xf32, #tpu.memory_space<vmem>>) target(%dma_start3A_103 : memref<262144xf32, #tpu.memory_space<vmem_shared>>) offsets(%arg11 : memref<8192xi32, #tpu.memory_space<vmem>>) semaphore(%arg24 : memref<!tpu.dma_semaphore, #tpu.memory_space<semaphore_mem>>)
      %dma_start3A_104 = arith.constant 8192 : i32
      %dma_start3A_105 = tpu.memref_slice %arg9[%dma_start3A_104] : memref<16384xi32, #tpu.memory_space<vmem>> -> memref<8192xi32, #tpu.memory_space<vmem>>
      %dma_start3A_106 = arith.constant 0 : i32
      %dma_start3A_107 = tpu.memref_slice %arg19[%dma_start3A_106] : memref<262144xi32, #tpu.memory_space<vmem_shared>> -> memref<262144xi32, #tpu.memory_space<vmem_shared>>
      tpu.enqueue_indirect_dma source(%dma_start3A_105 : memref<8192xi32, #tpu.memory_space<vmem>>) target(%dma_start3A_107 : memref<262144xi32, #tpu.memory_space<vmem_shared>>) offsets(%arg11 : memref<8192xi32, #tpu.memory_space<vmem>>) semaphore(%arg25 : memref<!tpu.dma_semaphore, #tpu.memory_space<semaphore_mem>>)
      %dma_wait3A_108 = arith.constant 0 : i32
      %dma_wait3A_109 = tpu.memref_slice %arg6[%dma_wait3A_108] : memref<16384xf32, #tpu.memory_space<vmem>> -> memref<8192xf32, #tpu.memory_space<vmem>>
      %dma_wait3A_110 = arith.constant 0 : i32
      %dma_wait3A_111 = tpu.memref_slice %arg18[%dma_wait3A_110] : memref<262144xf32, #tpu.memory_space<vmem_shared>> -> memref<262144xf32, #tpu.memory_space<vmem_shared>>
      tpu.wait_indirect_dma semaphore(%arg22 : memref<!tpu.dma_semaphore, #tpu.memory_space<semaphore_mem>>) src(%dma_wait3A_109 : memref<8192xf32, #tpu.memory_space<vmem>>) dst(%dma_wait3A_111 : memref<262144xf32, #tpu.memory_space<vmem_shared>>)
      %dma_wait3A_112 = arith.constant 8192 : i32
      %dma_wait3A_113 = tpu.memref_slice %arg6[%dma_wait3A_112] : memref<16384xf32, #tpu.memory_space<vmem>> -> memref<8192xf32, #tpu.memory_space<vmem>>
      %dma_wait3A_114 = arith.constant 0 : i32
      %dma_wait3A_115 = tpu.memref_slice %arg18[%dma_wait3A_114] : memref<262144xf32, #tpu.memory_space<vmem_shared>> -> memref<262144xf32, #tpu.memory_space<vmem_shared>>
      tpu.wait_indirect_dma semaphore(%arg24 : memref<!tpu.dma_semaphore, #tpu.memory_space<semaphore_mem>>) src(%dma_wait3A_113 : memref<8192xf32, #tpu.memory_space<vmem>>) dst(%dma_wait3A_115 : memref<262144xf32, #tpu.memory_space<vmem_shared>>)
      %dma_wait3A_116 = arith.constant 0 : i32
      %dma_wait3A_117 = tpu.memref_slice %arg9[%dma_wait3A_116] : memref<16384xi32, #tpu.memory_space<vmem>> -> memref<8192xi32, #tpu.memory_space<vmem>>
      %dma_wait3A_118 = arith.constant 0 : i32
      %dma_wait3A_119 = tpu.memref_slice %arg19[%dma_wait3A_118] : memref<262144xi32, #tpu.memory_space<vmem_shared>> -> memref<262144xi32, #tpu.memory_space<vmem_shared>>
      tpu.wait_indirect_dma semaphore(%arg23 : memref<!tpu.dma_semaphore, #tpu.memory_space<semaphore_mem>>) src(%dma_wait3A_117 : memref<8192xi32, #tpu.memory_space<vmem>>) dst(%dma_wait3A_119 : memref<262144xi32, #tpu.memory_space<vmem_shared>>)
      %dma_wait3A_120 = arith.constant 8192 : i32
      %dma_wait3A_121 = tpu.memref_slice %arg9[%dma_wait3A_120] : memref<16384xi32, #tpu.memory_space<vmem>> -> memref<8192xi32, #tpu.memory_space<vmem>>
      %dma_wait3A_122 = arith.constant 0 : i32
      %dma_wait3A_123 = tpu.memref_slice %arg19[%dma_wait3A_122] : memref<262144xi32, #tpu.memory_space<vmem_shared>> -> memref<262144xi32, #tpu.memory_space<vmem_shared>>
      tpu.wait_indirect_dma semaphore(%arg25 : memref<!tpu.dma_semaphore, #tpu.memory_space<semaphore_mem>>) src(%dma_wait3A_121 : memref<8192xi32, #tpu.memory_space<vmem>>) dst(%dma_wait3A_123 : memref<262144xi32, #tpu.memory_space<vmem_shared>>)
      %barrier3A_124 = arith.constant 0 : index
      tpu.barrier barrier_id(%barrier3A_124)
      %dma_start3A_125 = arith.constant 0 : i32
      %dma_start3A_126 = tpu.memref_slice %arg6[%dma_start3A_125] : memref<16384xf32, #tpu.memory_space<vmem>> -> memref<8192xf32, #tpu.memory_space<vmem>>
      %dma_start3A_127 = tpu.memref_slice %arg18[%mul3A_2] : memref<262144xf32, #tpu.memory_space<vmem_shared>> -> memref<8192xf32, #tpu.memory_space<vmem_shared>>
      %dma_start3A_128 = arith.constant 0 : i32
      %dma_start3A_129 = tpu.memref_slice %arg6[%dma_start3A_128] : memref<16384xf32, #tpu.memory_space<vmem>> -> memref<8192xf32, #tpu.memory_space<vmem>>
      %dma_start3A_130 = tpu.memref_slice %arg18[%mul3A_2] : memref<262144xf32, #tpu.memory_space<vmem_shared>> -> memref<8192xf32, #tpu.memory_space<vmem_shared>>
      tpu.enqueue_dma source(%dma_start3A_130 : memref<8192xf32, #tpu.memory_space<vmem_shared>>) target(%dma_start3A_129 : memref<8192xf32, #tpu.memory_space<vmem>>) target_semaphore(%arg22 : memref<!tpu.dma_semaphore, #tpu.memory_space<semaphore_mem>>)
      %add3A_131 = arith.constant 8192 : i32
      %add3A_132 = arith.addi %mul3A_2, %add3A_131 : i32
      %dma_start3A_133 = arith.constant 8192 : i32
      %dma_start3A_134 = tpu.memref_slice %arg6[%dma_start3A_133] : memref<16384xf32, #tpu.memory_space<vmem>> -> memref<8192xf32, #tpu.memory_space<vmem>>
      %dma_start3A_135 = tpu.memref_slice %arg18[%add3A_132] : memref<262144xf32, #tpu.memory_space<vmem_shared>> -> memref<8192xf32, #tpu.memory_space<vmem_shared>>
      %dma_start3A_136 = arith.constant 8192 : i32
      %dma_start3A_137 = tpu.memref_slice %arg6[%dma_start3A_136] : memref<16384xf32, #tpu.memory_space<vmem>> -> memref<8192xf32, #tpu.memory_space<vmem>>
      %dma_start3A_138 = tpu.memref_slice %arg18[%add3A_132] : memref<262144xf32, #tpu.memory_space<vmem_shared>> -> memref<8192xf32, #tpu.memory_space<vmem_shared>>
      tpu.enqueue_dma source(%dma_start3A_138 : memref<8192xf32, #tpu.memory_space<vmem_shared>>) target(%dma_start3A_137 : memref<8192xf32, #tpu.memory_space<vmem>>) target_semaphore(%arg24 : memref<!tpu.dma_semaphore, #tpu.memory_space<semaphore_mem>>)
      %dma_start3A_139 = tpu.memref_slice %arg19[%mul3A_2] : memref<262144xi32, #tpu.memory_space<vmem_shared>> -> memref<16384xi32, #tpu.memory_space<vmem_shared>>
      %dma_start3A_140 = tpu.memref_slice %arg19[%mul3A_2] : memref<262144xi32, #tpu.memory_space<vmem_shared>> -> memref<16384xi32, #tpu.memory_space<vmem_shared>>
      tpu.enqueue_dma source(%dma_start3A_140 : memref<16384xi32, #tpu.memory_space<vmem_shared>>) target(%arg9 : memref<16384xi32, #tpu.memory_space<vmem>>) target_semaphore(%arg23 : memref<!tpu.dma_semaphore, #tpu.memory_space<semaphore_mem>>)
      %parallel_loop3A_141 = arith.constant 0 : i32
      %parallel_loop3A_142 = arith.constant 512 : i32
      %parallel_loop3A_143 = arith.constant 1 : i32
      scf.for %parallel_loop3A_409 = %parallel_loop3A_141 to %parallel_loop3A_142 step %parallel_loop3A_143  : i32 {
        %parallel_loop3A_410 = arith.constant 16 : i32
        %parallel_loop3A_411 = arith.muli %parallel_loop3A_409, %parallel_loop3A_410 : i32
        %parallel_loop3A_412 = arith.index_cast %parallel_loop3A_411 : i32 to index
        %parallel_loop3A_413 = tpu.vector_load %arg12[%parallel_loop3A_412] {strides = array<i32>} : memref<8192xi32, #tpu.memory_space<vmem>>, vector<16xi32>,
        tpu.vector_store %arg12[%parallel_loop3A_412], %broadcast_in_dim3A_3 {strides = array<i32>} : memref<8192xi32, #tpu.memory_space<vmem>>, vector<16xi32>,
      } {sc.loop_unroll_factor = 8 : i64, sc.parallel_access}
      %dma_wait3A_144 = arith.constant 0 : i32
      %dma_wait3A_145 = tpu.memref_slice %arg6[%dma_wait3A_144] : memref<16384xf32, #tpu.memory_space<vmem>> -> memref<8192xf32, #tpu.memory_space<vmem>>
      %dma_wait3A_146 = tpu.memref_slice %arg18[%mul3A_2] : memref<262144xf32, #tpu.memory_space<vmem_shared>> -> memref<8192xf32, #tpu.memory_space<vmem_shared>>
      %dma_wait3A_147 = arith.constant 0 : i32
      %dma_wait3A_148 = tpu.memref_slice %arg6[%dma_wait3A_147] : memref<16384xf32, #tpu.memory_space<vmem>> -> memref<8192xf32, #tpu.memory_space<vmem>>
      %dma_wait3A_149 = tpu.memref_slice %arg18[%mul3A_2] : memref<262144xf32, #tpu.memory_space<vmem_shared>> -> memref<8192xf32, #tpu.memory_space<vmem_shared>>
      tpu.wait_dma2 semaphore(%arg22 : memref<!tpu.dma_semaphore, #tpu.memory_space<semaphore_mem>>) src(%dma_wait3A_149 : memref<8192xf32, #tpu.memory_space<vmem_shared>>) dst(%dma_wait3A_148 : memref<8192xf32, #tpu.memory_space<vmem>>)
      %parallel_loop3A_150 = arith.constant 0 : i32
      %parallel_loop3A_151 = arith.constant 512 : i32
      %parallel_loop3A_152 = arith.constant 1 : i32
      scf.for %parallel_loop3A_409 = %parallel_loop3A_150 to %parallel_loop3A_151 step %parallel_loop3A_152  : i32 {
        %parallel_loop3A_410 = arith.constant 16 : i32
        %parallel_loop3A_411 = arith.muli %parallel_loop3A_409, %parallel_loop3A_410 : i32
        %parallel_loop3A_412 = arith.index_cast %parallel_loop3A_411 : i32 to index
        %parallel_loop3A_413 = tpu.vector_load %arg6[%parallel_loop3A_412] {strides = array<i32>} : memref<16384xf32, #tpu.memory_space<vmem>>, vector<16xf32>,
        %parallel_loop3A_414 = vector.bitcast %parallel_loop3A_413 : vector<16xf32> to vector<16xi32>
        %parallel_loop3A_415 = arith.constant 10 : i32
        %parallel_loop3A_416 = vector.broadcast %parallel_loop3A_415 : i32 to vector<16xi32>
        %parallel_loop3A_417 = arith.shrsi %parallel_loop3A_414, %parallel_loop3A_416 : vector<16xi32>
        %parallel_loop3A_418 = arith.constant 1023 : i32
        %parallel_loop3A_419 = vector.broadcast %parallel_loop3A_418 : i32 to vector<16xi32>
        %parallel_loop3A_420 = arith.andi %parallel_loop3A_417, %parallel_loop3A_419 : vector<16xi32>
        %parallel_loop3A_421 = arith.constant 1023 : i32
        %parallel_loop3A_422 = vector.broadcast %parallel_loop3A_421 : i32 to vector<16xi32>
        %parallel_loop3A_423 = arith.subi %parallel_loop3A_422, %parallel_loop3A_420 : vector<16xi32>
        %parallel_loop3A_424 = arith.constant true
        %parallel_loop3A_425 = vector.broadcast %parallel_loop3A_424 : i1 to vector<16xi1>
        %parallel_loop3A_426, %parallel_loop3A_427 = tpu.scan_count mask(%parallel_loop3A_425 : vector<16xi1>) value(%parallel_loop3A_423 : vector<16xi32>) : vector<16xi1>, vector<16xi32>
        %parallel_loop3A_428 = vector.bitcast %parallel_loop3A_427 : vector<16xi32> to vector<16xf32>
        %parallel_loop3A_429 = arith.constant 16 : i32
        %parallel_loop3A_430 = arith.muli %parallel_loop3A_409, %parallel_loop3A_429 : i32
        %parallel_loop3A_431 = arith.index_cast %parallel_loop3A_430 : i32 to index
        %parallel_loop3A_432 = tpu.vector_load %arg7[%parallel_loop3A_431] {strides = array<i32>} : memref<16384xf32, #tpu.memory_space<vmem>>, vector<16xf32>,
        tpu.vector_store %arg7[%parallel_loop3A_431], %parallel_loop3A_428 {strides = array<i32>} : memref<16384xf32, #tpu.memory_space<vmem>>, vector<16xf32>,
        %parallel_loop3A_433 = vector.bitcast %parallel_loop3A_423 : vector<16xi32> to vector<16xf32>
        %parallel_loop3A_434 = arith.constant 16 : i32
        %parallel_loop3A_435 = arith.muli %parallel_loop3A_409, %parallel_loop3A_434 : i32
        %parallel_loop3A_436 = arith.index_cast %parallel_loop3A_435 : i32 to index
        %parallel_loop3A_437 = tpu.vector_load %arg8[%parallel_loop3A_436] {strides = array<i32>} : memref<16384xf32, #tpu.memory_space<vmem>>, vector<16xf32>,
        tpu.vector_store %arg8[%parallel_loop3A_436], %parallel_loop3A_433 {strides = array<i32>} : memref<16384xf32, #tpu.memory_space<vmem>>, vector<16xf32>,
        %parallel_loop3A_438 = arith.constant 8 : i32
        %parallel_loop3A_439 = arith.constant 0 : i32
        %parallel_loop3A_440 = arith.cmpi eq, %parallel_loop3A_438, %parallel_loop3A_439 : i32
        %parallel_loop3A_441 = arith.constant 1 : i32
        %parallel_loop3A_442 = arith.select %parallel_loop3A_440, %parallel_loop3A_441, %parallel_loop3A_438 : i32
        %parallel_loop3A_443 = arith.remsi %parallel_loop3A_409, %parallel_loop3A_442 : i32
        %parallel_loop3A_444 = arith.constant 0 : i32
        %parallel_loop3A_445 = arith.cmpi ne, %parallel_loop3A_443, %parallel_loop3A_444 : i32
        %parallel_loop3A_446 = arith.constant 0 : i32
        %parallel_loop3A_447 = arith.cmpi slt, %parallel_loop3A_443, %parallel_loop3A_446 : i32
        %parallel_loop3A_448 = arith.constant 0 : i32
        %parallel_loop3A_449 = arith.cmpi slt, %parallel_loop3A_442, %parallel_loop3A_448 : i32
        %parallel_loop3A_450 = arith.xori %parallel_loop3A_447, %parallel_loop3A_449 : i1
        %parallel_loop3A_451 = arith.andi %parallel_loop3A_450, %parallel_loop3A_445 : i1
        %parallel_loop3A_452 = arith.addi %parallel_loop3A_443, %parallel_loop3A_442 : i32
        %parallel_loop3A_453 = arith.select %parallel_loop3A_451, %parallel_loop3A_452, %parallel_loop3A_443 : i32
        %parallel_loop3A_454 = arith.constant 1024 : i32
        %parallel_loop3A_455 = arith.muli %parallel_loop3A_453, %parallel_loop3A_454 : i32
        %parallel_loop3A_456 = vector.broadcast %parallel_loop3A_455 : i32 to vector<16xi32>
        %parallel_loop3A_457 = arith.addi %parallel_loop3A_423, %parallel_loop3A_456 : vector<16xi32>
        tpu.vector_store_idx %arg12[%parallel_loop3A_457], %broadcast_in_dim3A_5 {add = true} : memref<8192xi32, #tpu.memory_space<vmem>>[vector<16xi32>], vector<16xi32>,
      } {sc.loop_unroll_factor = 8 : i64, sc.parallel_access}
      %dma_wait3A_153 = arith.constant 8192 : i32
      %dma_wait3A_154 = tpu.memref_slice %arg6[%dma_wait3A_153] : memref<16384xf32, #tpu.memory_space<vmem>> -> memref<8192xf32, #tpu.memory_space<vmem>>
      %dma_wait3A_155 = tpu.memref_slice %arg18[%add3A_132] : memref<262144xf32, #tpu.memory_space<vmem_shared>> -> memref<8192xf32, #tpu.memory_space<vmem_shared>>
      %dma_wait3A_156 = arith.constant 8192 : i32
      %dma_wait3A_157 = tpu.memref_slice %arg6[%dma_wait3A_156] : memref<16384xf32, #tpu.memory_space<vmem>> -> memref<8192xf32, #tpu.memory_space<vmem>>
      %dma_wait3A_158 = tpu.memref_slice %arg18[%add3A_132] : memref<262144xf32, #tpu.memory_space<vmem_shared>> -> memref<8192xf32, #tpu.memory_space<vmem_shared>>
      tpu.wait_dma2 semaphore(%arg24 : memref<!tpu.dma_semaphore, #tpu.memory_space<semaphore_mem>>) src(%dma_wait3A_158 : memref<8192xf32, #tpu.memory_space<vmem_shared>>) dst(%dma_wait3A_157 : memref<8192xf32, #tpu.memory_space<vmem>>)
      %parallel_loop3A_159 = arith.constant 512 : i32
      %parallel_loop3A_160 = arith.constant 1024 : i32
      %parallel_loop3A_161 = arith.constant 1 : i32
      scf.for %parallel_loop3A_409 = %parallel_loop3A_159 to %parallel_loop3A_160 step %parallel_loop3A_161  : i32 {
        %parallel_loop3A_410 = arith.constant 16 : i32
        %parallel_loop3A_411 = arith.muli %parallel_loop3A_409, %parallel_loop3A_410 : i32
        %parallel_loop3A_412 = arith.index_cast %parallel_loop3A_411 : i32 to index
        %parallel_loop3A_413 = tpu.vector_load %arg6[%parallel_loop3A_412] {strides = array<i32>} : memref<16384xf32, #tpu.memory_space<vmem>>, vector<16xf32>,
        %parallel_loop3A_414 = vector.bitcast %parallel_loop3A_413 : vector<16xf32> to vector<16xi32>
        %parallel_loop3A_415 = arith.constant 10 : i32
        %parallel_loop3A_416 = vector.broadcast %parallel_loop3A_415 : i32 to vector<16xi32>
        %parallel_loop3A_417 = arith.shrsi %parallel_loop3A_414, %parallel_loop3A_416 : vector<16xi32>
        %parallel_loop3A_418 = arith.constant 1023 : i32
        %parallel_loop3A_419 = vector.broadcast %parallel_loop3A_418 : i32 to vector<16xi32>
        %parallel_loop3A_420 = arith.andi %parallel_loop3A_417, %parallel_loop3A_419 : vector<16xi32>
        %parallel_loop3A_421 = arith.constant 1023 : i32
        %parallel_loop3A_422 = vector.broadcast %parallel_loop3A_421 : i32 to vector<16xi32>
        %parallel_loop3A_423 = arith.subi %parallel_loop3A_422, %parallel_loop3A_420 : vector<16xi32>
        %parallel_loop3A_424 = arith.constant true
        %parallel_loop3A_425 = vector.broadcast %parallel_loop3A_424 : i1 to vector<16xi1>
        %parallel_loop3A_426, %parallel_loop3A_427 = tpu.scan_count mask(%parallel_loop3A_425 : vector<16xi1>) value(%parallel_loop3A_423 : vector<16xi32>) : vector<16xi1>, vector<16xi32>
        %parallel_loop3A_428 = vector.bitcast %parallel_loop3A_427 : vector<16xi32> to vector<16xf32>
        %parallel_loop3A_429 = arith.constant 16 : i32
        %parallel_loop3A_430 = arith.muli %parallel_loop3A_409, %parallel_loop3A_429 : i32
        %parallel_loop3A_431 = arith.index_cast %parallel_loop3A_430 : i32 to index
        %parallel_loop3A_432 = tpu.vector_load %arg7[%parallel_loop3A_431] {strides = array<i32>} : memref<16384xf32, #tpu.memory_space<vmem>>, vector<16xf32>,
        tpu.vector_store %arg7[%parallel_loop3A_431], %parallel_loop3A_428 {strides = array<i32>} : memref<16384xf32, #tpu.memory_space<vmem>>, vector<16xf32>,
        %parallel_loop3A_433 = vector.bitcast %parallel_loop3A_423 : vector<16xi32> to vector<16xf32>
        %parallel_loop3A_434 = arith.constant 16 : i32
        %parallel_loop3A_435 = arith.muli %parallel_loop3A_409, %parallel_loop3A_434 : i32
        %parallel_loop3A_436 = arith.index_cast %parallel_loop3A_435 : i32 to index
        %parallel_loop3A_437 = tpu.vector_load %arg8[%parallel_loop3A_436] {strides = array<i32>} : memref<16384xf32, #tpu.memory_space<vmem>>, vector<16xf32>,
        tpu.vector_store %arg8[%parallel_loop3A_436], %parallel_loop3A_433 {strides = array<i32>} : memref<16384xf32, #tpu.memory_space<vmem>>, vector<16xf32>,
        %parallel_loop3A_438 = arith.constant 8 : i32
        %parallel_loop3A_439 = arith.constant 0 : i32
        %parallel_loop3A_440 = arith.cmpi eq, %parallel_loop3A_438, %parallel_loop3A_439 : i32
        %parallel_loop3A_441 = arith.constant 1 : i32
        %parallel_loop3A_442 = arith.select %parallel_loop3A_440, %parallel_loop3A_441, %parallel_loop3A_438 : i32
        %parallel_loop3A_443 = arith.remsi %parallel_loop3A_409, %parallel_loop3A_442 : i32
        %parallel_loop3A_444 = arith.constant 0 : i32
        %parallel_loop3A_445 = arith.cmpi ne, %parallel_loop3A_443, %parallel_loop3A_444 : i32
        %parallel_loop3A_446 = arith.constant 0 : i32
        %parallel_loop3A_447 = arith.cmpi slt, %parallel_loop3A_443, %parallel_loop3A_446 : i32
        %parallel_loop3A_448 = arith.constant 0 : i32
        %parallel_loop3A_449 = arith.cmpi slt, %parallel_loop3A_442, %parallel_loop3A_448 : i32
        %parallel_loop3A_450 = arith.xori %parallel_loop3A_447, %parallel_loop3A_449 : i1
        %parallel_loop3A_451 = arith.andi %parallel_loop3A_450, %parallel_loop3A_445 : i1
        %parallel_loop3A_452 = arith.addi %parallel_loop3A_443, %parallel_loop3A_442 : i32
        %parallel_loop3A_453 = arith.select %parallel_loop3A_451, %parallel_loop3A_452, %parallel_loop3A_443 : i32
        %parallel_loop3A_454 = arith.constant 1024 : i32
        %parallel_loop3A_455 = arith.muli %parallel_loop3A_453, %parallel_loop3A_454 : i32
        %parallel_loop3A_456 = vector.broadcast %parallel_loop3A_455 : i32 to vector<16xi32>
        %parallel_loop3A_457 = arith.addi %parallel_loop3A_423, %parallel_loop3A_456 : vector<16xi32>
        tpu.vector_store_idx %arg12[%parallel_loop3A_457], %broadcast_in_dim3A_5 {add = true} : memref<8192xi32, #tpu.memory_space<vmem>>[vector<16xi32>], vector<16xi32>,
      } {sc.loop_unroll_factor = 8 : i64, sc.parallel_access}
      %parallel_loop3A_162 = arith.constant 0 : i32
      %parallel_loop3A_163 = arith.constant 64 : i32
      %parallel_loop3A_164 = arith.constant 1 : i32
      scf.for %parallel_loop3A_409 = %parallel_loop3A_162 to %parallel_loop3A_163 step %parallel_loop3A_164  : i32 {
        %parallel_loop3A_410 = arith.constant 16 : i32
        %parallel_loop3A_411 = arith.muli %parallel_loop3A_409, %parallel_loop3A_410 : i32
        %parallel_loop3A_412 = arith.index_cast %parallel_loop3A_411 : i32 to index
        %parallel_loop3A_413 = tpu.vector_load %arg12[%parallel_loop3A_412] {strides = array<i32>} : memref<8192xi32, #tpu.memory_space<vmem>>, vector<16xi32>,
        %parallel_loop3A_414 = arith.constant 16 : i32
        %parallel_loop3A_415 = arith.muli %parallel_loop3A_409, %parallel_loop3A_414 : i32
        %parallel_loop3A_416 = arith.constant 1024 : i32
        %parallel_loop3A_417 = arith.addi %parallel_loop3A_416, %parallel_loop3A_415 : i32
        %parallel_loop3A_418 = arith.index_cast %parallel_loop3A_417 : i32 to index
        %parallel_loop3A_419 = tpu.vector_load %arg12[%parallel_loop3A_418] {strides = array<i32>} : memref<8192xi32, #tpu.memory_space<vmem>>, vector<16xi32>,
        %parallel_loop3A_420 = arith.addi %parallel_loop3A_413, %parallel_loop3A_419 : vector<16xi32>
        %parallel_loop3A_421 = arith.constant 16 : i32
        %parallel_loop3A_422 = arith.muli %parallel_loop3A_409, %parallel_loop3A_421 : i32
        %parallel_loop3A_423 = arith.constant 2048 : i32
        %parallel_loop3A_424 = arith.addi %parallel_loop3A_423, %parallel_loop3A_422 : i32
        %parallel_loop3A_425 = arith.index_cast %parallel_loop3A_424 : i32 to index
        %parallel_loop3A_426 = tpu.vector_load %arg12[%parallel_loop3A_425] {strides = array<i32>} : memref<8192xi32, #tpu.memory_space<vmem>>, vector<16xi32>,
        %parallel_loop3A_427 = arith.addi %parallel_loop3A_420, %parallel_loop3A_426 : vector<16xi32>
        %parallel_loop3A_428 = arith.constant 16 : i32
        %parallel_loop3A_429 = arith.muli %parallel_loop3A_409, %parallel_loop3A_428 : i32
        %parallel_loop3A_430 = arith.constant 3072 : i32
        %parallel_loop3A_431 = arith.addi %parallel_loop3A_430, %parallel_loop3A_429 : i32
        %parallel_loop3A_432 = arith.index_cast %parallel_loop3A_431 : i32 to index
        %parallel_loop3A_433 = tpu.vector_load %arg12[%parallel_loop3A_432] {strides = array<i32>} : memref<8192xi32, #tpu.memory_space<vmem>>, vector<16xi32>,
        %parallel_loop3A_434 = arith.addi %parallel_loop3A_427, %parallel_loop3A_433 : vector<16xi32>
        %parallel_loop3A_435 = arith.constant 16 : i32
        %parallel_loop3A_436 = arith.muli %parallel_loop3A_409, %parallel_loop3A_435 : i32
        %parallel_loop3A_437 = arith.constant 4096 : i32
        %parallel_loop3A_438 = arith.addi %parallel_loop3A_437, %parallel_loop3A_436 : i32
        %parallel_loop3A_439 = arith.index_cast %parallel_loop3A_438 : i32 to index
        %parallel_loop3A_440 = tpu.vector_load %arg12[%parallel_loop3A_439] {strides = array<i32>} : memref<8192xi32, #tpu.memory_space<vmem>>, vector<16xi32>,
        %parallel_loop3A_441 = arith.addi %parallel_loop3A_434, %parallel_loop3A_440 : vector<16xi32>
        %parallel_loop3A_442 = arith.constant 16 : i32
        %parallel_loop3A_443 = arith.muli %parallel_loop3A_409, %parallel_loop3A_442 : i32
        %parallel_loop3A_444 = arith.constant 5120 : i32
        %parallel_loop3A_445 = arith.addi %parallel_loop3A_444, %parallel_loop3A_443 : i32
        %parallel_loop3A_446 = arith.index_cast %parallel_loop3A_445 : i32 to index
        %parallel_loop3A_447 = tpu.vector_load %arg12[%parallel_loop3A_446] {strides = array<i32>} : memref<8192xi32, #tpu.memory_space<vmem>>, vector<16xi32>,
        %parallel_loop3A_448 = arith.addi %parallel_loop3A_441, %parallel_loop3A_447 : vector<16xi32>
        %parallel_loop3A_449 = arith.constant 16 : i32
        %parallel_loop3A_450 = arith.muli %parallel_loop3A_409, %parallel_loop3A_449 : i32
        %parallel_loop3A_451 = arith.constant 6144 : i32
        %parallel_loop3A_452 = arith.addi %parallel_loop3A_451, %parallel_loop3A_450 : i32
        %parallel_loop3A_453 = arith.index_cast %parallel_loop3A_452 : i32 to index
        %parallel_loop3A_454 = tpu.vector_load %arg12[%parallel_loop3A_453] {strides = array<i32>} : memref<8192xi32, #tpu.memory_space<vmem>>, vector<16xi32>,
        %parallel_loop3A_455 = arith.addi %parallel_loop3A_448, %parallel_loop3A_454 : vector<16xi32>
        %parallel_loop3A_456 = arith.constant 16 : i32
        %parallel_loop3A_457 = arith.muli %parallel_loop3A_409, %parallel_loop3A_456 : i32
        %parallel_loop3A_458 = arith.constant 7168 : i32
        %parallel_loop3A_459 = arith.addi %parallel_loop3A_458, %parallel_loop3A_457 : i32
        %parallel_loop3A_460 = arith.index_cast %parallel_loop3A_459 : i32 to index
        %parallel_loop3A_461 = tpu.vector_load %arg12[%parallel_loop3A_460] {strides = array<i32>} : memref<8192xi32, #tpu.memory_space<vmem>>, vector<16xi32>,
        %parallel_loop3A_462 = arith.addi %parallel_loop3A_455, %parallel_loop3A_461 : vector<16xi32>
        %parallel_loop3A_463 = arith.constant 16 : i32
        %parallel_loop3A_464 = arith.muli %parallel_loop3A_409, %parallel_loop3A_463 : i32
        %parallel_loop3A_465 = arith.index_cast %parallel_loop3A_464 : i32 to index
        %parallel_loop3A_466 = tpu.vector_load %arg12[%parallel_loop3A_465] {strides = array<i32>} : memref<8192xi32, #tpu.memory_space<vmem>>, vector<16xi32>,
        tpu.vector_store %arg12[%parallel_loop3A_465], %parallel_loop3A_462 {strides = array<i32>} : memref<8192xi32, #tpu.memory_space<vmem>>, vector<16xi32>,
      } {sc.loop_unroll_factor = 4 : i64, sc.parallel_access}
      %dma_start3A_165 = arith.constant 0 : i32
      %dma_start3A_166 = tpu.memref_slice %arg12[%dma_start3A_165] : memref<8192xi32, #tpu.memory_space<vmem>> -> memref<1024xi32, #tpu.memory_space<vmem>>
      %dma_start3A_167 = arith.constant 0 : i32
      %dma_start3A_168 = tpu.memref_slice %arg20[%dma_start3A_167] : memref<16384xi32, #tpu.memory_space<vmem_shared>> -> memref<16384xi32, #tpu.memory_space<vmem_shared>>
      tpu.enqueue_indirect_dma source(%dma_start3A_166 : memref<1024xi32, #tpu.memory_space<vmem>>) target(%dma_start3A_168 : memref<16384xi32, #tpu.memory_space<vmem_shared>>) offsets(%arg14 : memref<1024xi32, #tpu.memory_space<vmem>>) semaphore(%arg24 : memref<!tpu.dma_semaphore, #tpu.memory_space<semaphore_mem>>)
      %dma_wait3A_169 = arith.constant 0 : i32
      %dma_wait3A_170 = tpu.memref_slice %arg12[%dma_wait3A_169] : memref<8192xi32, #tpu.memory_space<vmem>> -> memref<1024xi32, #tpu.memory_space<vmem>>
      %dma_wait3A_171 = arith.constant 0 : i32
      %dma_wait3A_172 = tpu.memref_slice %arg20[%dma_wait3A_171] : memref<16384xi32, #tpu.memory_space<vmem_shared>> -> memref<16384xi32, #tpu.memory_space<vmem_shared>>
      tpu.wait_indirect_dma semaphore(%arg24 : memref<!tpu.dma_semaphore, #tpu.memory_space<semaphore_mem>>) src(%dma_wait3A_170 : memref<1024xi32, #tpu.memory_space<vmem>>) dst(%dma_wait3A_172 : memref<16384xi32, #tpu.memory_space<vmem_shared>>)
      %barrier3A_173 = arith.constant 0 : index
      tpu.barrier barrier_id(%barrier3A_173)
      %dma_start3A_174 = arith.constant 0 : i32
      %dma_start3A_175 = tpu.memref_slice %arg20[%dma_start3A_174] : memref<16384xi32, #tpu.memory_space<vmem_shared>> -> memref<16384xi32, #tpu.memory_space<vmem_shared>>
      tpu.enqueue_indirect_dma source(%dma_start3A_175 : memref<16384xi32, #tpu.memory_space<vmem_shared>>) target(%arg16 : memref<1024xi32, #tpu.memory_space<vmem>>) offsets(%arg15 : memref<1024xi32, #tpu.memory_space<vmem>>) semaphore(%arg24 : memref<!tpu.dma_semaphore, #tpu.memory_space<semaphore_mem>>)
      %dma_wait3A_176 = arith.constant 0 : i32
      %dma_wait3A_177 = tpu.memref_slice %arg20[%dma_wait3A_176] : memref<16384xi32, #tpu.memory_space<vmem_shared>> -> memref<16384xi32, #tpu.memory_space<vmem_shared>>
      tpu.wait_indirect_dma semaphore(%arg24 : memref<!tpu.dma_semaphore, #tpu.memory_space<semaphore_mem>>) src(%dma_wait3A_177 : memref<16384xi32, #tpu.memory_space<vmem_shared>>) dst(%arg16 : memref<1024xi32, #tpu.memory_space<vmem>>)
      %scan3A_178 = arith.constant 0 : i32
      %scan3A_179 = arith.constant 0 : i32
      %scan3A_180 = arith.constant 64 : i32
      %scan3A_181 = arith.addi %scan3A_179, %scan3A_180 : i32
      %scan3A_182 = arith.constant 1 : i32
      %scan3A_183 = scf.for %scan3A_409 = %scan3A_179 to %scan3A_181 step %scan3A_182 iter_args(%scan3A_410 = %scan3A_178) -> (i32)  : i32 {
        %mul3A_411 = arith.constant 16 : i32
        %mul3A_412 = arith.muli %scan3A_409, %mul3A_411 : i32
        %get3A_413 = arith.index_cast %mul3A_412 : i32 to index
        %get3A_414 = tpu.vector_load %arg16[%get3A_413] {strides = array<i32>} : memref<1024xi32, #tpu.memory_space<vmem>>, vector<16xi32>,
        %broadcast_in_dim3A_415 = arith.constant true
        %broadcast_in_dim3A_416 = vector.broadcast %broadcast_in_dim3A_415 : i1 to vector<16xi1>
        %masked_cumsum3A_417 = tpu.scan <sum>, %get3A_414 masked %broadcast_in_dim3A_416 : vector<16xi32>, vector<16xi1> -> vector<16xi32>
        %sub3A_418 = arith.subi %masked_cumsum3A_417, %get3A_414 : vector<16xi32>
        %add3A_419 = vector.broadcast %scan3A_410 : i32 to vector<16xi32>
        %add3A_420 = arith.addi %sub3A_418, %add3A_419 : vector<16xi32>
        %mul3A_421 = arith.constant 16 : i32
        %mul3A_422 = arith.muli %scan3A_409, %mul3A_421 : i32
        %swap3A_423 = arith.index_cast %mul3A_422 : i32 to index
        %swap3A_424 = tpu.vector_load %arg16[%swap3A_423] {strides = array<i32>} : memref<1024xi32, #tpu.memory_space<vmem>>, vector<16xi32>,
        tpu.vector_store %arg16[%swap3A_423], %add3A_420 {strides = array<i32>} : memref<1024xi32, #tpu.memory_space<vmem>>, vector<16xi32>,
        %reduce_sum3A = arith.constant true
        %reduce_sum3A_425 = vector.broadcast %reduce_sum3A : i1 to vector<16xi1>
        %reduce_sum3A_426 = tpu.scan <sum>, %get3A_414 masked %reduce_sum3A_425 : vector<16xi32>, vector<16xi1> -> vector<16xi32>
        %reduce_sum3A_427 = vector.extract %reduce_sum3A_426[15] : i32 from vector<16xi32>
        %add3A_428 = arith.addi %scan3A_410, %reduce_sum3A_427 : i32
        scf.yield %add3A_428 : i32
      }
      %scan3A_184 = arith.constant 64 : i32
      %iota3A_185 = tpu.iota {dimensions = array<i32: 0>} : vector<16xi32>
      %eq3A_186 = arith.constant 0 : i32
      %eq3A_187 = vector.broadcast %eq3A_186 : i32 to vector<16xi32>
      %eq3A_188 = arith.cmpi eq, %iota3A_185, %eq3A_187 : vector<16xi32>
      %jit3A_189 = arith.constant 0 : i32
      %broadcast_in_dim3A_190 = vector.broadcast %scan3A_183 : i32 to vector<16xi32>
      %broadcast_in_dim3A_191 = vector.broadcast %jit3A_189 : i32 to vector<16xi32>
      %select_n3A_192 = arith.select %eq3A_188, %broadcast_in_dim3A_190, %broadcast_in_dim3A_191 : vector<16xi1>, vector<16xi32>
      %swap3A_193 = arith.constant 0 : index
      %swap3A_194 = tpu.vector_load %arg17[%swap3A_193] {strides = array<i32>} : memref<32xi32, #tpu.memory_space<vmem>>, vector<16xi32>,
      tpu.vector_store %arg17[%swap3A_193], %select_n3A_192 {strides = array<i32>} : memref<32xi32, #tpu.memory_space<vmem>>, vector<16xi32>,
      %iota3A_195 = tpu.iota {dimensions = array<i32: 0>} : vector<16xi32>
      %eq3A_196 = arith.constant 0 : i32
      %eq3A_197 = vector.broadcast %eq3A_196 : i32 to vector<16xi32>
      %eq3A_198 = arith.cmpi eq, %iota3A_195, %eq3A_197 : vector<16xi32>
      %add3A_199 = arith.constant 16 : i32
      %add3A_200 = arith.addi %add3A_199, %arg1 : i32
      %broadcast_in_dim3A_201 = vector.broadcast %arg1 : i32 to vector<16xi32>
      %broadcast_in_dim3A_202 = vector.broadcast %add3A_200 : i32 to vector<16xi32>
      %select_n3A_203 = arith.select %eq3A_198, %broadcast_in_dim3A_201, %broadcast_in_dim3A_202 : vector<16xi1>, vector<16xi32>
      %dma_start3A_204 = arith.constant 0 : i32
      %dma_start3A_205 = tpu.memref_slice %arg20[%dma_start3A_204] : memref<16384xi32, #tpu.memory_space<vmem_shared>> -> memref<16384xi32, #tpu.memory_space<vmem_shared>>
      tpu.enqueue_indirect_dma source(%arg16 : memref<1024xi32, #tpu.memory_space<vmem>>) target(%dma_start3A_205 : memref<16384xi32, #tpu.memory_space<vmem_shared>>) offsets(%arg15 : memref<1024xi32, #tpu.memory_space<vmem>>) semaphore(%arg24 : memref<!tpu.dma_semaphore, #tpu.memory_space<semaphore_mem>>)
      %dma_start3A_206 = arith.constant 0 : i32
      %dma_start3A_207 = tpu.memref_slice %arg17[%dma_start3A_206] : memref<32xi32, #tpu.memory_space<vmem>> -> memref<16xi32, #tpu.memory_space<vmem>>
      %dma_start3A_208 = arith.constant 0 : i32
      %dma_start3A_209 = tpu.memref_slice %arg21[%dma_start3A_208] : memref<32xi32, #tpu.memory_space<vmem_shared>> -> memref<32xi32, #tpu.memory_space<vmem_shared>>
      tpu.enqueue_indirect_dma source(%dma_start3A_207 : memref<16xi32, #tpu.memory_space<vmem>>) target(%dma_start3A_209 : memref<32xi32, #tpu.memory_space<vmem_shared>>) offsets(%select_n3A_203 : vector<16xi32>) semaphore(%arg25 : memref<!tpu.dma_semaphore, #tpu.memory_space<semaphore_mem>>)
      %dma_wait3A_210 = arith.constant 0 : i32
      %dma_wait3A_211 = tpu.memref_slice %arg20[%dma_wait3A_210] : memref<16384xi32, #tpu.memory_space<vmem_shared>> -> memref<16384xi32, #tpu.memory_space<vmem_shared>>
      tpu.wait_indirect_dma semaphore(%arg24 : memref<!tpu.dma_semaphore, #tpu.memory_space<semaphore_mem>>) src(%arg16 : memref<1024xi32, #tpu.memory_space<vmem>>) dst(%dma_wait3A_211 : memref<16384xi32, #tpu.memory_space<vmem_shared>>)
      %dma_wait3A_212 = arith.constant 0 : i32
      %dma_wait3A_213 = tpu.memref_slice %arg17[%dma_wait3A_212] : memref<32xi32, #tpu.memory_space<vmem>> -> memref<16xi32, #tpu.memory_space<vmem>>
      %dma_wait3A_214 = arith.constant 0 : i32
      %dma_wait3A_215 = tpu.memref_slice %arg21[%dma_wait3A_214] : memref<32xi32, #tpu.memory_space<vmem_shared>> -> memref<32xi32, #tpu.memory_space<vmem_shared>>
      tpu.wait_indirect_dma semaphore(%arg25 : memref<!tpu.dma_semaphore, #tpu.memory_space<semaphore_mem>>) src(%dma_wait3A_213 : memref<16xi32, #tpu.memory_space<vmem>>) dst(%dma_wait3A_215 : memref<32xi32, #tpu.memory_space<vmem_shared>>)
      %barrier3A_216 = arith.constant 0 : index
      tpu.barrier barrier_id(%barrier3A_216)
      "tpu.region"() ({
        %run_scoped3A = tpu.sem_alloc : memref<!tpu.dma_semaphore, #tpu.memory_space<semaphore_mem>>
        tpu.enqueue_dma source(%arg21 : memref<32xi32, #tpu.memory_space<vmem_shared>>) target(%arg17 : memref<32xi32, #tpu.memory_space<vmem>>) target_semaphore(%run_scoped3A : memref<!tpu.dma_semaphore, #tpu.memory_space<semaphore_mem>>)
        tpu.wait_dma2 semaphore(%run_scoped3A : memref<!tpu.dma_semaphore, #tpu.memory_space<semaphore_mem>>) src(%arg21 : memref<32xi32, #tpu.memory_space<vmem_shared>>) dst(%arg17 : memref<32xi32, #tpu.memory_space<vmem>>)
        tpu.yield
      }) : () -> ()
      %dma_start3A_217 = arith.constant 0 : i32
      %dma_start3A_218 = tpu.memref_slice %arg20[%dma_start3A_217] : memref<16384xi32, #tpu.memory_space<vmem_shared>> -> memref<16384xi32, #tpu.memory_space<vmem_shared>>
      tpu.enqueue_indirect_dma source(%dma_start3A_218 : memref<16384xi32, #tpu.memory_space<vmem_shared>>) target(%arg13 : memref<1024xi32, #tpu.memory_space<vmem>>) offsets(%arg14 : memref<1024xi32, #tpu.memory_space<vmem>>) semaphore(%arg24 : memref<!tpu.dma_semaphore, #tpu.memory_space<semaphore_mem>>)
      %get3A_219 = arith.constant 0 : index
      %get3A_220 = tpu.vector_load %arg17[%get3A_219] {strides = array<i32>} : memref<32xi32, #tpu.memory_space<vmem>>, vector<16xi32>,
      %broadcast_in_dim3A_221 = arith.constant true
      %broadcast_in_dim3A_222 = vector.broadcast %broadcast_in_dim3A_221 : i1 to vector<16xi1>
      %masked_cumsum3A_223 = tpu.scan <sum>, %get3A_220 masked %broadcast_in_dim3A_222 : vector<16xi32>, vector<16xi1> -> vector<16xi32>
      %sub3A_224 = arith.subi %masked_cumsum3A_223, %get3A_220 : vector<16xi32>
      %swap3A_225 = arith.constant 0 : index
      %swap3A_226 = tpu.vector_load %arg17[%swap3A_225] {strides = array<i32>} : memref<32xi32, #tpu.memory_space<vmem>>, vector<16xi32>,
      tpu.vector_store %arg17[%swap3A_225], %sub3A_224 {strides = array<i32>} : memref<32xi32, #tpu.memory_space<vmem>>, vector<16xi32>,
      %dma_wait3A_227 = arith.constant 0 : i32
      %dma_wait3A_228 = tpu.memref_slice %arg20[%dma_wait3A_227] : memref<16384xi32, #tpu.memory_space<vmem_shared>> -> memref<16384xi32, #tpu.memory_space<vmem_shared>>
      tpu.wait_indirect_dma semaphore(%arg24 : memref<!tpu.dma_semaphore, #tpu.memory_space<semaphore_mem>>) src(%dma_wait3A_228 : memref<16384xi32, #tpu.memory_space<vmem_shared>>) dst(%arg13 : memref<1024xi32, #tpu.memory_space<vmem>>)
      %parallel_loop3A_229 = arith.constant 0 : i32
      %parallel_loop3A_230 = arith.constant 64 : i32
      %parallel_loop3A_231 = arith.constant 1 : i32
      scf.for %parallel_loop3A_409 = %parallel_loop3A_229 to %parallel_loop3A_230 step %parallel_loop3A_231  : i32 {
        %parallel_loop3A_410 = arith.constant 16 : i32
        %parallel_loop3A_411 = arith.muli %parallel_loop3A_409, %parallel_loop3A_410 : i32
        %parallel_loop3A_412 = tpu.iota {dimensions = array<i32: 0>} : vector<16xi32>
        %parallel_loop3A_413 = vector.broadcast %parallel_loop3A_411 : i32 to vector<16xi32>
        %parallel_loop3A_414 = arith.addi %parallel_loop3A_413, %parallel_loop3A_412 : vector<16xi32>
        %parallel_loop3A_415 = arith.constant 16 : i32
        %parallel_loop3A_416 = vector.broadcast %parallel_loop3A_415 : i32 to vector<16xi32>
        %parallel_loop3A_417 = arith.muli %parallel_loop3A_414, %parallel_loop3A_416 : vector<16xi32>
        %parallel_loop3A_418 = vector.broadcast %arg1 : i32 to vector<16xi32>
        %parallel_loop3A_419 = arith.addi %parallel_loop3A_417, %parallel_loop3A_418 : vector<16xi32>
        %parallel_loop3A_420 = arith.constant 10 : i32
        %parallel_loop3A_421 = vector.broadcast %parallel_loop3A_420 : i32 to vector<16xi32>
        %parallel_loop3A_422 = arith.shrsi %parallel_loop3A_419, %parallel_loop3A_421 : vector<16xi32>
        %parallel_loop3A_423 = tpu.vector_load_idx %arg17[%parallel_loop3A_422] : memref<32xi32, #tpu.memory_space<vmem>>[vector<16xi32>], vector<16xi32>,
        %parallel_loop3A_424 = arith.constant 16 : i32
        %parallel_loop3A_425 = arith.muli %parallel_loop3A_409, %parallel_loop3A_424 : i32
        %parallel_loop3A_426 = arith.index_cast %parallel_loop3A_425 : i32 to index
        %parallel_loop3A_427 = tpu.vector_load %arg13[%parallel_loop3A_426] {strides = array<i32>} : memref<1024xi32, #tpu.memory_space<vmem>>, vector<16xi32>,
        %parallel_loop3A_428 = arith.addi %parallel_loop3A_427, %parallel_loop3A_423 : vector<16xi32>
        %parallel_loop3A_429 = arith.constant 16 : i32
        %parallel_loop3A_430 = arith.muli %parallel_loop3A_409, %parallel_loop3A_429 : i32
        %parallel_loop3A_431 = arith.index_cast %parallel_loop3A_430 : i32 to index
        %parallel_loop3A_432 = tpu.vector_load %arg13[%parallel_loop3A_431] {strides = array<i32>} : memref<1024xi32, #tpu.memory_space<vmem>>, vector<16xi32>,
        tpu.vector_store %arg13[%parallel_loop3A_431], %parallel_loop3A_428 {strides = array<i32>} : memref<1024xi32, #tpu.memory_space<vmem>>, vector<16xi32>,
      } {sc.loop_unroll_factor = 4 : i64, sc.parallel_access}
      %dma_wait3A_232 = tpu.memref_slice %arg19[%mul3A_2] : memref<262144xi32, #tpu.memory_space<vmem_shared>> -> memref<16384xi32, #tpu.memory_space<vmem_shared>>
      %dma_wait3A_233 = tpu.memref_slice %arg19[%mul3A_2] : memref<262144xi32, #tpu.memory_space<vmem_shared>> -> memref<16384xi32, #tpu.memory_space<vmem_shared>>
      tpu.wait_dma2 semaphore(%arg23 : memref<!tpu.dma_semaphore, #tpu.memory_space<semaphore_mem>>) src(%dma_wait3A_233 : memref<16384xi32, #tpu.memory_space<vmem_shared>>) dst(%arg9 : memref<16384xi32, #tpu.memory_space<vmem>>)
      %parallel_loop3A_234 = arith.constant 0 : i32
      %parallel_loop3A_235 = arith.constant 1024 : i32
      %parallel_loop3A_236 = arith.constant 1 : i32
      scf.for %parallel_loop3A_409 = %parallel_loop3A_234 to %parallel_loop3A_235 step %parallel_loop3A_236  : i32 {
        %parallel_loop3A_410 = arith.constant 16 : i32
        %parallel_loop3A_411 = arith.muli %parallel_loop3A_409, %parallel_loop3A_410 : i32
        %parallel_loop3A_412 = arith.index_cast %parallel_loop3A_411 : i32 to index
        %parallel_loop3A_413 = tpu.vector_load %arg6[%parallel_loop3A_412] {strides = array<i32>} : memref<16384xf32, #tpu.memory_space<vmem>>, vector<16xf32>,
        %parallel_loop3A_414 = vector.bitcast %parallel_loop3A_413 : vector<16xf32> to vector<16xi32>
        %parallel_loop3A_415 = arith.constant 20 : i32
        %parallel_loop3A_416 = vector.broadcast %parallel_loop3A_415 : i32 to vector<16xi32>
        %parallel_loop3A_417 = arith.shrsi %parallel_loop3A_414, %parallel_loop3A_416 : vector<16xi32>
        %parallel_loop3A_418 = arith.constant 1023 : i32
        %parallel_loop3A_419 = vector.broadcast %parallel_loop3A_418 : i32 to vector<16xi32>
        %parallel_loop3A_420 = arith.andi %parallel_loop3A_417, %parallel_loop3A_419 : vector<16xi32>
        %parallel_loop3A_421 = arith.constant 1023 : i32
        %parallel_loop3A_422 = vector.broadcast %parallel_loop3A_421 : i32 to vector<16xi32>
        %parallel_loop3A_423 = arith.subi %parallel_loop3A_422, %parallel_loop3A_420 : vector<16xi32>
        %parallel_loop3A_424 = arith.constant 18 : i32
        %parallel_loop3A_425 = vector.broadcast %parallel_loop3A_424 : i32 to vector<16xi32>
        %parallel_loop3A_426 = arith.shli %parallel_loop3A_423, %parallel_loop3A_425 : vector<16xi32>
        %parallel_loop3A_427 = arith.constant 16 : i32
        %parallel_loop3A_428 = arith.muli %parallel_loop3A_409, %parallel_loop3A_427 : i32
        %parallel_loop3A_429 = arith.index_cast %parallel_loop3A_428 : i32 to index
        %parallel_loop3A_430 = tpu.vector_load %arg9[%parallel_loop3A_429] {strides = array<i32>} : memref<16384xi32, #tpu.memory_space<vmem>>, vector<16xi32>,
        %parallel_loop3A_431 = arith.ori %parallel_loop3A_426, %parallel_loop3A_430 : vector<16xi32>
        %parallel_loop3A_432 = arith.constant 16 : i32
        %parallel_loop3A_433 = arith.muli %parallel_loop3A_409, %parallel_loop3A_432 : i32
        %parallel_loop3A_434 = arith.index_cast %parallel_loop3A_433 : i32 to index
        %parallel_loop3A_435 = tpu.vector_load %arg9[%parallel_loop3A_434] {strides = array<i32>} : memref<16384xi32, #tpu.memory_space<vmem>>, vector<16xi32>,
        tpu.vector_store %arg9[%parallel_loop3A_434], %parallel_loop3A_431 {strides = array<i32>} : memref<16384xi32, #tpu.memory_space<vmem>>, vector<16xi32>,
      } {sc.loop_unroll_factor = 4 : i64, sc.parallel_access}
      %scan3A_237 = arith.constant 0 : i32
      %scan3A_238 = arith.constant 0 : i32
      %scan3A_239 = arith.constant 512 : i32
      %scan3A_240 = arith.addi %scan3A_238, %scan3A_239 : i32
      %scan3A_241 = arith.constant 1 : i32
      %scan3A_242 = scf.for %scan3A_409 = %scan3A_238 to %scan3A_240 step %scan3A_241 iter_args(%scan3A_410 = %scan3A_237) -> (i32)  : i32 {
        %mul3A_411 = arith.constant 16 : i32
        %mul3A_412 = arith.muli %scan3A_409, %mul3A_411 : i32
        %add3A_413 = arith.constant 0 : i32
        %add3A_414 = arith.addi %add3A_413, %mul3A_412 : i32
        %get3A_415 = arith.index_cast %add3A_414 : i32 to index
        %get3A_416 = tpu.vector_load %arg8[%get3A_415] {strides = array<i32>} : memref<16384xf32, #tpu.memory_space<vmem>>, vector<16xf32>,
        %bitcast3A = vector.bitcast %get3A_416 : vector<16xf32> to vector<16xi32>
        %gather3A = tpu.vector_load_idx %arg13[%bitcast3A] : memref<1024xi32, #tpu.memory_space<vmem>>[vector<16xi32>], vector<16xi32>,
        %mul3A_417 = arith.constant 16 : i32
        %mul3A_418 = arith.muli %scan3A_409, %mul3A_417 : i32
        %add3A_419 = arith.constant 0 : i32
        %add3A_420 = arith.addi %add3A_419, %mul3A_418 : i32
        %get3A_421 = arith.index_cast %add3A_420 : i32 to index
        %get3A_422 = tpu.vector_load %arg7[%get3A_421] {strides = array<i32>} : memref<16384xf32, #tpu.memory_space<vmem>>, vector<16xf32>,
        %bitcast3A_423 = vector.bitcast %get3A_422 : vector<16xf32> to vector<16xi32>
        %add3A_424 = arith.addi %gather3A, %bitcast3A_423 : vector<16xi32>
        %sub3A_425 = arith.constant 1 : i32
        %sub3A_426 = vector.broadcast %sub3A_425 : i32 to vector<16xi32>
        %sub3A_427 = arith.subi %add3A_424, %sub3A_426 : vector<16xi32>
        %mul3A_428 = arith.constant 16 : i32
        %mul3A_429 = arith.muli %scan3A_409, %mul3A_428 : i32
        %swap3A_430 = arith.index_cast %mul3A_429 : i32 to index
        %swap3A_431 = tpu.vector_load %arg10[%swap3A_430] {strides = array<i32>} : memref<8192xi32, #tpu.memory_space<vmem>>, vector<16xi32>,
        tpu.vector_store %arg10[%swap3A_430], %sub3A_427 {strides = array<i32>} : memref<8192xi32, #tpu.memory_space<vmem>>, vector<16xi32>,
        tpu.vector_store_idx %arg13[%bitcast3A], %broadcast_in_dim3A_5 {add = true} : memref<1024xi32, #tpu.memory_space<vmem>>[vector<16xi32>], vector<16xi32>,
        %scan3A_432 = arith.constant 0 : i32
        scf.yield %scan3A_432 : i32
      }
      %scan3A_243 = arith.constant 512 : i32
      %dma_start3A_244 = arith.constant 0 : i32
      %dma_start3A_245 = tpu.memref_slice %arg9[%dma_start3A_244] : memref<16384xi32, #tpu.memory_space<vmem>> -> memref<8192xi32, #tpu.memory_space<vmem>>
      %dma_start3A_246 = arith.constant 0 : i32
      %dma_start3A_247 = tpu.memref_slice %arg19[%dma_start3A_246] : memref<262144xi32, #tpu.memory_space<vmem_shared>> -> memref<262144xi32, #tpu.memory_space<vmem_shared>>
      tpu.enqueue_indirect_dma source(%dma_start3A_245 : memref<8192xi32, #tpu.memory_space<vmem>>) target(%dma_start3A_247 : memref<262144xi32, #tpu.memory_space<vmem_shared>>) offsets(%arg10 : memref<8192xi32, #tpu.memory_space<vmem>>) semaphore(%arg23 : memref<!tpu.dma_semaphore, #tpu.memory_space<semaphore_mem>>)
      %scan3A_248 = arith.constant 0 : i32
      %scan3A_249 = arith.constant 0 : i32
      %scan3A_250 = arith.constant 512 : i32
      %scan3A_251 = arith.addi %scan3A_249, %scan3A_250 : i32
      %scan3A_252 = arith.constant 1 : i32
      %scan3A_253 = scf.for %scan3A_409 = %scan3A_249 to %scan3A_251 step %scan3A_252 iter_args(%scan3A_410 = %scan3A_248) -> (i32)  : i32 {
        %mul3A_411 = arith.constant 16 : i32
        %mul3A_412 = arith.muli %scan3A_409, %mul3A_411 : i32
        %add3A_413 = arith.constant 8192 : i32
        %add3A_414 = arith.addi %add3A_413, %mul3A_412 : i32
        %get3A_415 = arith.index_cast %add3A_414 : i32 to index
        %get3A_416 = tpu.vector_load %arg8[%get3A_415] {strides = array<i32>} : memref<16384xf32, #tpu.memory_space<vmem>>, vector<16xf32>,
        %bitcast3A = vector.bitcast %get3A_416 : vector<16xf32> to vector<16xi32>
        %gather3A = tpu.vector_load_idx %arg13[%bitcast3A] : memref<1024xi32, #tpu.memory_space<vmem>>[vector<16xi32>], vector<16xi32>,
        %mul3A_417 = arith.constant 16 : i32
        %mul3A_418 = arith.muli %scan3A_409, %mul3A_417 : i32
        %add3A_419 = arith.constant 8192 : i32
        %add3A_420 = arith.addi %add3A_419, %mul3A_418 : i32
        %get3A_421 = arith.index_cast %add3A_420 : i32 to index
        %get3A_422 = tpu.vector_load %arg7[%get3A_421] {strides = array<i32>} : memref<16384xf32, #tpu.memory_space<vmem>>, vector<16xf32>,
        %bitcast3A_423 = vector.bitcast %get3A_422 : vector<16xf32> to vector<16xi32>
        %add3A_424 = arith.addi %gather3A, %bitcast3A_423 : vector<16xi32>
        %sub3A_425 = arith.constant 1 : i32
        %sub3A_426 = vector.broadcast %sub3A_425 : i32 to vector<16xi32>
        %sub3A_427 = arith.subi %add3A_424, %sub3A_426 : vector<16xi32>
        %mul3A_428 = arith.constant 16 : i32
        %mul3A_429 = arith.muli %scan3A_409, %mul3A_428 : i32
        %swap3A_430 = arith.index_cast %mul3A_429 : i32 to index
        %swap3A_431 = tpu.vector_load %arg11[%swap3A_430] {strides = array<i32>} : memref<8192xi32, #tpu.memory_space<vmem>>, vector<16xi32>,
        tpu.vector_store %arg11[%swap3A_430], %sub3A_427 {strides = array<i32>} : memref<8192xi32, #tpu.memory_space<vmem>>, vector<16xi32>,
        tpu.vector_store_idx %arg13[%bitcast3A], %broadcast_in_dim3A_5 {add = true} : memref<1024xi32, #tpu.memory_space<vmem>>[vector<16xi32>], vector<16xi32>,
        %scan3A_432 = arith.constant 0 : i32
        scf.yield %scan3A_432 : i32
      }
      %scan3A_254 = arith.constant 512 : i32
      %dma_start3A_255 = arith.constant 8192 : i32
      %dma_start3A_256 = tpu.memref_slice %arg9[%dma_start3A_255] : memref<16384xi32, #tpu.memory_space<vmem>> -> memref<8192xi32, #tpu.memory_space<vmem>>
      %dma_start3A_257 = arith.constant 0 : i32
      %dma_start3A_258 = tpu.memref_slice %arg19[%dma_start3A_257] : memref<262144xi32, #tpu.memory_space<vmem_shared>> -> memref<262144xi32, #tpu.memory_space<vmem_shared>>
      tpu.enqueue_indirect_dma source(%dma_start3A_256 : memref<8192xi32, #tpu.memory_space<vmem>>) target(%dma_start3A_258 : memref<262144xi32, #tpu.memory_space<vmem_shared>>) offsets(%arg11 : memref<8192xi32, #tpu.memory_space<vmem>>) semaphore(%arg25 : memref<!tpu.dma_semaphore, #tpu.memory_space<semaphore_mem>>)
      %dma_wait3A_259 = arith.constant 0 : i32
      %dma_wait3A_260 = tpu.memref_slice %arg9[%dma_wait3A_259] : memref<16384xi32, #tpu.memory_space<vmem>> -> memref<8192xi32, #tpu.memory_space<vmem>>
      %dma_wait3A_261 = arith.constant 0 : i32
      %dma_wait3A_262 = tpu.memref_slice %arg19[%dma_wait3A_261] : memref<262144xi32, #tpu.memory_space<vmem_shared>> -> memref<262144xi32, #tpu.memory_space<vmem_shared>>
      tpu.wait_indirect_dma semaphore(%arg23 : memref<!tpu.dma_semaphore, #tpu.memory_space<semaphore_mem>>) src(%dma_wait3A_260 : memref<8192xi32, #tpu.memory_space<vmem>>) dst(%dma_wait3A_262 : memref<262144xi32, #tpu.memory_space<vmem_shared>>)
      %dma_wait3A_263 = arith.constant 8192 : i32
      %dma_wait3A_264 = tpu.memref_slice %arg9[%dma_wait3A_263] : memref<16384xi32, #tpu.memory_space<vmem>> -> memref<8192xi32, #tpu.memory_space<vmem>>
      %dma_wait3A_265 = arith.constant 0 : i32
      %dma_wait3A_266 = tpu.memref_slice %arg19[%dma_wait3A_265] : memref<262144xi32, #tpu.memory_space<vmem_shared>> -> memref<262144xi32, #tpu.memory_space<vmem_shared>>
      tpu.wait_indirect_dma semaphore(%arg25 : memref<!tpu.dma_semaphore, #tpu.memory_space<semaphore_mem>>) src(%dma_wait3A_264 : memref<8192xi32, #tpu.memory_space<vmem>>) dst(%dma_wait3A_266 : memref<262144xi32, #tpu.memory_space<vmem_shared>>)
      %barrier3A_267 = arith.constant 0 : index
      tpu.barrier barrier_id(%barrier3A_267)
      %dma_start3A_268 = arith.constant 0 : i32
      %dma_start3A_269 = tpu.memref_slice %arg9[%dma_start3A_268] : memref<16384xi32, #tpu.memory_space<vmem>> -> memref<8192xi32, #tpu.memory_space<vmem>>
      %dma_start3A_270 = tpu.memref_slice %arg19[%mul3A_2] : memref<262144xi32, #tpu.memory_space<vmem_shared>> -> memref<8192xi32, #tpu.memory_space<vmem_shared>>
      %dma_start3A_271 = arith.constant 0 : i32
      %dma_start3A_272 = tpu.memref_slice %arg9[%dma_start3A_271] : memref<16384xi32, #tpu.memory_space<vmem>> -> memref<8192xi32, #tpu.memory_space<vmem>>
      %dma_start3A_273 = tpu.memref_slice %arg19[%mul3A_2] : memref<262144xi32, #tpu.memory_space<vmem_shared>> -> memref<8192xi32, #tpu.memory_space<vmem_shared>>
      tpu.enqueue_dma source(%dma_start3A_273 : memref<8192xi32, #tpu.memory_space<vmem_shared>>) target(%dma_start3A_272 : memref<8192xi32, #tpu.memory_space<vmem>>) target_semaphore(%arg22 : memref<!tpu.dma_semaphore, #tpu.memory_space<semaphore_mem>>)
      %add3A_274 = arith.constant 8192 : i32
      %add3A_275 = arith.addi %mul3A_2, %add3A_274 : i32
      %dma_start3A_276 = arith.constant 8192 : i32
      %dma_start3A_277 = tpu.memref_slice %arg9[%dma_start3A_276] : memref<16384xi32, #tpu.memory_space<vmem>> -> memref<8192xi32, #tpu.memory_space<vmem>>
      %dma_start3A_278 = tpu.memref_slice %arg19[%add3A_275] : memref<262144xi32, #tpu.memory_space<vmem_shared>> -> memref<8192xi32, #tpu.memory_space<vmem_shared>>
      %dma_start3A_279 = arith.constant 8192 : i32
      %dma_start3A_280 = tpu.memref_slice %arg9[%dma_start3A_279] : memref<16384xi32, #tpu.memory_space<vmem>> -> memref<8192xi32, #tpu.memory_space<vmem>>
      %dma_start3A_281 = tpu.memref_slice %arg19[%add3A_275] : memref<262144xi32, #tpu.memory_space<vmem_shared>> -> memref<8192xi32, #tpu.memory_space<vmem_shared>>
      tpu.enqueue_dma source(%dma_start3A_281 : memref<8192xi32, #tpu.memory_space<vmem_shared>>) target(%dma_start3A_280 : memref<8192xi32, #tpu.memory_space<vmem>>) target_semaphore(%arg24 : memref<!tpu.dma_semaphore, #tpu.memory_space<semaphore_mem>>)
      %parallel_loop3A_282 = arith.constant 0 : i32
      %parallel_loop3A_283 = arith.constant 512 : i32
      %parallel_loop3A_284 = arith.constant 1 : i32
      scf.for %parallel_loop3A_409 = %parallel_loop3A_282 to %parallel_loop3A_283 step %parallel_loop3A_284  : i32 {
        %parallel_loop3A_410 = arith.constant 16 : i32
        %parallel_loop3A_411 = arith.muli %parallel_loop3A_409, %parallel_loop3A_410 : i32
        %parallel_loop3A_412 = arith.index_cast %parallel_loop3A_411 : i32 to index
        %parallel_loop3A_413 = tpu.vector_load %arg12[%parallel_loop3A_412] {strides = array<i32>} : memref<8192xi32, #tpu.memory_space<vmem>>, vector<16xi32>,
        tpu.vector_store %arg12[%parallel_loop3A_412], %broadcast_in_dim3A_3 {strides = array<i32>} : memref<8192xi32, #tpu.memory_space<vmem>>, vector<16xi32>,
      } {sc.loop_unroll_factor = 8 : i64, sc.parallel_access}
      %dma_wait3A_285 = arith.constant 0 : i32
      %dma_wait3A_286 = tpu.memref_slice %arg9[%dma_wait3A_285] : memref<16384xi32, #tpu.memory_space<vmem>> -> memref<8192xi32, #tpu.memory_space<vmem>>
      %dma_wait3A_287 = tpu.memref_slice %arg19[%mul3A_2] : memref<262144xi32, #tpu.memory_space<vmem_shared>> -> memref<8192xi32, #tpu.memory_space<vmem_shared>>
      %dma_wait3A_288 = arith.constant 0 : i32
      %dma_wait3A_289 = tpu.memref_slice %arg9[%dma_wait3A_288] : memref<16384xi32, #tpu.memory_space<vmem>> -> memref<8192xi32, #tpu.memory_space<vmem>>
      %dma_wait3A_290 = tpu.memref_slice %arg19[%mul3A_2] : memref<262144xi32, #tpu.memory_space<vmem_shared>> -> memref<8192xi32, #tpu.memory_space<vmem_shared>>
      tpu.wait_dma2 semaphore(%arg22 : memref<!tpu.dma_semaphore, #tpu.memory_space<semaphore_mem>>) src(%dma_wait3A_290 : memref<8192xi32, #tpu.memory_space<vmem_shared>>) dst(%dma_wait3A_289 : memref<8192xi32, #tpu.memory_space<vmem>>)
      %parallel_loop3A_291 = arith.constant 0 : i32
      %parallel_loop3A_292 = arith.constant 512 : i32
      %parallel_loop3A_293 = arith.constant 1 : i32
      scf.for %parallel_loop3A_409 = %parallel_loop3A_291 to %parallel_loop3A_292 step %parallel_loop3A_293  : i32 {
        %parallel_loop3A_410 = arith.constant 16 : i32
        %parallel_loop3A_411 = arith.muli %parallel_loop3A_409, %parallel_loop3A_410 : i32
        %parallel_loop3A_412 = arith.index_cast %parallel_loop3A_411 : i32 to index
        %parallel_loop3A_413 = tpu.vector_load %arg9[%parallel_loop3A_412] {strides = array<i32>} : memref<16384xi32, #tpu.memory_space<vmem>>, vector<16xi32>,
        %parallel_loop3A_414 = arith.constant 18 : i32
        %parallel_loop3A_415 = vector.broadcast %parallel_loop3A_414 : i32 to vector<16xi32>
        %parallel_loop3A_416 = arith.shrui %parallel_loop3A_413, %parallel_loop3A_415 : vector<16xi32>
        %parallel_loop3A_417 = arith.constant true
        %parallel_loop3A_418 = vector.broadcast %parallel_loop3A_417 : i1 to vector<16xi1>
        %parallel_loop3A_419, %parallel_loop3A_420 = tpu.scan_count mask(%parallel_loop3A_418 : vector<16xi1>) value(%parallel_loop3A_416 : vector<16xi32>) : vector<16xi1>, vector<16xi32>
        %parallel_loop3A_421 = vector.bitcast %parallel_loop3A_420 : vector<16xi32> to vector<16xf32>
        %parallel_loop3A_422 = arith.constant 16 : i32
        %parallel_loop3A_423 = arith.muli %parallel_loop3A_409, %parallel_loop3A_422 : i32
        %parallel_loop3A_424 = arith.index_cast %parallel_loop3A_423 : i32 to index
        %parallel_loop3A_425 = tpu.vector_load %arg7[%parallel_loop3A_424] {strides = array<i32>} : memref<16384xf32, #tpu.memory_space<vmem>>, vector<16xf32>,
        tpu.vector_store %arg7[%parallel_loop3A_424], %parallel_loop3A_421 {strides = array<i32>} : memref<16384xf32, #tpu.memory_space<vmem>>, vector<16xf32>,
        %parallel_loop3A_426 = vector.bitcast %parallel_loop3A_416 : vector<16xi32> to vector<16xf32>
        %parallel_loop3A_427 = arith.constant 16 : i32
        %parallel_loop3A_428 = arith.muli %parallel_loop3A_409, %parallel_loop3A_427 : i32
        %parallel_loop3A_429 = arith.index_cast %parallel_loop3A_428 : i32 to index
        %parallel_loop3A_430 = tpu.vector_load %arg8[%parallel_loop3A_429] {strides = array<i32>} : memref<16384xf32, #tpu.memory_space<vmem>>, vector<16xf32>,
        tpu.vector_store %arg8[%parallel_loop3A_429], %parallel_loop3A_426 {strides = array<i32>} : memref<16384xf32, #tpu.memory_space<vmem>>, vector<16xf32>,
        %parallel_loop3A_431 = arith.constant 8 : i32
        %parallel_loop3A_432 = arith.constant 0 : i32
        %parallel_loop3A_433 = arith.cmpi eq, %parallel_loop3A_431, %parallel_loop3A_432 : i32
        %parallel_loop3A_434 = arith.constant 1 : i32
        %parallel_loop3A_435 = arith.select %parallel_loop3A_433, %parallel_loop3A_434, %parallel_loop3A_431 : i32
        %parallel_loop3A_436 = arith.remsi %parallel_loop3A_409, %parallel_loop3A_435 : i32
        %parallel_loop3A_437 = arith.constant 0 : i32
        %parallel_loop3A_438 = arith.cmpi ne, %parallel_loop3A_436, %parallel_loop3A_437 : i32
        %parallel_loop3A_439 = arith.constant 0 : i32
        %parallel_loop3A_440 = arith.cmpi slt, %parallel_loop3A_436, %parallel_loop3A_439 : i32
        %parallel_loop3A_441 = arith.constant 0 : i32
        %parallel_loop3A_442 = arith.cmpi slt, %parallel_loop3A_435, %parallel_loop3A_441 : i32
        %parallel_loop3A_443 = arith.xori %parallel_loop3A_440, %parallel_loop3A_442 : i1
        %parallel_loop3A_444 = arith.andi %parallel_loop3A_443, %parallel_loop3A_438 : i1
        %parallel_loop3A_445 = arith.addi %parallel_loop3A_436, %parallel_loop3A_435 : i32
        %parallel_loop3A_446 = arith.select %parallel_loop3A_444, %parallel_loop3A_445, %parallel_loop3A_436 : i32
        %parallel_loop3A_447 = arith.constant 1024 : i32
        %parallel_loop3A_448 = arith.muli %parallel_loop3A_446, %parallel_loop3A_447 : i32
        %parallel_loop3A_449 = vector.broadcast %parallel_loop3A_448 : i32 to vector<16xi32>
        %parallel_loop3A_450 = arith.addi %parallel_loop3A_416, %parallel_loop3A_449 : vector<16xi32>
        tpu.vector_store_idx %arg12[%parallel_loop3A_450], %broadcast_in_dim3A_5 {add = true} : memref<8192xi32, #tpu.memory_space<vmem>>[vector<16xi32>], vector<16xi32>,
      } {sc.loop_unroll_factor = 8 : i64, sc.parallel_access}
      %dma_wait3A_294 = arith.constant 8192 : i32
      %dma_wait3A_295 = tpu.memref_slice %arg9[%dma_wait3A_294] : memref<16384xi32, #tpu.memory_space<vmem>> -> memref<8192xi32, #tpu.memory_space<vmem>>
      %dma_wait3A_296 = tpu.memref_slice %arg19[%add3A_275] : memref<262144xi32, #tpu.memory_space<vmem_shared>> -> memref<8192xi32, #tpu.memory_space<vmem_shared>>
      %dma_wait3A_297 = arith.constant 8192 : i32
      %dma_wait3A_298 = tpu.memref_slice %arg9[%dma_wait3A_297] : memref<16384xi32, #tpu.memory_space<vmem>> -> memref<8192xi32, #tpu.memory_space<vmem>>
      %dma_wait3A_299 = tpu.memref_slice %arg19[%add3A_275] : memref<262144xi32, #tpu.memory_space<vmem_shared>> -> memref<8192xi32, #tpu.memory_space<vmem_shared>>
      tpu.wait_dma2 semaphore(%arg24 : memref<!tpu.dma_semaphore, #tpu.memory_space<semaphore_mem>>) src(%dma_wait3A_299 : memref<8192xi32, #tpu.memory_space<vmem_shared>>) dst(%dma_wait3A_298 : memref<8192xi32, #tpu.memory_space<vmem>>)
      %parallel_loop3A_300 = arith.constant 512 : i32
      %parallel_loop3A_301 = arith.constant 1024 : i32
      %parallel_loop3A_302 = arith.constant 1 : i32
      scf.for %parallel_loop3A_409 = %parallel_loop3A_300 to %parallel_loop3A_301 step %parallel_loop3A_302  : i32 {
        %parallel_loop3A_410 = arith.constant 16 : i32
        %parallel_loop3A_411 = arith.muli %parallel_loop3A_409, %parallel_loop3A_410 : i32
        %parallel_loop3A_412 = arith.index_cast %parallel_loop3A_411 : i32 to index
        %parallel_loop3A_413 = tpu.vector_load %arg9[%parallel_loop3A_412] {strides = array<i32>} : memref<16384xi32, #tpu.memory_space<vmem>>, vector<16xi32>,
        %parallel_loop3A_414 = arith.constant 18 : i32
        %parallel_loop3A_415 = vector.broadcast %parallel_loop3A_414 : i32 to vector<16xi32>
        %parallel_loop3A_416 = arith.shrui %parallel_loop3A_413, %parallel_loop3A_415 : vector<16xi32>
        %parallel_loop3A_417 = arith.constant true
        %parallel_loop3A_418 = vector.broadcast %parallel_loop3A_417 : i1 to vector<16xi1>
        %parallel_loop3A_419, %parallel_loop3A_420 = tpu.scan_count mask(%parallel_loop3A_418 : vector<16xi1>) value(%parallel_loop3A_416 : vector<16xi32>) : vector<16xi1>, vector<16xi32>
        %parallel_loop3A_421 = vector.bitcast %parallel_loop3A_420 : vector<16xi32> to vector<16xf32>
        %parallel_loop3A_422 = arith.constant 16 : i32
        %parallel_loop3A_423 = arith.muli %parallel_loop3A_409, %parallel_loop3A_422 : i32
        %parallel_loop3A_424 = arith.index_cast %parallel_loop3A_423 : i32 to index
        %parallel_loop3A_425 = tpu.vector_load %arg7[%parallel_loop3A_424] {strides = array<i32>} : memref<16384xf32, #tpu.memory_space<vmem>>, vector<16xf32>,
        tpu.vector_store %arg7[%parallel_loop3A_424], %parallel_loop3A_421 {strides = array<i32>} : memref<16384xf32, #tpu.memory_space<vmem>>, vector<16xf32>,
        %parallel_loop3A_426 = vector.bitcast %parallel_loop3A_416 : vector<16xi32> to vector<16xf32>
        %parallel_loop3A_427 = arith.constant 16 : i32
        %parallel_loop3A_428 = arith.muli %parallel_loop3A_409, %parallel_loop3A_427 : i32
        %parallel_loop3A_429 = arith.index_cast %parallel_loop3A_428 : i32 to index
        %parallel_loop3A_430 = tpu.vector_load %arg8[%parallel_loop3A_429] {strides = array<i32>} : memref<16384xf32, #tpu.memory_space<vmem>>, vector<16xf32>,
        tpu.vector_store %arg8[%parallel_loop3A_429], %parallel_loop3A_426 {strides = array<i32>} : memref<16384xf32, #tpu.memory_space<vmem>>, vector<16xf32>,
        %parallel_loop3A_431 = arith.constant 8 : i32
        %parallel_loop3A_432 = arith.constant 0 : i32
        %parallel_loop3A_433 = arith.cmpi eq, %parallel_loop3A_431, %parallel_loop3A_432 : i32
        %parallel_loop3A_434 = arith.constant 1 : i32
        %parallel_loop3A_435 = arith.select %parallel_loop3A_433, %parallel_loop3A_434, %parallel_loop3A_431 : i32
        %parallel_loop3A_436 = arith.remsi %parallel_loop3A_409, %parallel_loop3A_435 : i32
        %parallel_loop3A_437 = arith.constant 0 : i32
        %parallel_loop3A_438 = arith.cmpi ne, %parallel_loop3A_436, %parallel_loop3A_437 : i32
        %parallel_loop3A_439 = arith.constant 0 : i32
        %parallel_loop3A_440 = arith.cmpi slt, %parallel_loop3A_436, %parallel_loop3A_439 : i32
        %parallel_loop3A_441 = arith.constant 0 : i32
        %parallel_loop3A_442 = arith.cmpi slt, %parallel_loop3A_435, %parallel_loop3A_441 : i32
        %parallel_loop3A_443 = arith.xori %parallel_loop3A_440, %parallel_loop3A_442 : i1
        %parallel_loop3A_444 = arith.andi %parallel_loop3A_443, %parallel_loop3A_438 : i1
        %parallel_loop3A_445 = arith.addi %parallel_loop3A_436, %parallel_loop3A_435 : i32
        %parallel_loop3A_446 = arith.select %parallel_loop3A_444, %parallel_loop3A_445, %parallel_loop3A_436 : i32
        %parallel_loop3A_447 = arith.constant 1024 : i32
        %parallel_loop3A_448 = arith.muli %parallel_loop3A_446, %parallel_loop3A_447 : i32
        %parallel_loop3A_449 = vector.broadcast %parallel_loop3A_448 : i32 to vector<16xi32>
        %parallel_loop3A_450 = arith.addi %parallel_loop3A_416, %parallel_loop3A_449 : vector<16xi32>
        tpu.vector_store_idx %arg12[%parallel_loop3A_450], %broadcast_in_dim3A_5 {add = true} : memref<8192xi32, #tpu.memory_space<vmem>>[vector<16xi32>], vector<16xi32>,
      } {sc.loop_unroll_factor = 8 : i64, sc.parallel_access}
      %parallel_loop3A_303 = arith.constant 0 : i32
      %parallel_loop3A_304 = arith.constant 64 : i32
      %parallel_loop3A_305 = arith.constant 1 : i32
      scf.for %parallel_loop3A_409 = %parallel_loop3A_303 to %parallel_loop3A_304 step %parallel_loop3A_305  : i32 {
        %parallel_loop3A_410 = arith.constant 16 : i32
        %parallel_loop3A_411 = arith.muli %parallel_loop3A_409, %parallel_loop3A_410 : i32
        %parallel_loop3A_412 = arith.index_cast %parallel_loop3A_411 : i32 to index
        %parallel_loop3A_413 = tpu.vector_load %arg12[%parallel_loop3A_412] {strides = array<i32>} : memref<8192xi32, #tpu.memory_space<vmem>>, vector<16xi32>,
        %parallel_loop3A_414 = arith.constant 16 : i32
        %parallel_loop3A_415 = arith.muli %parallel_loop3A_409, %parallel_loop3A_414 : i32
        %parallel_loop3A_416 = arith.constant 1024 : i32
        %parallel_loop3A_417 = arith.addi %parallel_loop3A_416, %parallel_loop3A_415 : i32
        %parallel_loop3A_418 = arith.index_cast %parallel_loop3A_417 : i32 to index
        %parallel_loop3A_419 = tpu.vector_load %arg12[%parallel_loop3A_418] {strides = array<i32>} : memref<8192xi32, #tpu.memory_space<vmem>>, vector<16xi32>,
        %parallel_loop3A_420 = arith.addi %parallel_loop3A_413, %parallel_loop3A_419 : vector<16xi32>
        %parallel_loop3A_421 = arith.constant 16 : i32
        %parallel_loop3A_422 = arith.muli %parallel_loop3A_409, %parallel_loop3A_421 : i32
        %parallel_loop3A_423 = arith.constant 2048 : i32
        %parallel_loop3A_424 = arith.addi %parallel_loop3A_423, %parallel_loop3A_422 : i32
        %parallel_loop3A_425 = arith.index_cast %parallel_loop3A_424 : i32 to index
        %parallel_loop3A_426 = tpu.vector_load %arg12[%parallel_loop3A_425] {strides = array<i32>} : memref<8192xi32, #tpu.memory_space<vmem>>, vector<16xi32>,
        %parallel_loop3A_427 = arith.addi %parallel_loop3A_420, %parallel_loop3A_426 : vector<16xi32>
        %parallel_loop3A_428 = arith.constant 16 : i32
        %parallel_loop3A_429 = arith.muli %parallel_loop3A_409, %parallel_loop3A_428 : i32
        %parallel_loop3A_430 = arith.constant 3072 : i32
        %parallel_loop3A_431 = arith.addi %parallel_loop3A_430, %parallel_loop3A_429 : i32
        %parallel_loop3A_432 = arith.index_cast %parallel_loop3A_431 : i32 to index
        %parallel_loop3A_433 = tpu.vector_load %arg12[%parallel_loop3A_432] {strides = array<i32>} : memref<8192xi32, #tpu.memory_space<vmem>>, vector<16xi32>,
        %parallel_loop3A_434 = arith.addi %parallel_loop3A_427, %parallel_loop3A_433 : vector<16xi32>
        %parallel_loop3A_435 = arith.constant 16 : i32
        %parallel_loop3A_436 = arith.muli %parallel_loop3A_409, %parallel_loop3A_435 : i32
        %parallel_loop3A_437 = arith.constant 4096 : i32
        %parallel_loop3A_438 = arith.addi %parallel_loop3A_437, %parallel_loop3A_436 : i32
        %parallel_loop3A_439 = arith.index_cast %parallel_loop3A_438 : i32 to index
        %parallel_loop3A_440 = tpu.vector_load %arg12[%parallel_loop3A_439] {strides = array<i32>} : memref<8192xi32, #tpu.memory_space<vmem>>, vector<16xi32>,
        %parallel_loop3A_441 = arith.addi %parallel_loop3A_434, %parallel_loop3A_440 : vector<16xi32>
        %parallel_loop3A_442 = arith.constant 16 : i32
        %parallel_loop3A_443 = arith.muli %parallel_loop3A_409, %parallel_loop3A_442 : i32
        %parallel_loop3A_444 = arith.constant 5120 : i32
        %parallel_loop3A_445 = arith.addi %parallel_loop3A_444, %parallel_loop3A_443 : i32
        %parallel_loop3A_446 = arith.index_cast %parallel_loop3A_445 : i32 to index
        %parallel_loop3A_447 = tpu.vector_load %arg12[%parallel_loop3A_446] {strides = array<i32>} : memref<8192xi32, #tpu.memory_space<vmem>>, vector<16xi32>,
        %parallel_loop3A_448 = arith.addi %parallel_loop3A_441, %parallel_loop3A_447 : vector<16xi32>
        %parallel_loop3A_449 = arith.constant 16 : i32
        %parallel_loop3A_450 = arith.muli %parallel_loop3A_409, %parallel_loop3A_449 : i32
        %parallel_loop3A_451 = arith.constant 6144 : i32
        %parallel_loop3A_452 = arith.addi %parallel_loop3A_451, %parallel_loop3A_450 : i32
        %parallel_loop3A_453 = arith.index_cast %parallel_loop3A_452 : i32 to index
        %parallel_loop3A_454 = tpu.vector_load %arg12[%parallel_loop3A_453] {strides = array<i32>} : memref<8192xi32, #tpu.memory_space<vmem>>, vector<16xi32>,
        %parallel_loop3A_455 = arith.addi %parallel_loop3A_448, %parallel_loop3A_454 : vector<16xi32>
        %parallel_loop3A_456 = arith.constant 16 : i32
        %parallel_loop3A_457 = arith.muli %parallel_loop3A_409, %parallel_loop3A_456 : i32
        %parallel_loop3A_458 = arith.constant 7168 : i32
        %parallel_loop3A_459 = arith.addi %parallel_loop3A_458, %parallel_loop3A_457 : i32
        %parallel_loop3A_460 = arith.index_cast %parallel_loop3A_459 : i32 to index
        %parallel_loop3A_461 = tpu.vector_load %arg12[%parallel_loop3A_460] {strides = array<i32>} : memref<8192xi32, #tpu.memory_space<vmem>>, vector<16xi32>,
        %parallel_loop3A_462 = arith.addi %parallel_loop3A_455, %parallel_loop3A_461 : vector<16xi32>
        %parallel_loop3A_463 = arith.constant 16 : i32
        %parallel_loop3A_464 = arith.muli %parallel_loop3A_409, %parallel_loop3A_463 : i32
        %parallel_loop3A_465 = arith.index_cast %parallel_loop3A_464 : i32 to index
        %parallel_loop3A_466 = tpu.vector_load %arg12[%parallel_loop3A_465] {strides = array<i32>} : memref<8192xi32, #tpu.memory_space<vmem>>, vector<16xi32>,
        tpu.vector_store %arg12[%parallel_loop3A_465], %parallel_loop3A_462 {strides = array<i32>} : memref<8192xi32, #tpu.memory_space<vmem>>, vector<16xi32>,
      } {sc.loop_unroll_factor = 4 : i64, sc.parallel_access}
      %dma_start3A_306 = arith.constant 0 : i32
      %dma_start3A_307 = tpu.memref_slice %arg12[%dma_start3A_306] : memref<8192xi32, #tpu.memory_space<vmem>> -> memref<1024xi32, #tpu.memory_space<vmem>>
      %dma_start3A_308 = arith.constant 0 : i32
      %dma_start3A_309 = tpu.memref_slice %arg20[%dma_start3A_308] : memref<16384xi32, #tpu.memory_space<vmem_shared>> -> memref<16384xi32, #tpu.memory_space<vmem_shared>>
      tpu.enqueue_indirect_dma source(%dma_start3A_307 : memref<1024xi32, #tpu.memory_space<vmem>>) target(%dma_start3A_309 : memref<16384xi32, #tpu.memory_space<vmem_shared>>) offsets(%arg14 : memref<1024xi32, #tpu.memory_space<vmem>>) semaphore(%arg24 : memref<!tpu.dma_semaphore, #tpu.memory_space<semaphore_mem>>)
      %dma_wait3A_310 = arith.constant 0 : i32
      %dma_wait3A_311 = tpu.memref_slice %arg12[%dma_wait3A_310] : memref<8192xi32, #tpu.memory_space<vmem>> -> memref<1024xi32, #tpu.memory_space<vmem>>
      %dma_wait3A_312 = arith.constant 0 : i32
      %dma_wait3A_313 = tpu.memref_slice %arg20[%dma_wait3A_312] : memref<16384xi32, #tpu.memory_space<vmem_shared>> -> memref<16384xi32, #tpu.memory_space<vmem_shared>>
      tpu.wait_indirect_dma semaphore(%arg24 : memref<!tpu.dma_semaphore, #tpu.memory_space<semaphore_mem>>) src(%dma_wait3A_311 : memref<1024xi32, #tpu.memory_space<vmem>>) dst(%dma_wait3A_313 : memref<16384xi32, #tpu.memory_space<vmem_shared>>)
      %barrier3A_314 = arith.constant 0 : index
      tpu.barrier barrier_id(%barrier3A_314)
      %dma_start3A_315 = arith.constant 0 : i32
      %dma_start3A_316 = tpu.memref_slice %arg20[%dma_start3A_315] : memref<16384xi32, #tpu.memory_space<vmem_shared>> -> memref<16384xi32, #tpu.memory_space<vmem_shared>>
      tpu.enqueue_indirect_dma source(%dma_start3A_316 : memref<16384xi32, #tpu.memory_space<vmem_shared>>) target(%arg16 : memref<1024xi32, #tpu.memory_space<vmem>>) offsets(%arg15 : memref<1024xi32, #tpu.memory_space<vmem>>) semaphore(%arg24 : memref<!tpu.dma_semaphore, #tpu.memory_space<semaphore_mem>>)
      %dma_wait3A_317 = arith.constant 0 : i32
      %dma_wait3A_318 = tpu.memref_slice %arg20[%dma_wait3A_317] : memref<16384xi32, #tpu.memory_space<vmem_shared>> -> memref<16384xi32, #tpu.memory_space<vmem_shared>>
      tpu.wait_indirect_dma semaphore(%arg24 : memref<!tpu.dma_semaphore, #tpu.memory_space<semaphore_mem>>) src(%dma_wait3A_318 : memref<16384xi32, #tpu.memory_space<vmem_shared>>) dst(%arg16 : memref<1024xi32, #tpu.memory_space<vmem>>)
      %scan3A_319 = arith.constant 0 : i32
      %scan3A_320 = arith.constant 0 : i32
      %scan3A_321 = arith.constant 64 : i32
      %scan3A_322 = arith.addi %scan3A_320, %scan3A_321 : i32
      %scan3A_323 = arith.constant 1 : i32
      %scan3A_324 = scf.for %scan3A_409 = %scan3A_320 to %scan3A_322 step %scan3A_323 iter_args(%scan3A_410 = %scan3A_319) -> (i32)  : i32 {
        %mul3A_411 = arith.constant 16 : i32
        %mul3A_412 = arith.muli %scan3A_409, %mul3A_411 : i32
        %get3A_413 = arith.index_cast %mul3A_412 : i32 to index
        %get3A_414 = tpu.vector_load %arg16[%get3A_413] {strides = array<i32>} : memref<1024xi32, #tpu.memory_space<vmem>>, vector<16xi32>,
        %broadcast_in_dim3A_415 = arith.constant true
        %broadcast_in_dim3A_416 = vector.broadcast %broadcast_in_dim3A_415 : i1 to vector<16xi1>
        %masked_cumsum3A_417 = tpu.scan <sum>, %get3A_414 masked %broadcast_in_dim3A_416 : vector<16xi32>, vector<16xi1> -> vector<16xi32>
        %sub3A_418 = arith.subi %masked_cumsum3A_417, %get3A_414 : vector<16xi32>
        %add3A_419 = vector.broadcast %scan3A_410 : i32 to vector<16xi32>
        %add3A_420 = arith.addi %sub3A_418, %add3A_419 : vector<16xi32>
        %mul3A_421 = arith.constant 16 : i32
        %mul3A_422 = arith.muli %scan3A_409, %mul3A_421 : i32
        %swap3A_423 = arith.index_cast %mul3A_422 : i32 to index
        %swap3A_424 = tpu.vector_load %arg16[%swap3A_423] {strides = array<i32>} : memref<1024xi32, #tpu.memory_space<vmem>>, vector<16xi32>,
        tpu.vector_store %arg16[%swap3A_423], %add3A_420 {strides = array<i32>} : memref<1024xi32, #tpu.memory_space<vmem>>, vector<16xi32>,
        %reduce_sum3A = arith.constant true
        %reduce_sum3A_425 = vector.broadcast %reduce_sum3A : i1 to vector<16xi1>
        %reduce_sum3A_426 = tpu.scan <sum>, %get3A_414 masked %reduce_sum3A_425 : vector<16xi32>, vector<16xi1> -> vector<16xi32>
        %reduce_sum3A_427 = vector.extract %reduce_sum3A_426[15] : i32 from vector<16xi32>
        %add3A_428 = arith.addi %scan3A_410, %reduce_sum3A_427 : i32
        scf.yield %add3A_428 : i32
      }
      %scan3A_325 = arith.constant 64 : i32
      %iota3A_326 = tpu.iota {dimensions = array<i32: 0>} : vector<16xi32>
      %eq3A_327 = arith.constant 0 : i32
      %eq3A_328 = vector.broadcast %eq3A_327 : i32 to vector<16xi32>
      %eq3A_329 = arith.cmpi eq, %iota3A_326, %eq3A_328 : vector<16xi32>
      %jit3A_330 = arith.constant 0 : i32
      %broadcast_in_dim3A_331 = vector.broadcast %scan3A_324 : i32 to vector<16xi32>
      %broadcast_in_dim3A_332 = vector.broadcast %jit3A_330 : i32 to vector<16xi32>
      %select_n3A_333 = arith.select %eq3A_329, %broadcast_in_dim3A_331, %broadcast_in_dim3A_332 : vector<16xi1>, vector<16xi32>
      %swap3A_334 = arith.constant 0 : index
      %swap3A_335 = tpu.vector_load %arg17[%swap3A_334] {strides = array<i32>} : memref<32xi32, #tpu.memory_space<vmem>>, vector<16xi32>,
      tpu.vector_store %arg17[%swap3A_334], %select_n3A_333 {strides = array<i32>} : memref<32xi32, #tpu.memory_space<vmem>>, vector<16xi32>,
      %iota3A_336 = tpu.iota {dimensions = array<i32: 0>} : vector<16xi32>
      %eq3A_337 = arith.constant 0 : i32
      %eq3A_338 = vector.broadcast %eq3A_337 : i32 to vector<16xi32>
      %eq3A_339 = arith.cmpi eq, %iota3A_336, %eq3A_338 : vector<16xi32>
      %add3A_340 = arith.constant 16 : i32
      %add3A_341 = arith.addi %add3A_340, %arg1 : i32
      %broadcast_in_dim3A_342 = vector.broadcast %arg1 : i32 to vector<16xi32>
      %broadcast_in_dim3A_343 = vector.broadcast %add3A_341 : i32 to vector<16xi32>
      %select_n3A_344 = arith.select %eq3A_339, %broadcast_in_dim3A_342, %broadcast_in_dim3A_343 : vector<16xi1>, vector<16xi32>
      %dma_start3A_345 = arith.constant 0 : i32
      %dma_start3A_346 = tpu.memref_slice %arg20[%dma_start3A_345] : memref<16384xi32, #tpu.memory_space<vmem_shared>> -> memref<16384xi32, #tpu.memory_space<vmem_shared>>
      tpu.enqueue_indirect_dma source(%arg16 : memref<1024xi32, #tpu.memory_space<vmem>>) target(%dma_start3A_346 : memref<16384xi32, #tpu.memory_space<vmem_shared>>) offsets(%arg15 : memref<1024xi32, #tpu.memory_space<vmem>>) semaphore(%arg24 : memref<!tpu.dma_semaphore, #tpu.memory_space<semaphore_mem>>)
      %dma_start3A_347 = arith.constant 0 : i32
      %dma_start3A_348 = tpu.memref_slice %arg17[%dma_start3A_347] : memref<32xi32, #tpu.memory_space<vmem>> -> memref<16xi32, #tpu.memory_space<vmem>>
      %dma_start3A_349 = arith.constant 0 : i32
      %dma_start3A_350 = tpu.memref_slice %arg21[%dma_start3A_349] : memref<32xi32, #tpu.memory_space<vmem_shared>> -> memref<32xi32, #tpu.memory_space<vmem_shared>>
      tpu.enqueue_indirect_dma source(%dma_start3A_348 : memref<16xi32, #tpu.memory_space<vmem>>) target(%dma_start3A_350 : memref<32xi32, #tpu.memory_space<vmem_shared>>) offsets(%select_n3A_344 : vector<16xi32>) semaphore(%arg25 : memref<!tpu.dma_semaphore, #tpu.memory_space<semaphore_mem>>)
      %dma_wait3A_351 = arith.constant 0 : i32
      %dma_wait3A_352 = tpu.memref_slice %arg20[%dma_wait3A_351] : memref<16384xi32, #tpu.memory_space<vmem_shared>> -> memref<16384xi32, #tpu.memory_space<vmem_shared>>
      tpu.wait_indirect_dma semaphore(%arg24 : memref<!tpu.dma_semaphore, #tpu.memory_space<semaphore_mem>>) src(%arg16 : memref<1024xi32, #tpu.memory_space<vmem>>) dst(%dma_wait3A_352 : memref<16384xi32, #tpu.memory_space<vmem_shared>>)
      %dma_wait3A_353 = arith.constant 0 : i32
      %dma_wait3A_354 = tpu.memref_slice %arg17[%dma_wait3A_353] : memref<32xi32, #tpu.memory_space<vmem>> -> memref<16xi32, #tpu.memory_space<vmem>>
      %dma_wait3A_355 = arith.constant 0 : i32
      %dma_wait3A_356 = tpu.memref_slice %arg21[%dma_wait3A_355] : memref<32xi32, #tpu.memory_space<vmem_shared>> -> memref<32xi32, #tpu.memory_space<vmem_shared>>
      tpu.wait_indirect_dma semaphore(%arg25 : memref<!tpu.dma_semaphore, #tpu.memory_space<semaphore_mem>>) src(%dma_wait3A_354 : memref<16xi32, #tpu.memory_space<vmem>>) dst(%dma_wait3A_356 : memref<32xi32, #tpu.memory_space<vmem_shared>>)
      %barrier3A_357 = arith.constant 0 : index
      tpu.barrier barrier_id(%barrier3A_357)
      "tpu.region"() ({
        %run_scoped3A = tpu.sem_alloc : memref<!tpu.dma_semaphore, #tpu.memory_space<semaphore_mem>>
        tpu.enqueue_dma source(%arg21 : memref<32xi32, #tpu.memory_space<vmem_shared>>) target(%arg17 : memref<32xi32, #tpu.memory_space<vmem>>) target_semaphore(%run_scoped3A : memref<!tpu.dma_semaphore, #tpu.memory_space<semaphore_mem>>)
        tpu.wait_dma2 semaphore(%run_scoped3A : memref<!tpu.dma_semaphore, #tpu.memory_space<semaphore_mem>>) src(%arg21 : memref<32xi32, #tpu.memory_space<vmem_shared>>) dst(%arg17 : memref<32xi32, #tpu.memory_space<vmem>>)
        tpu.yield
      }) : () -> ()
      %dma_start3A_358 = arith.constant 0 : i32
      %dma_start3A_359 = tpu.memref_slice %arg20[%dma_start3A_358] : memref<16384xi32, #tpu.memory_space<vmem_shared>> -> memref<16384xi32, #tpu.memory_space<vmem_shared>>
      tpu.enqueue_indirect_dma source(%dma_start3A_359 : memref<16384xi32, #tpu.memory_space<vmem_shared>>) target(%arg13 : memref<1024xi32, #tpu.memory_space<vmem>>) offsets(%arg14 : memref<1024xi32, #tpu.memory_space<vmem>>) semaphore(%arg24 : memref<!tpu.dma_semaphore, #tpu.memory_space<semaphore_mem>>)
      %get3A_360 = arith.constant 0 : index
      %get3A_361 = tpu.vector_load %arg17[%get3A_360] {strides = array<i32>} : memref<32xi32, #tpu.memory_space<vmem>>, vector<16xi32>,
      %broadcast_in_dim3A_362 = arith.constant true
      %broadcast_in_dim3A_363 = vector.broadcast %broadcast_in_dim3A_362 : i1 to vector<16xi1>
      %masked_cumsum3A_364 = tpu.scan <sum>, %get3A_361 masked %broadcast_in_dim3A_363 : vector<16xi32>, vector<16xi1> -> vector<16xi32>
      %sub3A_365 = arith.subi %masked_cumsum3A_364, %get3A_361 : vector<16xi32>
      %swap3A_366 = arith.constant 0 : index
      %swap3A_367 = tpu.vector_load %arg17[%swap3A_366] {strides = array<i32>} : memref<32xi32, #tpu.memory_space<vmem>>, vector<16xi32>,
      tpu.vector_store %arg17[%swap3A_366], %sub3A_365 {strides = array<i32>} : memref<32xi32, #tpu.memory_space<vmem>>, vector<16xi32>,
      %dma_wait3A_368 = arith.constant 0 : i32
      %dma_wait3A_369 = tpu.memref_slice %arg20[%dma_wait3A_368] : memref<16384xi32, #tpu.memory_space<vmem_shared>> -> memref<16384xi32, #tpu.memory_space<vmem_shared>>
      tpu.wait_indirect_dma semaphore(%arg24 : memref<!tpu.dma_semaphore, #tpu.memory_space<semaphore_mem>>) src(%dma_wait3A_369 : memref<16384xi32, #tpu.memory_space<vmem_shared>>) dst(%arg13 : memref<1024xi32, #tpu.memory_space<vmem>>)
      %parallel_loop3A_370 = arith.constant 0 : i32
      %parallel_loop3A_371 = arith.constant 64 : i32
      %parallel_loop3A_372 = arith.constant 1 : i32
      scf.for %parallel_loop3A_409 = %parallel_loop3A_370 to %parallel_loop3A_371 step %parallel_loop3A_372  : i32 {
        %parallel_loop3A_410 = arith.constant 16 : i32
        %parallel_loop3A_411 = arith.muli %parallel_loop3A_409, %parallel_loop3A_410 : i32
        %parallel_loop3A_412 = tpu.iota {dimensions = array<i32: 0>} : vector<16xi32>
        %parallel_loop3A_413 = vector.broadcast %parallel_loop3A_411 : i32 to vector<16xi32>
        %parallel_loop3A_414 = arith.addi %parallel_loop3A_413, %parallel_loop3A_412 : vector<16xi32>
        %parallel_loop3A_415 = arith.constant 16 : i32
        %parallel_loop3A_416 = vector.broadcast %parallel_loop3A_415 : i32 to vector<16xi32>
        %parallel_loop3A_417 = arith.muli %parallel_loop3A_414, %parallel_loop3A_416 : vector<16xi32>
        %parallel_loop3A_418 = vector.broadcast %arg1 : i32 to vector<16xi32>
        %parallel_loop3A_419 = arith.addi %parallel_loop3A_417, %parallel_loop3A_418 : vector<16xi32>
        %parallel_loop3A_420 = arith.constant 10 : i32
        %parallel_loop3A_421 = vector.broadcast %parallel_loop3A_420 : i32 to vector<16xi32>
        %parallel_loop3A_422 = arith.shrsi %parallel_loop3A_419, %parallel_loop3A_421 : vector<16xi32>
        %parallel_loop3A_423 = tpu.vector_load_idx %arg17[%parallel_loop3A_422] : memref<32xi32, #tpu.memory_space<vmem>>[vector<16xi32>], vector<16xi32>,
        %parallel_loop3A_424 = arith.constant 16 : i32
        %parallel_loop3A_425 = arith.muli %parallel_loop3A_409, %parallel_loop3A_424 : i32
        %parallel_loop3A_426 = arith.index_cast %parallel_loop3A_425 : i32 to index
        %parallel_loop3A_427 = tpu.vector_load %arg13[%parallel_loop3A_426] {strides = array<i32>} : memref<1024xi32, #tpu.memory_space<vmem>>, vector<16xi32>,
        %parallel_loop3A_428 = arith.addi %parallel_loop3A_427, %parallel_loop3A_423 : vector<16xi32>
        %parallel_loop3A_429 = arith.constant 16 : i32
        %parallel_loop3A_430 = arith.muli %parallel_loop3A_409, %parallel_loop3A_429 : i32
        %parallel_loop3A_431 = arith.index_cast %parallel_loop3A_430 : i32 to index
        %parallel_loop3A_432 = tpu.vector_load %arg13[%parallel_loop3A_431] {strides = array<i32>} : memref<1024xi32, #tpu.memory_space<vmem>>, vector<16xi32>,
        tpu.vector_store %arg13[%parallel_loop3A_431], %parallel_loop3A_428 {strides = array<i32>} : memref<1024xi32, #tpu.memory_space<vmem>>, vector<16xi32>,
      } {sc.loop_unroll_factor = 4 : i64, sc.parallel_access}
      %scan3A_373 = arith.constant 0 : i32
      %scan3A_374 = arith.constant 0 : i32
      %scan3A_375 = arith.constant 512 : i32
      %scan3A_376 = arith.addi %scan3A_374, %scan3A_375 : i32
      %scan3A_377 = arith.constant 1 : i32
      %scan3A_378 = scf.for %scan3A_409 = %scan3A_374 to %scan3A_376 step %scan3A_377 iter_args(%scan3A_410 = %scan3A_373) -> (i32)  : i32 {
        %mul3A_411 = arith.constant 16 : i32
        %mul3A_412 = arith.muli %scan3A_409, %mul3A_411 : i32
        %add3A_413 = arith.constant 0 : i32
        %add3A_414 = arith.addi %add3A_413, %mul3A_412 : i32
        %get3A_415 = arith.index_cast %add3A_414 : i32 to index
        %get3A_416 = tpu.vector_load %arg8[%get3A_415] {strides = array<i32>} : memref<16384xf32, #tpu.memory_space<vmem>>, vector<16xf32>,
        %bitcast3A = vector.bitcast %get3A_416 : vector<16xf32> to vector<16xi32>
        %gather3A = tpu.vector_load_idx %arg13[%bitcast3A] : memref<1024xi32, #tpu.memory_space<vmem>>[vector<16xi32>], vector<16xi32>,
        %mul3A_417 = arith.constant 16 : i32
        %mul3A_418 = arith.muli %scan3A_409, %mul3A_417 : i32
        %add3A_419 = arith.constant 0 : i32
        %add3A_420 = arith.addi %add3A_419, %mul3A_418 : i32
        %get3A_421 = arith.index_cast %add3A_420 : i32 to index
        %get3A_422 = tpu.vector_load %arg7[%get3A_421] {strides = array<i32>} : memref<16384xf32, #tpu.memory_space<vmem>>, vector<16xf32>,
        %bitcast3A_423 = vector.bitcast %get3A_422 : vector<16xf32> to vector<16xi32>
        %add3A_424 = arith.addi %gather3A, %bitcast3A_423 : vector<16xi32>
        %sub3A_425 = arith.constant 1 : i32
        %sub3A_426 = vector.broadcast %sub3A_425 : i32 to vector<16xi32>
        %sub3A_427 = arith.subi %add3A_424, %sub3A_426 : vector<16xi32>
        %mul3A_428 = arith.constant 16 : i32
        %mul3A_429 = arith.muli %scan3A_409, %mul3A_428 : i32
        %swap3A_430 = arith.index_cast %mul3A_429 : i32 to index
        %swap3A_431 = tpu.vector_load %arg10[%swap3A_430] {strides = array<i32>} : memref<8192xi32, #tpu.memory_space<vmem>>, vector<16xi32>,
        tpu.vector_store %arg10[%swap3A_430], %sub3A_427 {strides = array<i32>} : memref<8192xi32, #tpu.memory_space<vmem>>, vector<16xi32>,
        tpu.vector_store_idx %arg13[%bitcast3A], %broadcast_in_dim3A_5 {add = true} : memref<1024xi32, #tpu.memory_space<vmem>>[vector<16xi32>], vector<16xi32>,
        %scan3A_432 = arith.constant 0 : i32
        scf.yield %scan3A_432 : i32
      }
      %scan3A_379 = arith.constant 512 : i32
      %dma_start3A_380 = arith.constant 0 : i32
      %dma_start3A_381 = tpu.memref_slice %arg9[%dma_start3A_380] : memref<16384xi32, #tpu.memory_space<vmem>> -> memref<8192xi32, #tpu.memory_space<vmem>>
      %dma_start3A_382 = arith.constant 0 : i32
      %dma_start3A_383 = tpu.memref_slice %arg19[%dma_start3A_382] : memref<262144xi32, #tpu.memory_space<vmem_shared>> -> memref<262144xi32, #tpu.memory_space<vmem_shared>>
      tpu.enqueue_indirect_dma source(%dma_start3A_381 : memref<8192xi32, #tpu.memory_space<vmem>>) target(%dma_start3A_383 : memref<262144xi32, #tpu.memory_space<vmem_shared>>) offsets(%arg10 : memref<8192xi32, #tpu.memory_space<vmem>>) semaphore(%arg23 : memref<!tpu.dma_semaphore, #tpu.memory_space<semaphore_mem>>)
      %scan3A_384 = arith.constant 0 : i32
      %scan3A_385 = arith.constant 0 : i32
      %scan3A_386 = arith.constant 512 : i32
      %scan3A_387 = arith.addi %scan3A_385, %scan3A_386 : i32
      %scan3A_388 = arith.constant 1 : i32
      %scan3A_389 = scf.for %scan3A_409 = %scan3A_385 to %scan3A_387 step %scan3A_388 iter_args(%scan3A_410 = %scan3A_384) -> (i32)  : i32 {
        %mul3A_411 = arith.constant 16 : i32
        %mul3A_412 = arith.muli %scan3A_409, %mul3A_411 : i32
        %add3A_413 = arith.constant 8192 : i32
        %add3A_414 = arith.addi %add3A_413, %mul3A_412 : i32
        %get3A_415 = arith.index_cast %add3A_414 : i32 to index
        %get3A_416 = tpu.vector_load %arg8[%get3A_415] {strides = array<i32>} : memref<16384xf32, #tpu.memory_space<vmem>>, vector<16xf32>,
        %bitcast3A = vector.bitcast %get3A_416 : vector<16xf32> to vector<16xi32>
        %gather3A = tpu.vector_load_idx %arg13[%bitcast3A] : memref<1024xi32, #tpu.memory_space<vmem>>[vector<16xi32>], vector<16xi32>,
        %mul3A_417 = arith.constant 16 : i32
        %mul3A_418 = arith.muli %scan3A_409, %mul3A_417 : i32
        %add3A_419 = arith.constant 8192 : i32
        %add3A_420 = arith.addi %add3A_419, %mul3A_418 : i32
        %get3A_421 = arith.index_cast %add3A_420 : i32 to index
        %get3A_422 = tpu.vector_load %arg7[%get3A_421] {strides = array<i32>} : memref<16384xf32, #tpu.memory_space<vmem>>, vector<16xf32>,
        %bitcast3A_423 = vector.bitcast %get3A_422 : vector<16xf32> to vector<16xi32>
        %add3A_424 = arith.addi %gather3A, %bitcast3A_423 : vector<16xi32>
        %sub3A_425 = arith.constant 1 : i32
        %sub3A_426 = vector.broadcast %sub3A_425 : i32 to vector<16xi32>
        %sub3A_427 = arith.subi %add3A_424, %sub3A_426 : vector<16xi32>
        %mul3A_428 = arith.constant 16 : i32
        %mul3A_429 = arith.muli %scan3A_409, %mul3A_428 : i32
        %swap3A_430 = arith.index_cast %mul3A_429 : i32 to index
        %swap3A_431 = tpu.vector_load %arg11[%swap3A_430] {strides = array<i32>} : memref<8192xi32, #tpu.memory_space<vmem>>, vector<16xi32>,
        tpu.vector_store %arg11[%swap3A_430], %sub3A_427 {strides = array<i32>} : memref<8192xi32, #tpu.memory_space<vmem>>, vector<16xi32>,
        tpu.vector_store_idx %arg13[%bitcast3A], %broadcast_in_dim3A_5 {add = true} : memref<1024xi32, #tpu.memory_space<vmem>>[vector<16xi32>], vector<16xi32>,
        %scan3A_432 = arith.constant 0 : i32
        scf.yield %scan3A_432 : i32
      }
      %scan3A_390 = arith.constant 512 : i32
      %dma_start3A_391 = arith.constant 8192 : i32
      %dma_start3A_392 = tpu.memref_slice %arg9[%dma_start3A_391] : memref<16384xi32, #tpu.memory_space<vmem>> -> memref<8192xi32, #tpu.memory_space<vmem>>
      %dma_start3A_393 = arith.constant 0 : i32
      %dma_start3A_394 = tpu.memref_slice %arg19[%dma_start3A_393] : memref<262144xi32, #tpu.memory_space<vmem_shared>> -> memref<262144xi32, #tpu.memory_space<vmem_shared>>
      tpu.enqueue_indirect_dma source(%dma_start3A_392 : memref<8192xi32, #tpu.memory_space<vmem>>) target(%dma_start3A_394 : memref<262144xi32, #tpu.memory_space<vmem_shared>>) offsets(%arg11 : memref<8192xi32, #tpu.memory_space<vmem>>) semaphore(%arg25 : memref<!tpu.dma_semaphore, #tpu.memory_space<semaphore_mem>>)
      %dma_wait3A_395 = arith.constant 0 : i32
      %dma_wait3A_396 = tpu.memref_slice %arg9[%dma_wait3A_395] : memref<16384xi32, #tpu.memory_space<vmem>> -> memref<8192xi32, #tpu.memory_space<vmem>>
      %dma_wait3A_397 = arith.constant 0 : i32
      %dma_wait3A_398 = tpu.memref_slice %arg19[%dma_wait3A_397] : memref<262144xi32, #tpu.memory_space<vmem_shared>> -> memref<262144xi32, #tpu.memory_space<vmem_shared>>
      tpu.wait_indirect_dma semaphore(%arg23 : memref<!tpu.dma_semaphore, #tpu.memory_space<semaphore_mem>>) src(%dma_wait3A_396 : memref<8192xi32, #tpu.memory_space<vmem>>) dst(%dma_wait3A_398 : memref<262144xi32, #tpu.memory_space<vmem_shared>>)
      %dma_wait3A_399 = arith.constant 8192 : i32
      %dma_wait3A_400 = tpu.memref_slice %arg9[%dma_wait3A_399] : memref<16384xi32, #tpu.memory_space<vmem>> -> memref<8192xi32, #tpu.memory_space<vmem>>
      %dma_wait3A_401 = arith.constant 0 : i32
      %dma_wait3A_402 = tpu.memref_slice %arg19[%dma_wait3A_401] : memref<262144xi32, #tpu.memory_space<vmem_shared>> -> memref<262144xi32, #tpu.memory_space<vmem_shared>>
      tpu.wait_indirect_dma semaphore(%arg25 : memref<!tpu.dma_semaphore, #tpu.memory_space<semaphore_mem>>) src(%dma_wait3A_400 : memref<8192xi32, #tpu.memory_space<vmem>>) dst(%dma_wait3A_402 : memref<262144xi32, #tpu.memory_space<vmem_shared>>)
      %barrier3A_403 = arith.constant 0 : index
      tpu.barrier barrier_id(%barrier3A_403)
      %mul3A_404 = arith.constant 4096 : i32
      %mul3A_405 = arith.muli %arg1, %mul3A_404 : i32
      "tpu.region"() ({
        %run_scoped3A = tpu.sem_alloc : memref<!tpu.dma_semaphore, #tpu.memory_space<semaphore_mem>>
        %dma_start3A_409 = arith.constant 0 : i32
        %dma_start3A_410 = tpu.memref_slice %arg9[%dma_start3A_409] : memref<16384xi32, #tpu.memory_space<vmem>> -> memref<4096xi32, #tpu.memory_space<vmem>>
        %dma_start3A_411 = tpu.memref_slice %arg19[%mul3A_405] : memref<262144xi32, #tpu.memory_space<vmem_shared>> -> memref<4096xi32, #tpu.memory_space<vmem_shared>>
        %dma_start3A_412 = arith.constant 0 : i32
        %dma_start3A_413 = tpu.memref_slice %arg9[%dma_start3A_412] : memref<16384xi32, #tpu.memory_space<vmem>> -> memref<4096xi32, #tpu.memory_space<vmem>>
        %dma_start3A_414 = tpu.memref_slice %arg19[%mul3A_405] : memref<262144xi32, #tpu.memory_space<vmem_shared>> -> memref<4096xi32, #tpu.memory_space<vmem_shared>>
        tpu.enqueue_dma source(%dma_start3A_414 : memref<4096xi32, #tpu.memory_space<vmem_shared>>) target(%dma_start3A_413 : memref<4096xi32, #tpu.memory_space<vmem>>) target_semaphore(%run_scoped3A : memref<!tpu.dma_semaphore, #tpu.memory_space<semaphore_mem>>)
        %dma_wait3A_415 = arith.constant 0 : i32
        %dma_wait3A_416 = tpu.memref_slice %arg9[%dma_wait3A_415] : memref<16384xi32, #tpu.memory_space<vmem>> -> memref<4096xi32, #tpu.memory_space<vmem>>
        %dma_wait3A_417 = tpu.memref_slice %arg19[%mul3A_405] : memref<262144xi32, #tpu.memory_space<vmem_shared>> -> memref<4096xi32, #tpu.memory_space<vmem_shared>>
        %dma_wait3A_418 = arith.constant 0 : i32
        %dma_wait3A_419 = tpu.memref_slice %arg9[%dma_wait3A_418] : memref<16384xi32, #tpu.memory_space<vmem>> -> memref<4096xi32, #tpu.memory_space<vmem>>
        %dma_wait3A_420 = tpu.memref_slice %arg19[%mul3A_405] : memref<262144xi32, #tpu.memory_space<vmem_shared>> -> memref<4096xi32, #tpu.memory_space<vmem_shared>>
        tpu.wait_dma2 semaphore(%run_scoped3A : memref<!tpu.dma_semaphore, #tpu.memory_space<semaphore_mem>>) src(%dma_wait3A_420 : memref<4096xi32, #tpu.memory_space<vmem_shared>>) dst(%dma_wait3A_419 : memref<4096xi32, #tpu.memory_space<vmem>>)
        tpu.yield
      }) : () -> ()
      %parallel_loop3A_406 = arith.constant 0 : i32
      %parallel_loop3A_407 = arith.constant 256 : i32
      %parallel_loop3A_408 = arith.constant 1 : i32
      scf.for %parallel_loop3A_409 = %parallel_loop3A_406 to %parallel_loop3A_407 step %parallel_loop3A_408  : i32 {
        %parallel_loop3A_410 = arith.constant 16 : i32
        %parallel_loop3A_411 = arith.muli %parallel_loop3A_409, %parallel_loop3A_410 : i32
        %parallel_loop3A_412 = arith.index_cast %parallel_loop3A_411 : i32 to index
        %parallel_loop3A_413 = tpu.vector_load %arg9[%parallel_loop3A_412] {strides = array<i32>} : memref<16384xi32, #tpu.memory_space<vmem>>, vector<16xi32>,
        %parallel_loop3A_414 = arith.constant 262143 : i32
        %parallel_loop3A_415 = vector.broadcast %parallel_loop3A_414 : i32 to vector<16xi32>
        %parallel_loop3A_416 = arith.andi %parallel_loop3A_413, %parallel_loop3A_415 : vector<16xi32>
        %parallel_loop3A_417 = arith.constant 9 : i32
        %parallel_loop3A_418 = vector.broadcast %parallel_loop3A_417 : i32 to vector<16xi32>
        %parallel_loop3A_419 = arith.shrui %parallel_loop3A_416, %parallel_loop3A_418 : vector<16xi32>
        %parallel_loop3A_420 = arith.constant 16 : i32
        %parallel_loop3A_421 = arith.muli %parallel_loop3A_409, %parallel_loop3A_420 : i32
        %parallel_loop3A_422 = arith.index_cast %parallel_loop3A_421 : i32 to index
        %parallel_loop3A_423 = tpu.vector_load %arg10[%parallel_loop3A_422] {strides = array<i32>} : memref<8192xi32, #tpu.memory_space<vmem>>, vector<16xi32>,
        tpu.vector_store %arg10[%parallel_loop3A_422], %parallel_loop3A_419 {strides = array<i32>} : memref<8192xi32, #tpu.memory_space<vmem>>, vector<16xi32>,
        %parallel_loop3A_424 = arith.constant 511 : i32
        %parallel_loop3A_425 = vector.broadcast %parallel_loop3A_424 : i32 to vector<16xi32>
        %parallel_loop3A_426 = arith.andi %parallel_loop3A_416, %parallel_loop3A_425 : vector<16xi32>
        %parallel_loop3A_427 = arith.constant 16 : i32
        %parallel_loop3A_428 = arith.muli %parallel_loop3A_409, %parallel_loop3A_427 : i32
        %parallel_loop3A_429 = arith.index_cast %parallel_loop3A_428 : i32 to index
        %parallel_loop3A_430 = tpu.vector_load %arg11[%parallel_loop3A_429] {strides = array<i32>} : memref<8192xi32, #tpu.memory_space<vmem>>, vector<16xi32>,
        tpu.vector_store %arg11[%parallel_loop3A_429], %parallel_loop3A_426 {strides = array<i32>} : memref<8192xi32, #tpu.memory_space<vmem>>, vector<16xi32>,
      } {sc.loop_unroll_factor = 4 : i64, sc.parallel_access}
      "tpu.region"() ({
        %run_scoped3A = tpu.sem_alloc : memref<!tpu.dma_semaphore, #tpu.memory_space<semaphore_mem>>
        %dma_start3A_409 = arith.constant 0 : i32
        %dma_start3A_410 = tpu.memref_slice %arg10[%dma_start3A_409] : memref<8192xi32, #tpu.memory_space<vmem>> -> memref<4096xi32, #tpu.memory_space<vmem>>
        %dma_start3A_411 = tpu.memref_slice %arg4[%mul3A_405] : memref<65536xi32, #tpu.memory_space<hbm>> -> memref<4096xi32, #tpu.memory_space<hbm>>
        %dma_start3A_412 = tpu.memref_slice %arg4[%mul3A_405] : memref<65536xi32, #tpu.memory_space<hbm>> -> memref<4096xi32, #tpu.memory_space<hbm>>
        %dma_start3A_413 = arith.constant 0 : i32
        %dma_start3A_414 = tpu.memref_slice %arg10[%dma_start3A_413] : memref<8192xi32, #tpu.memory_space<vmem>> -> memref<4096xi32, #tpu.memory_space<vmem>>
        tpu.enqueue_dma source(%dma_start3A_414 : memref<4096xi32, #tpu.memory_space<vmem>>) target(%dma_start3A_412 : memref<4096xi32, #tpu.memory_space<hbm>>) target_semaphore(%run_scoped3A : memref<!tpu.dma_semaphore, #tpu.memory_space<semaphore_mem>>)
        %dma_wait3A_415 = arith.constant 0 : i32
        %dma_wait3A_416 = tpu.memref_slice %arg10[%dma_wait3A_415] : memref<8192xi32, #tpu.memory_space<vmem>> -> memref<4096xi32, #tpu.memory_space<vmem>>
        %dma_wait3A_417 = tpu.memref_slice %arg4[%mul3A_405] : memref<65536xi32, #tpu.memory_space<hbm>> -> memref<4096xi32, #tpu.memory_space<hbm>>
        %dma_wait3A_418 = tpu.memref_slice %arg4[%mul3A_405] : memref<65536xi32, #tpu.memory_space<hbm>> -> memref<4096xi32, #tpu.memory_space<hbm>>
        %dma_wait3A_419 = arith.constant 0 : i32
        %dma_wait3A_420 = tpu.memref_slice %arg10[%dma_wait3A_419] : memref<8192xi32, #tpu.memory_space<vmem>> -> memref<4096xi32, #tpu.memory_space<vmem>>
        tpu.wait_dma2 semaphore(%run_scoped3A : memref<!tpu.dma_semaphore, #tpu.memory_space<semaphore_mem>>) src(%dma_wait3A_420 : memref<4096xi32, #tpu.memory_space<vmem>>) dst(%dma_wait3A_418 : memref<4096xi32, #tpu.memory_space<hbm>>)
        tpu.yield
      }) : () -> ()
      "tpu.region"() ({
        %run_scoped3A = tpu.sem_alloc : memref<!tpu.dma_semaphore, #tpu.memory_space<semaphore_mem>>
        %dma_start3A_409 = arith.constant 0 : i32
        %dma_start3A_410 = tpu.memref_slice %arg11[%dma_start3A_409] : memref<8192xi32, #tpu.memory_space<vmem>> -> memref<4096xi32, #tpu.memory_space<vmem>>
        %dma_start3A_411 = tpu.memref_slice %arg5[%mul3A_405] : memref<65536xi32, #tpu.memory_space<hbm>> -> memref<4096xi32, #tpu.memory_space<hbm>>
        %dma_start3A_412 = tpu.memref_slice %arg5[%mul3A_405] : memref<65536xi32, #tpu.memory_space<hbm>> -> memref<4096xi32, #tpu.memory_space<hbm>>
        %dma_start3A_413 = arith.constant 0 : i32
        %dma_start3A_414 = tpu.memref_slice %arg11[%dma_start3A_413] : memref<8192xi32, #tpu.memory_space<vmem>> -> memref<4096xi32, #tpu.memory_space<vmem>>
        tpu.enqueue_dma source(%dma_start3A_414 : memref<4096xi32, #tpu.memory_space<vmem>>) target(%dma_start3A_412 : memref<4096xi32, #tpu.memory_space<hbm>>) target_semaphore(%run_scoped3A : memref<!tpu.dma_semaphore, #tpu.memory_space<semaphore_mem>>)
        %dma_wait3A_415 = arith.constant 0 : i32
        %dma_wait3A_416 = tpu.memref_slice %arg11[%dma_wait3A_415] : memref<8192xi32, #tpu.memory_space<vmem>> -> memref<4096xi32, #tpu.memory_space<vmem>>
        %dma_wait3A_417 = tpu.memref_slice %arg5[%mul3A_405] : memref<65536xi32, #tpu.memory_space<hbm>> -> memref<4096xi32, #tpu.memory_space<hbm>>
        %dma_wait3A_418 = tpu.memref_slice %arg5[%mul3A_405] : memref<65536xi32, #tpu.memory_space<hbm>> -> memref<4096xi32, #tpu.memory_space<hbm>>
        %dma_wait3A_419 = arith.constant 0 : i32
        %dma_wait3A_420 = tpu.memref_slice %arg11[%dma_wait3A_419] : memref<8192xi32, #tpu.memory_space<vmem>> -> memref<4096xi32, #tpu.memory_space<vmem>>
        tpu.wait_dma2 semaphore(%run_scoped3A : memref<!tpu.dma_semaphore, #tpu.memory_space<semaphore_mem>>) src(%dma_wait3A_420 : memref<4096xi32, #tpu.memory_space<vmem>>) dst(%dma_wait3A_418 : memref<4096xi32, #tpu.memory_space<hbm>>)
        tpu.yield
      }) : () -> ()
    } else {
    }
    return
  }
}

</mosaic_0001>

<sc_bundles>
// kernel: _run.3.cloned.1.call-start
scs
__scs_entry_jumppad:
0x0: {  	(pc) =	sbr.rel $0x88, $3  }
0x1: {  	(tag) =	ssettag $0x0;
	lr =	simm.s32 $0x1  }
0x2: {  	[smem:$0x3F9F] =	sst lr;
	_ =	strace $0xD0000000  }
0x3: {  	_ = 	snop  }
0x4: {  	_ = 	snop  }
0x5: {  	_ = 	snop  }
0x6: {  	_ = 	snop  }
0x7: {  	_ = 	snop  }
__scs_overlays_trampoline_lowered:
0x8: {  	[smem:$0x3FAE] =	sst s0  }
0x9: {  	[smem:$0x3FAF] =	sst s1  }
0xa: {  	[smem:$0x3FB0] =	sst s2  }
0xb: {  	[smem:$0x3FB1] =	sst s3  }
0xc: {  	[smem:$0x3FB2] =	sst s4  }
0xd: {  	[smem:$0x3FB3] =	sst s5  }
0xe: {  	[smem:$0x3FB4] =	sst s6  }
0xf: {  	[smem:$0x3FB5] =	sst s7  }
0x10: {  	[smem:$0x3FB6] =	sst s8  }
0x11: {  	[smem:$0x3FB7] =	sst s9;
	s0 =	simm.s32 @!p0 $0x0  }
0x12: {  	s1 =	sld [smem:$0x3F9D];
	s0 =	simm.s32 @p0 $0x1  }
0x13: {  	[smem:$0x3FB8] =	sst s0;
	s0 =	simm.s32 @!p1 $0x0  }
0x14: {  	s2 =	sld [smem:$0x3F9C];
	s0 =	simm.s32 @p1 $0x1  }
0x15: {  	[smem:$0x3FB9] =	sst s0;
	s0 =	simm.s32 @!p2 $0x0  }
0x16: {  	s3 =	sld [smem:$0x3FDB];
	s0 =	simm.s32 @p2 $0x1  }
0x17: {  	s4 =	simm.s32 $0x1BF5;
	[smem:$0x3FBB] =	sst s0  }
0x18: {  	s0 =	sld [smem:$0x3F9E];
	_ =	swait.ge [sflag:s4], $0x0  }
0x19: {  	s7 =	sld [smem:$0x3F9F]  }
0x1a: {  	s8 =	sadd.s32 $0xFFFFE003, lr  }
0x1b: {  	s9 =	sadd.s32 $0xFFFFFEF7, lr;
	s5 =	simm.s32 $0xFFFFFFFF;
	p2 =	slt.u32 s8, $0xFFFFF086  }
0x1c: {  	p1 =	slt.u32 s9, $0xF7A;
	s5 =	simm.s32 @!p2 $0x0  }
0x1d: {  	s5 =	simm.s32 @p1 $0x1;
	p0 =	seq.s32 s7, s2  }
0x1e: {  	s7 =	smul.u32 @!p0 $0xF7A, s2;
	p2 =	seq.s32 @!p0 s5, $0x0  }
0x1f: {  	s9 =	smul.u32 $0xF7A, s1;
	s8 =	simm.s32 @!p0 $0x1BF5;
	p2 =	por !p2, p0  }
0x20: {  	[sflag:s8] =	ssyncset.s32 @!p0 $0xFFFFF086;
	s6 =	sadd.s32 @!p0 s3, s7;
	s7 =	simm.s32 @!p0 $0x108  }
0x21: {  	s3 =	sadd.s32 s3, s9;
	s6 =	sadd.s32 @!p0 $0x88, s6;
	s7 =	simm.s32 @p2 $0x1082  }
0x22: {  	[simem:s7], [sflag:s8] =	dma.local @!p0 [hbm:s6], $0xF7A  }
0x23: {  	s9 =	sor.u32 $0xD0000000, s2;
	s6 =	simm.s32 $0x108;
	_ =	swait.ge @!p0 [sflag:s8], $0x0  }
0x24: {  	s3 =	sadd.s32 $0x88, s3;
	s6 =	simm.s32 @!p1 $0x1082;
	[sflag:s4] =	ssyncset.s32 $0xFFFFF086  }
0x25: {  	[simem:s6], [sflag:s4] =	dma.local [hbm:s3], $0xF7A  }
0x26: {  	[smem:$0x3F9F] =	sst s1;
	(tag) =	ssettag s2;
	_ =	strace s9  }
0x27: {  	s1 =	sld [smem:$0x3FAF]  }
0x28: {  	s2 =	sld [smem:$0x3FB0]  }
0x29: {  	s4 =	sld [smem:$0x3FB2]  }
0x2a: {  	p0 =	seq.s32 s5, $0x0;
	s5 =	sld [smem:$0x3FB3]  }
0x2b: {  	s6 =	sld [smem:$0x3FB4]  }
0x2c: {  	s7 =	sld [smem:$0x3FB5]  }
0x2d: {  	s3 =	simm.s32 $0x108;
	s8 =	sld [smem:$0x3FB6]  }
0x2e: {  	s3 =	simm.s32 @!p0 $0x1082;
	s9 =	sld [smem:$0x3FB7]  }
0x2f: {  	lr =	sadd.s32 s0, s3;
	s0 =	sld [smem:$0x3FAE]  }
0x30: {  	s3 =	sld [smem:$0x3FB1]  }
0x31: {  	[smem:$0x3FBA] =	sst s10  }
0x32: {  	s10 =	sld [smem:$0x3FB8];
	_ =	sdelay $0x3  }
0x33: {  	p0 =	seq.s32 s10, $0x1;
	s10 =	sld [smem:$0x3FBA];
	_ =	sdelay $0x3  }
0x34: {  	[smem:$0x3FBA] =	sst s10  }
0x35: {  	s10 =	sld [smem:$0x3FB9];
	_ =	sdelay $0x3  }
0x36: {  	p1 =	seq.s32 s10, $0x1;
	s10 =	sld [smem:$0x3FBA];
	_ =	sdelay $0x3  }
0x37: {  	[smem:$0x3FBA] =	sst s10  }
0x38: {  	s10 =	sld [smem:$0x3FBB]  }
0x39: {  	_ = 	snop;
	(pc) =	sbr.ind lr, $3  }
0x3a: {  	_ = 	snop  }
0x3b: {  	_ = 	snop  }
0x3c: {  	p2 =	seq.s32 s10, $0x1;
	s10 =	sld [smem:$0x3FBA]  }
0x3d: {  	_ =	shalt  }
0x3e: {  	_ =	shalt  }
0x3f: {  	_ =	shalt  }
0x40: {  	_ =	shalt  }
0x41: {  	_ =	shalt  }
0x42: {  	_ =	shalt  }
0x43: {  	_ =	shalt  }
0x44: {  	_ =	shalt  }
0x45: {  	_ =	shalt  }
0x46: {  	_ =	shalt  }
0x47: {  	_ =	shalt  }
0x48: {  	_ =	shalt  }
0x49: {  	_ =	shalt  }
0x4a: {  	_ =	shalt  }
0x4b: {  	_ =	shalt  }
0x4c: {  	_ =	shalt  }
0x4d: {  	_ =	shalt  }
0x4e: {  	_ =	shalt  }
0x4f: {  	_ =	shalt  }
0x50: {  	_ =	shalt  }
0x51: {  	_ =	shalt  }
0x52: {  	_ =	shalt  }
0x53: {  	_ =	shalt  }
0x54: {  	_ =	shalt  }
0x55: {  	_ =	shalt  }
0x56: {  	_ =	shalt  }
0x57: {  	_ =	shalt  }
0x58: {  	_ =	shalt  }
0x59: {  	_ =	shalt  }
0x5a: {  	_ =	shalt  }
0x5b: {  	_ =	shalt  }
0x5c: {  	_ =	shalt  }
0x5d: {  	_ =	shalt  }
0x5e: {  	_ =	shalt  }
0x5f: {  	_ =	shalt  }
0x60: {  	_ =	shalt  }
0x61: {  	_ =	shalt  }
0x62: {  	_ =	shalt  }
0x63: {  	_ =	shalt  }
0x64: {  	_ =	shalt  }
0x65: {  	_ =	shalt  }
0x66: {  	_ =	shalt  }
0x67: {  	_ =	shalt  }
0x68: {  	_ =	shalt  }
0x69: {  	_ =	shalt  }
0x6a: {  	_ =	shalt  }
0x6b: {  	_ =	shalt  }
0x6c: {  	_ =	shalt  }
0x6d: {  	_ =	shalt  }
0x6e: {  	_ =	shalt  }
0x6f: {  	_ =	shalt  }
0x70: {  	_ =	shalt  }
0x71: {  	_ =	shalt  }
0x72: {  	_ =	shalt  }
0x73: {  	_ =	shalt  }
0x74: {  	_ =	shalt  }
0x75: {  	_ =	shalt  }
0x76: {  	_ =	shalt  }
0x77: {  	_ =	shalt  }
0x78: {  	_ =	shalt  }
0x79: {  	_ =	shalt  }
0x7a: {  	_ =	shalt  }
0x7b: {  	_ =	shalt  }
0x7c: {  	_ =	shalt  }
0x7d: {  	_ =	shalt  }
0x7e: {  	_ =	shalt  }
0x7f: {  	_ =	shalt  }
0x80: {  	_ =	shalt  }
0x81: {  	_ =	shalt  }
0x82: {  	_ =	shalt  }
0x83: {  	_ =	shalt  }
0x84: {  	_ =	shalt  }
0x85: {  	_ =	shalt  }
0x86: {  	_ =	shalt  }
0x87: {  	_ =	shalt  }
.Lfunc_end0:
.L_simem_size_0:
called_computation_lowered:
.L_overlay_start_0:
0x88: {  	s2 =	sld [smem:$0x3FD9]  }
0x89: {  	s3 =	sld [smem:$0x3FFE];
	_ =	sdelay $0x1  }
0x8a: {  	s1 =	srdreg.scid  }
0x8b: {  	s0 =	sand.u32 $0x1, s1  }
0x8c: {  	s15 =	sshll.u32 s0, $0xA;
	s2 =	sadd.s32 s3, s2  }
0x8d: {  	s2 =	sadd.s32 s2, s15  }
0x8e: {  	[smem:$0x3FC6] =	sst s2  }
0x8f: {  	_ = 	snop  }
0x90: {  	s2 =	sld [smem:$0x3FD0];
	_ =	sdelay $0x1  }
0x91: {  	s16 =	sld [smem:$0x3FC9]  }
0x92: {  	s5 =	simm.s32 $0xA;
	s6 =	simm.s32 $0x10;
	s4 =	sld [smem:$0x3FC8]  }
0x93: {  	[smem:s6], [sflag:s5] =	dma.local [hbm:s2], $0x1  }
0x94: {  	_ =	swait.eq [sflag:s5], $0x1  }
0x95: {  	[sflag:s5] =	ssyncset.done $0x0  }
0x96: {  	s17 =	sld [smem:$0x10];
	[sflag:s5] =	ssyncadd.s32 $0xFFFFFFFF  }
0x97: {  	s18 =	sld [smem:$0x11];
	(tm) =	ssettm $0x1  }
0x98: {  	s19 =	sld [smem:$0x3FFB];
	_ =	sdelay $0x3  }
0x99: {  	_ =	strace s19  }
0x9a: {  	s6 =	sld [smem:$0x3FFC];
	_ =	sdelay $0x3  }
0x9b: {  	_ =	strace s6  }
0x9c: {  	s6 =	sld [smem:$0x3FFD];
	_ =	sdelay $0x3  }
0x9d: {  	_ =	strace s6  }
0x9e: {  	_ =	strace $0x8FFFFFFF  }
0x9f: {  	s20 =	sld [smem:$0x3FDB];
	_ =	sdelay $0x1  }
0xa0: {  	s7 =	simm.s32 $_scs_section_size  }
0xa1: {  	s8 =	simm.s32 $_size__tile_overlayer_lowered;
	s9 =	simm.s32 $_tile_overlayer_lowered  }
0xa2: {  	s23 =	simm.s32 $0x1BFF;
	s22 =	sshll.u32 s9, $0x1;
	s6 =	sadd.s32 s7, s20  }
0xa3: {  	s10 =	simm.s32 $0x0;
	s21 =	sshll.u32 s8, $0x1;
	s8 =	sadd.s32 s22, s6  }
0xa4: {  	[timem:s10], [sflag:s23] =	dma.local [hbm:s8], s21  }
0xa5: {  	_ =	swait.ge [sflag:s23], s21  }
0xa6: {  	s7 =	ssub.s32 $0x0, s21;
	[sflag:s23] =	ssyncset.done $0x0  }
0xa7: {  	[sflag:s23] =	ssyncadd.s32 s7;
	_ =	sdelay $0x1  }
0xa8: {  	s24 =	simm.s32 $0x1B8B  }
0xa9: {  	_ =	swait.ge [sflag:s24], $0x1  }
0xaa: {  	[sflag:s24] =	ssyncset.done $0x0  }
0xab: {  	s25 =	simm.s32 $0x1B8E;
	[sflag:s24] =	ssyncadd.s32 $0xFFFFFFFF  }
0xac: {  	s26 =	simm.s32 $execute0_lowered;
	[smem:$0x3FD2] =	sst s25  }
0xad: {  	s7 =	sshll.u32 s26, $0x1;
	_ =	strace $0x80000046;
	[dreg:$0x1] =	wrdreg $0xFFFFFFFF  }
0xae: {  	s28 =	simm.s32 $_size_execute0_lowered;
	s6 =	sadd.s32 s6, s7;
	[dreg:$0x0] =	wrdreg $0x0  }
0xaf: {  	s7 =	sshll.u32 s28, $0x1;
	[dreg:$0x2] =	wrdreg s6  }
0xb0: {  	[dreg:$0x3] =	wrdreg s7  }
0xb1: {  	[dreg:$0x4] =	wrdreg $0xC0  }
0xb2: {  	_ =	task [dreg:s10], $0x5FFFF  }
0xb3: {  	[dreg:$0x1] =	wrdreg $0xFFFFFFFF  }
0xb4: {  	[dreg:$0x0] =	wrdreg $0x60  }
0xb5: {  	[dreg:$0x2] =	wrdreg s16  }
0xb6: {  	[dreg:$0x3] =	wrdreg s4  }
0xb7: {  	[dreg:$0x4] =	wrdreg s17  }
0xb8: {  	[dreg:$0x5] =	wrdreg s18  }
0xb9: {  	[dreg:$0x6] =	wrdreg $0x1F0800  }
0xba: {  	[dreg:$0x7] =	wrdreg $0x1F4800  }
0xbb: {  	[dreg:$0x8] =	wrdreg $0x170800  }
0xbc: {  	[dreg:$0x9] =	wrdreg $0x1B0800  }
0xbd: {  	[dreg:$0xa] =	wrdreg $0x9  }
0xbe: {  	_ =	task.clear_ibuf [dreg:s10], $0xBFFFF;
	_ =	strace $0x90000046  }
0xbf: {  	s29 =	simm.s32 $0x9;
	_ =	strace $0x80000048  }
0xc0: {  	_ =	swait.ge [sflag:s29], $0x1  }
0xc1: {  	[sflag:s29] =	ssyncadd.s32 $0xFFFFFFFF  }
0xc2: {  	_ =	strace $0x90000048  }
0xc3: {  	_ =	sfence  }
0xc4: {  	s30 =	sld [smem:$0x0];
	_ =	sdelay $0x2  }
0xc5: {  	s31 =	sshll.u32 s1, $0xD;
	s1 =	sshrl.u32 s1, $0x2  }
0xc6: {  	s3 =	sand.u32 $0x4000, s31;
	s1 =	sadd.s32 s1, s30  }
0xc7: {  	s0 =	sor.u32 s3, s0;
	s1 =	sshll.u32 s1, $0x11  }
0xc8: {  	s0 =	sor.u32 s1, s0  }
0xc9: {  	s0 =	sadd.s32 $0x8F2B, s0  }
0xca: {  	[sflag:s0] =	ssyncadd.remote.s32 $0x1  }
0xcb: {  	_ =	sfence.sel $0xFFFF  }
0xcc: {  	[dreg:$0x0] =	wrdreg $0xFFFFFFFF;
	(pc) =	sbr.abs _section_cstart, $3  }
0xcd: {  	[dreg:$0x1] =	wrdreg $0xFFFFFFFF  }
0xce: {  	_ =	task.clear_ibuf [dreg:s10], $0x2FFFF;
	_ =	strace $0x9FFFFFFF  }
0xcf: {  	(tm) =	ssettm $0x7FFFFFFF  }
tec
execute0_lowered:
.L_overlay_start_1:
0x0: {  	(tag) =	ssettag $0x1  }
0x1: {  	s5 =	rddreg [dreg:$0x0]  }
0x2: {  	s3 =	rddreg [dreg:$0x1]  }
0x3: {  	s2 =	rddreg [dreg:$0x2];
	s1 =	srdreg.scid  }
0x4: {  	s19 =	rddreg [dreg:$0x3];
	s1 =	sand.u32 $0x1, s1  }
0x5: {  	s6 =	rddreg [dreg:$0x4];
	p0 =	seq.s32 s1, $0x1  }
.Ltmp0:
0x6: {  	s7 =	rddreg [dreg:$0x5];
	(pc) =	sbr.rel @p0 .LBB2_58-.Ltmp0, $4  }
0x7: {  	s10 =	rddreg [dreg:$0x6]  }
0x8: {  	s4 =	rddreg [dreg:$0x7];
	s8 =	simm.s32 $0x0  }
0x9: {  	[smem:$0x7FF] =	sst s8  }
0xa: {  	s0 =	rddreg [dreg:$0x8];
	_ =	strace $0x80000047;
	s1 =	stileid.u32  }
0xb: {  	s9 =	sshll.u32 s1, $0xB  }
0xc: {  	s24 =	simm.s32 $0x5;
	s5 =	sadd.s32 s5, s9  }
0xd: {  	[tilespmem:s8], [sflag:$0x5] =	stream.linear.gather [hbm4b:s5+s8], $0x4000, $0x38;
	[tilespmem:$0x1F488] =	vst v63  }
0xe: {  	_ =	swait.ge [sflag:s24], $0x4000  }
0xf: {  	[sflag:s24] =	ssyncset.done $0x0  }
0x10: {  	s25 =	simm.s32 $0x4000;
	s3 =	sadd.s32 s3, s9;
	[sflag:s24] =	ssyncadd.s32 $0xFFFFC000  }
0x11: {  	[tilespmem:s25], [sflag:$0x5] =	stream.linear.gather [hbm4b:s3+s8], $0x4000, $0x38;
	[tilespmem:$0x1F488] =	vst v63  }
0x12: {  	_ =	swait.ge [sflag:s24], $0x4000  }
0x13: {  	[sflag:s24] =	ssyncset.done $0x0  }
0x14: {  	s15 =	simm.s32 $0x20;
	[sflag:s24] =	ssyncadd.s32 $0xFFFFC000  }
0x15: {  	v0 =	vld [tilespmem:s15+$0x10]  }
0x16: {  	s26 =	simm.s32 $0x4020;
	v1 =	vld [tilespmem:s15+$0xFFFFFFF0]  }
0x17: {  	v2 =	vld [tilespmem:s26+$0x10]  }
0x18: {  	v4 =	vld [tilespmem:s15+$0x0]  }
0x19: {  	v3 =	vld [tilespmem:s15+$0xFFFFFFE0]  }
0x1a: {  	v5 =	vld [tilespmem:s26+$0xFFFFFFE0]  }
0x1b: {  	s14 =	simm.s32 $0x60;
	v6 =	vld [tilespmem:s26+$0xFFFFFFF0]  }
0x1c: {  	v9 =	vld [tilespmem:s14+$0x10]  }
0x1d: {  	s16 =	simm.s32 $0x4060;
	v10 =	vld [tilespmem:s14+$0xFFFFFFF0];
	v0 =	vsub.f32 $1.000000000e+00, v0  }
0x1e: {  	v12 =	vld [tilespmem:s16+$0x10];
	v8 =	vsub.f32 $1.000000000e+00, v3  }
0x1f: {  	s28 =	sshll.u32 s1, $0xE;
	s13 =	sshll.u32 s1, $0xA;
	s29 =	sor.u32 $0x10, s1;
	v11 =	vsub.f32 $1.000000000e+00, v1;
	v0 =	vmul.f32 v2, v0  }
0x20: {  	s17 =	simm.s32 $0xC020;
	s21 =	sshll.u32 s1, $0x9;
	s30 =	sor.u32 $0x2000, s28;
	v7 =	vld [tilespmem:s26+$0x0];
	v5 =	vmul.f32 v5, v8  }
0x21: {  	s11 =	sadd.s32 s28, s10;
	s18 =	sadd.s32 $0x30, s28;
	v13 =	vmov s29;
	s12 =	sadd.s32 s30, s10;
	v3 =	vld [tilespmem:s14+$0x0];
	v16 =	vsub.f32 $1.000000000e+00, v9;
	v15 =	vmul.f32 v6, v11;
	[tilespmem:s15+$0x10] =	vst v0  }
0x22: {  	s9 =	sadd.s32 s30, s4;
	s20 =	sadd.s32 $0xFFFFFFD0, s18;
	s22 =	sadd.s32 $0xFFFFFFE0, s18;
	v1 =	vmov s1;
	v4 =	vsub.f32 $1.000000000e+00, v4;
	v2 =	vlaneseq.u32;
	v8 =	vld [tilespmem:s14+$0xFFFFFFE0];
	[tilespmem:s15+$0xFFFFFFE0] =	vst v5  }
0x23: {  	s31 =	sadd.s32 $0xFFFFFFF0, s18;
	s8 =	sadd.s32 s28, s4;
	s3 =	sshrl.u32 s28, $0x2;
	v9 =	vld [tilespmem:s16+$0xFFFFFFF0];
	v10 =	vsub.f32 $1.000000000e+00, v10;
	v12 =	vmul.f32 v12, v16;
	v0 =	vor.u32 s18, v2;
	[tilespmem:s15+$0xFFFFFFF0] =	vst v15  }
0x24: {  	s5 =	sadd.s32 s3, s4;
	s3 =	sadd.s32 s2, s21;
	s2 =	sadd.s32 s19, s21;
	v6 =	vld [tilespmem:s16+$0xFFFFFFE0];
	vm0 =	veq.s32 v2, $0x0;
	v14 =	vor.u32 s20, v2;
	v11 =	vor.u32 s22, v2;
	[tilespmem:s17+$0x10] =	vst v0  }
0x25: {  	s21 =	simm.s32 $0xA0;
	s19 =	simm.s32 $0xC020;
	s20 =	simm.s32 $0x4;
	v5 =	vmul.f32 v7, v4;
	v4 =	vor.u32 s31, v2;
	v7 =	vld [tilespmem:s16+$0x0];
	v0 =	vsel vm0, s1, v13;
	[tilespmem:s17+$0xFFFFFFE0] =	vst v14  }
.LBB2_2:
0x26: {  	v13 =	vld [tilespmem:s21+$0x10];
	v14 =	vsub.f32 $1.000000000e+00, v3;
	[tilespmem:s17+$0xFFFFFFF0] =	vst v11;
	s18 =	sadd.s32 $0x40, s18  }
0x27: {  	s20 =	sadd.s32 $0x4, s20;
	s16 =	sadd.s32 $0x40, s16;
	s17 =	sadd.s32 $0x40, s17;
	v15 =	vld [tilespmem:s21+$0xFFFFFFF0];
	v8 =	vsub.f32 $1.000000000e+00, v8;
	[tilespmem:s14+$0x10] =	vst v12;
	v3 =	vor.u32 s18, v2  }
0x28: {  	p0 =	slt.u32 s20, $0x3FC;
	s22 =	sadd.s32 $0xFFFFFFD0, s18;
	s23 =	sadd.s32 $0xFFFFFFE0, s18;
	v12 =	vld [tilespmem:s16+$0x10];
	[tilespmem:s17+$0x10] =	vst v3  }
.Ltmp1:
0x29: {  	v17 =	vor.u32 s22, v2;
	s22 =	sadd.s32 $0xFFFFFFF0, s18;
	v3 =	vld [tilespmem:s21+$0x0];
	v16 =	vmul.f32 v6, v8;
	v18 =	vmul.f32 v9, v10;
	[tilespmem:s15+$0x0] =	vst v5;
	s15 =	smov.u32 s14;
	(pc) =	sbr.rel @p0 .LBB2_2-.Ltmp1, $4  }
0x2a: {  	v11 =	vor.u32 s23, v2;
	s14 =	smov.u32 s21;
	v8 =	vld [tilespmem:s21+$0xFFFFFFE0];
	v5 =	vmul.f32 v7, v14;
	[tilespmem:s19+$0x0] =	vst v4;
	v4 =	vor.u32 s22, v2;
	s19 =	smov.u32 s17  }
0x2b: {  	v6 =	vld [tilespmem:s16+$0xFFFFFFE0];
	v13 =	vsub.f32 $1.000000000e+00, v13;
	[tilespmem:s15+$0xFFFFFFE0] =	vst v16  }
0x2c: {  	v9 =	vld [tilespmem:s16+$0xFFFFFFF0];
	v10 =	vsub.f32 $1.000000000e+00, v15;
	[tilespmem:s17+$0xFFFFFFE0] =	vst v17  }
0x2d: {  	s21 =	sadd.s32 $0x40, s21;
	v7 =	vld [tilespmem:s16+$0x0];
	v12 =	vmul.f32 v12, v13;
	[tilespmem:s15+$0xFFFFFFF0] =	vst v18  }
0x2e: {  	[tilespmem:s17+$0xFFFFFFF0] =	vst v11  }
0x2f: {  	[tilespmem:s15+$0x0] =	vst v5;
	v8 =	vsub.f32 $1.000000000e+00, v8  }
0x30: {  	s16 =	sadd.s32 $0x40, s18;
	[tilespmem:s14+$0x10] =	vst v12  }
0x31: {  	s20 =	sadd.s32 $0x40, s17;
	v11 =	vor.u32 s16, v2;
	[tilespmem:s19+$0x0] =	vst v4;
	v6 =	vmul.f32 v6, v8  }
0x32: {  	v3 =	vsub.f32 $1.000000000e+00, v3;
	s21 =	sadd.s32 $0xFFFFFFD0, s16;
	s18 =	sadd.s32 $0xFFFFFFE0, s16;
	[tilespmem:s20+$0x10] =	vst v11;
	v5 =	vmul.f32 v9, v10  }
0x33: {  	s22 =	sadd.s32 $0xFFFFFFF0, s16;
	v4 =	vor.u32 s21, v2;
	v8 =	vor.u32 s18, v2;
	[tilespmem:s14+$0xFFFFFFE0] =	vst v6  }
0x34: {  	s24 =	simm.s32 $0x30;
	s26 =	simm.s32 $0x20;
	v6 =	vmul.f32 v7, v3;
	v7 =	vor.u32 s22, v2;
	v2 =	vlaneseq.u32;
	[tilespmem:s14+$0xFFFFFFF0] =	vst v5  }
0x35: {  	s23 =	simm.s32 $0x0;
	s25 =	simm.s32 $0x10;
	v9 =	vmov s26;
	v5 =	vmov s24;
	[tilespmem:s20+$0xFFFFFFE0] =	vst v4;
	v3 =	vmul.u32 $0x10, v2  }
0x36: {  	v4 =	vmov s23;
	[tilespmem:s20+$0xFFFFFFF0] =	vst v8;
	v8 =	vmov s25;
	v5 =	vshll.u32 v5, $0x4  }
0x37: {  	[tilespmem:s14+$0x0] =	vst v6;
	v6 =	vshll.u32 v8, $0x4;
	v8 =	vshll.u32 v9, $0x4;
	v5 =	vor.u32 v3, v5  }
0x38: {  	s28 =	sadd.s32 $0x0, s13;
	s14 =	simm.s32 $0x16420;
	v4 =	vshll.u32 v4, $0x4;
	[tilespmem:s20+$0x0] =	vst v7;
	v6 =	vor.u32 v3, v6;
	v5 =	vor.u32 v1, v5  }
0x39: {  	s29 =	sadd.s32 $0x30, s28;
	s30 =	sadd.s32 $0x10, s28;
	v4 =	vor.u32 v3, v4;
	v7 =	vor.u32 v3, v8;
	v9 =	vor.u32 v1, v6;
	[tilespmem:s14+$0x10] =	vst v5  }
0x3a: {  	s15 =	simm.s32 $0x16820;
	s31 =	sadd.s32 $0x20, s28;
	v8 =	vor.u32 s30, v2;
	v6 =	vor.u32 v1, v7;
	v5 =	vor.u32 s29, v2;
	[tilespmem:s14+$0xFFFFFFF0] =	vst v9  }
0x3b: {  	s17 =	simm.s32 $0x40;
	s16 =	simm.s32 $0x0;
	v4 =	vor.u32 v1, v4;
	v7 =	vor.u32 s31, v2;
	[tilespmem:s15+$0x10] =	vst v5;
	v5 =	vor.u32 s28, v2  }
.LBB2_4:
0x3c: {  	v9 =	vmov s17;
	s18 =	sadd.s32 $0x10, s17;
	s19 =	sadd.s32 $0x20, s17;
	s20 =	sadd.s32 $0x30, s17;
	[tilespmem:s15+$0xFFFFFFF0] =	vst v8  }
0x3d: {  	s16 =	sadd.s32 $0x4, s16;
	v8 =	vmov s18;
	v10 =	vmov s19;
	v11 =	vmov s20;
	[tilespmem:s14+$0x0] =	vst v6  }
0x3e: {  	p0 =	slt.u32 s16, $0x3C;
	v6 =	vshll.u32 v8, $0x4;
	v8 =	vshll.u32 v10, $0x4;
	v10 =	vshll.u32 v11, $0x4;
	[tilespmem:s15+$0x0] =	vst v7  }
.Ltmp2:
0x3f: {  	s18 =	sadd.s32 s17, s13;
	v7 =	vshll.u32 v9, $0x4;
	v6 =	vor.u32 v3, v6;
	v9 =	vor.u32 v3, v10;
	[tilespmem:s14+$0xFFFFFFE0] =	vst v4;
	(pc) =	sbr.rel @p0 .LBB2_4-.Ltmp2, $4  }
0x40: {  	s19 =	sadd.s32 $0x10, s18;
	s20 =	sadd.s32 $0x30, s18;
	v4 =	vor.u32 v3, v7;
	v7 =	vor.u32 v3, v8;
	s14 =	sadd.s32 $0x40, s14;
	v8 =	vor.u32 v1, v9;
	[tilespmem:s15+$0xFFFFFFE0] =	vst v5  }
0x41: {  	s21 =	sadd.s32 $0x20, s18;
	v9 =	vor.u32 v1, v6;
	v6 =	vor.u32 v1, v7;
	v5 =	vor.u32 s20, v2;
	s15 =	sadd.s32 $0x40, s15;
	[tilespmem:s14+$0x10] =	vst v8  }
0x42: {  	v4 =	vor.u32 v1, v4;
	v7 =	vor.u32 s21, v2;
	v8 =	vor.u32 s19, v2;
	[tilespmem:s15+$0x10] =	vst v5  }
0x43: {  	s17 =	sadd.s32 $0x40, s17;
	v5 =	vor.u32 s18, v2;
	[tilespmem:s14+$0xFFFFFFF0] =	vst v9  }
0x44: {  	[tilespmem:s15+$0xFFFFFFF0] =	vst v8  }
0x45: {  	[tilespmem:s14+$0x0] =	vst v6  }
0x46: {  	[tilespmem:s14+$0xFFFFFFE0] =	vst v4  }
0x47: {  	[tilespmem:s15+$0x0] =	vst v7  }
0x48: {  	s13 =	simm.s32 $0x14040;
	v1 =	vimm.s32 $0x0;
	[tilespmem:s15+$0xFFFFFFE0] =	vst v5  }
0x49: {  	[tilespmem:s13+$0xFFFFFFC0] =	vst v1  }
0x4a: {  	[tilespmem:s13+$0x30] =	vst v1  }
0x4b: {  	[tilespmem:s13+$0x20] =	vst v1  }
0x4c: {  	[tilespmem:s13+$0x10] =	vst v1  }
0x4d: {  	[tilespmem:s13+$0x0] =	vst v1  }
0x4e: {  	[tilespmem:s13+$0xFFFFFFF0] =	vst v1  }
0x4f: {  	s14 =	simm.s32 $0x0;
	[tilespmem:s13+$0xFFFFFFE0] =	vst v1  }
.LBB2_6:
0x50: {  	s14 =	sadd.s32 $0x8, s14;
	[tilespmem:s13+$0xFFFFFFD0] =	vst v1;
	s13 =	sadd.s32 $0x80, s13  }
0x51: {  	[tilespmem:s13+$0xFFFFFFC0] =	vst v1;
	p0 =	slt.u32 s14, $0x1F8  }
0x52: {  	[tilespmem:s13+$0x30] =	vst v1  }
.Ltmp3:
0x53: {  	[tilespmem:s13+$0x20] =	vst v1;
	(pc) =	sbr.rel @p0 .LBB2_6-.Ltmp3, $4  }
0x54: {  	[tilespmem:s13+$0x10] =	vst v1  }
0x55: {  	[tilespmem:s13+$0x0] =	vst v1  }
0x56: {  	[tilespmem:s13+$0xFFFFFFF0] =	vst v1  }
0x57: {  	[tilespmem:s13+$0xFFFFFFE0] =	vst v1  }
0x58: {  	[tilespmem:s13+$0xFFFFFFD0] =	vst v1;
	s31 =	simm.s32 $0x40  }
0x59: {  	v1 =	vld [tilespmem:s31+$0x10]  }
0x5a: {  	v2 =	vld [tilespmem:s31+$0x20]  }
0x5b: {  	v3 =	vld [tilespmem:s31+$0xFFFFFFE0]  }
0x5c: {  	v4 =	vld [tilespmem:s31+$0xFFFFFFF0]  }
0x5d: {  	v5 =	vld [tilespmem:s31+$0x30]  }
0x5e: {  	v6 =	vld [tilespmem:s31+$0xFFFFFFC0];
	v7 =	vand.u32 $0x3FF, v1  }
0x5f: {  	v1 =	vld [tilespmem:s31+$0xFFFFFFD0];
	v9 =	vand.u32 $0x3FF, v2;
	v8 =	vxor.u32 $0x3FF, v7  }
0x60: {  	v3 =	vand.u32 $0x3FF, v3;
	v10 =	vxor.u32 $0x3FF, v9;
	(xrf1) =	vunique.msk.u32 $0xffff, v8  }
0x61: {  	v4 =	vand.u32 $0x3FF, v4;
	v11 =	vxor.u32 $0x3FF, v3;
	(xrf1) =	vunique.msk.u32 $0xffff, v10  }
0x62: {  	v12 =	vxor.u32 $0x3FF, v4;
	(xrf1) =	vunique.msk.u32 $0xffff, v11  }
0x63: {  	v16 =	vandn.u32 $0x3FF, v6;
	v18 =	vand.u32 $0x3FF, v5;
	(xrf1) =	vunique.msk.u32 $0xffff, v12  }
0x64: {  	v2 =	vxor.u32 $0x3FF, v18;
	v19 =	vand.u32 $0x3FF, v1;
	(xrf1) =	vunique.msk.u32 $0xffff, v16  }
0x65: {  	v1 =	vxor.u32 $0x3FF, v19;
	(xrf1) =	vunique.msk.u32 $0xffff, v2  }
0x66: {  	(xrf1) =	vunique.msk.u32 $0xffff, v1;
	_ =	sdelay $0x3  }
0x67: {  	v5 =	vld [tilespmem:s31+$0x0];
	_ =	sdelay $0x3  }
0x68: {  	s15 =	simm.s32 $0x4040;
	_, v6, _ =	vpop (xrf1)  }
0x69: {  	v5 =	vand.u32 $0x3FF, v5;
	_, v13, _ =	vpop (xrf1);
	[tilespmem:s15+$0x10] =	vst v6  }
0x6a: {  	s14 =	simm.s32 $0x8040;
	v20 =	vxor.u32 $0x3FF, v5;
	[tilespmem:s15+$0x20] =	vst v13;
	_, v13, _ =	vpop (xrf1)  }
0x6b: {  	s16 =	simm.s32 $0xC0;
	(xrf1) =	vunique.msk.u32 $0xffff, v20;
	[tilespmem:s14+$0x10] =	vst v8;
	_, v6, _ =	vpop (xrf1)  }
0x6c: {  	v15 =	vld [tilespmem:s16+$0x20];
	[tilespmem:s14+$0x20] =	vst v10;
	_, v8, _ =	vpop (xrf1)  }
0x6d: {  	v14 =	vld [tilespmem:s16+$0x10];
	v3 =	vxor.u32 $0xBFF, v3;
	[tilespmem:s15+$0xFFFFFFE0] =	vst v13;
	_, v10, _ =	vpop (xrf1)  }
0x6e: {  	v22 =	vld [tilespmem:s16+$0xFFFFFFF0];
	[tilespmem:s15+$0x30] =	vst v10;
	_, v10, _ =	vpop (xrf1)  }
0x6f: {  	[tilespmem:s15+$0xFFFFFFD0] =	vst v10;
	v10 =	vld [tilespmem:s16+$0xFFFFFFE0]  }
0x70: {  	v23 =	vld [tilespmem:s16+$0xFFFFFFC0];
	[tilespmem:s14+$0xFFFFFFE0] =	vst v11  }
0x71: {  	s13 =	simm.s32 $0x14000;
	v11 =	vld [tilespmem:s16+$0x30];
	[tilespmem:s14+$0xFFFFFFD0] =	vst v1;
	v1 =	vimm.s32 $0x1  }
0x72: {  	[tilespmem:v3+s13+$0x0] =	vst.idx.add.s32.msk $0xffff, v1;
	v3 =	vand.u32 $0x3FF, v14  }
0x73: {  	v17 =	vld [tilespmem:s16+$0xFFFFFFD0];
	v21 =	vxor.u32 $0xFFF, v4;
	v4 =	vand.u32 $0x3FF, v15;
	[tilespmem:s15+$0xFFFFFFF0] =	vst v6;
	v14 =	vxor.u32 $0x3FF, v3  }
0x74: {  	v25 =	vld [tilespmem:s16+$0x0];
	v15 =	vxor.u32 $0x3FF, v4;
	[tilespmem:s14+$0xFFFFFFF0] =	vst v12;
	(xrf1) =	vunique.msk.u32 $0xffff, v14;
	v13 =	vand.u32 $0x3FF, v10  }
0x75: {  	[tilespmem:s15+$0xFFFFFFC0] =	vst v8;
	v12 =	vand.u32 $0x3FF, v22;
	(xrf1) =	vunique.msk.u32 $0xffff, v15;
	v8 =	vxor.u32 $0x3FF, v13  }
0x76: {  	v24 =	vxor.u32 $0x17FF, v7;
	v62 =	vxor.u32 $0x1BFF, v9;
	v6 =	vxor.u32 $0x3FF, v12;
	(xrf1) =	vunique.msk.u32 $0xffff, v8  }
0x77: {  	v7 =	vandn.u32 $0x3FF, v23;
	v63 =	vxor.u32 $0x13FF, v5;
	v5 =	vand.u32 $0x3FF, v11;
	(xrf1) =	vunique.msk.u32 $0xffff, v6  }
0x78: {  	v9 =	vand.u32 $0x3FF, v17;
	[tilespmem:s14+$0xFFFFFFC0] =	vst v16;
	v17 =	vxor.u32 $0x3FF, v5;
	(xrf1) =	vunique.msk.u32 $0xffff, v7  }
0x79: {  	[tilespmem:v16+s13+$0x0] =	vst.idx.add.s32.msk $0xffff, v1;
	v11 =	vand.u32 $0x3FF, v25;
	v16 =	vxor.u32 $0x3FF, v9;
	_, v10, _ =	vpop (xrf1);
	(xrf1) =	vunique.msk.u32 $0xffff, v17  }
0x7a: {  	[tilespmem:s15+$0x0] =	vst v10;
	v10 =	vxor.u32 $0x3FF, v11;
	(xrf1) =	vunique.msk.u32 $0xffff, v16  }
0x7b: {  	(xrf1) =	vunique.msk.u32 $0xffff, v10  }
0x7c: {  	[tilespmem:v21+s13+$0x0] =	vst.idx.add.s32.msk $0xffff, v1  }
0x7d: {  	v19 =	vxor.u32 $0x7FF, v19;
	[tilespmem:v24+s13+$0x0] =	vst.idx.add.s32.msk $0xffff, v1  }
0x7e: {  	v18 =	vxor.u32 $0x1FFF, v18;
	[tilespmem:v62+s13+$0x0] =	vst.idx.add.s32.msk $0xffff, v1  }
0x7f: {  	s18 =	simm.s32 $0x8;
	s17 =	simm.s32 $0x40C0;
	[tilespmem:s14+$0x0] =	vst v20  }
0x80: {  	s19 =	simm.s32 $0x140;
	s16 =	simm.s32 $0x40C0;
	s15 =	simm.s32 $0x80C0;
	[tilespmem:v63+s13+$0x0] =	vst.idx.add.s32.msk $0xffff, v1  }
.LBB2_8:
0x81: {  	v20 =	vld [tilespmem:s19+$0x20];
	s18 =	sadd.s32 $0x8, s18;
	[tilespmem:s14+$0x30] =	vst v2;
	v2 =	vmov v17;
	s14 =	smov.u32 s15  }
0x82: {  	p0 =	slt.u32 s18, $0x1F8;
	_, v17, _ =	vpop (xrf1);
	[tilespmem:v19+s13+$0x0] =	vst.idx.add.s32.msk $0xffff, v1  }
0x83: {  	_, v19, _ =	vpop (xrf1);
	[tilespmem:v18+s13+$0x0] =	vst.idx.add.s32.msk $0xffff, v1  }
0x84: {  	v18 =	vld [tilespmem:s19+$0x10];
	[tilespmem:s17+$0x20] =	vst v19;
	_, v19, _ =	vpop (xrf1)  }
0x85: {  	v21 =	vld [tilespmem:s19+$0xFFFFFFE0];
	[tilespmem:s17+$0x10] =	vst v17;
	_, v17, _ =	vpop (xrf1)  }
0x86: {  	v22 =	vld [tilespmem:s19+$0x0];
	[tilespmem:s15+$0x10] =	vst v14;
	_, v23, _ =	vpop (xrf1)  }
0x87: {  	v24 =	vld [tilespmem:s19+$0xFFFFFFD0];
	[tilespmem:s15+$0x20] =	vst v15;
	_, v14, _ =	vpop (xrf1)  }
0x88: {  	v26 =	vxor.u32 $0xBFF, v13;
	v25 =	vld [tilespmem:s19+$0xFFFFFFF0];
	[tilespmem:s17+$0x30] =	vst v14;
	_, v13, _ =	vpop (xrf1)  }
0x89: {  	v27 =	vld [tilespmem:s19+$0x30];
	[tilespmem:s17+$0xFFFFFFD0] =	vst v13;
	_, v28, _ =	vpop (xrf1)  }
0x8a: {  	v30 =	vxor.u32 $0x17FF, v3;
	v3 =	vand.u32 $0x3FF, v18;
	v29 =	vld [tilespmem:s19+$0xFFFFFFC0];
	[tilespmem:s15+$0xFFFFFFD0] =	vst v16;
	v16 =	vxor.u32 $0xFFF, v12  }
0x8b: {  	v20 =	vand.u32 $0x3FF, v20;
	v14 =	vxor.u32 $0x3FF, v3;
	v18 =	vand.u32 $0x3FF, v22;
	[tilespmem:s17+$0xFFFFFFE0] =	vst v19  }
0x8c: {  	v15 =	vxor.u32 $0x3FF, v20;
	v13 =	vand.u32 $0x3FF, v21;
	(xrf1) =	vunique.msk.u32 $0xffff, v14;
	[tilespmem:s15+$0xFFFFFFE0] =	vst v8  }
0x8d: {  	v8 =	vxor.u32 $0x3FF, v13;
	v12 =	vand.u32 $0x3FF, v25;
	(xrf1) =	vunique.msk.u32 $0xffff, v15;
	[tilespmem:v26+s13+$0x0] =	vst.idx.add.s32.msk $0xffff, v1  }
0x8e: {  	v21 =	vand.u32 $0x3FF, v24;
	v19 =	vxor.u32 $0x3FF, v12;
	(xrf1) =	vunique.msk.u32 $0xffff, v8;
	[tilespmem:s17+$0xFFFFFFF0] =	vst v17  }
0x8f: {  	v24 =	vand.u32 $0x3FF, v27;
	v22 =	vandn.u32 $0x3FF, v29;
	(xrf1) =	vunique.msk.u32 $0xffff, v19;
	[tilespmem:s15+$0xFFFFFFF0] =	vst v6;
	v6 =	vmovc v19  }
0x90: {  	v25 =	vxor.u32 $0x1BFF, v4;
	v4 =	vmovc v20;
	v17 =	vxor.u32 $0x3FF, v24;
	(xrf1) =	vunique.msk.u32 $0xffff, v22;
	[tilespmem:v16+s13+$0x0] =	vst.idx.add.s32.msk $0xffff, v1  }
0x91: {  	v16 =	vxor.u32 $0x3FF, v21;
	(xrf1) =	vunique.msk.u32 $0xffff, v17;
	[tilespmem:s17+$0xFFFFFFC0] =	vst v23  }
0x92: {  	v20 =	vxor.u32 $0x3FF, v18;
	(xrf1) =	vunique.msk.u32 $0xffff, v16;
	[tilespmem:s15+$0xFFFFFFC0] =	vst v7  }
0x93: {  	v23 =	vxor.u32 $0x13FF, v11;
	v11 =	vmovc v18;
	(xrf1) =	vunique.msk.u32 $0xffff, v20;
	[tilespmem:v7+s13+$0x0] =	vst.idx.add.s32.msk $0xffff, v1;
	v7 =	vmov v22  }
.Ltmp4:
0x94: {  	[tilespmem:v30+s13+$0x0] =	vst.idx.add.s32.msk $0xffff, v1;
	(pc) =	sbr.rel @p0 .LBB2_8-.Ltmp4, $4  }
0x95: {  	v19 =	vxor.u32 $0x7FF, v9;
	v9 =	vmovc v21;
	v18 =	vxor.u32 $0x1FFF, v5;
	s17 =	sadd.s32 $0x80, s17;
	v5 =	vmov v24;
	[tilespmem:v25+s13+$0x0] =	vst.idx.add.s32.msk $0xffff, v1  }
0x96: {  	[tilespmem:s16+$0x0] =	vst v28;
	s16 =	smov.u32 s17  }
0x97: {  	s15 =	sadd.s32 $0x80, s15;
	[tilespmem:s14+$0x0] =	vst v10;
	v10 =	vmov v20  }
0x98: {  	s19 =	sadd.s32 $0x80, s19;
	[tilespmem:v23+s13+$0x0] =	vst.idx.add.s32.msk $0xffff, v1  }
0x99: {  	_ =	sdelay $0x2  }
0x9a: {  	[tilespmem:s14+$0x30] =	vst v2  }
0x9b: {  	[tilespmem:v19+s13+$0x0] =	vst.idx.add.s32.msk $0xffff, v1  }
0x9c: {  	_, v2, _ =	vpop (xrf1);
	[tilespmem:v18+s13+$0x0] =	vst.idx.add.s32.msk $0xffff, v1  }
0x9d: {  	_, v19, _ =	vpop (xrf1);
	[tilespmem:s17+$0x10] =	vst v2  }
0x9e: {  	[tilespmem:s17+$0x20] =	vst v19  }
0x9f: {  	v13 =	vxor.u32 $0xBFF, v13;
	[tilespmem:s15+$0x10] =	vst v14  }
0xa0: {  	_, v18, _ =	vpop (xrf1);
	[tilespmem:s15+$0x20] =	vst v15  }
0xa1: {  	[tilespmem:s17+$0xFFFFFFE0] =	vst v18  }
0xa2: {  	_, v2, _ =	vpop (xrf1);
	[tilespmem:s15+$0xFFFFFFE0] =	vst v8  }
0xa3: {  	v12 =	vxor.u32 $0xFFF, v12;
	[tilespmem:s17+$0xFFFFFFF0] =	vst v2  }
0xa4: {  	[tilespmem:v13+s13+$0x0] =	vst.idx.add.s32.msk $0xffff, v1  }
0xa5: {  	_, v14, _ =	vpop (xrf1);
	[tilespmem:s15+$0xFFFFFFF0] =	vst v6  }
0xa6: {  	_, v15, _ =	vpop (xrf1);
	[tilespmem:s17+$0xFFFFFFC0] =	vst v14  }
0xa7: {  	[tilespmem:s17+$0x30] =	vst v15  }
0xa8: {  	[tilespmem:v12+s13+$0x0] =	vst.idx.add.s32.msk $0xffff, v1  }
0xa9: {  	v2 =	vxor.u32 $0x17FF, v3;
	_, v15, _ =	vpop (xrf1);
	[tilespmem:s15+$0xFFFFFFC0] =	vst v7  }
0xaa: {  	v3 =	vxor.u32 $0x1BFF, v4;
	[tilespmem:s17+$0xFFFFFFD0] =	vst v15  }
0xab: {  	[tilespmem:v7+s13+$0x0] =	vst.idx.add.s32.msk $0xffff, v1  }
0xac: {  	v6 =	vxor.u32 $0x7FF, v9;
	[tilespmem:s15+$0x30] =	vst v17  }
0xad: {  	[tilespmem:s15+$0xFFFFFFD0] =	vst v16  }
0xae: {  	v4 =	vxor.u32 $0x13FF, v11;
	[tilespmem:v2+s13+$0x0] =	vst.idx.add.s32.msk $0xffff, v1  }
0xaf: {  	_, v2, _ =	vpop (xrf1);
	[tilespmem:v3+s13+$0x0] =	vst.idx.add.s32.msk $0xffff, v1;
	v3 =	vxor.u32 $0x1FFF, v5  }
0xb0: {  	[tilespmem:s16+$0x0] =	vst v2  }
0xb1: {  	[tilespmem:v6+s13+$0x0] =	vst.idx.add.s32.msk $0xffff, v1  }
0xb2: {  	[tilespmem:s15+$0x0] =	vst v10  }
0xb3: {  	[tilespmem:v4+s13+$0x0] =	vst.idx.add.s32.msk $0xffff, v1  }
0xb4: {  	s29 =	simm.s32 $0x2070;
	[tilespmem:v3+s13+$0x0] =	vst.idx.add.s32.msk $0xffff, v1  }
0xb5: {  	v1 =	vld [tilespmem:s29+$0xFFFFFFD0]  }
0xb6: {  	v2 =	vld [tilespmem:s29+$0xFFFFFFE0]  }
0xb7: {  	v3 =	vld [tilespmem:s29+$0xFFFFFFC0]  }
0xb8: {  	v4 =	vld [tilespmem:s29+$0x0]  }
0xb9: {  	v5 =	vld [tilespmem:s29+$0xFFFFFFF0]  }
0xba: {  	v7 =	vand.u32 $0x3FF, v1  }
0xbb: {  	v6 =	vld [tilespmem:s29+$0xFFFFFFA0];
	v8 =	vand.u32 $0x3FF, v2;
	v1 =	vxor.u32 $0x3FF, v7  }
0xbc: {  	v18 =	vand.u32 $0x3FF, v3;
	v3 =	vxor.u32 $0x3FF, v8;
	(xrf1) =	vunique.msk.u32 $0xffff, v1  }
0xbd: {  	v4 =	vand.u32 $0x3FF, v4;
	v2 =	vxor.u32 $0x3FF, v18;
	(xrf1) =	vunique.msk.u32 $0xffff, v3  }
0xbe: {  	v5 =	vand.u32 $0x3FF, v5;
	v9 =	vxor.u32 $0x3FF, v4;
	(xrf1) =	vunique.msk.u32 $0xffff, v2  }
0xbf: {  	v10 =	vxor.u32 $0x3FF, v5;
	(xrf1) =	vunique.msk.u32 $0xffff, v9  }
0xc0: {  	v6 =	vand.u32 $0x3FF, v6;
	(xrf1) =	vunique.msk.u32 $0xffff, v10  }
0xc1: {  	v11 =	vxor.u32 $0x3FF, v6  }
0xc2: {  	(xrf1) =	vunique.msk.u32 $0xffff, v11;
	_ =	sdelay $0x2  }
0xc3: {  	v12 =	vld [tilespmem:s29+$0xFFFFFF90];
	_ =	sdelay $0x1  }
0xc4: {  	v13 =	vld [tilespmem:s29+$0xFFFFFFB0];
	_ =	sdelay $0x2  }
0xc5: {  	s30 =	simm.s32 $0x6070;
	v16 =	vandn.u32 $0x3FF, v12;
	_, v14, _ =	vpop (xrf1)  }
0xc6: {  	(xrf1) =	vunique.msk.u32 $0xffff, v16;
	_, v12, _ =	vpop (xrf1);
	[tilespmem:s30+$0xFFFFFFD0] =	vst v14  }
0xc7: {  	s31 =	simm.s32 $0x20F0;
	s13 =	simm.s32 $0xA070;
	v17 =	vand.u32 $0x3FF, v13;
	_, v19, _ =	vpop (xrf1);
	[tilespmem:s30+$0xFFFFFFE0] =	vst v12  }
0xc8: {  	v21 =	vld [tilespmem:s31+$0x0];
	v20 =	vxor.u32 $0x3FF, v17;
	[tilespmem:s13+$0xFFFFFFD0] =	vst v1;
	_, v12, _ =	vpop (xrf1)  }
0xc9: {  	v15 =	vld [tilespmem:s31+$0xFFFFFFE0];
	v8 =	vxor.u32 $0x17FF, v8;
	[tilespmem:s13+$0xFFFFFFE0] =	vst v3;
	_, v3, _ =	vpop (xrf1);
	(xrf1) =	vunique.msk.u32 $0xffff, v20  }
0xca: {  	v22 =	vld [tilespmem:s31+$0xFFFFFF90];
	v6 =	vxor.u32 $0x7FF, v6;
	[tilespmem:s30+$0x0] =	vst v12  }
0xcb: {  	v13 =	vld [tilespmem:s31+$0xFFFFFFC0];
	_, v1, _ =	vpop (xrf1);
	[tilespmem:s13+$0x0] =	vst v9  }
0xcc: {  	v4 =	vxor.u32 $0x1FFF, v4;
	v14 =	vld [tilespmem:s31+$0xFFFFFFD0];
	[tilespmem:s30+$0xFFFFFFA0] =	vst v1  }
0xcd: {  	s14 =	simm.s32 $0x14000;
	v9 =	vld [tilespmem:s31+$0xFFFFFFA0];
	v1 =	vimm.s32 $0x1;
	[tilespmem:s13+$0xFFFFFFA0] =	vst v11  }
0xce: {  	v5 =	vxor.u32 $0x1BFF, v5;
	[tilespmem:v8+s14+$0x0] =	vst.idx.add.s32.msk $0xffff, v1  }
0xcf: {  	v7 =	vxor.u32 $0x13FF, v7;
	[tilespmem:v6+s14+$0x0] =	vst.idx.add.s32.msk $0xffff, v1  }
0xd0: {  	[tilespmem:s30+$0xFFFFFFF0] =	vst v3;
	v6 =	vld [tilespmem:s31+$0xFFFFFFF0]  }
0xd1: {  	[tilespmem:v4+s14+$0x0] =	vst.idx.add.s32.msk $0xffff, v1;
	v4 =	vand.u32 $0x3FF, v14  }
0xd2: {  	v63 =	vxor.u32 $0xBFF, v17;
	[tilespmem:s13+$0xFFFFFFF0] =	vst v10;
	v8 =	vld [tilespmem:s31+$0xFFFFFFB0];
	v14 =	vand.u32 $0x3FF, v15;
	v11 =	vxor.u32 $0x3FF, v4  }
0xd3: {  	v3 =	vand.u32 $0x3FF, v13;
	[tilespmem:v5+s14+$0x0] =	vst.idx.add.s32.msk $0xffff, v1;
	v15 =	vxor.u32 $0x3FF, v14;
	(xrf1) =	vunique.msk.u32 $0xffff, v11  }
0xd4: {  	v12 =	vand.u32 $0x3FF, v21;
	v13 =	vxor.u32 $0x3FF, v3;
	_, v5, _ =	vpop (xrf1);
	[tilespmem:v7+s14+$0x0] =	vst.idx.add.s32.msk $0xffff, v1;
	(xrf1) =	vunique.msk.u32 $0xffff, v15  }
0xd5: {  	v7 =	vxor.u32 $0x3FF, v12;
	[tilespmem:s30+$0xFFFFFF90] =	vst v5;
	(xrf1) =	vunique.msk.u32 $0xffff, v13;
	v10 =	vand.u32 $0x3FF, v6  }
0xd6: {  	[tilespmem:s13+$0xFFFFFF90] =	vst v16;
	v17 =	vand.u32 $0x3FF, v9;
	(xrf1) =	vunique.msk.u32 $0xffff, v7;
	v6 =	vxor.u32 $0x3FF, v10  }
0xd7: {  	[tilespmem:v16+s14+$0x0] =	vst.idx.add.s32.msk $0xffff, v1;
	v16 =	vxor.u32 $0x3FF, v17;
	(xrf1) =	vunique.msk.u32 $0xffff, v6;
	_, v5, _ =	vpop (xrf1)  }
0xd8: {  	v9 =	vand.u32 $0x3FF, v8;
	(xrf1) =	vunique.msk.u32 $0xffff, v16;
	[tilespmem:s30+$0xFFFFFFB0] =	vst v5;
	v5 =	vandn.u32 $0x3FF, v22  }
0xd9: {  	v8 =	vxor.u32 $0x3FF, v9;
	(xrf1) =	vunique.msk.u32 $0xffff, v5  }
0xda: {  	(xrf1) =	vunique.msk.u32 $0xffff, v8;
	_ =	sdelay $0x2  }
0xdb: {  	v18 =	vxor.u32 $0xFFF, v18  }
0xdc: {  	[tilespmem:s30+$0xFFFFFFC0] =	vst v19  }
0xdd: {  	s18 =	simm.s32 $0x208;
	s19 =	simm.s32 $0x2170;
	[tilespmem:s13+$0xFFFFFFB0] =	vst v20  }
0xde: {  	s17 =	simm.s32 $0x60F0;
	s16 =	simm.s32 $0x60F0;
	s15 =	simm.s32 $0xA0F0;
	[tilespmem:v63+s14+$0x0] =	vst.idx.add.s32.msk $0xffff, v1  }
.LBB2_10:
0xdf: {  	v19 =	vld [tilespmem:s19+$0xFFFFFFC0];
	s18 =	sadd.s32 $0x8, s18;
	_, v20, _ =	vpop (xrf1);
	[tilespmem:s13+$0xFFFFFFC0] =	vst v2;
	v2 =	vmov v13;
	s13 =	smov.u32 s15  }
0xe0: {  	p0 =	slt.u32 s18, $0x3F8;
	_, v13, _ =	vpop (xrf1);
	[tilespmem:v18+s14+$0x0] =	vst.idx.add.s32.msk $0xffff, v1  }
0xe1: {  	v18 =	vld [tilespmem:s19+$0x0];
	[tilespmem:s17+$0xFFFFFFD0] =	vst v20;
	_, v20, _ =	vpop (xrf1)  }
0xe2: {  	v21 =	vld [tilespmem:s19+$0xFFFFFFD0];
	[tilespmem:s17+$0xFFFFFFE0] =	vst v13;
	v13 =	vxor.u32 $0x17FF, v14;
	_, v22, _ =	vpop (xrf1)  }
0xe3: {  	v17 =	vxor.u32 $0x7FF, v17;
	v14 =	vld [tilespmem:s19+$0xFFFFFFE0];
	[tilespmem:s15+$0xFFFFFFE0] =	vst v15;
	_, v23, _ =	vpop (xrf1)  }
0xe4: {  	v24 =	vld [tilespmem:s19+$0xFFFFFFF0];
	[tilespmem:s15+$0xFFFFFFD0] =	vst v11;
	_, v11, _ =	vpop (xrf1)  }
0xe5: {  	v25 =	vld [tilespmem:s19+$0xFFFFFFB0];
	[tilespmem:s17+$0xFFFFFFA0] =	vst v11;
	_, v26, _ =	vpop (xrf1)  }
0xe6: {  	v27 =	vld [tilespmem:s19+$0xFFFFFFA0];
	[tilespmem:s15+$0xFFFFFFA0] =	vst v16;
	v16 =	vxor.u32 $0x1FFF, v12;
	_, v28, _ =	vpop (xrf1)  }
0xe7: {  	v19 =	vand.u32 $0x3FF, v19;
	v12 =	vand.u32 $0x3FF, v21;
	[tilespmem:v13+s14+$0x0] =	vst.idx.add.s32.msk $0xffff, v1  }
0xe8: {  	v21 =	vxor.u32 $0x13FF, v4;
	v11 =	vxor.u32 $0x3FF, v12;
	v14 =	vand.u32 $0x3FF, v14;
	[tilespmem:v17+s14+$0x0] =	vst.idx.add.s32.msk $0xffff, v1;
	v4 =	vmovc v12  }
0xe9: {  	v30 =	vxor.u32 $0x1BFF, v10;
	v29 =	vld [tilespmem:s19+$0xFFFFFF90];
	v15 =	vxor.u32 $0x3FF, v14;
	(xrf1) =	vunique.msk.u32 $0xffff, v11;
	[tilespmem:s17+$0x0] =	vst v22  }
0xea: {  	v13 =	vxor.u32 $0x3FF, v19;
	v12 =	vand.u32 $0x3FF, v18;
	(xrf1) =	vunique.msk.u32 $0xffff, v15;
	[tilespmem:s15+$0x0] =	vst v7  }
0xeb: {  	v10 =	vand.u32 $0x3FF, v24;
	v7 =	vxor.u32 $0x3FF, v12;
	(xrf1) =	vunique.msk.u32 $0xffff, v13;
	[tilespmem:v16+s14+$0x0] =	vst.idx.add.s32.msk $0xffff, v1  }
0xec: {  	v18 =	vxor.u32 $0x3FF, v10;
	v17 =	vand.u32 $0x3FF, v27;
	(xrf1) =	vunique.msk.u32 $0xffff, v7;
	[tilespmem:s17+$0xFFFFFFF0] =	vst v23  }
0xed: {  	v16 =	vxor.u32 $0x3FF, v17;
	(xrf1) =	vunique.msk.u32 $0xffff, v18;
	[tilespmem:s15+$0xFFFFFFF0] =	vst v6;
	v6 =	vmov v18  }
0xee: {  	v22 =	vand.u32 $0x3FF, v25;
	v18 =	vandn.u32 $0x3FF, v29;
	(xrf1) =	vunique.msk.u32 $0xffff, v16;
	[tilespmem:v30+s14+$0x0] =	vst.idx.add.s32.msk $0xffff, v1  }
0xef: {  	v23 =	vxor.u32 $0x3FF, v22;
	(xrf1) =	vunique.msk.u32 $0xffff, v18;
	[tilespmem:v21+s14+$0x0] =	vst.idx.add.s32.msk $0xffff, v1  }
0xf0: {  	v21 =	vxor.u32 $0xBFF, v9;
	v9 =	vmov v22;
	(xrf1) =	vunique.msk.u32 $0xffff, v23;
	[tilespmem:s17+$0xFFFFFF90] =	vst v26  }
0xf1: {  	[tilespmem:s15+$0xFFFFFF90] =	vst v5  }
.Ltmp5:
0xf2: {  	[tilespmem:v5+s14+$0x0] =	vst.idx.add.s32.msk $0xffff, v1;
	v5 =	vmov v18;
	(pc) =	sbr.rel @p0 .LBB2_10-.Ltmp5, $4  }
0xf3: {  	s17 =	sadd.s32 $0x80, s17;
	v18 =	vxor.u32 $0xFFF, v3;
	v3 =	vmov v19;
	[tilespmem:s16+$0xFFFFFFB0] =	vst v28  }
0xf4: {  	s15 =	sadd.s32 $0x80, s15;
	[tilespmem:s13+$0xFFFFFFB0] =	vst v8;
	v8 =	vmov v23  }
0xf5: {  	[tilespmem:v21+s14+$0x0] =	vst.idx.add.s32.msk $0xffff, v1  }
0xf6: {  	s19 =	sadd.s32 $0x80, s19;
	[tilespmem:s16+$0xFFFFFFC0] =	vst v20;
	s16 =	smov.u32 s17  }
0xf7: {  	_ =	sdelay $0x2  }
0xf8: {  	[tilespmem:s13+$0xFFFFFFC0] =	vst v2  }
0xf9: {  	_, v19, _ =	vpop (xrf1);
	[tilespmem:v18+s14+$0x0] =	vst.idx.add.s32.msk $0xffff, v1  }
0xfa: {  	_, v2, _ =	vpop (xrf1);
	[tilespmem:s17+$0xFFFFFFD0] =	vst v19  }
0xfb: {  	[tilespmem:s17+$0xFFFFFFE0] =	vst v2  }
0xfc: {  	[tilespmem:s15+$0xFFFFFFD0] =	vst v11  }
0xfd: {  	_, v59, _ =	vpop (xrf1);
	[tilespmem:s15+$0xFFFFFFE0] =	vst v15  }
0xfe: {  	v4 =	vxor.u32 $0x13FF, v4;
	_, v60, _ =	vpop (xrf1);
	[tilespmem:s16+$0xFFFFFFC0] =	vst v59  }
0xff: {  	v3 =	vxor.u32 $0xFFF, v3;
	[tilespmem:s17+$0x0] =	vst v60  }
0x100: {  	[tilespmem:s15+$0xFFFFFFC0] =	vst v13  }
0x101: {  	v2 =	vxor.u32 $0x17FF, v14;
	_, v61, _ =	vpop (xrf1);
	[tilespmem:s15+$0x0] =	vst v7  }
0x102: {  	s13 =	simm.s32 $0x14000;
	[tilespmem:s17+$0xFFFFFFF0] =	vst v61  }
0x103: {  	[tilespmem:v4+s13+$0x0] =	vst.idx.add.s32.msk $0xffff, v1  }
0x104: {  	v17 =	vxor.u32 $0x7FF, v17;
	_, v11, _ =	vpop (xrf1);
	[tilespmem:v3+s13+$0x0] =	vst.idx.add.s32.msk $0xffff, v1  }
0x105: {  	[tilespmem:s17+$0xFFFFFFA0] =	vst v11;
	v11 =	vxor.u32 $0x1FFF, v12  }
0x106: {  	[tilespmem:v2+s13+$0x0] =	vst.idx.add.s32.msk $0xffff, v1;
	v2 =	vxor.u32 $0x1BFF, v10  }
0x107: {  	[tilespmem:s15+$0xFFFFFFF0] =	vst v6  }
0x108: {  	[tilespmem:s15+$0xFFFFFFA0] =	vst v16  }
0x109: {  	[tilespmem:v17+s13+$0x0] =	vst.idx.add.s32.msk $0xffff, v1  }
0x10a: {  	[tilespmem:v11+s13+$0x0] =	vst.idx.add.s32.msk $0xffff, v1  }
0x10b: {  	[tilespmem:v2+s13+$0x0] =	vst.idx.add.s32.msk $0xffff, v1;
	_, v2, _ =	vpop (xrf1)  }
0x10c: {  	[tilespmem:s17+$0xFFFFFF90] =	vst v2;
	v2 =	vxor.u32 $0xBFF, v9  }
0x10d: {  	_, v4, _ =	vpop (xrf1);
	[tilespmem:s15+$0xFFFFFF90] =	vst v5  }
0x10e: {  	[tilespmem:s16+$0xFFFFFFB0] =	vst v4  }
0x10f: {  	[tilespmem:v5+s13+$0x0] =	vst.idx.add.s32.msk $0xffff, v1  }
0x110: {  	[tilespmem:s15+$0xFFFFFFB0] =	vst v8  }
0x111: {  	s31 =	simm.s32 $0x0;
	[tilespmem:v2+s13+$0x0] =	vst.idx.add.s32.msk $0xffff, v1  }
0x112: {  	s14 =	sand.u32 $0x3C0, s31;
	v1 =	vld [tilespmem:s13+$0x0]  }
0x113: {  	v2 =	vld [tilespmem:s14+$0x14400]  }
0x114: {  	v3 =	vld [tilespmem:s14+$0x14800]  }
0x115: {  	v4 =	vld [tilespmem:s14+$0x14C00]  }
0x116: {  	v5 =	vld [tilespmem:s14+$0x15000]  }
0x117: {  	v6 =	vld [tilespmem:s14+$0x15400]  }
0x118: {  	v7 =	vld [tilespmem:s14+$0x15800]  }
0x119: {  	v8 =	vld [tilespmem:s14+$0x15C00]  }
0x11a: {  	v9 =	vld [tilespmem:s13+$0x10]  }
0x11b: {  	v10 =	vld [tilespmem:s13+$0x410]  }
0x11c: {  	v11 =	vld [tilespmem:s13+$0x20]  }
0x11d: {  	v62 =	vld [tilespmem:s13+$0x420]  }
0x11e: {  	v13 =	vld [tilespmem:s13+$0x30]  }
0x11f: {  	v14 =	vld [tilespmem:s13+$0x430]  }
0x120: {  	v15 =	vld [tilespmem:s13+$0x810]  }
0x121: {  	v16 =	vld [tilespmem:s13+$0x820]  }
0x122: {  	v17 =	vld [tilespmem:s13+$0x830]  }
0x123: {  	v18 =	vld [tilespmem:s13+$0xC10]  }
0x124: {  	v19 =	vld [tilespmem:s13+$0xC20]  }
0x125: {  	v20 =	vld [tilespmem:s13+$0xC30]  }
0x126: {  	v21 =	vld [tilespmem:s13+$0x1010];
	v1 =	vadd.s32 v1, v2  }
0x127: {  	v22 =	vld [tilespmem:s13+$0x1020];
	v1 =	vadd.s32 v3, v1  }
0x128: {  	v1 =	vadd.s32 v4, v1;
	v4 =	vld [tilespmem:s13+$0x1030]  }
0x129: {  	v1 =	vadd.s32 v5, v1;
	v5 =	vld [tilespmem:s13+$0x1410]  }
0x12a: {  	v1 =	vadd.s32 v6, v1;
	v6 =	vld [tilespmem:s13+$0x1420]  }
0x12b: {  	v1 =	vadd.s32 v7, v1;
	v7 =	vld [tilespmem:s13+$0x1430]  }
0x12c: {  	v8 =	vadd.s32 v8, v1;
	v1 =	vadd.s32 v9, v10;
	v9 =	vld [tilespmem:s13+$0x1810]  }
0x12d: {  	v2 =	vadd.s32 v11, v62;
	v3 =	vadd.s32 v13, v14;
	v10 =	vadd.s32 v15, v1;
	v1 =	vld [tilespmem:s13+$0x1820]  }
0x12e: {  	v11 =	vadd.s32 v16, v2;
	v2 =	vld [tilespmem:s13+$0x1830];
	v3 =	vadd.s32 v17, v3;
	v10 =	vadd.s32 v18, v10  }
0x12f: {  	v11 =	vadd.s32 v19, v11;
	v63 =	vadd.s32 v20, v3;
	v3 =	vld [tilespmem:s13+$0x1C10];
	v10 =	vadd.s32 v21, v10  }
0x130: {  	v11 =	vadd.s32 v22, v11;
	v12 =	vadd.s32 v4, v63;
	v4 =	vld [tilespmem:s13+$0x1C20];
	v5 =	vadd.s32 v5, v10  }
0x131: {  	s16 =	simm.s32 $0x14040;
	s15 =	simm.s32 $0x40;
	s14 =	simm.s32 $0x0;
	[tilespmem:s13+$0x0] =	vst v8;
	v8 =	vadd.s32 v6, v11;
	v6 =	vadd.s32 v7, v12;
	v7 =	vadd.s32 v9, v5;
	v5 =	vld [tilespmem:s13+$0x1C30]  }
.LBB2_12:
0x132: {  	v9 =	vld [tilespmem:s16+$0x0];
	s17 =	sand.u32 $0x3C0, s15;
	s14 =	sadd.s32 $0x4, s14;
	v1 =	vadd.s32 v1, v8  }
0x133: {  	v8 =	vld [tilespmem:s17+$0x14400];
	p0 =	slt.u32 s14, $0x3C;
	v2 =	vadd.s32 v2, v6  }
0x134: {  	v6 =	vld [tilespmem:s17+$0x14800];
	v3 =	vadd.s32 v3, v7  }
0x135: {  	v7 =	vld [tilespmem:s17+$0x14C00];
	[tilespmem:s13+$0x10] =	vst v3;
	v1 =	vadd.s32 v4, v1  }
0x136: {  	v3 =	vld [tilespmem:s17+$0x15000];
	[tilespmem:s13+$0x20] =	vst v1;
	v1 =	vadd.s32 v5, v2  }
0x137: {  	v2 =	vld [tilespmem:s17+$0x15400];
	[tilespmem:s13+$0x30] =	vst v1;
	s13 =	smov.u32 s16  }
0x138: {  	v1 =	vadd.s32 v9, v8;
	v4 =	vld [tilespmem:s17+$0x15800]  }
0x139: {  	v1 =	vadd.s32 v6, v1;
	v5 =	vld [tilespmem:s17+$0x15C00]  }
0x13a: {  	v1 =	vadd.s32 v7, v1;
	v6 =	vld [tilespmem:s16+$0x10]  }
0x13b: {  	v1 =	vadd.s32 v3, v1;
	v3 =	vld [tilespmem:s16+$0x410]  }
0x13c: {  	v1 =	vadd.s32 v2, v1;
	v2 =	vld [tilespmem:s16+$0x20]  }
0x13d: {  	v1 =	vadd.s32 v4, v1;
	v4 =	vld [tilespmem:s16+$0x420]  }
0x13e: {  	v1 =	vadd.s32 v5, v1;
	v5 =	vld [tilespmem:s16+$0x30]  }
0x13f: {  	[tilespmem:s16+$0x0] =	vst v1;
	v1 =	vld [tilespmem:s16+$0x430]  }
0x140: {  	v3 =	vadd.s32 v6, v3;
	v6 =	vld [tilespmem:s16+$0x810]  }
0x141: {  	v7 =	vld [tilespmem:s16+$0x820]  }
0x142: {  	v2 =	vadd.s32 v2, v4;
	v4 =	vld [tilespmem:s16+$0x830]  }
0x143: {  	v8 =	vld [tilespmem:s16+$0xC10]  }
0x144: {  	v9 =	vld [tilespmem:s16+$0xC20];
	v1 =	vadd.s32 v5, v1  }
0x145: {  	v3 =	vadd.s32 v6, v3;
	v5 =	vld [tilespmem:s16+$0xC30]  }
0x146: {  	v6 =	vld [tilespmem:s16+$0x1010];
	v2 =	vadd.s32 v7, v2  }
0x147: {  	v7 =	vld [tilespmem:s16+$0x1020];
	v1 =	vadd.s32 v4, v1  }
0x148: {  	v3 =	vadd.s32 v8, v3;
	v4 =	vld [tilespmem:s16+$0x1030]  }
0x149: {  	v8 =	vld [tilespmem:s16+$0x1410];
	v2 =	vadd.s32 v9, v2  }
0x14a: {  	v9 =	vld [tilespmem:s16+$0x1420];
	v5 =	vadd.s32 v5, v1  }
0x14b: {  	v3 =	vadd.s32 v6, v3;
	v6 =	vld [tilespmem:s16+$0x1430]  }
0x14c: {  	v10 =	vld [tilespmem:s16+$0x1810];
	v7 =	vadd.s32 v7, v2  }
.Ltmp6:
0x14d: {  	v1 =	vld [tilespmem:s16+$0x1820];
	v5 =	vadd.s32 v4, v5;
	(pc) =	sbr.rel @p0 .LBB2_12-.Ltmp6, $4  }
0x14e: {  	v11 =	vadd.s32 v8, v3;
	v2 =	vld [tilespmem:s16+$0x1830]  }
0x14f: {  	v3 =	vld [tilespmem:s16+$0x1C10];
	v8 =	vadd.s32 v9, v7  }
0x150: {  	v4 =	vld [tilespmem:s16+$0x1C20];
	v6 =	vadd.s32 v6, v5  }
0x151: {  	s15 =	sadd.s32 $0x40, s15;
	s16 =	sadd.s32 $0x40, s16;
	v7 =	vadd.s32 v10, v11;
	v5 =	vld [tilespmem:s13+$0x1C30]  }
0x152: {  	_ =	sdelay $0x1  }
0x153: {  	v1 =	vadd.s32 v1, v8;
	v3 =	vadd.s32 v3, v7  }
0x154: {  	v2 =	vadd.s32 v2, v6;
	[tilespmem:s13+$0x10] =	vst v3;
	v1 =	vadd.s32 v4, v1  }
0x155: {  	s28 =	simm.s32 $0x400;
	[tilespmem:s13+$0x20] =	vst v1;
	v1 =	vadd.s32 v5, v2  }
0x156: {  	s14 =	simm.s32 $0x16400;
	s15 =	simm.s32 $0x14000;
	s29 =	simm.s32 $0x3;
	[tilespmem:s13+$0x30] =	vst v1  }
0x157: {  	[spmem:s6] =	stream.indirect.scatter [tilespmem:s15], [sflag:$0x3], $0x1, s14, s28, $0xb8;
	[tilespmem:$0x1F488] =	vst v63  }
0x158: {  	_ =	swait.ge [sflag:s29], $0x400  }
0x159: {  	[sflag:s29] =	ssyncset.done $0x0  }
0x15a: {  	[sflag:s29] =	ssyncadd.s32 $0xFFFFFC00  }
0x15b: {  	s30 =	simm.s32 $0x16800;
	s16 =	simm.s32 $0x16C00;
	[bflag:$0x0] =	sbarrier.arrive $0xFFFF  }
0x15c: {  	[tilespmem:s16], [sflag:$0x3] =	stream.indirect.gather [spmem:s6], $0x1, s30, s28, $0xb8;
	[tilespmem:$0x1F488] =	vst v63  }
0x15d: {  	_ =	swait.ge [sflag:s29], $0x400  }
0x15e: {  	[sflag:s29] =	ssyncset.done $0x0  }
0x15f: {  	s31 =	simm.s32 $0x0;
	[sflag:s29] =	ssyncadd.s32 $0xFFFFFC00  }
0x160: {  	v1 =	vld [tilespmem:s31+$0x16C00];
	_ =	sdelay $0x4  }
0x161: {  	(xrf0) =	vadd.scan.msk.s32 $0xffff, v1;
	_ =	sdelay $0x5  }
0x162: {  	v2, _, _ =	vpop (xrf0)  }
0x163: {  	s14 =	simm.s32 $0x0;
	(v2sf) =	vpush v2, $0xF  }
0x164: {  	v1 =	vsub.s32 s14, v1  }
0x165: {  	v1 =	vadd.s32 v2, v1  }
0x166: {  	s13 =	simm.s32 $0x10;
	s15 =	simm.s32 $0x80;
	[tilespmem:s31+$0x16C00] =	vst v1  }
.LBB2_14:
0x167: {  	p0 =	sne.s32 s15, $0xFC0;
	v1 =	vld [tilespmem:s13+$0x16C00];
	_ =	sdelay $0x4  }
0x168: {  	(xrf0) =	vadd.scan.msk.s32 $0xffff, v1;
	_ =	sdelay $0x5  }
.Ltmp7:
0x169: {  	v2, _, _ =	vpop (xrf0);
	s16 =	spop (v2sf);
	(pc) =	sbr.rel @p0 .LBB2_14-.Ltmp7, $4  }
0x16a: {  	(v2sf) =	vpush v2, $0xF;
	s14 =	sadd.s32 s14, s16  }
0x16b: {  	v1 =	vsub.s32 s14, v1  }
0x16c: {  	v1 =	vadd.s32 v2, v1  }
0x16d: {  	[tilespmem:s13+$0x16C00] =	vst v1;
	s13 =	sshra.s32 s15, $0x2;
	s15 =	sadd.s32 $0x40, s15  }
0x16e: {  	v1 =	vld [tilespmem:s13+$0x16C00];
	_ =	sdelay $0x4  }
0x16f: {  	(xrf0) =	vadd.scan.msk.s32 $0xffff, v1;
	_ =	sdelay $0x5  }
0x170: {  	v2, _, _ =	vpop (xrf0)  }
0x171: {  	(v2sf) =	vpush v2, $0xF;
	_ =	sdelay $0xd  }
0x172: {  	s15 =	spop (v2sf)  }
0x173: {  	s14 =	sadd.s32 s14, s15;
	s30 =	spop (v2sf)  }
0x174: {  	v1 =	vsub.s32 s14, v1;
	s14 =	sadd.s32 s14, s30  }
0x175: {  	vm0 =	vcmask $0x300;
	v1 =	vadd.s32 v2, v1;
	v2 =	vmov s14  }
0x176: {  	[tilespmem:s13+$0x16C00] =	vst v1;
	v1 =	vnsel vm0, $0x0, v2  }
0x177: {  	s31 =	simm.s32 $0x400;
	s16 =	simm.s32 $0x16800;
	s17 =	simm.s32 $0x16C00;
	[tilespmem:$0x17000] =	vst v1  }
0x178: {  	[spmem:s6] =	stream.indirect.scatter [tilespmem:s17], [sflag:$0x3], $0x1, s16, s31, $0xb8;
	[tilespmem:$0x1F488] =	vst v63  }
0x179: {  	vm1 =	vmmov $0xffff;
	s18 =	simm.s32 $0x3;
	s14 =	simm.s32 $0x17000  }
0x17a: {  	[spmem:s7] =	stream.indirect_vreg.scatter [tilespmem:s14], [sflag:$0x4], $0x1, v0, vm1, $0xb8;
	[tilespmem:$0x1F488] =	vst v63  }
0x17b: {  	_ =	swait.ge [sflag:s18], $0x400  }
0x17c: {  	[sflag:s18] =	ssyncset.done $0x0  }
0x17d: {  	s16 =	simm.s32 $0x4;
	[sflag:s18] =	ssyncadd.s32 $0xFFFFFC00  }
0x17e: {  	_ =	swait.ge [sflag:s16], $0x10  }
0x17f: {  	[sflag:s16] =	ssyncset.done $0x0  }
0x180: {  	[sflag:s16] =	ssyncadd.s32 $0xFFFFFFF0  }
0x181: {  	s19 =	simm.s32 $0x5;
	[bflag:$0x0] =	sbarrier.arrive $0xFFFF  }
0x182: {  	[tilespmem:s14], [sflag:$0x5] =	stream.linear.gather [spmem:s7], $0x80, $0x38;
	[tilespmem:$0x1F488] =	vst v63  }
0x183: {  	_ =	swait.ge [sflag:s19], $0x80  }
0x184: {  	[sflag:s19] =	ssyncset.done $0x0  }
0x185: {  	s20 =	simm.s32 $0x16400;
	s17 =	simm.s32 $0x16000;
	[sflag:s19] =	ssyncadd.s32 $0xFFFFFF80  }
0x186: {  	[tilespmem:s17], [sflag:$0x3] =	stream.indirect.gather [spmem:s6], $0x1, s20, s31, $0xb8;
	[tilespmem:$0x1F488] =	vst v63  }
0x187: {  	v1 =	vld [tilespmem:$0x17000];
	_ =	sdelay $0x4  }
0x188: {  	(xrf0) =	vadd.scan.msk.s32 $0xffff, v1;
	_ =	sdelay $0x1  }
0x189: {  	s21 =	simm.s32 $0x30  }
0x18a: {  	v2 =	vmov s21  }
0x18b: {  	s23 =	simm.s32 $0x20;
	v2 =	vshll.u32 v2, $0x4  }
0x18c: {  	v4 =	vmov s23;
	v2 =	vshrl.u32 v2, $0xA  }
0x18d: {  	s22 =	simm.s32 $0x10;
	v4 =	vshll.u32 v4, $0x4;
	v2 =	vbroadcast v2, $0x0;
	v3, _, _ =	vpop (xrf0)  }
0x18e: {  	v4 =	vshrl.u32 v4, $0xA;
	v1 =	vsub.s32 v3, v1;
	v3 =	vmov s22  }
0x18f: {  	s24 =	simm.s32 $0x0;
	v4 =	vbroadcast v4, $0x0;
	v3 =	vshll.u32 v3, $0x4;
	[tilespmem:$0x17000] =	vst v1  }
0x190: {  	v5 =	vmov s24;
	v3 =	vshrl.u32 v3, $0xA;
	_ =	swait.ge [sflag:s18], $0x400  }
0x191: {  	v1 =	vshll.u32 v5, $0x4;
	v3 =	vbroadcast v3, $0x0;
	[sflag:s18] =	ssyncset.done $0x0  }
0x192: {  	s25 =	simm.s32 $0x70;
	v1 =	vshrl.u32 v1, $0xA;
	[sflag:s18] =	ssyncadd.s32 $0xFFFFFC00  }
0x193: {  	s28 =	simm.s32 $0x60;
	s15 =	simm.s32 $0x16020;
	v5 =	vmov s25;
	v1 =	vbroadcast v1, $0x0;
	v2 =	vld.idx.msk [tilespmem:v2+s14+$0x0], $0xffff  }
0x194: {  	s26 =	simm.s32 $0x50;
	v8 =	vmov s28;
	v5 =	vshll.u32 v5, $0x4;
	v7 =	vld [tilespmem:s15+$0x10]  }
0x195: {  	v6 =	vmov s26;
	v8 =	vshll.u32 v8, $0x4;
	v5 =	vshrl.u32 v5, $0xA;
	v11 =	vld.idx.msk [tilespmem:v4+s14+$0x0], $0xffff  }
0x196: {  	v6 =	vshll.u32 v6, $0x4;
	s13 =	simm.s32 $0x40;
	v5 =	vbroadcast v5, $0x0;
	v4 =	vshrl.u32 v8, $0xA;
	v13 =	vld [tilespmem:s15+$0xFFFFFFE0]  }
0x197: {  	v6 =	vshrl.u32 v6, $0xA;
	v8 =	vbroadcast v4, $0x0;
	v10 =	vld.idx.msk [tilespmem:v3+s14+$0x0], $0xffff;
	v3 =	vmov s13  }
0x198: {  	v6 =	vbroadcast v6, $0x0;
	s31 =	simm.s32 $0xB0;
	v14 =	vld [tilespmem:s15+$0xFFFFFFF0];
	v3 =	vshll.u32 v3, $0x4  }
0x199: {  	v9 =	vmov s31;
	v12 =	vld.idx.msk [tilespmem:v1+s14+$0x0], $0xffff;
	v1 =	vshrl.u32 v3, $0xA  }
0x19a: {  	s29 =	simm.s32 $0x80;
	s30 =	simm.s32 $0x90;
	s16 =	simm.s32 $0x16060;
	v16 =	vshll.u32 v9, $0x4;
	v2 =	vadd.s32 v2, v7;
	v7 =	vld [tilespmem:s15+$0x0];
	v1 =	vbroadcast v1, $0x0  }
0x19b: {  	v16 =	vshrl.u32 v16, $0xA;
	s18 =	simm.s32 $0xA0;
	v9 =	vld [tilespmem:s16+$0x10];
	v4 =	vmov s30;
	v3 =	vmov s29  }
0x19c: {  	v4 =	vshll.u32 v4, $0x4;
	v15 =	vshll.u32 v3, $0x4;
	v3 =	vld.idx.msk [tilespmem:v5+s14+$0x0], $0xffff;
	v5 =	vmov s18  }
0x19d: {  	[tilespmem:s15+$0x10] =	vst v2;
	v2 =	vld.idx.msk [tilespmem:v8+s14+$0x0], $0xffff;
	v5 =	vshll.u32 v5, $0x4;
	v8 =	vadd.s32 v10, v14;
	v10 =	vbroadcast v16, $0x0  }
0x19e: {  	v17 =	vshrl.u32 v4, $0xA;
	v4 =	vld.idx.msk [tilespmem:v6+s14+$0x0], $0xffff;
	v6 =	vshrl.u32 v15, $0xA;
	v62 =	vshrl.u32 v5, $0xA  }
0x19f: {  	v5 =	vbroadcast v17, $0x0;
	[tilespmem:s15+$0xFFFFFFF0] =	vst v8;
	v63 =	vadd.s32 v11, v7;
	v8 =	vbroadcast v6, $0x0;
	v6 =	vld [tilespmem:s16+$0xFFFFFFE0]  }
0x1a0: {  	s17 =	simm.s32 $0x8;
	s18 =	simm.s32 $0xC0;
	v7 =	vbroadcast v62, $0x0;
	v11 =	vadd.s32 v12, v13;
	[tilespmem:s15+$0x0] =	vst v63;
	v1 =	vld.idx.msk [tilespmem:v1+s14+$0x0], $0xffff  }
.LBB2_16:
0x1a1: {  	v12 =	vmov s18;
	s19 =	sadd.s32 $0x10, s18;
	s20 =	sadd.s32 $0x30, s18;
	s17 =	sadd.s32 $0x4, s17;
	v13 =	vld [tilespmem:s16+$0xFFFFFFF0];
	v3 =	vadd.s32 v3, v9;
	[tilespmem:s15+$0xFFFFFFE0] =	vst v11  }
0x1a2: {  	s15 =	smov.u32 s16;
	v11 =	vshll.u32 v12, $0x4;
	v9 =	vmov s19;
	s19 =	sadd.s32 $0x20, s18;
	v19 =	vmov s20;
	p0 =	slt.u32 s17, $0x3C;
	v14 =	vld [tilespmem:s16+$0x0];
	[tilespmem:s16+$0x10] =	vst v3  }
0x1a3: {  	s16 =	sadd.s32 $0x40, s16;
	v16 =	vmovc v4;
	v9 =	vshll.u32 v9, $0x4;
	v15 =	vmov s19;
	v18 =	vshll.u32 v19, $0x4;
	v3 =	vld.idx.msk [tilespmem:v10+s14+$0x0], $0xffff  }
.Ltmp8:
0x1a4: {  	v17 =	vshrl.u32 v9, $0xA;
	v4 =	vshll.u32 v15, $0x4;
	v10 =	vshrl.u32 v18, $0xA;
	v9 =	vld [tilespmem:s16+$0x10];
	v12 =	vmovc v2;
	(pc) =	sbr.rel @p0 .LBB2_16-.Ltmp8, $4  }
0x1a5: {  	v15 =	vshrl.u32 v11, $0xA;
	v11 =	vshrl.u32 v4, $0xA;
	v10 =	vbroadcast v10, $0x0;
	v4 =	vld.idx.msk [tilespmem:v5+s14+$0x0], $0xffff  }
0x1a6: {  	v5 =	vbroadcast v17, $0x0;
	v2 =	vld.idx.msk [tilespmem:v7+s14+$0x0], $0xffff;
	v7 =	vbroadcast v11, $0x0;
	v13 =	vadd.s32 v16, v13  }
0x1a7: {  	v11 =	vadd.s32 v1, v6;
	v1 =	vld.idx.msk [tilespmem:v8+s14+$0x0], $0xffff;
	v8 =	vbroadcast v15, $0x0;
	[tilespmem:s15+$0xFFFFFFF0] =	vst v13;
	v12 =	vadd.s32 v12, v14  }
0x1a8: {  	s18 =	sadd.s32 $0x40, s18;
	v6 =	vld [tilespmem:s16+$0xFFFFFFE0];
	[tilespmem:s15+$0x0] =	vst v12  }
0x1a9: {  	_ =	sdelay $0x1  }
0x1aa: {  	v12 =	vld [tilespmem:s16+$0xFFFFFFF0]  }
0x1ab: {  	v13 =	vld [tilespmem:s16+$0x0]  }
0x1ac: {  	v10 =	vld.idx.msk [tilespmem:v10+s14+$0x0], $0xffff  }
0x1ad: {  	v5 =	vld.idx.msk [tilespmem:v5+s14+$0x0], $0xffff  }
0x1ae: {  	v7 =	vld.idx.msk [tilespmem:v7+s14+$0x0], $0xffff  }
0x1af: {  	v8 =	vld.idx.msk [tilespmem:v8+s14+$0x0], $0xffff;
	s31 =	sadd.s32 $0x40, s16  }
0x1b0: {  	v14 =	vld [tilespmem:s31+$0x10]  }
0x1b1: {  	v3 =	vadd.s32 v3, v9;
	[tilespmem:s15+$0xFFFFFFE0] =	vst v11;
	v62 =	vld [tilespmem:s31+$0xFFFFFFF0]  }
0x1b2: {  	[tilespmem:s16+$0x10] =	vst v3;
	v63 =	vld [tilespmem:s31+$0x0];
	v3 =	vadd.s32 v4, v12  }
0x1b3: {  	v1 =	vadd.s32 v1, v6;
	[tilespmem:s16+$0xFFFFFFF0] =	vst v3;
	v3 =	vld [tilespmem:s31+$0xFFFFFFE0]  }
0x1b4: {  	v2 =	vadd.s32 v2, v13;
	[tilespmem:s16+$0xFFFFFFE0] =	vst v1  }
0x1b5: {  	[tilespmem:s16+$0x0] =	vst v2;
	v2 =	vadd.s32 v10, v14  }
0x1b6: {  	v1 =	vadd.s32 v5, v62;
	[tilespmem:s31+$0x10] =	vst v2  }
0x1b7: {  	[tilespmem:s31+$0xFFFFFFF0] =	vst v1;
	v1 =	vadd.s32 v7, v63  }
0x1b8: {  	[tilespmem:s31+$0x0] =	vst v1;
	v2 =	vadd.s32 v8, v3  }
0x1b9: {  	s15 =	simm.s32 $0x0;
	[tilespmem:s31+$0xFFFFFFE0] =	vst v2  }
0x1ba: {  	s14 =	simm.s32 $0x16000;
	v1 =	vimm.s32 $0x1;
	v2 =	vld [tilespmem:s15+$0x8000]  }
.LBB2_18:
0x1bb: {  	p0 =	sne.s32 s13, $0x7FC0;
	_ =	sdelay $0x6  }
0x1bc: {  	v3 =	vld.idx.msk [tilespmem:v2+s14+$0x0], $0xffff  }
0x1bd: {  	v4 =	vld [tilespmem:s15+$0x4000];
	_ =	sdelay $0x4  }
.Ltmp9:
0x1be: {  	v3 =	vadd.s32 v4, v3;
	(pc) =	sbr.rel @p0 .LBB2_18-.Ltmp9, $4  }
0x1bf: {  	v3 =	vadd.s32 $0xFFFFFFFF, v3  }
0x1c0: {  	[tilespmem:s15+$0x10000] =	vst v3  }
0x1c1: {  	s15 =	sshra.s32 s13, $0x2;
	[tilespmem:v2+s14+$0x0] =	vst.idx.add.s32.msk $0xffff, v1  }
0x1c2: {  	s13 =	sadd.s32 $0x40, s13;
	v2 =	vld [tilespmem:s15+$0x8000]  }
0x1c3: {  	_ =	sdelay $0x6  }
0x1c4: {  	v4 =	vld [tilespmem:s15+$0x4000]  }
0x1c5: {  	v3 =	vld.idx.msk [tilespmem:v2+s14+$0x0], $0xffff;
	_ =	sdelay $0x4  }
0x1c6: {  	v3 =	vadd.s32 v4, v3  }
0x1c7: {  	v3 =	vadd.s32 $0xFFFFFFFF, v3  }
0x1c8: {  	[tilespmem:s15+$0x10000] =	vst v3  }
0x1c9: {  	s13 =	simm.s32 $0x2000;
	s29 =	simm.s32 $0x10000;
	s30 =	simm.s32 $0x0;
	[tilespmem:v2+s14+$0x0] =	vst.idx.add.s32.msk $0xffff, v1  }
0x1ca: {  	[spmem:s10] =	stream.indirect.scatter [tilespmem:s30], [sflag:$0x1], $0x1, s29, s13, $0xb8;
	[tilespmem:$0x1F488] =	vst v63  }
0x1cb: {  	s31 =	simm.s32 $0xC000;
	s14 =	simm.s32 $0x0  }
0x1cc: {  	[spmem:s4] =	stream.indirect.scatter [tilespmem:s31], [sflag:$0x2], $0x1, s29, s13, $0xb8;
	[tilespmem:$0x1F488] =	vst v63  }
0x1cd: {  	s15 =	simm.s32 $0x40;
	v1 =	vimm.s32 $0x1;
	s13 =	simm.s32 $0x16000;
	v2 =	vld [tilespmem:s14+$0xA000]  }
.LBB2_20:
0x1ce: {  	p0 =	sne.s32 s15, $0x7FC0;
	_ =	sdelay $0x6  }
0x1cf: {  	v3 =	vld.idx.msk [tilespmem:v2+s13+$0x0], $0xffff  }
0x1d0: {  	v4 =	vld [tilespmem:s14+$0x6000];
	_ =	sdelay $0x4  }
.Ltmp10:
0x1d1: {  	v3 =	vadd.s32 v4, v3;
	(pc) =	sbr.rel @p0 .LBB2_20-.Ltmp10, $4  }
0x1d2: {  	v3 =	vadd.s32 $0xFFFFFFFF, v3  }
0x1d3: {  	[tilespmem:s14+$0x12000] =	vst v3  }
0x1d4: {  	s14 =	sshra.s32 s15, $0x2;
	[tilespmem:v2+s13+$0x0] =	vst.idx.add.s32.msk $0xffff, v1  }
0x1d5: {  	s15 =	sadd.s32 $0x40, s15;
	v2 =	vld [tilespmem:s14+$0xA000]  }
0x1d6: {  	_ =	sdelay $0x6  }
0x1d7: {  	v4 =	vld [tilespmem:s14+$0x6000]  }
0x1d8: {  	v3 =	vld.idx.msk [tilespmem:v2+s13+$0x0], $0xffff;
	_ =	sdelay $0x4  }
0x1d9: {  	v3 =	vadd.s32 v4, v3  }
0x1da: {  	v3 =	vadd.s32 $0xFFFFFFFF, v3  }
0x1db: {  	[tilespmem:s14+$0x12000] =	vst v3  }
0x1dc: {  	s22 =	simm.s32 $0x12000;
	s23 =	simm.s32 $0x2000;
	[tilespmem:v2+s13+$0x0] =	vst.idx.add.s32.msk $0xffff, v1  }
0x1dd: {  	[spmem:s10] =	stream.indirect.scatter [tilespmem:s23], [sflag:$0x3], $0x1, s22, s23, $0xb8;
	[tilespmem:$0x1F488] =	vst v63  }
0x1de: {  	s24 =	simm.s32 $0xE000;
	s25 =	simm.s32 $0x1  }
0x1df: {  	[spmem:s4] =	stream.indirect.scatter [tilespmem:s24], [sflag:$0x4], $0x1, s22, s23, $0xb8;
	[tilespmem:$0x1F488] =	vst v63  }
0x1e0: {  	_ =	swait.ge [sflag:s25], $0x2000  }
0x1e1: {  	[sflag:s25] =	ssyncset.done $0x0  }
0x1e2: {  	s26 =	simm.s32 $0x3;
	[sflag:s25] =	ssyncadd.s32 $0xFFFFE000  }
0x1e3: {  	_ =	swait.ge [sflag:s26], $0x2000  }
0x1e4: {  	[sflag:s26] =	ssyncset.done $0x0  }
0x1e5: {  	s28 =	simm.s32 $0x2;
	[sflag:s26] =	ssyncadd.s32 $0xFFFFE000  }
0x1e6: {  	_ =	swait.ge [sflag:s28], $0x2000  }
0x1e7: {  	[sflag:s28] =	ssyncset.done $0x0  }
0x1e8: {  	s29 =	simm.s32 $0x4;
	[sflag:s28] =	ssyncadd.s32 $0xFFFFE000  }
0x1e9: {  	_ =	swait.ge [sflag:s29], $0x2000  }
0x1ea: {  	[sflag:s29] =	ssyncset.done $0x0  }
0x1eb: {  	[sflag:s29] =	ssyncadd.s32 $0xFFFFE000  }
0x1ec: {  	s30 =	simm.s32 $0x0;
	[bflag:$0x0] =	sbarrier.arrive $0xFFFF  }
0x1ed: {  	[tilespmem:s30], [sflag:$0x1] =	stream.linear.gather [spmem:s11], $0x2000, $0x38;
	[tilespmem:$0x1F488] =	vst v63  }
0x1ee: {  	_ = 	snop  }
0x1ef: {  	[tilespmem:s23], [sflag:$0x3] =	stream.linear.gather [spmem:s12], $0x2000, $0x38;
	[tilespmem:$0x1F488] =	vst v63  }
0x1f0: {  	s31 =	simm.s32 $0xC000;
	s10 =	simm.s32 $0x14040  }
0x1f1: {  	v1 =	vimm.s32 $0x0;
	[tilespmem:s31], [sflag:$0x2] =	stream.linear.gather [spmem:s8], $0x4000, $0x38;
	[tilespmem:$0x1F488] =	vst v63  }
0x1f2: {  	[tilespmem:s10+$0xFFFFFFC0] =	vst v1  }
0x1f3: {  	[tilespmem:s10+$0x30] =	vst v1  }
0x1f4: {  	[tilespmem:s10+$0x20] =	vst v1  }
0x1f5: {  	[tilespmem:s10+$0x10] =	vst v1  }
0x1f6: {  	[tilespmem:s10+$0x0] =	vst v1  }
0x1f7: {  	[tilespmem:s10+$0xFFFFFFF0] =	vst v1  }
0x1f8: {  	s11 =	simm.s32 $0x0;
	[tilespmem:s10+$0xFFFFFFE0] =	vst v1  }
.LBB2_22:
0x1f9: {  	s11 =	sadd.s32 $0x8, s11;
	[tilespmem:s10+$0xFFFFFFD0] =	vst v1;
	s10 =	sadd.s32 $0x80, s10  }
0x1fa: {  	[tilespmem:s10+$0xFFFFFFC0] =	vst v1;
	p0 =	slt.u32 s11, $0x1F8  }
0x1fb: {  	[tilespmem:s10+$0x30] =	vst v1  }
.Ltmp11:
0x1fc: {  	[tilespmem:s10+$0x20] =	vst v1;
	(pc) =	sbr.rel @p0 .LBB2_22-.Ltmp11, $4  }
0x1fd: {  	[tilespmem:s10+$0x10] =	vst v1  }
0x1fe: {  	[tilespmem:s10+$0x0] =	vst v1  }
0x1ff: {  	[tilespmem:s10+$0xFFFFFFF0] =	vst v1  }
0x200: {  	[tilespmem:s10+$0xFFFFFFE0] =	vst v1  }
0x201: {  	[tilespmem:s10+$0xFFFFFFD0] =	vst v1;
	s30 =	simm.s32 $0x1  }
0x202: {  	_ =	swait.ge [sflag:s30], $0x2000  }
0x203: {  	[sflag:s30] =	ssyncset.done $0x0  }
0x204: {  	s31 =	simm.s32 $0x40;
	[sflag:s30] =	ssyncadd.s32 $0xFFFFE000  }
0x205: {  	v1 =	vld [tilespmem:s31+$0x0]  }
0x206: {  	v2 =	vld [tilespmem:s31+$0x20]  }
0x207: {  	v3 =	vld [tilespmem:s31+$0x30]  }
0x208: {  	v4 =	vld [tilespmem:s31+$0xFFFFFFD0]  }
0x209: {  	v5 =	vld [tilespmem:s31+$0xFFFFFFE0]  }
0x20a: {  	v1 =	vshrl.u32 v1, $0xA  }
0x20b: {  	v2 =	vshrl.u32 v2, $0xA;
	v1 =	vand.u32 $0x3FF, v1  }
0x20c: {  	v7 =	vand.u32 $0x3FF, v2;
	v2 =	vshrl.u32 v3, $0xA;
	v6 =	vxor.u32 $0x3FF, v1  }
0x20d: {  	v4 =	vshrl.u32 v4, $0xA;
	v3 =	vld [tilespmem:s31+$0xFFFFFFF0];
	v8 =	vxor.u32 $0x3FF, v7;
	v9 =	vand.u32 $0x3FF, v2;
	(xrf1) =	vunique.msk.u32 $0xffff, v6  }
0x20e: {  	v10 =	vld [tilespmem:s31+$0xFFFFFFC0];
	v21 =	vand.u32 $0x3FF, v4;
	v4 =	vshrl.u32 v5, $0xA;
	v5 =	vxor.u32 $0x3FF, v9;
	(xrf1) =	vunique.msk.u32 $0xffff, v8  }
0x20f: {  	v2 =	vxor.u32 $0x3FF, v21;
	v4 =	vand.u32 $0x3FF, v4;
	(xrf1) =	vunique.msk.u32 $0xffff, v5  }
0x210: {  	v11 =	vxor.u32 $0x3FF, v4;
	(xrf1) =	vunique.msk.u32 $0xffff, v2  }
0x211: {  	(xrf1) =	vunique.msk.u32 $0xffff, v11  }
0x212: {  	v3 =	vshrl.u32 v3, $0xA  }
0x213: {  	v10 =	vxor.u32 $0xFFFFFFFF, v10;
	v20 =	vand.u32 $0x3FF, v3  }
0x214: {  	v12 =	vld [tilespmem:s31+$0x10];
	v10 =	vshrl.u32 v10, $0xA;
	v3 =	vxor.u32 $0x3FF, v20  }
0x215: {  	v18 =	vand.u32 $0x3FF, v10;
	(xrf1) =	vunique.msk.u32 $0xffff, v3  }
0x216: {  	(xrf1) =	vunique.msk.u32 $0xffff, v18;
	_ =	sdelay $0x2  }
0x217: {  	v10 =	vshrl.u32 v12, $0xA  }
0x218: {  	s13 =	simm.s32 $0xC0;
	v10 =	vand.u32 $0x3FF, v10  }
0x219: {  	s11 =	simm.s32 $0x4040;
	v14 =	vld [tilespmem:s13+$0x0];
	v12 =	vxor.u32 $0x13FF, v1;
	v22 =	vxor.u32 $0x3FF, v10;
	_, v1, _ =	vpop (xrf1)  }
0x21a: {  	s12 =	simm.s32 $0x8040;
	v13 =	vld [tilespmem:s13+$0xFFFFFFD0];
	(xrf1) =	vunique.msk.u32 $0xffff, v22;
	[tilespmem:s11+$0x0] =	vst v1;
	_, v15, _ =	vpop (xrf1)  }
0x21b: {  	v17 =	vld [tilespmem:s13+$0x20];
	[tilespmem:s12+$0x0] =	vst v6;
	_, v6, _ =	vpop (xrf1)  }
0x21c: {  	v23 =	vld [tilespmem:s13+$0x30];
	[tilespmem:s11+$0x20] =	vst v15;
	_, v19, _ =	vpop (xrf1)  }
0x21d: {  	v24 =	vld [tilespmem:s13+$0xFFFFFFE0];
	v7 =	vxor.u32 $0x1BFF, v7;
	[tilespmem:s11+$0x30] =	vst v6;
	_, v6, _ =	vpop (xrf1)  }
0x21e: {  	s10 =	simm.s32 $0x14000;
	v26 =	vld [tilespmem:s13+$0xFFFFFFF0];
	v1 =	vimm.s32 $0x1;
	[tilespmem:s11+$0xFFFFFFE0] =	vst v6;
	v6 =	vshrl.u32 v14, $0xA  }
0x21f: {  	[tilespmem:v12+s10+$0x0] =	vst.idx.add.s32.msk $0xffff, v1  }
0x220: {  	v27 =	vxor.u32 $0xBFF, v4;
	v28 =	vxor.u32 $0x1FFF, v9;
	v15 =	vld [tilespmem:s13+$0xFFFFFFC0];
	[tilespmem:s12+$0x20] =	vst v8;
	v16 =	vand.u32 $0x3FF, v6  }
0x221: {  	v9 =	vshrl.u32 v17, $0xA;
	v25 =	vxor.u32 $0x17FF, v10;
	v12 =	vld [tilespmem:s13+$0x10];
	[tilespmem:s12+$0xFFFFFFE0] =	vst v11;
	_, v14, _ =	vpop (xrf1);
	v11 =	vxor.u32 $0x3FF, v16  }
0x222: {  	v10 =	vand.u32 $0x3FF, v9;
	[tilespmem:v7+s10+$0x0] =	vst.idx.add.s32.msk $0xffff, v1;
	v7 =	vshrl.u32 v23, $0xA;
	(xrf1) =	vunique.msk.u32 $0xffff, v11;
	_, v6, _ =	vpop (xrf1)  }
0x223: {  	v4 =	vshrl.u32 v13, $0xA;
	v9 =	vand.u32 $0x3FF, v7;
	[tilespmem:s11+$0xFFFFFFC0] =	vst v6;
	v6 =	vxor.u32 $0x3FF, v10  }
0x224: {  	v4 =	vand.u32 $0x3FF, v4;
	[tilespmem:s12+$0x30] =	vst v5;
	v5 =	vxor.u32 $0x3FF, v9;
	(xrf1) =	vunique.msk.u32 $0xffff, v6  }
0x225: {  	v13 =	vxor.u32 $0x3FF, v4;
	[tilespmem:s11+$0xFFFFFFD0] =	vst v19;
	v7 =	vshrl.u32 v24, $0xA;
	(xrf1) =	vunique.msk.u32 $0xffff, v5  }
0x226: {  	v19 =	vxor.u32 $0xFFFFFFFF, v15;
	v15 =	vand.u32 $0x3FF, v7;
	v7 =	vshrl.u32 v26, $0xA;
	(xrf1) =	vunique.msk.u32 $0xffff, v13  }
0x227: {  	[tilespmem:v28+s10+$0x0] =	vst.idx.add.s32.msk $0xffff, v1;
	v8 =	vshrl.u32 v12, $0xA;
	v17 =	vxor.u32 $0x3FF, v15;
	v23 =	vand.u32 $0x3FF, v7  }
0x228: {  	v7 =	vshrl.u32 v19, $0xA;
	v19 =	vxor.u32 $0x3FF, v23;
	_, v12, _ =	vpop (xrf1);
	[tilespmem:s12+$0xFFFFFFC0] =	vst v18;
	(xrf1) =	vunique.msk.u32 $0xffff, v17  }
0x229: {  	v7 =	vand.u32 $0x3FF, v7;
	[tilespmem:v18+s10+$0x0] =	vst.idx.add.s32.msk $0xffff, v1;
	v18 =	vand.u32 $0x3FF, v8;
	(xrf1) =	vunique.msk.u32 $0xffff, v19  }
0x22a: {  	[tilespmem:v27+s10+$0x0] =	vst.idx.add.s32.msk $0xffff, v1;
	v8 =	vxor.u32 $0x3FF, v18;
	(xrf1) =	vunique.msk.u32 $0xffff, v7  }
0x22b: {  	v21 =	vxor.u32 $0x7FF, v21;
	[tilespmem:s11+$0x10] =	vst v12;
	(xrf1) =	vunique.msk.u32 $0xffff, v8  }
0x22c: {  	s15 =	simm.s32 $0x140;
	[tilespmem:s12+$0x10] =	vst v22  }
0x22d: {  	s14 =	simm.s32 $0x8040;
	s16 =	simm.s32 $0x4040;
	s13 =	simm.s32 $0x8;
	v12 =	vxor.u32 $0xFFF, v20;
	v20 =	vxor.u32 $0xFFF, v23;
	[tilespmem:v25+s10+$0x0] =	vst.idx.add.s32.msk $0xffff, v1  }
.LBB2_24:
0x22e: {  	v22 =	vld [tilespmem:s15+$0xFFFFFFD0];
	s13 =	sadd.s32 $0x8, s13;
	[tilespmem:s12+$0xFFFFFFD0] =	vst v2;
	s11 =	sadd.s32 $0x80, s11;
	s14 =	sadd.s32 $0x80, s14;
	v2 =	vmov v13  }
0x22f: {  	v13 =	vld [tilespmem:s15+$0x30];
	p0 =	slt.u32 s13, $0x1F8;
	[tilespmem:s16+$0xFFFFFFF0] =	vst v14;
	s16 =	smov.u32 s11  }
0x230: {  	v14 =	vxor.u32 $0x13FF, v16;
	_, v16, _ =	vpop (xrf1);
	[tilespmem:v21+s10+$0x0] =	vst.idx.add.s32.msk $0xffff, v1  }
0x231: {  	v21 =	vld [tilespmem:s15+$0x0];
	[tilespmem:s12+$0xFFFFFFF0] =	vst v3;
	v3 =	vmov v19;
	s12 =	smov.u32 s14  }
0x232: {  	v19 =	vld [tilespmem:s15+$0x20];
	[tilespmem:s11+$0x0] =	vst v16;
	_, v23, _ =	vpop (xrf1)  }
0x233: {  	v24 =	vld [tilespmem:s15+$0x10];
	[tilespmem:s14+$0x0] =	vst v11;
	_, v11, _ =	vpop (xrf1)  }
0x234: {  	v25 =	vxor.u32 $0x1BFF, v10;
	_, v26, _ =	vpop (xrf1);
	[tilespmem:v12+s10+$0x0] =	vst.idx.add.s32.msk $0xffff, v1;
	v12 =	vmov v20  }
0x235: {  	[tilespmem:v14+s10+$0x0] =	vst.idx.add.s32.msk $0xffff, v1  }
0x236: {  	v27 =	vxor.u32 $0x17FF, v18;
	v20 =	vld [tilespmem:s15+$0xFFFFFFE0];
	[tilespmem:s11+$0x30] =	vst v11;
	_, v10, _ =	vpop (xrf1)  }
0x237: {  	v29 =	vxor.u32 $0xBFF, v15;
	v11 =	vshrl.u32 v21, $0xA;
	v21 =	vxor.u32 $0x1FFF, v9;
	v28 =	vld [tilespmem:s15+$0xFFFFFFF0];
	[tilespmem:s11+$0xFFFFFFE0] =	vst v10;
	_, v14, _ =	vpop (xrf1)  }
0x238: {  	v9 =	vshrl.u32 v22, $0xA;
	v16 =	vand.u32 $0x3FF, v11;
	v15 =	vld [tilespmem:s15+$0xFFFFFFC0];
	v18 =	vshrl.u32 v24, $0xA;
	[tilespmem:s11+$0x20] =	vst v23;
	_, v22, _ =	vpop (xrf1)  }
0x239: {  	v23 =	vand.u32 $0x3FF, v9;
	v11 =	vxor.u32 $0x3FF, v16;
	v9 =	vshrl.u32 v19, $0xA;
	[tilespmem:s14+$0xFFFFFFE0] =	vst v17;
	_, v19, _ =	vpop (xrf1)  }
0x23a: {  	v10 =	vand.u32 $0x3FF, v9;
	v9 =	vshrl.u32 v13, $0xA;
	(xrf1) =	vunique.msk.u32 $0xffff, v11;
	[tilespmem:s14+$0x20] =	vst v6  }
0x23b: {  	v13 =	vxor.u32 $0x3FF, v23;
	v6 =	vxor.u32 $0x3FF, v10;
	v9 =	vand.u32 $0x3FF, v9;
	[tilespmem:v25+s10+$0x0] =	vst.idx.add.s32.msk $0xffff, v1  }
0x23c: {  	v17 =	vshrl.u32 v20, $0xA;
	v20 =	vxor.u32 $0x3FF, v9;
	(xrf1) =	vunique.msk.u32 $0xffff, v6;
	[tilespmem:s11+$0xFFFFFFC0] =	vst v22  }
0x23d: {  	v18 =	vand.u32 $0x3FF, v18;
	v22 =	vxor.u32 $0xFFFFFFFF, v15;
	(xrf1) =	vunique.msk.u32 $0xffff, v20;
	[tilespmem:s11+$0xFFFFFFD0] =	vst v26  }
0x23e: {  	v24 =	vshrl.u32 v28, $0xA;
	v15 =	vand.u32 $0x3FF, v17;
	(xrf1) =	vunique.msk.u32 $0xffff, v13;
	[tilespmem:s14+$0x30] =	vst v5;
	v5 =	vmovc v20  }
0x23f: {  	v17 =	vxor.u32 $0x3FF, v15;
	v20 =	vand.u32 $0x3FF, v24;
	v24 =	vxor.u32 $0x3FF, v18;
	[tilespmem:s11+$0x10] =	vst v19  }
0x240: {  	v22 =	vshrl.u32 v22, $0xA;
	v19 =	vxor.u32 $0x3FF, v20;
	(xrf1) =	vunique.msk.u32 $0xffff, v17;
	[tilespmem:v21+s10+$0x0] =	vst.idx.add.s32.msk $0xffff, v1  }
.Ltmp12:
0x241: {  	v20 =	vxor.u32 $0xFFF, v20;
	v21 =	vand.u32 $0x3FF, v22;
	(xrf1) =	vunique.msk.u32 $0xffff, v19;
	[tilespmem:s14+$0xFFFFFFC0] =	vst v7;
	(pc) =	sbr.rel @p0 .LBB2_24-.Ltmp12, $4  }
0x242: {  	(xrf1) =	vunique.msk.u32 $0xffff, v21;
	[tilespmem:v7+s10+$0x0] =	vst.idx.add.s32.msk $0xffff, v1;
	v7 =	vmov v21  }
0x243: {  	v21 =	vxor.u32 $0x7FF, v4;
	v4 =	vmov v23;
	(xrf1) =	vunique.msk.u32 $0xffff, v24;
	[tilespmem:v29+s10+$0x0] =	vst.idx.add.s32.msk $0xffff, v1  }
0x244: {  	[tilespmem:s14+$0x10] =	vst v8;
	v8 =	vmov v24  }
0x245: {  	s15 =	sadd.s32 $0x80, s15;
	[tilespmem:v27+s10+$0x0] =	vst.idx.add.s32.msk $0xffff, v1  }
0x246: {  	_ =	sdelay $0x1  }
0x247: {  	[tilespmem:s12+$0xFFFFFFD0] =	vst v2  }
0x248: {  	[tilespmem:s16+$0xFFFFFFF0] =	vst v14  }
0x249: {  	v2 =	vxor.u32 $0x13FF, v16;
	[tilespmem:v21+s10+$0x0] =	vst.idx.add.s32.msk $0xffff, v1  }
0x24a: {  	[tilespmem:s12+$0xFFFFFFF0] =	vst v3  }
0x24b: {  	s11 =	sadd.s32 $0x80, s11;
	_, v14, _ =	vpop (xrf1);
	[tilespmem:v12+s10+$0x0] =	vst.idx.add.s32.msk $0xffff, v1  }
0x24c: {  	s28 =	sadd.s32 $0x80, s14;
	[tilespmem:s11+$0x0] =	vst v14  }
0x24d: {  	[tilespmem:s28+$0x0] =	vst v11  }
0x24e: {  	_, v3, _ =	vpop (xrf1);
	[tilespmem:v2+s10+$0x0] =	vst.idx.add.s32.msk $0xffff, v1  }
0x24f: {  	_, v11, _ =	vpop (xrf1);
	[tilespmem:s11+$0x20] =	vst v3  }
0x250: {  	[tilespmem:s11+$0x30] =	vst v11  }
0x251: {  	v4 =	vxor.u32 $0x7FF, v4;
	_, v12, _ =	vpop (xrf1);
	[tilespmem:s28+$0x20] =	vst v6  }
0x252: {  	[tilespmem:s11+$0xFFFFFFD0] =	vst v12  }
0x253: {  	v2 =	vxor.u32 $0x1BFF, v10;
	[tilespmem:s28+$0x30] =	vst v5  }
0x254: {  	_, v10, _ =	vpop (xrf1);
	[tilespmem:s28+$0xFFFFFFD0] =	vst v13  }
0x255: {  	[tilespmem:s11+$0xFFFFFFE0] =	vst v10  }
0x256: {  	v6 =	vxor.u32 $0x1FFF, v9;
	[tilespmem:v4+s10+$0x0] =	vst.idx.add.s32.msk $0xffff, v1  }
0x257: {  	[tilespmem:s28+$0xFFFFFFE0] =	vst v17  }
0x258: {  	_, v3, _ =	vpop (xrf1);
	[tilespmem:v2+s10+$0x0] =	vst.idx.add.s32.msk $0xffff, v1  }
0x259: {  	_, v9, _ =	vpop (xrf1);
	[tilespmem:s11+$0xFFFFFFF0] =	vst v3  }
0x25a: {  	[tilespmem:s11+$0xFFFFFFC0] =	vst v9  }
0x25b: {  	[tilespmem:v6+s10+$0x0] =	vst.idx.add.s32.msk $0xffff, v1  }
0x25c: {  	_, v9, _ =	vpop (xrf1);
	[tilespmem:s28+$0xFFFFFFF0] =	vst v19  }
0x25d: {  	v5 =	vxor.u32 $0x17FF, v18;
	[tilespmem:s11+$0x10] =	vst v9  }
0x25e: {  	v2 =	vxor.u32 $0xBFF, v15;
	[tilespmem:s28+$0xFFFFFFC0] =	vst v7  }
0x25f: {  	[tilespmem:v20+s10+$0x0] =	vst.idx.add.s32.msk $0xffff, v1  }
0x260: {  	[tilespmem:v7+s10+$0x0] =	vst.idx.add.s32.msk $0xffff, v1  }
0x261: {  	[tilespmem:s28+$0x10] =	vst v8  }
0x262: {  	[tilespmem:v5+s10+$0x0] =	vst.idx.add.s32.msk $0xffff, v1  }
0x263: {  	s29 =	simm.s32 $0x3;
	[tilespmem:v2+s10+$0x0] =	vst.idx.add.s32.msk $0xffff, v1  }
0x264: {  	_ =	swait.ge [sflag:s29], $0x2000  }
0x265: {  	[sflag:s29] =	ssyncset.done $0x0  }
0x266: {  	s30 =	simm.s32 $0x2070;
	[sflag:s29] =	ssyncadd.s32 $0xFFFFE000  }
0x267: {  	v1 =	vld [tilespmem:s30+$0xFFFFFF90]  }
0x268: {  	v2 =	vld [tilespmem:s30+$0x0]  }
0x269: {  	v3 =	vld [tilespmem:s30+$0xFFFFFFB0]  }
0x26a: {  	v4 =	vld [tilespmem:s30+$0xFFFFFFF0]  }
0x26b: {  	v5 =	vld [tilespmem:s30+$0xFFFFFFC0]  }
0x26c: {  	v6 =	vld [tilespmem:s30+$0xFFFFFFD0];
	v1 =	vxor.u32 $0xFFFFFFFF, v1  }
0x26d: {  	v2 =	vshrl.u32 v2, $0xA;
	v1 =	vshrl.u32 v1, $0xA  }
0x26e: {  	v13 =	vand.u32 $0x3FF, v2;
	v12 =	vand.u32 $0x3FF, v1;
	v1 =	vshrl.u32 v3, $0xA  }
0x26f: {  	v27 =	vxor.u32 $0x3FF, v13;
	(xrf1) =	vunique.msk.u32 $0xffff, v12;
	v2 =	vand.u32 $0x3FF, v1;
	v1 =	vshrl.u32 v4, $0xA  }
0x270: {  	v7 =	vld [tilespmem:s30+$0xFFFFFFA0];
	v3 =	vxor.u32 $0x3FF, v2;
	(xrf1) =	vunique.msk.u32 $0xffff, v27;
	v14 =	vand.u32 $0x3FF, v1;
	v1 =	vshrl.u32 v5, $0xA  }
0x271: {  	v4 =	vshrl.u32 v6, $0xA;
	(xrf1) =	vunique.msk.u32 $0xffff, v3;
	v5 =	vand.u32 $0x3FF, v1;
	v21 =	vxor.u32 $0x3FF, v14  }
0x272: {  	v9 =	vld [tilespmem:s30+$0xFFFFFFE0];
	v28 =	vand.u32 $0x3FF, v4;
	v4 =	vxor.u32 $0x3FF, v5;
	(xrf1) =	vunique.msk.u32 $0xffff, v21  }
0x273: {  	v8 =	vxor.u32 $0x3FF, v28;
	(xrf1) =	vunique.msk.u32 $0xffff, v4  }
0x274: {  	(xrf1) =	vunique.msk.u32 $0xffff, v8  }
0x275: {  	v1 =	vshrl.u32 v7, $0xA  }
0x276: {  	s31 =	simm.s32 $0x20F0;
	v6 =	vand.u32 $0x3FF, v1  }
0x277: {  	v7 =	vshrl.u32 v9, $0xA;
	v1 =	vld [tilespmem:s31+$0xFFFFFF90];
	v11 =	vxor.u32 $0x3FF, v6  }
0x278: {  	v10 =	vand.u32 $0x3FF, v7;
	(xrf1) =	vunique.msk.u32 $0xffff, v11  }
0x279: {  	v16 =	vld [tilespmem:s31+$0xFFFFFFF0];
	v9 =	vxor.u32 $0x3FF, v10  }
0x27a: {  	v17 =	vld [tilespmem:s31+$0xFFFFFFD0];
	(xrf1) =	vunique.msk.u32 $0xffff, v9  }
0x27b: {  	v18 =	vld [tilespmem:s31+$0x0]  }
0x27c: {  	v15 =	vld [tilespmem:s31+$0xFFFFFFB0];
	v1 =	vxor.u32 $0xFFFFFFFF, v1  }
0x27d: {  	s11 =	simm.s32 $0x6070;
	v1 =	vshrl.u32 v1, $0xA;
	_, v7, _ =	vpop (xrf1)  }
0x27e: {  	s10 =	simm.s32 $0xA070;
	v20 =	vld [tilespmem:s31+$0xFFFFFFC0];
	_, v22, _ =	vpop (xrf1);
	[tilespmem:s11+$0xFFFFFF90] =	vst v7;
	v7 =	vand.u32 $0x3FF, v1  }
0x27f: {  	v23 =	vld [tilespmem:s31+$0xFFFFFFE0];
	v16 =	vshrl.u32 v16, $0xA;
	v29 =	vxor.u32 $0x1FFF, v13;
	_, v19, _ =	vpop (xrf1);
	(xrf1) =	vunique.msk.u32 $0xffff, v7;
	[tilespmem:s10+$0xFFFFFF90] =	vst v12  }
0x280: {  	s12 =	simm.s32 $0x14000;
	v26 =	vld [tilespmem:s31+$0xFFFFFFA0];
	v13 =	vshrl.u32 v17, $0xA;
	v17 =	vshrl.u32 v18, $0xA;
	v1 =	vimm.s32 $0x1;
	[tilespmem:s11+$0xFFFFFFB0] =	vst v19;
	_, v24, _ =	vpop (xrf1)  }
0x281: {  	v18 =	vshrl.u32 v15, $0xA;
	v15 =	vand.u32 $0x3FF, v17;
	v25 =	vxor.u32 $0x1BFF, v14;
	[tilespmem:v12+s12+$0x0] =	vst.idx.add.s32.msk $0xffff, v1;
	_, v14, _ =	vpop (xrf1)  }
0x282: {  	v16 =	vand.u32 $0x3FF, v16;
	v18 =	vand.u32 $0x3FF, v18;
	v12 =	vxor.u32 $0x3FF, v15;
	_, v19, _ =	vpop (xrf1);
	[tilespmem:s11+$0xFFFFFFC0] =	vst v14  }
0x283: {  	(xrf1) =	vunique.msk.u32 $0xffff, v12;
	v14 =	vshrl.u32 v20, $0xA;
	[tilespmem:s11+$0xFFFFFFD0] =	vst v19;
	v19 =	vxor.u32 $0x3FF, v18  }
0x284: {  	[tilespmem:s11+$0x0] =	vst v22;
	v20 =	vand.u32 $0x3FF, v14;
	v14 =	vxor.u32 $0x3FF, v16;
	(xrf1) =	vunique.msk.u32 $0xffff, v19  }
0x285: {  	v23 =	vshrl.u32 v23, $0xA;
	[tilespmem:s10+$0x0] =	vst v27;
	v17 =	vxor.u32 $0x3FF, v20;
	(xrf1) =	vunique.msk.u32 $0xffff, v14  }
0x286: {  	v13 =	vand.u32 $0x3FF, v13;
	[tilespmem:s11+$0xFFFFFFF0] =	vst v24;
	v24 =	vshrl.u32 v26, $0xA;
	_, v22, _ =	vpop (xrf1);
	(xrf1) =	vunique.msk.u32 $0xffff, v17  }
0x287: {  	v27 =	vxor.u32 $0x13FF, v28;
	v26 =	vxor.u32 $0x3FF, v13;
	[tilespmem:s10+$0xFFFFFFF0] =	vst v21;
	v21 =	vand.u32 $0x3FF, v24  }
0x288: {  	[tilespmem:v25+s12+$0x0] =	vst.idx.add.s32.msk $0xffff, v1;
	v25 =	vand.u32 $0x3FF, v23;
	v24 =	vxor.u32 $0x3FF, v21;
	_, v30, _ =	vpop (xrf1);
	(xrf1) =	vunique.msk.u32 $0xffff, v26  }
0x289: {  	v23 =	vxor.u32 $0x3FF, v25;
	(xrf1) =	vunique.msk.u32 $0xffff, v24  }
0x28a: {  	s15 =	simm.s32 $0x208;
	[tilespmem:v29+s12+$0x0] =	vst.idx.add.s32.msk $0xffff, v1;
	(xrf1) =	vunique.msk.u32 $0xffff, v23  }
0x28b: {  	s16 =	simm.s32 $0x2170;
	s13 =	simm.s32 $0x60F0;
	s14 =	simm.s32 $0xA070;
	[tilespmem:s11+$0xFFFFFFE0] =	vst v30  }
.LBB2_26:
0x28c: {  	v28 =	vld [tilespmem:s16+$0xFFFFFF90];
	s15 =	sadd.s32 $0x8, s15;
	[tilespmem:s10+$0xFFFFFFD0] =	vst v8;
	s14 =	sadd.s32 $0x80, s14;
	v8 =	vmov v26  }
0x28d: {  	p0 =	slt.u32 s15, $0x3F8;
	_, v26, _ =	vpop (xrf1);
	[tilespmem:v27+s12+$0x0] =	vst.idx.add.s32.msk $0xffff, v1;
	v27 =	vxor.u32 $0x17FF, v10;
	v10 =	vmov v25  }
0x28e: {  	v25 =	vld [tilespmem:s16+$0xFFFFFFB0];
	[tilespmem:s11+$0xFFFFFFA0] =	vst v22;
	s11 =	smov.u32 s13  }
0x28f: {  	v22 =	vxor.u32 $0xBFF, v2;
	v2 =	vmov v18;
	v29 =	vld [tilespmem:s16+$0xFFFFFFF0];
	[tilespmem:s10+$0xFFFFFFA0] =	vst v11;
	v11 =	vmov v24  }
0x290: {  	v18 =	vld [tilespmem:s16+$0x0];
	[tilespmem:s10+$0xFFFFFFB0] =	vst v3;
	v3 =	vmov v19  }
0x291: {  	v19 =	vxor.u32 $0xFFF, v5;
	v5 =	vmov v20;
	_, v24, _ =	vpop (xrf1);
	[tilespmem:s10+$0xFFFFFFE0] =	vst v9;
	v9 =	vmov v23  }
0x292: {  	v23 =	vxor.u32 $0x7FF, v6;
	v6 =	vmov v21;
	_, v20, _ =	vpop (xrf1);
	[tilespmem:v27+s12+$0x0] =	vst.idx.add.s32.msk $0xffff, v1  }
0x293: {  	v21 =	vld [tilespmem:s16+$0xFFFFFFD0];
	[tilespmem:s13+$0xFFFFFF90] =	vst v26;
	_, v26, _ =	vpop (xrf1)  }
0x294: {  	v27 =	vxor.u32 $0xFFFFFFFF, v28;
	_, v28, _ =	vpop (xrf1);
	[tilespmem:v22+s12+$0x0] =	vst.idx.add.s32.msk $0xffff, v1  }
0x295: {  	v34 =	vshrl.u32 v27, $0xA;
	v27 =	vld [tilespmem:s16+$0xFFFFFFC0];
	[tilespmem:s10+$0xFFFFFFC0] =	vst v4;
	v4 =	vmov v17;
	s10 =	smov.u32 s14  }
0x296: {  	v17 =	vand.u32 $0x3FF, v34;
	_, v30, _ =	vpop (xrf1);
	[tilespmem:v19+s12+$0x0] =	vst.idx.add.s32.msk $0xffff, v1  }
0x297: {  	v32 =	vxor.u32 $0x1BFF, v16;
	v33 =	vxor.u32 $0x1FFF, v15;
	v31 =	vld [tilespmem:s16+$0xFFFFFFE0];
	(xrf1) =	vunique.msk.u32 $0xffff, v17;
	[tilespmem:s13+$0xFFFFFFB0] =	vst v20;
	_, v22, _ =	vpop (xrf1)  }
0x298: {  	v15 =	vshrl.u32 v29, $0xA;
	v18 =	vshrl.u32 v18, $0xA;
	v19 =	vshrl.u32 v21, $0xA;
	_, v29, _ =	vpop (xrf1);
	[tilespmem:v23+s12+$0x0] =	vst.idx.add.s32.msk $0xffff, v1  }
0x299: {  	v16 =	vand.u32 $0x3FF, v15;
	v15 =	vand.u32 $0x3FF, v18;
	v20 =	vshrl.u32 v25, $0xA;
	v21 =	vld [tilespmem:s16+$0xFFFFFFA0];
	[tilespmem:s14+$0xFFFFFF90] =	vst v7  }
0x29a: {  	v34 =	vxor.u32 $0x3FF, v15;
	v18 =	vand.u32 $0x3FF, v20;
	v23 =	vand.u32 $0x3FF, v19;
	[tilespmem:v7+s12+$0x0] =	vst.idx.add.s32.msk $0xffff, v1;
	v7 =	vmovc v17  }
0x29b: {  	v19 =	vxor.u32 $0x3FF, v18;
	v17 =	vshrl.u32 v27, $0xA;
	(xrf1) =	vunique.msk.u32 $0xffff, v34;
	[tilespmem:s13+$0xFFFFFFC0] =	vst v28  }
0x29c: {  	v27 =	vxor.u32 $0x3FF, v16;
	v20 =	vand.u32 $0x3FF, v17;
	(xrf1) =	vunique.msk.u32 $0xffff, v19;
	[tilespmem:s13+$0xFFFFFFD0] =	vst v30  }
0x29d: {  	v17 =	vxor.u32 $0x3FF, v20;
	v25 =	vshrl.u32 v31, $0xA;
	(xrf1) =	vunique.msk.u32 $0xffff, v27;
	[tilespmem:s13+$0xFFFFFFF0] =	vst v26  }
0x29e: {  	v25 =	vand.u32 $0x3FF, v25;
	v21 =	vshrl.u32 v21, $0xA;
	(xrf1) =	vunique.msk.u32 $0xffff, v17;
	[tilespmem:s13+$0x0] =	vst v24  }
.Ltmp13:
0x29f: {  	v26 =	vxor.u32 $0x3FF, v23;
	v21 =	vand.u32 $0x3FF, v21;
	[tilespmem:s14+$0xFFFFFFF0] =	vst v14;
	v14 =	vmov v27;
	(pc) =	sbr.rel @p0 .LBB2_26-.Ltmp13, $4  }
0x2a0: {  	v27 =	vxor.u32 $0x13FF, v13;
	v13 =	vmovc v23;
	v24 =	vxor.u32 $0x3FF, v21;
	(xrf1) =	vunique.msk.u32 $0xffff, v26;
	[tilespmem:v32+s12+$0x0] =	vst.idx.add.s32.msk $0xffff, v1  }
0x2a1: {  	v23 =	vxor.u32 $0x3FF, v25;
	(xrf1) =	vunique.msk.u32 $0xffff, v24;
	[tilespmem:s13+$0xFFFFFFE0] =	vst v29  }
0x2a2: {  	(xrf1) =	vunique.msk.u32 $0xffff, v23;
	[tilespmem:s14+$0x0] =	vst v12;
	v12 =	vmov v34  }
0x2a3: {  	s16 =	sadd.s32 $0x80, s16;
	s13 =	sadd.s32 $0x80, s13;
	[tilespmem:v33+s12+$0x0] =	vst.idx.add.s32.msk $0xffff, v1  }
0x2a4: {  	[tilespmem:s10+$0xFFFFFFD0] =	vst v8  }
0x2a5: {  	[tilespmem:s11+$0xFFFFFFA0] =	vst v22  }
0x2a6: {  	[tilespmem:s10+$0xFFFFFFB0] =	vst v3  }
0x2a7: {  	[tilespmem:s10+$0xFFFFFFE0] =	vst v9  }
0x2a8: {  	[tilespmem:s10+$0xFFFFFFC0] =	vst v4  }
0x2a9: {  	v8 =	vxor.u32 $0x17FF, v10;
	[tilespmem:v27+s12+$0x0] =	vst.idx.add.s32.msk $0xffff, v1  }
0x2aa: {  	v2 =	vxor.u32 $0xBFF, v2;
	v3 =	vxor.u32 $0xFFF, v5;
	[tilespmem:s10+$0xFFFFFFA0] =	vst v11;
	_, v5, _ =	vpop (xrf1)  }
0x2ab: {  	s30 =	sadd.s32 $0x80, s14;
	[tilespmem:s13+$0xFFFFFF90] =	vst v5  }
0x2ac: {  	v6 =	vxor.u32 $0x7FF, v6;
	s10 =	simm.s32 $0x14000;
	[tilespmem:s30+$0xFFFFFF90] =	vst v7  }
0x2ad: {  	[tilespmem:v7+s10+$0x0] =	vst.idx.add.s32.msk $0xffff, v1  }
0x2ae: {  	[tilespmem:v8+s12+$0x0] =	vst.idx.add.s32.msk $0xffff, v1  }
0x2af: {  	[tilespmem:v2+s12+$0x0] =	vst.idx.add.s32.msk $0xffff, v1  }
0x2b0: {  	[tilespmem:v3+s12+$0x0] =	vst.idx.add.s32.msk $0xffff, v1  }
0x2b1: {  	_, v2, _ =	vpop (xrf1);
	[tilespmem:v6+s12+$0x0] =	vst.idx.add.s32.msk $0xffff, v1  }
0x2b2: {  	_, v4, _ =	vpop (xrf1);
	[tilespmem:s13+$0x0] =	vst v2  }
0x2b3: {  	[tilespmem:s13+$0xFFFFFFB0] =	vst v4  }
0x2b4: {  	v6 =	vxor.u32 $0x1BFF, v16;
	_, v3, _ =	vpop (xrf1);
	[tilespmem:s30+$0x0] =	vst v12  }
0x2b5: {  	[tilespmem:s13+$0xFFFFFFF0] =	vst v3  }
0x2b6: {  	_, v4, _ =	vpop (xrf1);
	[tilespmem:s30+$0xFFFFFFB0] =	vst v19  }
0x2b7: {  	[tilespmem:s13+$0xFFFFFFC0] =	vst v4  }
0x2b8: {  	[tilespmem:s30+$0xFFFFFFF0] =	vst v14  }
0x2b9: {  	[tilespmem:v6+s10+$0x0] =	vst.idx.add.s32.msk $0xffff, v1  }
0x2ba: {  	v3 =	vxor.u32 $0x1FFF, v15;
	_, v5, _ =	vpop (xrf1);
	[tilespmem:s30+$0xFFFFFFC0] =	vst v17  }
0x2bb: {  	[tilespmem:s13+$0xFFFFFFD0] =	vst v5  }
0x2bc: {  	_, v2, _ =	vpop (xrf1);
	v5 =	vxor.u32 $0x13FF, v13;
	[tilespmem:s30+$0xFFFFFFD0] =	vst v26  }
0x2bd: {  	_, v4, _ =	vpop (xrf1);
	[tilespmem:s13+$0xFFFFFFA0] =	vst v2  }
0x2be: {  	v2 =	vxor.u32 $0xBFF, v18;
	[tilespmem:s13+$0xFFFFFFE0] =	vst v4  }
0x2bf: {  	[tilespmem:v3+s10+$0x0] =	vst.idx.add.s32.msk $0xffff, v1;
	v3 =	vxor.u32 $0x17FF, v25  }
0x2c0: {  	[tilespmem:s30+$0xFFFFFFA0] =	vst v24;
	v4 =	vxor.u32 $0xFFF, v20  }
0x2c1: {  	[tilespmem:v5+s10+$0x0] =	vst.idx.add.s32.msk $0xffff, v1;
	v5 =	vxor.u32 $0x7FF, v21  }
0x2c2: {  	[tilespmem:s30+$0xFFFFFFE0] =	vst v23  }
0x2c3: {  	[tilespmem:v2+s10+$0x0] =	vst.idx.add.s32.msk $0xffff, v1  }
0x2c4: {  	[tilespmem:v3+s10+$0x0] =	vst.idx.add.s32.msk $0xffff, v1  }
0x2c5: {  	[tilespmem:v4+s10+$0x0] =	vst.idx.add.s32.msk $0xffff, v1  }
0x2c6: {  	s31 =	simm.s32 $0x0;
	[tilespmem:v5+s10+$0x0] =	vst.idx.add.s32.msk $0xffff, v1  }
0x2c7: {  	s11 =	sand.u32 $0x3C0, s31;
	v1 =	vld [tilespmem:s10+$0x0]  }
0x2c8: {  	v2 =	vld [tilespmem:s11+$0x14400]  }
0x2c9: {  	v3 =	vld [tilespmem:s11+$0x14800]  }
0x2ca: {  	v4 =	vld [tilespmem:s11+$0x14C00]  }
0x2cb: {  	v5 =	vld [tilespmem:s11+$0x15000]  }
0x2cc: {  	v6 =	vld [tilespmem:s11+$0x15400]  }
0x2cd: {  	v7 =	vld [tilespmem:s11+$0x15800]  }
0x2ce: {  	v8 =	vld [tilespmem:s11+$0x15C00]  }
0x2cf: {  	v9 =	vld [tilespmem:s10+$0x10]  }
0x2d0: {  	v10 =	vld [tilespmem:s10+$0x410]  }
0x2d1: {  	v11 =	vld [tilespmem:s10+$0x20]  }
0x2d2: {  	v12 =	vld [tilespmem:s10+$0x420]  }
0x2d3: {  	v57 =	vld [tilespmem:s10+$0x30]  }
0x2d4: {  	v14 =	vld [tilespmem:s10+$0x430]  }
0x2d5: {  	v58 =	vld [tilespmem:s10+$0x810]  }
0x2d6: {  	v59 =	vld [tilespmem:s10+$0x820]  }
0x2d7: {  	v17 =	vld [tilespmem:s10+$0x830]  }
0x2d8: {  	v60 =	vld [tilespmem:s10+$0xC10]  }
0x2d9: {  	v19 =	vld [tilespmem:s10+$0xC20]  }
0x2da: {  	v61 =	vld [tilespmem:s10+$0xC30]  }
0x2db: {  	v62 =	vld [tilespmem:s10+$0x1010];
	v1 =	vadd.s32 v1, v2  }
0x2dc: {  	v22 =	vld [tilespmem:s10+$0x1020];
	v1 =	vadd.s32 v3, v1  }
0x2dd: {  	v1 =	vadd.s32 v4, v1;
	v4 =	vld [tilespmem:s10+$0x1030]  }
0x2de: {  	v1 =	vadd.s32 v5, v1;
	v5 =	vld [tilespmem:s10+$0x1410]  }
0x2df: {  	v1 =	vadd.s32 v6, v1;
	v6 =	vld [tilespmem:s10+$0x1420]  }
0x2e0: {  	v1 =	vadd.s32 v7, v1;
	v7 =	vld [tilespmem:s10+$0x1430]  }
0x2e1: {  	v8 =	vadd.s32 v8, v1;
	v1 =	vadd.s32 v9, v10;
	v9 =	vld [tilespmem:s10+$0x1810]  }
0x2e2: {  	v2 =	vadd.s32 v11, v12;
	v3 =	vadd.s32 v57, v14;
	v10 =	vadd.s32 v58, v1;
	v1 =	vld [tilespmem:s10+$0x1820]  }
0x2e3: {  	v11 =	vadd.s32 v59, v2;
	v2 =	vld [tilespmem:s10+$0x1830];
	v3 =	vadd.s32 v17, v3;
	v10 =	vadd.s32 v60, v10  }
0x2e4: {  	v11 =	vadd.s32 v19, v11;
	v63 =	vadd.s32 v61, v3;
	v3 =	vld [tilespmem:s10+$0x1C10];
	v10 =	vadd.s32 v62, v10  }
0x2e5: {  	v11 =	vadd.s32 v22, v11;
	v12 =	vadd.s32 v4, v63;
	v4 =	vld [tilespmem:s10+$0x1C20];
	v5 =	vadd.s32 v5, v10  }
0x2e6: {  	s12 =	simm.s32 $0x40;
	s13 =	simm.s32 $0x14040;
	s11 =	simm.s32 $0x0;
	[tilespmem:s10+$0x0] =	vst v8;
	v8 =	vadd.s32 v6, v11;
	v6 =	vadd.s32 v7, v12;
	v7 =	vadd.s32 v9, v5;
	v5 =	vld [tilespmem:s10+$0x1C30]  }
.LBB2_28:
0x2e7: {  	v9 =	vld [tilespmem:s13+$0x0];
	s14 =	sand.u32 $0x3C0, s12;
	s11 =	sadd.s32 $0x4, s11;
	v1 =	vadd.s32 v1, v8  }
0x2e8: {  	v8 =	vld [tilespmem:s14+$0x14400];
	p0 =	slt.u32 s11, $0x3C;
	v2 =	vadd.s32 v2, v6  }
0x2e9: {  	v6 =	vld [tilespmem:s14+$0x14800];
	v3 =	vadd.s32 v3, v7  }
0x2ea: {  	v7 =	vld [tilespmem:s14+$0x14C00];
	[tilespmem:s10+$0x10] =	vst v3;
	v1 =	vadd.s32 v4, v1  }
0x2eb: {  	v3 =	vld [tilespmem:s14+$0x15000];
	[tilespmem:s10+$0x20] =	vst v1;
	v1 =	vadd.s32 v5, v2  }
0x2ec: {  	v2 =	vld [tilespmem:s14+$0x15400];
	[tilespmem:s10+$0x30] =	vst v1;
	s10 =	smov.u32 s13  }
0x2ed: {  	v1 =	vadd.s32 v9, v8;
	v4 =	vld [tilespmem:s14+$0x15800]  }
0x2ee: {  	v1 =	vadd.s32 v6, v1;
	v5 =	vld [tilespmem:s14+$0x15C00]  }
0x2ef: {  	v1 =	vadd.s32 v7, v1;
	v6 =	vld [tilespmem:s13+$0x10]  }
0x2f0: {  	v1 =	vadd.s32 v3, v1;
	v3 =	vld [tilespmem:s13+$0x410]  }
0x2f1: {  	v1 =	vadd.s32 v2, v1;
	v2 =	vld [tilespmem:s13+$0x20]  }
0x2f2: {  	v1 =	vadd.s32 v4, v1;
	v4 =	vld [tilespmem:s13+$0x420]  }
0x2f3: {  	v1 =	vadd.s32 v5, v1;
	v5 =	vld [tilespmem:s13+$0x30]  }
0x2f4: {  	[tilespmem:s13+$0x0] =	vst v1;
	v1 =	vld [tilespmem:s13+$0x430]  }
0x2f5: {  	v3 =	vadd.s32 v6, v3;
	v6 =	vld [tilespmem:s13+$0x810]  }
0x2f6: {  	v7 =	vld [tilespmem:s13+$0x820]  }
0x2f7: {  	v2 =	vadd.s32 v2, v4;
	v4 =	vld [tilespmem:s13+$0x830]  }
0x2f8: {  	v8 =	vld [tilespmem:s13+$0xC10]  }
0x2f9: {  	v9 =	vld [tilespmem:s13+$0xC20];
	v1 =	vadd.s32 v5, v1  }
0x2fa: {  	v3 =	vadd.s32 v6, v3;
	v5 =	vld [tilespmem:s13+$0xC30]  }
0x2fb: {  	v6 =	vld [tilespmem:s13+$0x1010];
	v2 =	vadd.s32 v7, v2  }
0x2fc: {  	v7 =	vld [tilespmem:s13+$0x1020];
	v1 =	vadd.s32 v4, v1  }
0x2fd: {  	v3 =	vadd.s32 v8, v3;
	v4 =	vld [tilespmem:s13+$0x1030]  }
0x2fe: {  	v8 =	vld [tilespmem:s13+$0x1410];
	v2 =	vadd.s32 v9, v2  }
0x2ff: {  	v9 =	vld [tilespmem:s13+$0x1420];
	v5 =	vadd.s32 v5, v1  }
0x300: {  	v3 =	vadd.s32 v6, v3;
	v6 =	vld [tilespmem:s13+$0x1430]  }
0x301: {  	v10 =	vld [tilespmem:s13+$0x1810];
	v7 =	vadd.s32 v7, v2  }
.Ltmp14:
0x302: {  	v1 =	vld [tilespmem:s13+$0x1820];
	v5 =	vadd.s32 v4, v5;
	(pc) =	sbr.rel @p0 .LBB2_28-.Ltmp14, $4  }
0x303: {  	v11 =	vadd.s32 v8, v3;
	v2 =	vld [tilespmem:s13+$0x1830]  }
0x304: {  	v3 =	vld [tilespmem:s13+$0x1C10];
	v8 =	vadd.s32 v9, v7  }
0x305: {  	v4 =	vld [tilespmem:s13+$0x1C20];
	v6 =	vadd.s32 v6, v5  }
0x306: {  	s12 =	sadd.s32 $0x40, s12;
	s13 =	sadd.s32 $0x40, s13;
	v7 =	vadd.s32 v10, v11;
	v5 =	vld [tilespmem:s10+$0x1C30]  }
0x307: {  	_ =	sdelay $0x1  }
0x308: {  	v1 =	vadd.s32 v1, v8;
	v3 =	vadd.s32 v3, v7  }
0x309: {  	v2 =	vadd.s32 v2, v6;
	[tilespmem:s10+$0x10] =	vst v3;
	v1 =	vadd.s32 v4, v1  }
0x30a: {  	s28 =	simm.s32 $0x400;
	[tilespmem:s10+$0x20] =	vst v1;
	v1 =	vadd.s32 v5, v2  }
0x30b: {  	s11 =	simm.s32 $0x16400;
	s12 =	simm.s32 $0x14000;
	s29 =	simm.s32 $0x3;
	[tilespmem:s10+$0x30] =	vst v1  }
0x30c: {  	[spmem:s6] =	stream.indirect.scatter [tilespmem:s12], [sflag:$0x3], $0x1, s11, s28, $0xb8;
	[tilespmem:$0x1F488] =	vst v63  }
0x30d: {  	_ =	swait.ge [sflag:s29], $0x400  }
0x30e: {  	[sflag:s29] =	ssyncset.done $0x0  }
0x30f: {  	[sflag:s29] =	ssyncadd.s32 $0xFFFFFC00  }
0x310: {  	s30 =	simm.s32 $0x16800;
	s13 =	simm.s32 $0x16C00;
	[bflag:$0x0] =	sbarrier.arrive $0xFFFF  }
0x311: {  	[tilespmem:s13], [sflag:$0x3] =	stream.indirect.gather [spmem:s6], $0x1, s30, s28, $0xb8;
	[tilespmem:$0x1F488] =	vst v63  }
0x312: {  	_ =	swait.ge [sflag:s29], $0x400  }
0x313: {  	[sflag:s29] =	ssyncset.done $0x0  }
0x314: {  	s31 =	simm.s32 $0x0;
	[sflag:s29] =	ssyncadd.s32 $0xFFFFFC00  }
0x315: {  	v1 =	vld [tilespmem:s31+$0x16C00];
	_ =	sdelay $0x4  }
0x316: {  	(xrf0) =	vadd.scan.msk.s32 $0xffff, v1;
	_ =	sdelay $0x5  }
0x317: {  	v2, _, _ =	vpop (xrf0)  }
0x318: {  	s11 =	simm.s32 $0x0;
	(v2sf) =	vpush v2, $0xF  }
0x319: {  	v1 =	vsub.s32 s11, v1  }
0x31a: {  	v1 =	vadd.s32 v2, v1  }
0x31b: {  	s10 =	simm.s32 $0x10;
	s12 =	simm.s32 $0x80;
	[tilespmem:s31+$0x16C00] =	vst v1  }
.LBB2_30:
0x31c: {  	p0 =	sne.s32 s12, $0xFC0;
	v1 =	vld [tilespmem:s10+$0x16C00];
	_ =	sdelay $0x4  }
0x31d: {  	(xrf0) =	vadd.scan.msk.s32 $0xffff, v1;
	_ =	sdelay $0x5  }
.Ltmp15:
0x31e: {  	v2, _, _ =	vpop (xrf0);
	s13 =	spop (v2sf);
	(pc) =	sbr.rel @p0 .LBB2_30-.Ltmp15, $4  }
0x31f: {  	(v2sf) =	vpush v2, $0xF;
	s11 =	sadd.s32 s11, s13  }
0x320: {  	v1 =	vsub.s32 s11, v1  }
0x321: {  	v1 =	vadd.s32 v2, v1  }
0x322: {  	[tilespmem:s10+$0x16C00] =	vst v1;
	s10 =	sshra.s32 s12, $0x2;
	s12 =	sadd.s32 $0x40, s12  }
0x323: {  	v1 =	vld [tilespmem:s10+$0x16C00];
	_ =	sdelay $0x4  }
0x324: {  	(xrf0) =	vadd.scan.msk.s32 $0xffff, v1;
	_ =	sdelay $0x5  }
0x325: {  	v2, _, _ =	vpop (xrf0)  }
0x326: {  	(v2sf) =	vpush v2, $0xF;
	_ =	sdelay $0xd  }
0x327: {  	s12 =	spop (v2sf)  }
0x328: {  	s11 =	sadd.s32 s11, s12;
	s30 =	spop (v2sf)  }
0x329: {  	v1 =	vsub.s32 s11, v1;
	s11 =	sadd.s32 s11, s30  }
0x32a: {  	v1 =	vadd.s32 v2, v1;
	v2 =	vmov s11  }
0x32b: {  	[tilespmem:s10+$0x16C00] =	vst v1;
	v1 =	vnsel vm0, $0x0, v2  }
0x32c: {  	s31 =	simm.s32 $0x400;
	s14 =	simm.s32 $0x16800;
	s15 =	simm.s32 $0x16C00;
	[tilespmem:$0x17000] =	vst v1  }
0x32d: {  	[spmem:s6] =	stream.indirect.scatter [tilespmem:s15], [sflag:$0x3], $0x1, s14, s31, $0xb8;
	[tilespmem:$0x1F488] =	vst v63  }
0x32e: {  	s16 =	simm.s32 $0x3;
	s10 =	simm.s32 $0x17000  }
0x32f: {  	[spmem:s7] =	stream.indirect_vreg.scatter [tilespmem:s10], [sflag:$0x4], $0x1, v0, vm1, $0xb8;
	[tilespmem:$0x1F488] =	vst v63  }
0x330: {  	_ =	swait.ge [sflag:s16], $0x400  }
0x331: {  	[sflag:s16] =	ssyncset.done $0x0  }
0x332: {  	s13 =	simm.s32 $0x4;
	[sflag:s16] =	ssyncadd.s32 $0xFFFFFC00  }
0x333: {  	_ =	swait.ge [sflag:s13], $0x10  }
0x334: {  	[sflag:s13] =	ssyncset.done $0x0  }
0x335: {  	[sflag:s13] =	ssyncadd.s32 $0xFFFFFFF0  }
0x336: {  	s17 =	simm.s32 $0x5;
	[bflag:$0x0] =	sbarrier.arrive $0xFFFF  }
0x337: {  	[tilespmem:s10], [sflag:$0x5] =	stream.linear.gather [spmem:s7], $0x80, $0x38;
	[tilespmem:$0x1F488] =	vst v63  }
0x338: {  	_ =	swait.ge [sflag:s17], $0x80  }
0x339: {  	[sflag:s17] =	ssyncset.done $0x0  }
0x33a: {  	s18 =	simm.s32 $0x16400;
	s14 =	simm.s32 $0x16000;
	[sflag:s17] =	ssyncadd.s32 $0xFFFFFF80  }
0x33b: {  	[tilespmem:s14], [sflag:$0x3] =	stream.indirect.gather [spmem:s6], $0x1, s18, s31, $0xb8;
	[tilespmem:$0x1F488] =	vst v63  }
0x33c: {  	v1 =	vld [tilespmem:$0x17000];
	_ =	sdelay $0x4  }
0x33d: {  	(xrf0) =	vadd.scan.msk.s32 $0xffff, v1;
	_ =	sdelay $0x1  }
0x33e: {  	s19 =	simm.s32 $0x30  }
0x33f: {  	v2 =	vmov s19  }
0x340: {  	s21 =	simm.s32 $0x20;
	v2 =	vshll.u32 v2, $0x4  }
0x341: {  	v4 =	vmov s21;
	v2 =	vshrl.u32 v2, $0xA  }
0x342: {  	s20 =	simm.s32 $0x10;
	v4 =	vshll.u32 v4, $0x4;
	v2 =	vbroadcast v2, $0x0;
	v3, _, _ =	vpop (xrf0)  }
0x343: {  	v4 =	vshrl.u32 v4, $0xA;
	v1 =	vsub.s32 v3, v1;
	v3 =	vmov s20  }
0x344: {  	s22 =	simm.s32 $0x0;
	v4 =	vbroadcast v4, $0x0;
	v3 =	vshll.u32 v3, $0x4;
	[tilespmem:$0x17000] =	vst v1  }
0x345: {  	v5 =	vmov s22;
	v3 =	vshrl.u32 v3, $0xA;
	_ =	swait.ge [sflag:s16], $0x400  }
0x346: {  	v1 =	vshll.u32 v5, $0x4;
	v3 =	vbroadcast v3, $0x0;
	[sflag:s16] =	ssyncset.done $0x0  }
0x347: {  	s23 =	simm.s32 $0x70;
	v1 =	vshrl.u32 v1, $0xA;
	[sflag:s16] =	ssyncadd.s32 $0xFFFFFC00  }
0x348: {  	s25 =	simm.s32 $0x60;
	s11 =	simm.s32 $0x16020;
	v5 =	vmov s23;
	v1 =	vbroadcast v1, $0x0;
	v2 =	vld.idx.msk [tilespmem:v2+s10+$0x0], $0xffff  }
0x349: {  	s24 =	simm.s32 $0x50;
	v8 =	vmov s25;
	v5 =	vshll.u32 v5, $0x4;
	v7 =	vld [tilespmem:s11+$0x10]  }
0x34a: {  	v6 =	vmov s24;
	v8 =	vshll.u32 v8, $0x4;
	v5 =	vshrl.u32 v5, $0xA;
	v11 =	vld.idx.msk [tilespmem:v4+s10+$0x0], $0xffff  }
0x34b: {  	s26 =	simm.s32 $0x40;
	v6 =	vshll.u32 v6, $0x4;
	v5 =	vbroadcast v5, $0x0;
	v4 =	vshrl.u32 v8, $0xA;
	v13 =	vld [tilespmem:s11+$0xFFFFFFE0]  }
0x34c: {  	v6 =	vshrl.u32 v6, $0xA;
	v8 =	vbroadcast v4, $0x0;
	v10 =	vld.idx.msk [tilespmem:v3+s10+$0x0], $0xffff;
	v3 =	vmov s26  }
0x34d: {  	v6 =	vbroadcast v6, $0x0;
	s30 =	simm.s32 $0xB0;
	v14 =	vld [tilespmem:s11+$0xFFFFFFF0];
	v3 =	vshll.u32 v3, $0x4  }
0x34e: {  	v9 =	vmov s30;
	v12 =	vld.idx.msk [tilespmem:v1+s10+$0x0], $0xffff;
	v1 =	vshrl.u32 v3, $0xA  }
0x34f: {  	s28 =	simm.s32 $0x80;
	s29 =	simm.s32 $0x90;
	s12 =	simm.s32 $0x16060;
	v16 =	vshll.u32 v9, $0x4;
	v2 =	vadd.s32 v2, v7;
	v7 =	vld [tilespmem:s11+$0x0];
	v1 =	vbroadcast v1, $0x0  }
0x350: {  	v16 =	vshrl.u32 v16, $0xA;
	s31 =	simm.s32 $0xA0;
	v9 =	vld [tilespmem:s12+$0x10];
	v4 =	vmov s29;
	v3 =	vmov s28  }
0x351: {  	v4 =	vshll.u32 v4, $0x4;
	v15 =	vshll.u32 v3, $0x4;
	v3 =	vld.idx.msk [tilespmem:v5+s10+$0x0], $0xffff;
	v5 =	vmov s31  }
0x352: {  	[tilespmem:s11+$0x10] =	vst v2;
	v2 =	vld.idx.msk [tilespmem:v8+s10+$0x0], $0xffff;
	v5 =	vshll.u32 v5, $0x4;
	v8 =	vadd.s32 v10, v14;
	v10 =	vbroadcast v16, $0x0  }
0x353: {  	v17 =	vshrl.u32 v4, $0xA;
	v4 =	vld.idx.msk [tilespmem:v6+s10+$0x0], $0xffff;
	v6 =	vshrl.u32 v15, $0xA;
	v62 =	vshrl.u32 v5, $0xA  }
0x354: {  	v5 =	vbroadcast v17, $0x0;
	[tilespmem:s11+$0xFFFFFFF0] =	vst v8;
	v63 =	vadd.s32 v11, v7;
	v8 =	vbroadcast v6, $0x0;
	v6 =	vld [tilespmem:s12+$0xFFFFFFE0]  }
0x355: {  	s13 =	simm.s32 $0x8;
	s14 =	simm.s32 $0xC0;
	v7 =	vbroadcast v62, $0x0;
	v11 =	vadd.s32 v12, v13;
	[tilespmem:s11+$0x0] =	vst v63;
	v1 =	vld.idx.msk [tilespmem:v1+s10+$0x0], $0xffff  }
.LBB2_32:
0x356: {  	v12 =	vmov s14;
	s15 =	sadd.s32 $0x10, s14;
	s16 =	sadd.s32 $0x30, s14;
	s13 =	sadd.s32 $0x4, s13;
	v13 =	vld [tilespmem:s12+$0xFFFFFFF0];
	v3 =	vadd.s32 v3, v9;
	[tilespmem:s11+$0xFFFFFFE0] =	vst v11  }
0x357: {  	s11 =	smov.u32 s12;
	v11 =	vshll.u32 v12, $0x4;
	v9 =	vmov s15;
	s15 =	sadd.s32 $0x20, s14;
	v19 =	vmov s16;
	p0 =	slt.u32 s13, $0x3C;
	v14 =	vld [tilespmem:s12+$0x0];
	[tilespmem:s12+$0x10] =	vst v3  }
0x358: {  	s12 =	sadd.s32 $0x40, s12;
	v16 =	vmovc v4;
	v9 =	vshll.u32 v9, $0x4;
	v15 =	vmov s15;
	v18 =	vshll.u32 v19, $0x4;
	v3 =	vld.idx.msk [tilespmem:v10+s10+$0x0], $0xffff  }
.Ltmp16:
0x359: {  	v17 =	vshrl.u32 v9, $0xA;
	v4 =	vshll.u32 v15, $0x4;
	v10 =	vshrl.u32 v18, $0xA;
	v9 =	vld [tilespmem:s12+$0x10];
	v12 =	vmovc v2;
	(pc) =	sbr.rel @p0 .LBB2_32-.Ltmp16, $4  }
0x35a: {  	v15 =	vshrl.u32 v11, $0xA;
	v11 =	vshrl.u32 v4, $0xA;
	v10 =	vbroadcast v10, $0x0;
	v4 =	vld.idx.msk [tilespmem:v5+s10+$0x0], $0xffff  }
0x35b: {  	v5 =	vbroadcast v17, $0x0;
	v2 =	vld.idx.msk [tilespmem:v7+s10+$0x0], $0xffff;
	v7 =	vbroadcast v11, $0x0;
	v13 =	vadd.s32 v16, v13  }
0x35c: {  	v11 =	vadd.s32 v1, v6;
	v1 =	vld.idx.msk [tilespmem:v8+s10+$0x0], $0xffff;
	v8 =	vbroadcast v15, $0x0;
	[tilespmem:s11+$0xFFFFFFF0] =	vst v13;
	v12 =	vadd.s32 v12, v14  }
0x35d: {  	s14 =	sadd.s32 $0x40, s14;
	v6 =	vld [tilespmem:s12+$0xFFFFFFE0];
	[tilespmem:s11+$0x0] =	vst v12  }
0x35e: {  	_ =	sdelay $0x1  }
0x35f: {  	v12 =	vld [tilespmem:s12+$0xFFFFFFF0]  }
0x360: {  	v13 =	vld [tilespmem:s12+$0x0]  }
0x361: {  	v10 =	vld.idx.msk [tilespmem:v10+s10+$0x0], $0xffff  }
0x362: {  	v5 =	vld.idx.msk [tilespmem:v5+s10+$0x0], $0xffff  }
0x363: {  	v7 =	vld.idx.msk [tilespmem:v7+s10+$0x0], $0xffff  }
0x364: {  	s13 =	sadd.s32 $0x40, s12;
	v8 =	vld.idx.msk [tilespmem:v8+s10+$0x0], $0xffff  }
0x365: {  	v14 =	vld [tilespmem:s13+$0x10]  }
0x366: {  	v3 =	vadd.s32 v3, v9;
	[tilespmem:s11+$0xFFFFFFE0] =	vst v11;
	v9 =	vld [tilespmem:s13+$0xFFFFFFF0]  }
0x367: {  	[tilespmem:s12+$0x10] =	vst v3;
	v3 =	vadd.s32 v4, v12;
	v4 =	vld [tilespmem:s13+$0x0]  }
0x368: {  	v1 =	vadd.s32 v1, v6;
	[tilespmem:s12+$0xFFFFFFF0] =	vst v3;
	v3 =	vld [tilespmem:s13+$0xFFFFFFE0]  }
0x369: {  	v2 =	vadd.s32 v2, v13;
	[tilespmem:s12+$0xFFFFFFE0] =	vst v1  }
0x36a: {  	[tilespmem:s12+$0x0] =	vst v2;
	v2 =	vadd.s32 v10, v14  }
0x36b: {  	v1 =	vadd.s32 v5, v9;
	[tilespmem:s13+$0x10] =	vst v2  }
0x36c: {  	[tilespmem:s13+$0xFFFFFFF0] =	vst v1;
	v1 =	vadd.s32 v7, v4  }
0x36d: {  	v2 =	vadd.s32 v8, v3;
	[tilespmem:s13+$0x0] =	vst v1  }
0x36e: {  	s30 =	simm.s32 $0x2;
	[tilespmem:s13+$0xFFFFFFE0] =	vst v2  }
0x36f: {  	_ =	swait.ge [sflag:s30], $0x4000  }
0x370: {  	[sflag:s30] =	ssyncset.done $0x0  }
0x371: {  	s31 =	simm.s32 $0x20;
	[sflag:s30] =	ssyncadd.s32 $0xFFFFC000  }
0x372: {  	v3 =	vld [tilespmem:s31+$0x10]  }
0x373: {  	v5 =	vld [tilespmem:s31+$0xFFFFFFF0]  }
0x374: {  	s10 =	simm.s32 $0xC020;
	v6 =	vld [tilespmem:s31+$0x0]  }
0x375: {  	v2 =	vld [tilespmem:s10+$0x10]  }
0x376: {  	v4 =	vld [tilespmem:s31+$0xFFFFFFE0]  }
0x377: {  	v1 =	vld [tilespmem:s10+$0xFFFFFFE0];
	v7 =	vxor.u32 $0xFFFFFFFF, v3  }
0x378: {  	v5 =	vxor.u32 $0xFFFFFFFF, v5;
	v3 =	vld [tilespmem:s10+$0xFFFFFFF0];
	v8 =	vshrl.u32 v7, $0x2  }
0x379: {  	s11 =	simm.s32 $0xC020;
	s12 =	simm.s32 $0x0;
	s13 =	simm.s32 $0x60;
	v6 =	vxor.u32 $0xFFFFFFFF, v6;
	v7 =	vshrl.u32 v5, $0x2;
	v5 =	vld [tilespmem:s10+$0x0];
	v8 =	vand.u32 $0xFFC0000, v8  }
.LBB2_34:
0x37a: {  	v9 =	vld [tilespmem:s13+$0x10];
	s12 =	sadd.s32 $0x4, s12;
	v7 =	vand.u32 $0xFFC0000, v7;
	v6 =	vshrl.u32 v6, $0x2;
	v2 =	vor.u32 v2, v8  }
0x37b: {  	v8 =	vld [tilespmem:s13+$0xFFFFFFF0];
	p0 =	slt.u32 s12, $0x3FC;
	v4 =	vxor.u32 $0xFFFFFFFF, v4;
	v6 =	vand.u32 $0xFFC0000, v6;
	[tilespmem:s10+$0x10] =	vst v2  }
0x37c: {  	s10 =	sadd.s32 $0x40, s10;
	v10 =	vld [tilespmem:s13+$0x0];
	v4 =	vshrl.u32 v4, $0x2  }
.Ltmp17:
0x37d: {  	v2 =	vld [tilespmem:s10+$0x10];
	v11 =	vand.u32 $0xFFC0000, v4;
	v3 =	vor.u32 v3, v7;
	(pc) =	sbr.rel @p0 .LBB2_34-.Ltmp17, $4  }
0x37e: {  	v4 =	vld [tilespmem:s13+$0xFFFFFFE0];
	v7 =	vor.u32 v1, v11;
	[tilespmem:s11+$0xFFFFFFF0] =	vst v3;
	v5 =	vor.u32 v5, v6  }
0x37f: {  	v1 =	vld [tilespmem:s10+$0xFFFFFFE0];
	v6 =	vxor.u32 $0xFFFFFFFF, v9;
	[tilespmem:s11+$0xFFFFFFE0] =	vst v7  }
0x380: {  	v7 =	vxor.u32 $0xFFFFFFFF, v8;
	v3 =	vld [tilespmem:s10+$0xFFFFFFF0];
	v8 =	vshrl.u32 v6, $0x2;
	[tilespmem:s11+$0x0] =	vst v5;
	s11 =	smov.u32 s10  }
0x381: {  	s13 =	sadd.s32 $0x40, s13;
	v7 =	vshrl.u32 v7, $0x2;
	v6 =	vxor.u32 $0xFFFFFFFF, v10;
	v5 =	vld [tilespmem:s10+$0x0];
	v8 =	vand.u32 $0xFFC0000, v8  }
0x382: {  	_ = 	snop  }
0x383: {  	v4 =	vxor.u32 $0xFFFFFFFF, v4  }
0x384: {  	v7 =	vand.u32 $0xFFC0000, v7;
	v2 =	vor.u32 v2, v8;
	v4 =	vshrl.u32 v4, $0x2  }
0x385: {  	v6 =	vshrl.u32 v6, $0x2;
	[tilespmem:s10+$0x10] =	vst v2;
	v2 =	vand.u32 $0xFFC0000, v4;
	v3 =	vor.u32 v3, v7  }
0x386: {  	v63 =	vand.u32 $0xFFC0000, v6;
	v1 =	vor.u32 v1, v2;
	[tilespmem:s11+$0xFFFFFFF0] =	vst v3  }
0x387: {  	v2 =	vor.u32 v5, v63;
	[tilespmem:s11+$0xFFFFFFE0] =	vst v1  }
0x388: {  	[tilespmem:s11+$0x0] =	vst v2;
	s11 =	simm.s32 $0x0  }
0x389: {  	s12 =	simm.s32 $0x40;
	s10 =	simm.s32 $0x16000;
	v1 =	vimm.s32 $0x1;
	v2 =	vld [tilespmem:s11+$0x8000]  }
.LBB2_36:
0x38a: {  	p0 =	sne.s32 s12, $0x7FC0;
	_ =	sdelay $0x6  }
0x38b: {  	v3 =	vld.idx.msk [tilespmem:v2+s10+$0x0], $0xffff  }
0x38c: {  	v4 =	vld [tilespmem:s11+$0x4000];
	_ =	sdelay $0x4  }
.Ltmp18:
0x38d: {  	v3 =	vadd.s32 v4, v3;
	(pc) =	sbr.rel @p0 .LBB2_36-.Ltmp18, $4  }
0x38e: {  	v3 =	vadd.s32 $0xFFFFFFFF, v3  }
0x38f: {  	[tilespmem:s11+$0x10000] =	vst v3  }
0x390: {  	s11 =	sshra.s32 s12, $0x2;
	[tilespmem:v2+s10+$0x0] =	vst.idx.add.s32.msk $0xffff, v1  }
0x391: {  	s12 =	sadd.s32 $0x40, s12;
	v2 =	vld [tilespmem:s11+$0x8000]  }
0x392: {  	_ =	sdelay $0x6  }
0x393: {  	v4 =	vld [tilespmem:s11+$0x4000]  }
0x394: {  	v3 =	vld.idx.msk [tilespmem:v2+s10+$0x0], $0xffff;
	_ =	sdelay $0x4  }
0x395: {  	v3 =	vadd.s32 v4, v3  }
0x396: {  	v3 =	vadd.s32 $0xFFFFFFFF, v3  }
0x397: {  	s30 =	simm.s32 $0x2000;
	[tilespmem:s11+$0x10000] =	vst v3  }
0x398: {  	s31 =	simm.s32 $0x10000;
	s12 =	simm.s32 $0xC000;
	s11 =	simm.s32 $0x0;
	[tilespmem:v2+s10+$0x0] =	vst.idx.add.s32.msk $0xffff, v1  }
0x399: {  	[spmem:s4] =	stream.indirect.scatter [tilespmem:s12], [sflag:$0x2], $0x1, s31, s30, $0xb8;
	[tilespmem:$0x1F488] =	vst v63  }
0x39a: {  	s10 =	simm.s32 $0x16000;
	v1 =	vimm.s32 $0x1;
	s12 =	simm.s32 $0x40;
	v2 =	vld [tilespmem:s11+$0xA000]  }
.LBB2_38:
0x39b: {  	p0 =	sne.s32 s12, $0x7FC0;
	_ =	sdelay $0x6  }
0x39c: {  	v3 =	vld.idx.msk [tilespmem:v2+s10+$0x0], $0xffff  }
0x39d: {  	v4 =	vld [tilespmem:s11+$0x6000];
	_ =	sdelay $0x4  }
.Ltmp19:
0x39e: {  	v3 =	vadd.s32 v4, v3;
	(pc) =	sbr.rel @p0 .LBB2_38-.Ltmp19, $4  }
0x39f: {  	v3 =	vadd.s32 $0xFFFFFFFF, v3  }
0x3a0: {  	[tilespmem:s11+$0x12000] =	vst v3  }
0x3a1: {  	s11 =	sshra.s32 s12, $0x2;
	[tilespmem:v2+s10+$0x0] =	vst.idx.add.s32.msk $0xffff, v1  }
0x3a2: {  	s12 =	sadd.s32 $0x40, s12;
	v2 =	vld [tilespmem:s11+$0xA000]  }
0x3a3: {  	_ =	sdelay $0x6  }
0x3a4: {  	v4 =	vld [tilespmem:s11+$0x6000]  }
0x3a5: {  	v3 =	vld.idx.msk [tilespmem:v2+s10+$0x0], $0xffff;
	_ =	sdelay $0x4  }
0x3a6: {  	v3 =	vadd.s32 v4, v3  }
0x3a7: {  	v3 =	vadd.s32 $0xFFFFFFFF, v3  }
0x3a8: {  	s26 =	simm.s32 $0x2000;
	[tilespmem:s11+$0x12000] =	vst v3  }
0x3a9: {  	s28 =	simm.s32 $0x12000;
	s12 =	simm.s32 $0xE000;
	s29 =	simm.s32 $0x2;
	[tilespmem:v2+s10+$0x0] =	vst.idx.add.s32.msk $0xffff, v1  }
0x3aa: {  	[spmem:s4] =	stream.indirect.scatter [tilespmem:s12], [sflag:$0x4], $0x1, s28, s26, $0xb8;
	[tilespmem:$0x1F488] =	vst v63  }
0x3ab: {  	_ =	swait.ge [sflag:s29], $0x2000  }
0x3ac: {  	[sflag:s29] =	ssyncset.done $0x0  }
0x3ad: {  	s30 =	simm.s32 $0x4;
	[sflag:s29] =	ssyncadd.s32 $0xFFFFE000  }
0x3ae: {  	_ =	swait.ge [sflag:s30], $0x2000  }
0x3af: {  	[sflag:s30] =	ssyncset.done $0x0  }
0x3b0: {  	[sflag:s30] =	ssyncadd.s32 $0xFFFFE000  }
0x3b1: {  	s31 =	simm.s32 $0xC000;
	[bflag:$0x0] =	sbarrier.arrive $0xFFFF  }
0x3b2: {  	[tilespmem:s31], [sflag:$0x1] =	stream.linear.gather [spmem:s8], $0x2000, $0x38;
	[tilespmem:$0x1F488] =	vst v63  }
0x3b3: {  	s8 =	simm.s32 $0x14040  }
0x3b4: {  	v1 =	vimm.s32 $0x0;
	[tilespmem:s12], [sflag:$0x3] =	stream.linear.gather [spmem:s9], $0x2000, $0x38;
	[tilespmem:$0x1F488] =	vst v63  }
0x3b5: {  	[tilespmem:s8+$0xFFFFFFC0] =	vst v1  }
0x3b6: {  	[tilespmem:s8+$0x30] =	vst v1  }
0x3b7: {  	[tilespmem:s8+$0x20] =	vst v1  }
0x3b8: {  	[tilespmem:s8+$0x10] =	vst v1  }
0x3b9: {  	[tilespmem:s8+$0x0] =	vst v1  }
0x3ba: {  	[tilespmem:s8+$0xFFFFFFF0] =	vst v1  }
0x3bb: {  	s9 =	simm.s32 $0x0;
	[tilespmem:s8+$0xFFFFFFE0] =	vst v1  }
.LBB2_40:
0x3bc: {  	s9 =	sadd.s32 $0x8, s9;
	[tilespmem:s8+$0xFFFFFFD0] =	vst v1;
	s8 =	sadd.s32 $0x80, s8  }
0x3bd: {  	[tilespmem:s8+$0xFFFFFFC0] =	vst v1;
	p0 =	slt.u32 s9, $0x1F8  }
0x3be: {  	[tilespmem:s8+$0x30] =	vst v1  }
.Ltmp20:
0x3bf: {  	[tilespmem:s8+$0x20] =	vst v1;
	(pc) =	sbr.rel @p0 .LBB2_40-.Ltmp20, $4  }
0x3c0: {  	[tilespmem:s8+$0x10] =	vst v1  }
0x3c1: {  	[tilespmem:s8+$0x0] =	vst v1  }
0x3c2: {  	[tilespmem:s8+$0xFFFFFFF0] =	vst v1  }
0x3c3: {  	[tilespmem:s8+$0xFFFFFFE0] =	vst v1  }
0x3c4: {  	[tilespmem:s8+$0xFFFFFFD0] =	vst v1;
	s30 =	simm.s32 $0x1  }
0x3c5: {  	_ =	swait.ge [sflag:s30], $0x2000  }
0x3c6: {  	[sflag:s30] =	ssyncset.done $0x0  }
0x3c7: {  	s31 =	simm.s32 $0xC040;
	[sflag:s30] =	ssyncadd.s32 $0xFFFFE000  }
0x3c8: {  	v1 =	vld [tilespmem:s31+$0xFFFFFFD0]  }
0x3c9: {  	v2 =	vld [tilespmem:s31+$0x10];
	_ =	sdelay $0x2  }
0x3ca: {  	v3 =	vld [tilespmem:s31+$0xFFFFFFE0]  }
0x3cb: {  	v4 =	vld [tilespmem:s31+$0x20];
	v5 =	vshrl.u32 v1, $0x12  }
0x3cc: {  	v2 =	vshrl.u32 v2, $0x12;
	(xrf1) =	vunique.msk.u32 $0xffff, v5  }
0x3cd: {  	v1 =	vld [tilespmem:s31+$0xFFFFFFC0];
	(xrf1) =	vunique.msk.u32 $0xffff, v2  }
0x3ce: {  	v6 =	vld [tilespmem:s31+$0x0]  }
0x3cf: {  	v7 =	vld [tilespmem:s31+$0xFFFFFFF0];
	v3 =	vshrl.u32 v3, $0x12  }
0x3d0: {  	v10 =	vshrl.u32 v4, $0x12;
	(xrf1) =	vunique.msk.u32 $0xffff, v3  }
0x3d1: {  	(xrf1) =	vunique.msk.u32 $0xffff, v10  }
0x3d2: {  	v16 =	vshrl.u32 v1, $0x12  }
0x3d3: {  	v6 =	vshrl.u32 v6, $0x12;
	(xrf1) =	vunique.msk.u32 $0xffff, v16  }
0x3d4: {  	v4 =	vshrl.u32 v7, $0x12;
	(xrf1) =	vunique.msk.u32 $0xffff, v6  }
0x3d5: {  	v1 =	vld [tilespmem:s31+$0x30];
	(xrf1) =	vunique.msk.u32 $0xffff, v4;
	_ =	sdelay $0x4  }
0x3d6: {  	s10 =	simm.s32 $0x4040;
	v7 =	vadd.s32 $0x1400, v2;
	v8 =	vand.u32 $0x7F, v2;
	v11 =	vshrl.u32 v1, $0x12;
	_, v1, _ =	vpop (xrf1)  }
0x3d7: {  	v12 =	vadd.s32 $0x400, v5;
	v7 =	vand.u32 $0x7F80, v7;
	(xrf1) =	vunique.msk.u32 $0xffff, v11;
	[tilespmem:s10+$0xFFFFFFD0] =	vst v1;
	_, v1, _ =	vpop (xrf1)  }
0x3d8: {  	s9 =	simm.s32 $0x8040;
	v19 =	vand.u32 $0x7F, v5;
	v12 =	vand.u32 $0x7F80, v12;
	v7 =	vor.u32 v8, v7;
	[tilespmem:s10+$0x10] =	vst v1  }
0x3d9: {  	s11 =	simm.s32 $0xC0C0;
	v12 =	vor.u32 v19, v12;
	[tilespmem:s9+$0xFFFFFFD0] =	vst v5  }
0x3da: {  	v8 =	vld [tilespmem:s11+$0xFFFFFFD0];
	_, v1, _ =	vpop (xrf1);
	[tilespmem:s9+$0x10] =	vst v2  }
0x3db: {  	v9 =	vld [tilespmem:s11+$0x10];
	[tilespmem:s10+$0xFFFFFFE0] =	vst v1;
	_, v2, _ =	vpop (xrf1)  }
0x3dc: {  	s8 =	simm.s32 $0x14000;
	v1 =	vimm.s32 $0x1;
	[tilespmem:s10+$0x20] =	vst v2  }
0x3dd: {  	v2 =	vadd.s32 $0xC00, v4;
	[tilespmem:v7+s8+$0x0] =	vst.idx.add.s32.msk $0xffff, v1;
	_, v14, _ =	vpop (xrf1)  }
0x3de: {  	v15 =	vand.u32 $0x7F, v4;
	[tilespmem:v12+s8+$0x0] =	vst.idx.add.s32.msk $0xffff, v1;
	v7 =	vand.u32 $0x7F80, v2;
	_, v17, _ =	vpop (xrf1)  }
0x3df: {  	v18 =	vld [tilespmem:s11+$0xFFFFFFE0];
	v2 =	vshrl.u32 v8, $0x12;
	v7 =	vor.u32 v15, v7;
	[tilespmem:s10+$0x0] =	vst v17;
	_, v17, _ =	vpop (xrf1)  }
0x3e0: {  	v8 =	vshrl.u32 v9, $0x12;
	v9 =	vadd.s32 $0x1800, v10;
	(xrf1) =	vunique.msk.u32 $0xffff, v2;
	[tilespmem:s10+$0xFFFFFFF0] =	vst v17  }
0x3e1: {  	v13 =	vadd.s32 $0x800, v3;
	v19 =	vld [tilespmem:s11+$0x0];
	[tilespmem:s9+$0xFFFFFFF0] =	vst v4;
	v4 =	vand.u32 $0x7F80, v9  }
0x3e2: {  	v13 =	vand.u32 $0x7F80, v13;
	[tilespmem:s9+$0xFFFFFFE0] =	vst v3;
	v3 =	vand.u32 $0x7F, v3;
	v15 =	vld [tilespmem:s11+$0x20]  }
0x3e3: {  	v5 =	vand.u32 $0x7F, v10;
	v3 =	vor.u32 v3, v13;
	v13 =	vld [tilespmem:s11+$0xFFFFFFC0];
	[tilespmem:s10+$0xFFFFFFC0] =	vst v14;
	v9 =	vadd.s32 $0x1000, v6  }
0x3e4: {  	(xrf1) =	vunique.msk.u32 $0xffff, v8;
	v20 =	vand.u32 $0x7F80, v9;
	v9 =	vshrl.u32 v18, $0x12;
	[tilespmem:v7+s8+$0x0] =	vst.idx.add.s32.msk $0xffff, v1  }
0x3e5: {  	v22 =	vand.u32 $0x7F, v6;
	[tilespmem:s9+$0x0] =	vst v6;
	v23 =	vor.u32 v5, v4;
	v7 =	vld [tilespmem:s11+$0xFFFFFFF0];
	_, v4, _ =	vpop (xrf1);
	(xrf1) =	vunique.msk.u32 $0xffff, v9  }
0x3e6: {  	v21 =	vand.u32 $0x7F, v11;
	v12 =	vadd.s32 $0x400, v2;
	v5 =	vadd.s32 $0x800, v9;
	[tilespmem:s10+$0x30] =	vst v4  }
0x3e7: {  	v14 =	vld [tilespmem:s11+$0x30];
	v17 =	vadd.s32 $0x1C00, v11;
	[tilespmem:s9+$0x30] =	vst v11;
	v11 =	vand.u32 $0x7F80, v5;
	v5 =	vshrl.u32 v15, $0x12  }
0x3e8: {  	[tilespmem:v3+s8+$0x0] =	vst.idx.add.s32.msk $0xffff, v1;
	v3 =	vshrl.u32 v13, $0x12;
	v13 =	vadd.s32 $0x1400, v8;
	(xrf1) =	vunique.msk.u32 $0xffff, v5  }
0x3e9: {  	v6 =	vshrl.u32 v19, $0x12;
	v18 =	vand.u32 $0x7F, v8;
	v13 =	vand.u32 $0x7F80, v13;
	(xrf1) =	vunique.msk.u32 $0xffff, v3  }
0x3ea: {  	v15 =	vor.u32 v18, v13;
	v13 =	vand.u32 $0x7F80, v12;
	v12 =	vshrl.u32 v7, $0x12;
	(xrf1) =	vunique.msk.u32 $0xffff, v6  }
0x3eb: {  	(xrf1) =	vunique.msk.u32 $0xffff, v12  }
0x3ec: {  	v20 =	vor.u32 v22, v20  }
0x3ed: {  	[tilespmem:s9+$0x20] =	vst v10;
	v17 =	vand.u32 $0x7F80, v17;
	v4 =	vshrl.u32 v14, $0x12  }
0x3ee: {  	[tilespmem:s9+$0xFFFFFFC0] =	vst v16;
	v17 =	vor.u32 v21, v17;
	_, v18, _ =	vpop (xrf1);
	(xrf1) =	vunique.msk.u32 $0xffff, v4  }
0x3ef: {  	[tilespmem:v16+s8+$0x0] =	vst.idx.add.s32.msk $0xffff, v1;
	v10 =	vadd.s32 $0x1800, v5  }
0x3f0: {  	[tilespmem:v23+s8+$0x0] =	vst.idx.add.s32.msk $0xffff, v1;
	v14 =	vand.u32 $0x7F80, v10;
	v10 =	vadd.s32 $0xC00, v12  }
0x3f1: {  	s12 =	simm.s32 $0x40C0;
	s13 =	simm.s32 $0x80C0;
	s14 =	simm.s32 $0xC140;
	v7 =	vadd.s32 $0x1000, v6;
	[tilespmem:v20+s8+$0x0] =	vst.idx.add.s32.msk $0xffff, v1;
	v16 =	vand.u32 $0x7F80, v10;
	v10 =	vadd.s32 $0x1C00, v4  }
0x3f2: {  	s11 =	simm.s32 $0x8;
	s10 =	simm.s32 $0x40C0;
	s9 =	simm.s32 $0x80C0;
	v7 =	vand.u32 $0x7F80, v7;
	v10 =	vand.u32 $0x7F80, v10;
	[tilespmem:s12+$0xFFFFFFD0] =	vst v18;
	_, v18, _ =	vpop (xrf1)  }
.LBB2_42:
0x3f3: {  	s11 =	sadd.s32 $0x8, s11;
	s12 =	sadd.s32 $0x80, s12;
	s13 =	sadd.s32 $0x80, s13;
	_, v19, _ =	vpop (xrf1);
	[tilespmem:v17+s8+$0x0] =	vst.idx.add.s32.msk $0xffff, v1  }
0x3f4: {  	v17 =	vld [tilespmem:s14+$0x10];
	p0 =	slt.u32 s11, $0x1F8;
	[tilespmem:s10+$0x10] =	vst v18  }
0x3f5: {  	v18 =	vld [tilespmem:s14+$0xFFFFFFD0];
	[tilespmem:s9+$0x10] =	vst v8  }
0x3f6: {  	v20 =	vld [tilespmem:s14+$0xFFFFFFE0];
	[tilespmem:s10+$0xFFFFFFE0] =	vst v19;
	_, v8, _ =	vpop (xrf1)  }
0x3f7: {  	v26 =	vand.u32 $0x7F, v5;
	v21 =	vand.u32 $0x7F, v4;
	v19 =	vld [tilespmem:s14+$0xFFFFFFC0];
	[tilespmem:s10+$0x20] =	vst v8;
	_, v22, _ =	vpop (xrf1)  }
0x3f8: {  	v27 =	vand.u32 $0x7F, v12;
	v24 =	vand.u32 $0x7F, v6;
	v25 =	vor.u32 v26, v14;
	[tilespmem:v15+s8+$0x0] =	vst.idx.add.s32.msk $0xffff, v1;
	_, v8, _ =	vpop (xrf1)  }
0x3f9: {  	v16 =	vor.u32 v27, v16;
	v15 =	vand.u32 $0x7F, v2;
	v14 =	vld [tilespmem:s14+$0x30];
	[tilespmem:s9+$0xFFFFFFE0] =	vst v9;
	v9 =	vand.u32 $0x7F, v9;
	_, v23, _ =	vpop (xrf1)  }
0x3fa: {  	v27 =	vor.u32 v15, v13;
	v18 =	vshrl.u32 v18, $0x12;
	v26 =	vld [tilespmem:s14+$0x20];
	v13 =	vor.u32 v9, v11;
	[tilespmem:s10+$0x0] =	vst v8  }
0x3fb: {  	v8 =	vshrl.u32 v17, $0x12;
	v28 =	vadd.s32 $0x400, v18;
	(xrf1) =	vunique.msk.u32 $0xffff, v18;
	[tilespmem:s10+$0xFFFFFFC0] =	vst v22  }
0x3fc: {  	v9 =	vshrl.u32 v20, $0x12;
	v19 =	vshrl.u32 v19, $0x12;
	v17 =	vld [tilespmem:s14+$0x0];
	(xrf1) =	vunique.msk.u32 $0xffff, v8;
	[tilespmem:s10+$0xFFFFFFF0] =	vst v23;
	_, v20, _ =	vpop (xrf1)  }
0x3fd: {  	v15 =	vadd.s32 $0x1400, v8;
	v11 =	vadd.s32 $0x800, v9;
	v22 =	vld [tilespmem:s14+$0xFFFFFFF0];
	(xrf1) =	vunique.msk.u32 $0xffff, v9;
	[tilespmem:s9+$0xFFFFFFF0] =	vst v12  }
0x3fe: {  	v12 =	vand.u32 $0x7F80, v15;
	v15 =	vand.u32 $0x7F, v8;
	v23 =	vshrl.u32 v14, $0x12;
	[tilespmem:s9+$0xFFFFFFD0] =	vst v2;
	v2 =	vmovc v18  }
0x3ff: {  	v11 =	vand.u32 $0x7F80, v11;
	v15 =	vor.u32 v15, v12;
	v18 =	vshrl.u32 v26, $0x12;
	[tilespmem:v13+s8+$0x0] =	vst.idx.add.s32.msk $0xffff, v1  }
0x400: {  	v13 =	vand.u32 $0x7F80, v28;
	v12 =	vadd.s32 $0x1800, v18;
	(xrf1) =	vunique.msk.u32 $0xffff, v18;
	[tilespmem:v27+s8+$0x0] =	vst.idx.add.s32.msk $0xffff, v1  }
0x401: {  	v26 =	vshrl.u32 v17, $0x12;
	v14 =	vand.u32 $0x7F80, v12;
	(xrf1) =	vunique.msk.u32 $0xffff, v19;
	[tilespmem:v16+s8+$0x0] =	vst.idx.add.s32.msk $0xffff, v1  }
0x402: {  	v12 =	vshrl.u32 v22, $0x12;
	v16 =	vadd.s32 $0x1000, v26;
	(xrf1) =	vunique.msk.u32 $0xffff, v26;
	[tilespmem:s10+$0x30] =	vst v20;
	s10 =	smov.u32 s12  }
0x403: {  	v17 =	vadd.s32 $0xC00, v12;
	v20 =	vand.u32 $0x7F80, v16;
	(xrf1) =	vunique.msk.u32 $0xffff, v12;
	[tilespmem:s9+$0x30] =	vst v4;
	v4 =	vmovc v23  }
0x404: {  	v23 =	vor.u32 v24, v7;
	v16 =	vand.u32 $0x7F80, v17;
	v22 =	vadd.s32 $0x1C00, v4;
	[tilespmem:s9+$0x20] =	vst v5;
	v5 =	vmovc v18;
	v7 =	vmovc v20  }
0x405: {  	v17 =	vor.u32 v21, v10;
	[tilespmem:s9+$0x0] =	vst v6;
	v10 =	vand.u32 $0x7F80, v22;
	v6 =	vmov v26  }
.Ltmp21:
0x406: {  	(xrf1) =	vunique.msk.u32 $0xffff, v4;
	[tilespmem:v25+s8+$0x0] =	vst.idx.add.s32.msk $0xffff, v1;
	(pc) =	sbr.rel @p0 .LBB2_42-.Ltmp21, $4  }
0x407: {  	[tilespmem:s9+$0xFFFFFFC0] =	vst v3;
	s9 =	smov.u32 s13  }
0x408: {  	[tilespmem:v3+s8+$0x0] =	vst.idx.add.s32.msk $0xffff, v1;
	v3 =	vmov v19  }
0x409: {  	_, v18, _ =	vpop (xrf1);
	[tilespmem:v23+s8+$0x0] =	vst.idx.add.s32.msk $0xffff, v1  }
0x40a: {  	s14 =	sadd.s32 $0x80, s14;
	[tilespmem:s12+$0xFFFFFFD0] =	vst v18;
	_, v18, _ =	vpop (xrf1)  }
0x40b: {  	_ =	sdelay $0x3  }
0x40c: {  	[tilespmem:v17+s8+$0x0] =	vst.idx.add.s32.msk $0xffff, v1  }
0x40d: {  	[tilespmem:s10+$0x10] =	vst v18  }
0x40e: {  	[tilespmem:s9+$0xFFFFFFD0] =	vst v2  }
0x40f: {  	_, v17, _ =	vpop (xrf1);
	[tilespmem:s9+$0x10] =	vst v8  }
0x410: {  	[tilespmem:s10+$0xFFFFFFE0] =	vst v17  }
0x411: {  	[tilespmem:v15+s8+$0x0] =	vst.idx.add.s32.msk $0xffff, v1  }
0x412: {  	[tilespmem:s9+$0xFFFFFFE0] =	vst v9;
	_, v8, _ =	vpop (xrf1)  }
0x413: {  	[tilespmem:s10+$0x20] =	vst v8;
	_, v8, _ =	vpop (xrf1)  }
0x414: {  	v9 =	vand.u32 $0x7F, v9;
	[tilespmem:s10+$0xFFFFFFC0] =	vst v8  }
0x415: {  	v9 =	vor.u32 v9, v11;
	v11 =	vand.u32 $0x7F, v12;
	_, v15, _ =	vpop (xrf1);
	[tilespmem:s9+$0x20] =	vst v5  }
0x416: {  	v8 =	vor.u32 v11, v16;
	[tilespmem:s10+$0x0] =	vst v15  }
0x417: {  	_, v15, _ =	vpop (xrf1);
	[tilespmem:s9+$0xFFFFFFC0] =	vst v3  }
0x418: {  	v17 =	vand.u32 $0x7F, v2;
	[tilespmem:s10+$0xFFFFFFF0] =	vst v15  }
0x419: {  	v13 =	vor.u32 v17, v13;
	[tilespmem:s9+$0xFFFFFFF0] =	vst v12  }
0x41a: {  	v2 =	vand.u32 $0x7F, v5;
	[tilespmem:v9+s8+$0x0] =	vst.idx.add.s32.msk $0xffff, v1  }
0x41b: {  	v2 =	vor.u32 v2, v14;
	_, v9, _ =	vpop (xrf1);
	[tilespmem:v8+s8+$0x0] =	vst.idx.add.s32.msk $0xffff, v1  }
0x41c: {  	[tilespmem:s10+$0x30] =	vst v9;
	v8 =	vand.u32 $0x7F, v6  }
0x41d: {  	[tilespmem:s9+$0x30] =	vst v4;
	v4 =	vand.u32 $0x7F, v4;
	v7 =	vor.u32 v8, v7  }
0x41e: {  	[tilespmem:v13+s8+$0x0] =	vst.idx.add.s32.msk $0xffff, v1;
	v4 =	vor.u32 v4, v10  }
0x41f: {  	[tilespmem:s9+$0x0] =	vst v6  }
0x420: {  	[tilespmem:v2+s8+$0x0] =	vst.idx.add.s32.msk $0xffff, v1  }
0x421: {  	[tilespmem:v3+s8+$0x0] =	vst.idx.add.s32.msk $0xffff, v1  }
0x422: {  	[tilespmem:v7+s8+$0x0] =	vst.idx.add.s32.msk $0xffff, v1  }
0x423: {  	s30 =	simm.s32 $0x3;
	[tilespmem:v4+s8+$0x0] =	vst.idx.add.s32.msk $0xffff, v1  }
0x424: {  	_ =	swait.ge [sflag:s30], $0x2000  }
0x425: {  	[sflag:s30] =	ssyncset.done $0x0  }
0x426: {  	s31 =	simm.s32 $0xE070;
	[sflag:s30] =	ssyncadd.s32 $0xFFFFE000  }
0x427: {  	v1 =	vld [tilespmem:s31+$0xFFFFFFA0];
	_ =	sdelay $0x2  }
0x428: {  	v2 =	vld [tilespmem:s31+$0xFFFFFFB0];
	_ =	sdelay $0x1  }
0x429: {  	v3 =	vld [tilespmem:s31+$0x0];
	v7 =	vshrl.u32 v1, $0x12  }
0x42a: {  	(xrf1) =	vunique.msk.u32 $0xffff, v7  }
0x42b: {  	v4 =	vld [tilespmem:s31+$0xFFFFFFE0]  }
0x42c: {  	v8 =	vld [tilespmem:s31+$0xFFFFFF90];
	v6 =	vshrl.u32 v2, $0x12  }
0x42d: {  	v9 =	vld [tilespmem:s31+$0xFFFFFFC0];
	(xrf1) =	vunique.msk.u32 $0xffff, v6  }
0x42e: {  	v12 =	vld [tilespmem:s31+$0xFFFFFFF0];
	v3 =	vshrl.u32 v3, $0x12;
	v5 =	vadd.s32 $0x400, v7;
	v10 =	vadd.s32 $0x800, v6  }
0x42f: {  	v16 =	vand.u32 $0x7F80, v5;
	v5 =	vand.u32 $0x7F80, v10;
	v10 =	vand.u32 $0x7F, v6  }
0x430: {  	v11 =	vor.u32 v10, v5;
	v5 =	vshrl.u32 v4, $0x12;
	(xrf1) =	vunique.msk.u32 $0xffff, v3  }
0x431: {  	v4 =	vshrl.u32 v8, $0x12;
	(xrf1) =	vunique.msk.u32 $0xffff, v5  }
0x432: {  	v2 =	vld [tilespmem:s31+$0xFFFFFFD0];
	v10 =	vshrl.u32 v9, $0x12;
	(xrf1) =	vunique.msk.u32 $0xffff, v4  }
0x433: {  	v8 =	vshrl.u32 v12, $0x12;
	(xrf1) =	vunique.msk.u32 $0xffff, v10  }
0x434: {  	(xrf1) =	vunique.msk.u32 $0xffff, v8;
	_ =	sdelay $0x2  }
0x435: {  	v17 =	vadd.s32 $0x1C00, v3;
	v18 =	vand.u32 $0x7F, v7;
	v2 =	vshrl.u32 v2, $0x12  }
0x436: {  	v1 =	vimm.s32 $0x1;
	v16 =	vor.u32 v18, v16;
	_, v19, _ =	vpop (xrf1);
	(xrf1) =	vunique.msk.u32 $0xffff, v2  }
0x437: {  	s12 =	simm.s32 $0x6070;
	s13 =	simm.s32 $0x200;
	v9 =	vadd.s32 $0x1400, v5;
	v14 =	vadd.s32 $0xC00, v10;
	v12 =	vadd.s32 $0x1800, v8  }
0x438: {  	s14 =	simm.s32 $0xE0F0;
	s15 =	simm.s32 $0xA0F0;
	s11 =	simm.s32 $0x6070;
	v9 =	vand.u32 $0x7F80, v9;
	v15 =	vand.u32 $0x7F80, v14;
	v13 =	vadd.s32 $0x1000, v2  }
0x439: {  	s10 =	simm.s32 $0x14000;
	s9 =	simm.s32 $0xA070;
	s8 =	simm.s32 $0x14000;
	v14 =	vand.u32 $0x7F80, v12;
	v12 =	vand.u32 $0x7F80, v17;
	v13 =	vand.u32 $0x7F80, v13;
	[tilespmem:s12+$0xFFFFFFA0] =	vst v19;
	_, v17, _ =	vpop (xrf1)  }
.LBB2_44:
0x43a: {  	v18 =	vld [tilespmem:s14+$0xFFFFFFA0];
	s13 =	sadd.s32 $0x8, s13;
	[tilespmem:s9+$0xFFFFFFA0] =	vst v7;
	s12 =	sadd.s32 $0x80, s12  }
0x43b: {  	p0 =	slt.u32 s13, $0x3F8;
	[tilespmem:v16+s10+$0x0] =	vst.idx.add.s32.msk $0xffff, v1  }
0x43c: {  	v16 =	vld [tilespmem:s14+$0xFFFFFFB0];
	[tilespmem:s11+$0xFFFFFFB0] =	vst v17;
	_, v17, _ =	vpop (xrf1)  }
0x43d: {  	v19 =	vld [tilespmem:s14+$0xFFFFFFD0];
	[tilespmem:s9+$0xFFFFFFB0] =	vst v6;
	_, v6, _ =	vpop (xrf1)  }
0x43e: {  	v7 =	vand.u32 $0x7F, v10;
	v21 =	vand.u32 $0x7F, v2;
	v20 =	vld [tilespmem:s14+$0x0];
	[tilespmem:s11+$0xFFFFFFE0] =	vst v6;
	_, v22, _ =	vpop (xrf1)  }
0x43f: {  	v15 =	vor.u32 v7, v15;
	v21 =	vor.u32 v21, v13;
	v6 =	vand.u32 $0x7F, v8;
	[tilespmem:v11+s10+$0x0] =	vst.idx.add.s32.msk $0xffff, v1;
	_, v11, _ =	vpop (xrf1)  }
0x440: {  	v7 =	vshrl.u32 v18, $0x12;
	v14 =	vor.u32 v6, v14;
	v18 =	vand.u32 $0x7F, v3;
	v13 =	vld [tilespmem:s14+$0xFFFFFFF0];
	[tilespmem:s11+$0xFFFFFFC0] =	vst v11;
	_, v11, _ =	vpop (xrf1)  }
0x441: {  	v23 =	vadd.s32 $0x400, v7;
	v6 =	vshrl.u32 v16, $0x12;
	v16 =	vld [tilespmem:s14+$0xFFFFFFE0];
	(xrf1) =	vunique.msk.u32 $0xffff, v7;
	[tilespmem:s11+$0xFFFFFFF0] =	vst v11  }
0x442: {  	v23 =	vand.u32 $0x7F80, v23;
	v24 =	vld [tilespmem:s14+$0xFFFFFF90];
	v11 =	vadd.s32 $0x800, v6;
	(xrf1) =	vunique.msk.u32 $0xffff, v6;
	[tilespmem:s9+$0xFFFFFFC0] =	vst v10  }
0x443: {  	v10 =	vand.u32 $0x7F80, v11;
	v11 =	vand.u32 $0x7F, v6;
	v25 =	vld [tilespmem:s14+$0xFFFFFFC0];
	[tilespmem:s9+$0xFFFFFFE0] =	vst v5;
	v5 =	vand.u32 $0x7F, v5  }
0x444: {  	v19 =	vshrl.u32 v19, $0x12;
	v11 =	vor.u32 v11, v10;
	[tilespmem:v15+s10+$0x0] =	vst.idx.add.s32.msk $0xffff, v1;
	v15 =	vor.u32 v5, v9;
	_, v26, _ =	vpop (xrf1)  }
0x445: {  	v18 =	vor.u32 v18, v12;
	v27 =	vadd.s32 $0x1000, v19;
	v20 =	vshrl.u32 v20, $0x12;
	[tilespmem:s9+$0xFFFFFFF0] =	vst v8  }
0x446: {  	v12 =	vadd.s32 $0x1C00, v20;
	v5 =	vshrl.u32 v16, $0x12;
	(xrf1) =	vunique.msk.u32 $0xffff, v20;
	[tilespmem:s11+$0x0] =	vst v17  }
0x447: {  	v24 =	vshrl.u32 v24, $0x12;
	v8 =	vadd.s32 $0x1400, v5;
	(xrf1) =	vunique.msk.u32 $0xffff, v5;
	[tilespmem:v14+s10+$0x0] =	vst.idx.add.s32.msk $0xffff, v1  }
0x448: {  	v10 =	vshrl.u32 v25, $0x12;
	v9 =	vand.u32 $0x7F80, v8;
	(xrf1) =	vunique.msk.u32 $0xffff, v24;
	[tilespmem:s11+$0xFFFFFF90] =	vst v22  }
0x449: {  	v8 =	vshrl.u32 v13, $0x12;
	v14 =	vadd.s32 $0xC00, v10;
	(xrf1) =	vunique.msk.u32 $0xffff, v10;
	[tilespmem:v15+s10+$0x0] =	vst.idx.add.s32.msk $0xffff, v1  }
0x44a: {  	v15 =	vand.u32 $0x7F80, v14;
	v14 =	vadd.s32 $0x1800, v8;
	(xrf1) =	vunique.msk.u32 $0xffff, v8;
	[tilespmem:s9+$0x0] =	vst v3;
	v3 =	vmovc v20  }
0x44b: {  	v12 =	vand.u32 $0x7F80, v12;
	v13 =	vand.u32 $0x7F80, v27;
	v14 =	vand.u32 $0x7F80, v14;
	[tilespmem:s11+$0xFFFFFFD0] =	vst v26;
	s11 =	smov.u32 s12  }
0x44c: {  	[tilespmem:s9+$0xFFFFFFD0] =	vst v2;
	v2 =	vmov v19  }
.Ltmp22:
0x44d: {  	v16 =	vand.u32 $0x7F, v7;
	[tilespmem:s9+$0xFFFFFF90] =	vst v4;
	s9 =	smov.u32 s15;
	(pc) =	sbr.rel @p0 .LBB2_44-.Ltmp22, $4  }
0x44e: {  	v16 =	vor.u32 v16, v23;
	(xrf1) =	vunique.msk.u32 $0xffff, v2;
	[tilespmem:v18+s10+$0x0] =	vst.idx.add.s32.msk $0xffff, v1  }
0x44f: {  	_, v17, _ =	vpop (xrf1);
	[tilespmem:v21+s10+$0x0] =	vst.idx.add.s32.msk $0xffff, v1  }
0x450: {  	[tilespmem:s12+$0xFFFFFFA0] =	vst v17;
	_, v17, _ =	vpop (xrf1)  }
0x451: {  	s14 =	sadd.s32 $0x80, s14;
	s15 =	sadd.s32 $0x80, s15;
	[tilespmem:v4+s10+$0x0] =	vst.idx.add.s32.msk $0xffff, v1;
	v4 =	vmov v24;
	s10 =	smov.u32 s8  }
0x452: {  	_ =	sdelay $0x1  }
0x453: {  	[tilespmem:s9+$0xFFFFFFA0] =	vst v7  }
0x454: {  	[tilespmem:s11+$0xFFFFFFB0] =	vst v17  }
0x455: {  	[tilespmem:v16+s10+$0x0] =	vst.idx.add.s32.msk $0xffff, v1  }
0x456: {  	[tilespmem:s9+$0xFFFFFFB0] =	vst v6  }
0x457: {  	_, v7, _ =	vpop (xrf1);
	[tilespmem:v11+s10+$0x0] =	vst.idx.add.s32.msk $0xffff, v1  }
0x458: {  	_, v6, _ =	vpop (xrf1);
	[tilespmem:s11+$0x0] =	vst v7  }
0x459: {  	[tilespmem:s11+$0xFFFFFFE0] =	vst v6  }
0x45a: {  	[tilespmem:s9+$0x0] =	vst v3  }
0x45b: {  	_, v6, _ =	vpop (xrf1);
	[tilespmem:s9+$0xFFFFFFE0] =	vst v5  }
0x45c: {  	v56 =	vand.u32 $0x7F, v10;
	_, v57, _ =	vpop (xrf1);
	[tilespmem:s11+$0xFFFFFF90] =	vst v6  }
0x45d: {  	v11 =	vor.u32 v56, v15;
	[tilespmem:s11+$0xFFFFFFC0] =	vst v57  }
0x45e: {  	v5 =	vand.u32 $0x7F, v5;
	_, v58, _ =	vpop (xrf1);
	[tilespmem:s9+$0xFFFFFF90] =	vst v4  }
0x45f: {  	v59 =	vand.u32 $0x7F, v8;
	v5 =	vor.u32 v5, v9;
	[tilespmem:s11+$0xFFFFFFF0] =	vst v58  }
0x460: {  	v14 =	vor.u32 v59, v14;
	v7 =	vand.u32 $0x7F, v3;
	[tilespmem:s9+$0xFFFFFFC0] =	vst v10  }
0x461: {  	v7 =	vor.u32 v7, v12;
	[tilespmem:v4+s10+$0x0] =	vst.idx.add.s32.msk $0xffff, v1  }
0x462: {  	v6 =	vand.u32 $0x7F, v2;
	[tilespmem:v11+s10+$0x0] =	vst.idx.add.s32.msk $0xffff, v1  }
0x463: {  	[tilespmem:s9+$0xFFFFFFF0] =	vst v8  }
0x464: {  	[tilespmem:v5+s10+$0x0] =	vst.idx.add.s32.msk $0xffff, v1;
	v5 =	vor.u32 v6, v13  }
0x465: {  	[tilespmem:v14+s10+$0x0] =	vst.idx.add.s32.msk $0xffff, v1  }
0x466: {  	[tilespmem:v7+s10+$0x0] =	vst.idx.add.s32.msk $0xffff, v1;
	_, v6, _ =	vpop (xrf1)  }
0x467: {  	[tilespmem:s11+$0xFFFFFFD0] =	vst v6  }
0x468: {  	[tilespmem:s9+$0xFFFFFFD0] =	vst v2  }
0x469: {  	s31 =	simm.s32 $0x0;
	[tilespmem:v5+s10+$0x0] =	vst.idx.add.s32.msk $0xffff, v1  }
0x46a: {  	s9 =	sand.u32 $0x3C0, s31;
	v1 =	vld [tilespmem:s8+$0x0]  }
0x46b: {  	v2 =	vld [tilespmem:s9+$0x14400]  }
0x46c: {  	v3 =	vld [tilespmem:s9+$0x14800]  }
0x46d: {  	v4 =	vld [tilespmem:s9+$0x14C00]  }
0x46e: {  	v5 =	vld [tilespmem:s9+$0x15000]  }
0x46f: {  	v6 =	vld [tilespmem:s9+$0x15400]  }
0x470: {  	v7 =	vld [tilespmem:s9+$0x15800]  }
0x471: {  	v8 =	vld [tilespmem:s9+$0x15C00]  }
0x472: {  	v9 =	vld [tilespmem:s8+$0x10]  }
0x473: {  	v10 =	vld [tilespmem:s8+$0x410]  }
0x474: {  	v11 =	vld [tilespmem:s8+$0x20]  }
0x475: {  	v60 =	vld [tilespmem:s8+$0x420]  }
0x476: {  	v61 =	vld [tilespmem:s8+$0x30]  }
0x477: {  	v14 =	vld [tilespmem:s8+$0x430]  }
0x478: {  	v15 =	vld [tilespmem:s8+$0x810]  }
0x479: {  	v62 =	vld [tilespmem:s8+$0x820]  }
0x47a: {  	v17 =	vld [tilespmem:s8+$0x830]  }
0x47b: {  	v18 =	vld [tilespmem:s8+$0xC10]  }
0x47c: {  	v19 =	vld [tilespmem:s8+$0xC20]  }
0x47d: {  	v20 =	vld [tilespmem:s8+$0xC30]  }
0x47e: {  	v21 =	vld [tilespmem:s8+$0x1010];
	v1 =	vadd.s32 v1, v2  }
0x47f: {  	v22 =	vld [tilespmem:s8+$0x1020];
	v1 =	vadd.s32 v3, v1  }
0x480: {  	v1 =	vadd.s32 v4, v1;
	v4 =	vld [tilespmem:s8+$0x1030]  }
0x481: {  	v1 =	vadd.s32 v5, v1;
	v5 =	vld [tilespmem:s8+$0x1410]  }
0x482: {  	v1 =	vadd.s32 v6, v1;
	v6 =	vld [tilespmem:s8+$0x1420]  }
0x483: {  	v1 =	vadd.s32 v7, v1;
	v7 =	vld [tilespmem:s8+$0x1430]  }
0x484: {  	v8 =	vadd.s32 v8, v1;
	v1 =	vadd.s32 v9, v10;
	v9 =	vld [tilespmem:s8+$0x1810]  }
0x485: {  	v2 =	vadd.s32 v11, v60;
	v3 =	vadd.s32 v61, v14;
	v10 =	vadd.s32 v15, v1;
	v1 =	vld [tilespmem:s8+$0x1820]  }
0x486: {  	v11 =	vadd.s32 v62, v2;
	v2 =	vld [tilespmem:s8+$0x1830];
	v3 =	vadd.s32 v17, v3;
	v10 =	vadd.s32 v18, v10  }
0x487: {  	v11 =	vadd.s32 v19, v11;
	v63 =	vadd.s32 v20, v3;
	v3 =	vld [tilespmem:s8+$0x1C10];
	v10 =	vadd.s32 v21, v10  }
0x488: {  	v11 =	vadd.s32 v22, v11;
	v12 =	vadd.s32 v4, v63;
	v4 =	vld [tilespmem:s8+$0x1C20];
	v5 =	vadd.s32 v5, v10  }
0x489: {  	s11 =	simm.s32 $0x14040;
	s10 =	simm.s32 $0x40;
	s9 =	simm.s32 $0x0;
	[tilespmem:s8+$0x0] =	vst v8;
	v8 =	vadd.s32 v6, v11;
	v6 =	vadd.s32 v7, v12;
	v7 =	vadd.s32 v9, v5;
	v5 =	vld [tilespmem:s8+$0x1C30]  }
.LBB2_46:
0x48a: {  	v9 =	vld [tilespmem:s11+$0x0];
	s12 =	sand.u32 $0x3C0, s10;
	s9 =	sadd.s32 $0x4, s9;
	v1 =	vadd.s32 v1, v8  }
0x48b: {  	v8 =	vld [tilespmem:s12+$0x14400];
	p0 =	slt.u32 s9, $0x3C;
	v2 =	vadd.s32 v2, v6  }
0x48c: {  	v6 =	vld [tilespmem:s12+$0x14800];
	v3 =	vadd.s32 v3, v7  }
0x48d: {  	v7 =	vld [tilespmem:s12+$0x14C00];
	[tilespmem:s8+$0x10] =	vst v3;
	v1 =	vadd.s32 v4, v1  }
0x48e: {  	v3 =	vld [tilespmem:s12+$0x15000];
	[tilespmem:s8+$0x20] =	vst v1;
	v1 =	vadd.s32 v5, v2  }
0x48f: {  	v2 =	vld [tilespmem:s12+$0x15400];
	[tilespmem:s8+$0x30] =	vst v1;
	s8 =	smov.u32 s11  }
0x490: {  	v1 =	vadd.s32 v9, v8;
	v4 =	vld [tilespmem:s12+$0x15800]  }
0x491: {  	v1 =	vadd.s32 v6, v1;
	v5 =	vld [tilespmem:s12+$0x15C00]  }
0x492: {  	v1 =	vadd.s32 v7, v1;
	v6 =	vld [tilespmem:s11+$0x10]  }
0x493: {  	v1 =	vadd.s32 v3, v1;
	v3 =	vld [tilespmem:s11+$0x410]  }
0x494: {  	v1 =	vadd.s32 v2, v1;
	v2 =	vld [tilespmem:s11+$0x20]  }
0x495: {  	v1 =	vadd.s32 v4, v1;
	v4 =	vld [tilespmem:s11+$0x420]  }
0x496: {  	v1 =	vadd.s32 v5, v1;
	v5 =	vld [tilespmem:s11+$0x30]  }
0x497: {  	[tilespmem:s11+$0x0] =	vst v1;
	v1 =	vld [tilespmem:s11+$0x430]  }
0x498: {  	v3 =	vadd.s32 v6, v3;
	v6 =	vld [tilespmem:s11+$0x810]  }
0x499: {  	v7 =	vld [tilespmem:s11+$0x820]  }
0x49a: {  	v2 =	vadd.s32 v2, v4;
	v4 =	vld [tilespmem:s11+$0x830]  }
0x49b: {  	v8 =	vld [tilespmem:s11+$0xC10]  }
0x49c: {  	v9 =	vld [tilespmem:s11+$0xC20];
	v1 =	vadd.s32 v5, v1  }
0x49d: {  	v3 =	vadd.s32 v6, v3;
	v5 =	vld [tilespmem:s11+$0xC30]  }
0x49e: {  	v6 =	vld [tilespmem:s11+$0x1010];
	v2 =	vadd.s32 v7, v2  }
0x49f: {  	v7 =	vld [tilespmem:s11+$0x1020];
	v1 =	vadd.s32 v4, v1  }
0x4a0: {  	v3 =	vadd.s32 v8, v3;
	v4 =	vld [tilespmem:s11+$0x1030]  }
0x4a1: {  	v8 =	vld [tilespmem:s11+$0x1410];
	v2 =	vadd.s32 v9, v2  }
0x4a2: {  	v9 =	vld [tilespmem:s11+$0x1420];
	v5 =	vadd.s32 v5, v1  }
0x4a3: {  	v3 =	vadd.s32 v6, v3;
	v6 =	vld [tilespmem:s11+$0x1430]  }
0x4a4: {  	v10 =	vld [tilespmem:s11+$0x1810];
	v7 =	vadd.s32 v7, v2  }
.Ltmp23:
0x4a5: {  	v1 =	vld [tilespmem:s11+$0x1820];
	v5 =	vadd.s32 v4, v5;
	(pc) =	sbr.rel @p0 .LBB2_46-.Ltmp23, $4  }
0x4a6: {  	v11 =	vadd.s32 v8, v3;
	v2 =	vld [tilespmem:s11+$0x1830]  }
0x4a7: {  	v3 =	vld [tilespmem:s11+$0x1C10];
	v8 =	vadd.s32 v9, v7  }
0x4a8: {  	v4 =	vld [tilespmem:s11+$0x1C20];
	v6 =	vadd.s32 v6, v5  }
0x4a9: {  	s10 =	sadd.s32 $0x40, s10;
	s11 =	sadd.s32 $0x40, s11;
	v7 =	vadd.s32 v10, v11;
	v5 =	vld [tilespmem:s8+$0x1C30]  }
0x4aa: {  	_ =	sdelay $0x1  }
0x4ab: {  	v1 =	vadd.s32 v1, v8;
	v3 =	vadd.s32 v3, v7  }
0x4ac: {  	v2 =	vadd.s32 v2, v6;
	[tilespmem:s8+$0x10] =	vst v3;
	v1 =	vadd.s32 v4, v1  }
0x4ad: {  	s28 =	simm.s32 $0x400;
	[tilespmem:s8+$0x20] =	vst v1;
	v1 =	vadd.s32 v5, v2  }
0x4ae: {  	s9 =	simm.s32 $0x16400;
	s10 =	simm.s32 $0x14000;
	s29 =	simm.s32 $0x3;
	[tilespmem:s8+$0x30] =	vst v1  }
0x4af: {  	[spmem:s6] =	stream.indirect.scatter [tilespmem:s10], [sflag:$0x3], $0x1, s9, s28, $0xb8;
	[tilespmem:$0x1F488] =	vst v63  }
0x4b0: {  	_ =	swait.ge [sflag:s29], $0x400  }
0x4b1: {  	[sflag:s29] =	ssyncset.done $0x0  }
0x4b2: {  	[sflag:s29] =	ssyncadd.s32 $0xFFFFFC00  }
0x4b3: {  	s30 =	simm.s32 $0x16800;
	s11 =	simm.s32 $0x16C00;
	[bflag:$0x0] =	sbarrier.arrive $0xFFFF  }
0x4b4: {  	[tilespmem:s11], [sflag:$0x3] =	stream.indirect.gather [spmem:s6], $0x1, s30, s28, $0xb8;
	[tilespmem:$0x1F488] =	vst v63  }
0x4b5: {  	_ =	swait.ge [sflag:s29], $0x400  }
0x4b6: {  	[sflag:s29] =	ssyncset.done $0x0  }
0x4b7: {  	s31 =	simm.s32 $0x0;
	[sflag:s29] =	ssyncadd.s32 $0xFFFFFC00  }
0x4b8: {  	v1 =	vld [tilespmem:s31+$0x16C00];
	_ =	sdelay $0x4  }
0x4b9: {  	(xrf0) =	vadd.scan.msk.s32 $0xffff, v1;
	_ =	sdelay $0x5  }
0x4ba: {  	v2, _, _ =	vpop (xrf0)  }
0x4bb: {  	s9 =	simm.s32 $0x0;
	(v2sf) =	vpush v2, $0xF  }
0x4bc: {  	v1 =	vsub.s32 s9, v1  }
0x4bd: {  	v1 =	vadd.s32 v2, v1  }
0x4be: {  	s8 =	simm.s32 $0x10;
	s10 =	simm.s32 $0x80;
	[tilespmem:s31+$0x16C00] =	vst v1  }
.LBB2_48:
0x4bf: {  	p0 =	sne.s32 s10, $0xFC0;
	v1 =	vld [tilespmem:s8+$0x16C00];
	_ =	sdelay $0x4  }
0x4c0: {  	(xrf0) =	vadd.scan.msk.s32 $0xffff, v1;
	_ =	sdelay $0x5  }
.Ltmp24:
0x4c1: {  	v2, _, _ =	vpop (xrf0);
	s11 =	spop (v2sf);
	(pc) =	sbr.rel @p0 .LBB2_48-.Ltmp24, $4  }
0x4c2: {  	(v2sf) =	vpush v2, $0xF;
	s9 =	sadd.s32 s9, s11  }
0x4c3: {  	v1 =	vsub.s32 s9, v1  }
0x4c4: {  	v1 =	vadd.s32 v2, v1  }
0x4c5: {  	[tilespmem:s8+$0x16C00] =	vst v1;
	s8 =	sshra.s32 s10, $0x2;
	s10 =	sadd.s32 $0x40, s10  }
0x4c6: {  	v1 =	vld [tilespmem:s8+$0x16C00];
	_ =	sdelay $0x4  }
0x4c7: {  	(xrf0) =	vadd.scan.msk.s32 $0xffff, v1;
	_ =	sdelay $0x5  }
0x4c8: {  	v2, _, _ =	vpop (xrf0)  }
0x4c9: {  	(v2sf) =	vpush v2, $0xF;
	_ =	sdelay $0xd  }
0x4ca: {  	s10 =	spop (v2sf)  }
0x4cb: {  	s9 =	sadd.s32 s9, s10;
	s12 =	spop (v2sf)  }
0x4cc: {  	v1 =	vsub.s32 s9, v1;
	s9 =	sadd.s32 s9, s12  }
0x4cd: {  	v1 =	vadd.s32 v2, v1;
	v2 =	vmov s9  }
0x4ce: {  	[tilespmem:s8+$0x16C00] =	vst v1;
	v1 =	vnsel vm0, $0x0, v2  }
0x4cf: {  	s13 =	simm.s32 $0x400;
	s14 =	simm.s32 $0x16800;
	s15 =	simm.s32 $0x16C00;
	[tilespmem:$0x17000] =	vst v1  }
0x4d0: {  	[spmem:s6] =	stream.indirect.scatter [tilespmem:s15], [sflag:$0x3], $0x1, s14, s13, $0xb8;
	[tilespmem:$0x1F488] =	vst v63  }
0x4d1: {  	s16 =	simm.s32 $0x3;
	s8 =	simm.s32 $0x17000  }
0x4d2: {  	[spmem:s7] =	stream.indirect_vreg.scatter [tilespmem:s8], [sflag:$0x4], $0x1, v0, vm1, $0xb8;
	[tilespmem:$0x1F488] =	vst v63  }
0x4d3: {  	_ =	swait.ge [sflag:s16], $0x400  }
0x4d4: {  	[sflag:s16] =	ssyncset.done $0x0  }
0x4d5: {  	s11 =	simm.s32 $0x4;
	[sflag:s16] =	ssyncadd.s32 $0xFFFFFC00  }
0x4d6: {  	_ =	swait.ge [sflag:s11], $0x10  }
0x4d7: {  	[sflag:s11] =	ssyncset.done $0x0  }
0x4d8: {  	[sflag:s11] =	ssyncadd.s32 $0xFFFFFFF0  }
0x4d9: {  	s17 =	simm.s32 $0x5;
	[bflag:$0x0] =	sbarrier.arrive $0xFFFF  }
0x4da: {  	[tilespmem:s8], [sflag:$0x5] =	stream.linear.gather [spmem:s7], $0x80, $0x38;
	[tilespmem:$0x1F488] =	vst v63  }
0x4db: {  	_ =	swait.ge [sflag:s17], $0x80  }
0x4dc: {  	[sflag:s17] =	ssyncset.done $0x0  }
0x4dd: {  	s18 =	simm.s32 $0x16400;
	s19 =	simm.s32 $0x16000;
	[sflag:s17] =	ssyncadd.s32 $0xFFFFFF80  }
0x4de: {  	[tilespmem:s19], [sflag:$0x3] =	stream.indirect.gather [spmem:s6], $0x1, s18, s13, $0xb8;
	[tilespmem:$0x1F488] =	vst v63  }
0x4df: {  	v0 =	vld [tilespmem:$0x17000];
	_ =	sdelay $0x4  }
0x4e0: {  	(xrf0) =	vadd.scan.msk.s32 $0xffff, v0;
	_ =	sdelay $0x1  }
0x4e1: {  	s20 =	simm.s32 $0x30  }
0x4e2: {  	v1 =	vmov s20  }
0x4e3: {  	s22 =	simm.s32 $0x20;
	v1 =	vshll.u32 v1, $0x4  }
0x4e4: {  	v3 =	vmov s22;
	v1 =	vshrl.u32 v1, $0xA  }
0x4e5: {  	s21 =	simm.s32 $0x10;
	v3 =	vshll.u32 v3, $0x4;
	v1 =	vbroadcast v1, $0x0;
	v2, _, _ =	vpop (xrf0)  }
0x4e6: {  	v3 =	vshrl.u32 v3, $0xA;
	v0 =	vsub.s32 v2, v0;
	v2 =	vmov s21  }
0x4e7: {  	s23 =	simm.s32 $0x0;
	v3 =	vbroadcast v3, $0x0;
	v2 =	vshll.u32 v2, $0x4;
	[tilespmem:$0x17000] =	vst v0  }
0x4e8: {  	v4 =	vmov s23;
	v2 =	vshrl.u32 v2, $0xA;
	_ =	swait.ge [sflag:s16], $0x400  }
0x4e9: {  	v0 =	vshll.u32 v4, $0x4;
	v2 =	vbroadcast v2, $0x0;
	[sflag:s16] =	ssyncset.done $0x0  }
0x4ea: {  	s24 =	simm.s32 $0x70;
	v0 =	vshrl.u32 v0, $0xA;
	[sflag:s16] =	ssyncadd.s32 $0xFFFFFC00  }
0x4eb: {  	s26 =	simm.s32 $0x60;
	s7 =	simm.s32 $0x16020;
	v4 =	vmov s24;
	v0 =	vbroadcast v0, $0x0;
	v1 =	vld.idx.msk [tilespmem:v1+s8+$0x0], $0xffff  }
0x4ec: {  	s25 =	simm.s32 $0x50;
	v7 =	vmov s26;
	v4 =	vshll.u32 v4, $0x4;
	v6 =	vld [tilespmem:s7+$0x10]  }
0x4ed: {  	v5 =	vmov s25;
	v7 =	vshll.u32 v7, $0x4;
	v4 =	vshrl.u32 v4, $0xA;
	v10 =	vld.idx.msk [tilespmem:v3+s8+$0x0], $0xffff  }
0x4ee: {  	v5 =	vshll.u32 v5, $0x4;
	s6 =	simm.s32 $0x40;
	v4 =	vbroadcast v4, $0x0;
	v3 =	vshrl.u32 v7, $0xA;
	v12 =	vld [tilespmem:s7+$0xFFFFFFE0]  }
0x4ef: {  	v5 =	vshrl.u32 v5, $0xA;
	v7 =	vbroadcast v3, $0x0;
	v9 =	vld.idx.msk [tilespmem:v2+s8+$0x0], $0xffff;
	v2 =	vmov s6  }
0x4f0: {  	s30 =	simm.s32 $0xB0;
	v5 =	vbroadcast v5, $0x0;
	v13 =	vld [tilespmem:s7+$0xFFFFFFF0];
	v2 =	vshll.u32 v2, $0x4  }
0x4f1: {  	v8 =	vmov s30;
	v11 =	vld.idx.msk [tilespmem:v0+s8+$0x0], $0xffff;
	v0 =	vshrl.u32 v2, $0xA  }
0x4f2: {  	s28 =	simm.s32 $0x80;
	s29 =	simm.s32 $0x90;
	v15 =	vshll.u32 v8, $0x4;
	s9 =	simm.s32 $0x16060;
	v1 =	vadd.s32 v1, v6;
	v6 =	vld [tilespmem:s7+$0x0];
	v0 =	vbroadcast v0, $0x0  }
0x4f3: {  	s31 =	simm.s32 $0xA0;
	v15 =	vshrl.u32 v15, $0xA;
	v8 =	vld [tilespmem:s9+$0x10];
	v3 =	vmov s29;
	v2 =	vmov s28  }
0x4f4: {  	v3 =	vshll.u32 v3, $0x4;
	v14 =	vshll.u32 v2, $0x4;
	v2 =	vld.idx.msk [tilespmem:v4+s8+$0x0], $0xffff;
	v4 =	vmov s31  }
0x4f5: {  	[tilespmem:s7+$0x10] =	vst v1;
	v1 =	vld.idx.msk [tilespmem:v7+s8+$0x0], $0xffff;
	v4 =	vshll.u32 v4, $0x4;
	v7 =	vadd.s32 v9, v13;
	v9 =	vbroadcast v15, $0x0  }
0x4f6: {  	v16 =	vshrl.u32 v3, $0xA;
	v3 =	vld.idx.msk [tilespmem:v5+s8+$0x0], $0xffff;
	v5 =	vshrl.u32 v14, $0xA;
	v62 =	vshrl.u32 v4, $0xA  }
0x4f7: {  	v4 =	vbroadcast v16, $0x0;
	[tilespmem:s7+$0xFFFFFFF0] =	vst v7;
	v63 =	vadd.s32 v10, v6;
	v7 =	vbroadcast v5, $0x0;
	v5 =	vld [tilespmem:s9+$0xFFFFFFE0]  }
0x4f8: {  	s10 =	simm.s32 $0x8;
	s11 =	simm.s32 $0xC0;
	v6 =	vbroadcast v62, $0x0;
	v10 =	vadd.s32 v11, v12;
	[tilespmem:s7+$0x0] =	vst v63;
	v0 =	vld.idx.msk [tilespmem:v0+s8+$0x0], $0xffff  }
.LBB2_50:
0x4f9: {  	v11 =	vmov s11;
	s12 =	sadd.s32 $0x10, s11;
	s13 =	sadd.s32 $0x30, s11;
	s10 =	sadd.s32 $0x4, s10;
	v12 =	vld [tilespmem:s9+$0xFFFFFFF0];
	v2 =	vadd.s32 v2, v8;
	[tilespmem:s7+$0xFFFFFFE0] =	vst v10  }
0x4fa: {  	s7 =	smov.u32 s9;
	v10 =	vshll.u32 v11, $0x4;
	v8 =	vmov s12;
	s12 =	sadd.s32 $0x20, s11;
	v18 =	vmov s13;
	p0 =	slt.u32 s10, $0x3C;
	v13 =	vld [tilespmem:s9+$0x0];
	[tilespmem:s9+$0x10] =	vst v2  }
0x4fb: {  	s9 =	sadd.s32 $0x40, s9;
	v15 =	vmovc v3;
	v8 =	vshll.u32 v8, $0x4;
	v14 =	vmov s12;
	v17 =	vshll.u32 v18, $0x4;
	v2 =	vld.idx.msk [tilespmem:v9+s8+$0x0], $0xffff  }
.Ltmp25:
0x4fc: {  	v16 =	vshrl.u32 v8, $0xA;
	v3 =	vshll.u32 v14, $0x4;
	v9 =	vshrl.u32 v17, $0xA;
	v8 =	vld [tilespmem:s9+$0x10];
	v11 =	vmovc v1;
	(pc) =	sbr.rel @p0 .LBB2_50-.Ltmp25, $4  }
0x4fd: {  	v14 =	vshrl.u32 v10, $0xA;
	v10 =	vshrl.u32 v3, $0xA;
	v9 =	vbroadcast v9, $0x0;
	v3 =	vld.idx.msk [tilespmem:v4+s8+$0x0], $0xffff  }
0x4fe: {  	v4 =	vbroadcast v16, $0x0;
	v1 =	vld.idx.msk [tilespmem:v6+s8+$0x0], $0xffff;
	v6 =	vbroadcast v10, $0x0;
	v12 =	vadd.s32 v15, v12  }
0x4ff: {  	v10 =	vadd.s32 v0, v5;
	v0 =	vld.idx.msk [tilespmem:v7+s8+$0x0], $0xffff;
	v7 =	vbroadcast v14, $0x0;
	[tilespmem:s7+$0xFFFFFFF0] =	vst v12;
	v11 =	vadd.s32 v11, v13  }
0x500: {  	s11 =	sadd.s32 $0x40, s11;
	v5 =	vld [tilespmem:s9+$0xFFFFFFE0];
	[tilespmem:s7+$0x0] =	vst v11  }
0x501: {  	_ =	sdelay $0x1  }
0x502: {  	v11 =	vld [tilespmem:s9+$0xFFFFFFF0]  }
0x503: {  	v12 =	vld [tilespmem:s9+$0x0]  }
0x504: {  	v9 =	vld.idx.msk [tilespmem:v9+s8+$0x0], $0xffff  }
0x505: {  	v4 =	vld.idx.msk [tilespmem:v4+s8+$0x0], $0xffff  }
0x506: {  	v6 =	vld.idx.msk [tilespmem:v6+s8+$0x0], $0xffff  }
0x507: {  	v7 =	vld.idx.msk [tilespmem:v7+s8+$0x0], $0xffff;
	s31 =	sadd.s32 $0x40, s9  }
0x508: {  	v13 =	vld [tilespmem:s31+$0x10]  }
0x509: {  	v2 =	vadd.s32 v2, v8;
	[tilespmem:s7+$0xFFFFFFE0] =	vst v10;
	v63 =	vld [tilespmem:s31+$0xFFFFFFF0]  }
0x50a: {  	[tilespmem:s9+$0x10] =	vst v2;
	v2 =	vadd.s32 v3, v11;
	v3 =	vld [tilespmem:s31+$0x0]  }
0x50b: {  	v0 =	vadd.s32 v0, v5;
	[tilespmem:s9+$0xFFFFFFF0] =	vst v2;
	v2 =	vld [tilespmem:s31+$0xFFFFFFE0]  }
0x50c: {  	v1 =	vadd.s32 v1, v12;
	[tilespmem:s9+$0xFFFFFFE0] =	vst v0  }
0x50d: {  	[tilespmem:s9+$0x0] =	vst v1;
	v1 =	vadd.s32 v9, v13  }
0x50e: {  	v0 =	vadd.s32 v4, v63;
	[tilespmem:s31+$0x10] =	vst v1  }
0x50f: {  	[tilespmem:s31+$0xFFFFFFF0] =	vst v0;
	v0 =	vadd.s32 v6, v3  }
0x510: {  	v1 =	vadd.s32 v7, v2;
	[tilespmem:s31+$0x0] =	vst v0  }
0x511: {  	s8 =	simm.s32 $0x0;
	[tilespmem:s31+$0xFFFFFFE0] =	vst v1  }
0x512: {  	s7 =	simm.s32 $0x16000;
	v0 =	vimm.s32 $0x1;
	v1 =	vld [tilespmem:s8+$0x8000]  }
.LBB2_52:
0x513: {  	p0 =	sne.s32 s6, $0x7FC0;
	_ =	sdelay $0x6  }
0x514: {  	v2 =	vld.idx.msk [tilespmem:v1+s7+$0x0], $0xffff  }
0x515: {  	v3 =	vld [tilespmem:s8+$0x4000];
	_ =	sdelay $0x4  }
.Ltmp26:
0x516: {  	v2 =	vadd.s32 v3, v2;
	(pc) =	sbr.rel @p0 .LBB2_52-.Ltmp26, $4  }
0x517: {  	v2 =	vadd.s32 $0xFFFFFFFF, v2  }
0x518: {  	[tilespmem:s8+$0x10000] =	vst v2  }
0x519: {  	s8 =	sshra.s32 s6, $0x2;
	[tilespmem:v1+s7+$0x0] =	vst.idx.add.s32.msk $0xffff, v0  }
0x51a: {  	s6 =	sadd.s32 $0x40, s6;
	v1 =	vld [tilespmem:s8+$0x8000]  }
0x51b: {  	_ =	sdelay $0x6  }
0x51c: {  	v3 =	vld [tilespmem:s8+$0x4000]  }
0x51d: {  	v2 =	vld.idx.msk [tilespmem:v1+s7+$0x0], $0xffff;
	_ =	sdelay $0x4  }
0x51e: {  	v2 =	vadd.s32 v3, v2  }
0x51f: {  	v2 =	vadd.s32 $0xFFFFFFFF, v2  }
0x520: {  	s6 =	simm.s32 $0x2000;
	[tilespmem:s8+$0x10000] =	vst v2  }
0x521: {  	s30 =	simm.s32 $0x10000;
	s31 =	simm.s32 $0xC000;
	[tilespmem:v1+s7+$0x0] =	vst.idx.add.s32.msk $0xffff, v0;
	s7 =	simm.s32 $0x0  }
0x522: {  	[spmem:s4] =	stream.indirect.scatter [tilespmem:s31], [sflag:$0x2], $0x1, s30, s6, $0xb8;
	[tilespmem:$0x1F488] =	vst v63  }
0x523: {  	s8 =	simm.s32 $0x40;
	v0 =	vimm.s32 $0x1;
	s6 =	simm.s32 $0x16000;
	v1 =	vld [tilespmem:s7+$0xA000]  }
.LBB2_54:
0x524: {  	p0 =	sne.s32 s8, $0x7FC0;
	_ =	sdelay $0x6  }
0x525: {  	v2 =	vld.idx.msk [tilespmem:v1+s6+$0x0], $0xffff  }
0x526: {  	v3 =	vld [tilespmem:s7+$0x6000];
	_ =	sdelay $0x4  }
.Ltmp27:
0x527: {  	v2 =	vadd.s32 v3, v2;
	(pc) =	sbr.rel @p0 .LBB2_54-.Ltmp27, $4  }
0x528: {  	v2 =	vadd.s32 $0xFFFFFFFF, v2  }
0x529: {  	[tilespmem:s7+$0x12000] =	vst v2  }
0x52a: {  	s7 =	sshra.s32 s8, $0x2;
	[tilespmem:v1+s6+$0x0] =	vst.idx.add.s32.msk $0xffff, v0  }
0x52b: {  	s8 =	sadd.s32 $0x40, s8;
	v1 =	vld [tilespmem:s7+$0xA000]  }
0x52c: {  	_ =	sdelay $0x6  }
0x52d: {  	v3 =	vld [tilespmem:s7+$0x6000]  }
0x52e: {  	v2 =	vld.idx.msk [tilespmem:v1+s6+$0x0], $0xffff;
	_ =	sdelay $0x4  }
0x52f: {  	v2 =	vadd.s32 v3, v2  }
0x530: {  	v2 =	vadd.s32 $0xFFFFFFFF, v2  }
0x531: {  	s24 =	simm.s32 $0x2000;
	[tilespmem:s7+$0x12000] =	vst v2  }
0x532: {  	s25 =	simm.s32 $0x12000;
	s8 =	simm.s32 $0xE000;
	s26 =	simm.s32 $0x2;
	[tilespmem:v1+s6+$0x0] =	vst.idx.add.s32.msk $0xffff, v0  }
0x533: {  	[spmem:s4] =	stream.indirect.scatter [tilespmem:s8], [sflag:$0x4], $0x1, s25, s24, $0xb8;
	[tilespmem:$0x1F488] =	vst v63  }
0x534: {  	_ =	swait.ge [sflag:s26], $0x2000  }
0x535: {  	[sflag:s26] =	ssyncset.done $0x0  }
0x536: {  	s28 =	simm.s32 $0x4;
	[sflag:s26] =	ssyncadd.s32 $0xFFFFE000  }
0x537: {  	_ =	swait.ge [sflag:s28], $0x2000  }
0x538: {  	[sflag:s28] =	ssyncset.done $0x0  }
0x539: {  	[sflag:s28] =	ssyncadd.s32 $0xFFFFE000  }
0x53a: {  	s29 =	simm.s32 $0xC000;
	s30 =	simm.s32 $0x5;
	[bflag:$0x0] =	sbarrier.arrive $0xFFFF  }
0x53b: {  	[tilespmem:s29], [sflag:$0x5] =	stream.linear.gather [spmem:s5], $0x1000, $0x38;
	[tilespmem:$0x1F488] =	vst v63  }
0x53c: {  	_ =	swait.ge [sflag:s30], $0x1000  }
0x53d: {  	[sflag:s30] =	ssyncset.done $0x0  }
0x53e: {  	s31 =	simm.s32 $0xC020;
	[sflag:s30] =	ssyncadd.s32 $0xFFFFF000  }
0x53f: {  	v5 =	vld [tilespmem:s31+$0x10];
	_ =	sdelay $0x3  }
0x540: {  	v1 =	vld [tilespmem:s31+$0xFFFFFFF0]  }
0x541: {  	v0 =	vld [tilespmem:s31+$0x0];
	v2 =	vshrl.u32 v5, $0x9  }
0x542: {  	v6 =	vand.u32 $0x1FF, v2;
	v2 =	vld [tilespmem:s31+$0xFFFFFFE0];
	_ =	sdelay $0x2  }
0x543: {  	s4 =	simm.s32 $0x10020;
	v3 =	vshrl.u32 v1, $0x9;
	v1 =	vand.u32 $0x1FF, v1  }
0x544: {  	s7 =	simm.s32 $0xC060;
	s6 =	simm.s32 $0x0;
	s5 =	simm.s32 $0x12020;
	v4 =	vshrl.u32 v0, $0x9;
	v5 =	vand.u32 $0x1FF, v5;
	v3 =	vand.u32 $0x1FF, v3;
	[tilespmem:s4+$0x10] =	vst v6  }
.LBB2_56:
0x545: {  	v6 =	vld [tilespmem:s7+$0x10];
	v7 =	vshrl.u32 v2, $0x9;
	v8 =	vand.u32 $0x1FF, v2;
	v4 =	vand.u32 $0x1FF, v4;
	[tilespmem:s5+$0x10] =	vst v5  }
0x546: {  	s6 =	sadd.s32 $0x4, s6;
	v5 =	vld [tilespmem:s7+$0xFFFFFFF0];
	v2 =	vand.u32 $0x1FF, v7;
	[tilespmem:s4+$0xFFFFFFF0] =	vst v3;
	v3 =	vand.u32 $0x1FF, v0  }
0x547: {  	p0 =	slt.u32 s6, $0xFC;
	v0 =	vld [tilespmem:s7+$0x0];
	[tilespmem:s4+$0xFFFFFFE0] =	vst v2  }
.Ltmp28:
0x548: {  	v2 =	vld [tilespmem:s7+$0xFFFFFFE0];
	[tilespmem:s5+$0xFFFFFFE0] =	vst v8;
	(pc) =	sbr.rel @p0 .LBB2_56-.Ltmp28, $4  }
0x549: {  	[tilespmem:s5+$0xFFFFFFF0] =	vst v1  }
0x54a: {  	v7 =	vshrl.u32 v6, $0x9;
	[tilespmem:s4+$0x0] =	vst v4  }
0x54b: {  	s4 =	sadd.s32 $0x40, s4;
	v4 =	vshrl.u32 v5, $0x9;
	v1 =	vand.u32 $0x1FF, v5;
	v5 =	vand.u32 $0x1FF, v7;
	[tilespmem:s5+$0x0] =	vst v3  }
0x54c: {  	s7 =	sadd.s32 $0x40, s7;
	s5 =	sadd.s32 $0x40, s5;
	v3 =	vand.u32 $0x1FF, v4;
	v4 =	vshrl.u32 v0, $0x9;
	[tilespmem:s4+$0x10] =	vst v5;
	v5 =	vand.u32 $0x1FF, v6  }
0x54d: {  	[tilespmem:s5+$0x10] =	vst v5  }
0x54e: {  	[tilespmem:s4+$0xFFFFFFF0] =	vst v3  }
0x54f: {  	v6 =	vshrl.u32 v2, $0x9;
	v63 =	vand.u32 $0x1FF, v4;
	[tilespmem:s5+$0xFFFFFFF0] =	vst v1  }
0x550: {  	v61 =	vand.u32 $0x1FF, v6;
	[tilespmem:s4+$0x0] =	vst v63  }
0x551: {  	v0 =	vand.u32 $0x1FF, v0;
	[tilespmem:s4+$0xFFFFFFE0] =	vst v61  }
0x552: {  	v62 =	vand.u32 $0x1FF, v2;
	[tilespmem:s5+$0x0] =	vst v0  }
0x553: {  	s28 =	simm.s32 $0x0;
	s29 =	simm.s32 $0x10000;
	s30 =	simm.s32 $0x5;
	[tilespmem:s5+$0xFFFFFFE0] =	vst v62  }
0x554: {  	[hbm4b:s3+s28] =	stream.linear.scatter [tilespmem:s29], [sflag:$0x5], $0x1000, $0x38;
	[tilespmem:$0x1F488] =	vst v63  }
0x555: {  	_ =	swait.ge [sflag:s30], $0x1000  }
0x556: {  	[sflag:s30] =	ssyncset.done $0x0  }
0x557: {  	s31 =	simm.s32 $0x12000;
	[sflag:s30] =	ssyncadd.s32 $0xFFFFF000  }
0x558: {  	[hbm4b:s2+s28] =	stream.linear.scatter [tilespmem:s31], [sflag:$0x5], $0x1000, $0x38;
	[tilespmem:$0x1F488] =	vst v63  }
0x559: {  	_ =	swait.ge [sflag:s30], $0x1000  }
0x55a: {  	[sflag:s30] =	ssyncset.done $0x0  }
0x55b: {  	[sflag:s30] =	ssyncadd.s32 $0xFFFFF000  }
.LBB2_58:
0x55c: {  	_ =	sfence.sel $0x180000  }
0x55d: {  	[bflag:$0x0] =	sbarrier.arrive $0xFFFF  }
0x55e: {  	p0 =	sne.s32 s1, $0x0;
	_ =	strace $0x90000047  }
0x55f: {  	s0 =	sadd.s32 @!p0 $0x100000, s0;
	[bflag:$0x2] =	sbarrier.arrive $0xFFFF  }
0x560: {  	[sflag:s0] =	ssyncadd.tile.s32 @!p0 $0x1;
	_ =	shalt  }
.Lfunc_end2:
_tile_overlayer_lowered:
.L_overlay_start_2:
0x561: {  	(tag) =	ssettag $0x2  }
0x562: {  	s0 =	rddreg [dreg:$0x0];
	s2 =	stileid.u32  }
0x563: {  	s1 =	rddreg [dreg:$0x1];
	p0 =	sne.s32 s2, $0x0  }
0x564: {  	s3 =	rddreg [dreg:$0x2];
	[bflag:$0x3] =	sbarrier.arrive $0xFFFF;
	s2 =	simm.s32 @!p0 $0x1C05  }
0x565: {  	[timem:s3], [sflag:s2] =	dma.local @!p0 [hbm:s0], s1  }
0x566: {  	s0 =	simm.s32 @!p0 $0x5  }
0x567: {  	_ =	swait.ge @!p0 [sflag:s0], s1  }
0x568: {  	s1 =	ssub.s32 @!p0 $0x0, s1;
	[sflag:s0] =	ssyncset.done @!p0 $0x0  }
0x569: {  	[sflag:s0] =	ssyncadd.s32 @!p0 s1  }
0x56a: {  	[bflag:$0x3] =	sbarrier.arrive $0xFFFF  }
0x56b: {  	_ =	shalt  }

</sc_bundles>
